<compile_context>
chip_gen: v7x
topology: tpu7x:2x2x1
jax: 0.10.2.dev20260603
libtpu: 0.0.44.dev20260713+nightly
codegen_flags: <defaults>
</compile_context>

<pallas_src>
import functools

import jax
import jax.numpy as jnp
from jax import lax
from jax.experimental import pallas as pl
from jax.experimental.pallas import tpu as pltpu
from jax.experimental.pallas import tpu_sc as plsc

F, B, L, V, D = 26, 4096, 20, 100000, 16
NC, NS, NL = 2, 16, 16
BCH = 1024
NBC = B // BCH
NBG = BCH // NL
FSPLITS = (2, 6, 8, 8, 2)


def _make_call(fa, nf):
    nfh = nf // 2

    def body(tab_hbm, idx_hbm, out_hbm, tile_v, idxc_v, out_v, spm_i, sem_i):
        c_ax = lax.axis_index("c")
        s_ax = lax.axis_index("s")

        def i_slice(f_glob, t):
            return idx_hbm.at[pl.ds(f_glob * L, L), pl.ds(t * BCH, BCH)]

        def feat_body(j, carry):
            f_glob = fa + c_ax * nfh + j
            row = (c_ax * nfh + j) * D + s_ax

            @pl.when(s_ax == 0)
            def _():
                pltpu.async_copy(i_slice(f_glob, 0), spm_i.at[0], sem_i)
                pltpu.async_copy(i_slice(f_glob, 1), spm_i.at[1], sem_i)

            pltpu.sync_copy(tab_hbm.at[row], tile_v)

            def chunk_body(t, carry2):
                buf = lax.rem(t, 2)

                @pl.when(s_ax == 0)
                def _():
                    pltpu.make_async_copy(
                        i_slice(f_glob, t), spm_i.at[buf], sem_i).wait()

                plsc.subcore_barrier()
                pltpu.sync_copy(spm_i.at[buf], idxc_v)
                plsc.subcore_barrier()

                @pl.when((s_ax == 0) & (t + 2 < NBC))
                def _():
                    pltpu.async_copy(i_slice(f_glob, t + 2), spm_i.at[buf],
                                     sem_i)

                @plsc.parallel_loop(0, NBG, 1, unroll=2)
                def group_body(g):
                    acc0 = jnp.zeros((NL,), jnp.float32)
                    acc1 = jnp.zeros((NL,), jnp.float32)
                    for l in range(0, L, 2):
                        i0 = idxc_v[l, pl.ds(g * NL, NL)]
                        i1 = idxc_v[l + 1, pl.ds(g * NL, NL)]
                        acc0 = acc0 + plsc.load_gather(tile_v, [i0])
                        acc1 = acc1 + plsc.load_gather(tile_v, [i1])
                    out_v[pl.ds(t * BCH + g * NL, NL)] = acc0 + acc1

                return carry2

            lax.fori_loop(0, NBC, chunk_body, 0)
            pltpu.sync_copy(out_v, out_hbm.at[row])
            return carry

        lax.fori_loop(0, nfh, feat_body, 0)

    return functools.partial(
        pl.kernel,
        out_type=jax.ShapeDtypeStruct((nf * D, B), jnp.float32),
        mesh=plsc.VectorSubcoreMesh(core_axis_name="c", subcore_axis_name="s"),
        scratch_types=[
            pltpu.VMEM((V,), jnp.float32),
            pltpu.VMEM((L, BCH), jnp.int32),
            pltpu.VMEM((B,), jnp.float32),
            pltpu.VMEM_SHARED((2, L, BCH), jnp.int32),
            pltpu.SemaphoreType.DMA,
        ],
        compiler_params=pltpu.CompilerParams(
            use_tc_tiling_on_sc=False, needs_layout_passes=False),
    )(body)


_calls = []
_foff = 0
for _n in FSPLITS:
    _calls.append((_foff, _n, _make_call(_foff, _n)))
    _foff += _n


def kernel(sparse_indices, dense_feature, tables):
    idx_t = sparse_indices.transpose(0, 2, 1).reshape(F * L, B)
    parts = [
        c(tables[fa:fa + n].transpose(0, 2, 1).reshape(n * D, V), idx_t)
        for fa, n, c in _calls
    ]
    cols = [p.T for p in parts] + [dense_feature]
    return jnp.concatenate(cols, axis=1)

# --- scband reference (transcript-rebuilt; emitter-appended) ---
"""Pipeline reference for scband-embedding-group-impl-15032385536388 (READ-ONLY COPY).

The authoritative reference and input builder live on the scoring server;
editing this copy changes nothing except your own understanding.
"""

import jax, jax.numpy as jnp
import numpy as np

F, B, L, V, D, DENSE = 26, 4096, 20, 100000, 16, 13


def setup_inputs(seed: int = 0) -> dict:
    key = jax.random.key(seed)
    k1, k2, k3 = jax.random.split(key, 3)
    # KeyedJaggedTensor simplified to fixed-length multi-hot bags per sparse field
    sparse_indices = jax.random.randint(k1, (F, B, L), 0, V, dtype=jnp.int32)
    # KeyedTensor dense features (already concatenated per-key values)
    dense_feature = jax.random.normal(k2, (B, DENSE), dtype=jnp.float32)
    # EmbeddingBagCollection parameters: one table per sparse feature
    tables = jax.random.normal(k3, (F, V, D), dtype=jnp.float32) * 0.01
    return {"sparse_indices": sparse_indices, "dense_feature": dense_feature, "tables": tables}


def reference(sparse_indices, dense_feature, tables):
    # EmbeddingBagCollection: per-field embedding lookup + sum pooling over the bag
    gathered = jax.vmap(lambda t, idx: jnp.take(t, idx, axis=0))(tables, sparse_indices)  # [F, B, L, D]
    pooled = gathered.sum(axis=2)  # [F, B, D] sum-pooled bags (EmbeddingBag mode='sum')
    # KeyedTensor.regroup_as_dict for a single feature group: concat per-feature
    # embeddings in key order along the last dim, then append dense features
    sparse_out = jnp.transpose(pooled, (1, 0, 2)).reshape(B, F * D)  # [B, F*D]
    out = jnp.concatenate([sparse_out, dense_feature], axis=1)  # [B, F*D + DENSE]
    return out

if __name__ == "__main__":
    import jax
    _d = setup_inputs()
    print(jax.jit(kernel)(*tuple(_d.values())))

</pallas_src>

<mosaic_0001>
#map = affine_map<(d0, d1) -> (0, 0)>
module attributes {stable_mosaic.version = 14 : i64} {
  func.func @body(%arg0: i32, %arg1: i32, %arg2: memref<32x100000xf32, #tpu.memory_space<hbm>>, %arg3: memref<520x4096xi32, #tpu.memory_space<hbm>>, %arg4: memref<32x4096xf32, #tpu.memory_space<hbm>>, %arg5: memref<100000xf32, #tpu.memory_space<vmem>>, %arg6: memref<20x1024xi32, #tpu.memory_space<vmem>>, %arg7: memref<4096xf32, #tpu.memory_space<vmem>>, %arg8: memref<2x20x1024xi32, #tpu.memory_space<vmem_shared>>, %arg9: memref<!tpu.dma_semaphore, #tpu.memory_space<semaphore_mem>>) attributes {dimension_semantics = [#tpu.dimension_semantics<core_parallel>, #tpu.dimension_semantics<subcore_parallel>], iteration_bounds = array<i64: 2, 16>, scalar_prefetch = 0 : i64, scratch_operands = 5 : i64, tpu.core_type = #tpu.core_type<sc_vector_subcore>, window_params = [{transform_indices = #map}, {transform_indices = #map}, {transform_indices = #map}]} {
    %scan3A = arith.constant 0 : i32
    %scan3A_0 = arith.constant 0 : i32
    %mul3A = arith.constant 1 : i32
    %mul3A_1 = arith.muli %arg0, %mul3A : i32
    %add3A = arith.constant 0 : i32
    %add3A_2 = arith.addi %add3A, %mul3A_1 : i32
    %add3A_3 = arith.addi %add3A_2, %scan3A_0 : i32
    %mul3A_4 = arith.constant 1 : i32
    %mul3A_5 = arith.muli %arg0, %mul3A_4 : i32
    %add3A_6 = arith.addi %mul3A_5, %scan3A_0 : i32
    %mul3A_7 = arith.constant 16 : i32
    %mul3A_8 = arith.muli %add3A_6, %mul3A_7 : i32
    %add3A_9 = arith.addi %mul3A_8, %arg1 : i32
    %eq3A = arith.constant 0 : i32
    %eq3A_10 = arith.cmpi eq, %arg1, %eq3A : i32
    %convert_element_type3A = arith.extui %eq3A_10 : i1 to i32
    %cond3A = arith.constant 0 : i32
    %cond3A_11 = arith.cmpi ne, %convert_element_type3A, %cond3A : i32
    scf.if %cond3A_11 {
      %mul3A_19 = arith.constant 20 : i32
      %mul3A_20 = arith.muli %add3A_3, %mul3A_19 : i32
      %dma_start3A = arith.constant 0 : i32
      %dma_start3A_21 = arith.constant 0 : i32
      %dma_start3A_22 = arith.constant 0 : i32
      %dma_start3A_23 = tpu.memref_slice %arg8[%dma_start3A, %dma_start3A_21, %dma_start3A_22] : memref<2x20x1024xi32, #tpu.memory_space<vmem_shared>> -> memref<1x20x1024xi32, #tpu.memory_space<vmem_shared>>
      %dma_start3A_24 = tpu.memref_squeeze %dma_start3A_23 : memref<1x20x1024xi32, #tpu.memory_space<vmem_shared>> -> memref<20x1024xi32, #tpu.memory_space<vmem_shared>>
      %dma_start3A_25 = arith.constant 0 : i32
      %dma_start3A_26 = tpu.memref_slice %arg3[%mul3A_20, %dma_start3A_25] : memref<520x4096xi32, #tpu.memory_space<hbm>> -> memref<20x1024xi32, #tpu.memory_space<hbm>>
      tpu.enqueue_dma source(%dma_start3A_26 : memref<20x1024xi32, #tpu.memory_space<hbm>>) target(%dma_start3A_24 : memref<20x1024xi32, #tpu.memory_space<vmem_shared>>) target_semaphore(%arg9 : memref<!tpu.dma_semaphore, #tpu.memory_space<semaphore_mem>>)
      %mul3A_27 = arith.constant 20 : i32
      %mul3A_28 = arith.muli %add3A_3, %mul3A_27 : i32
      %dma_start3A_29 = arith.constant 1 : i32
      %dma_start3A_30 = arith.constant 0 : i32
      %dma_start3A_31 = arith.constant 0 : i32
      %dma_start3A_32 = tpu.memref_slice %arg8[%dma_start3A_29, %dma_start3A_30, %dma_start3A_31] : memref<2x20x1024xi32, #tpu.memory_space<vmem_shared>> -> memref<1x20x1024xi32, #tpu.memory_space<vmem_shared>>
      %dma_start3A_33 = tpu.memref_squeeze %dma_start3A_32 : memref<1x20x1024xi32, #tpu.memory_space<vmem_shared>> -> memref<20x1024xi32, #tpu.memory_space<vmem_shared>>
      %dma_start3A_34 = arith.constant 1024 : i32
      %dma_start3A_35 = tpu.memref_slice %arg3[%mul3A_28, %dma_start3A_34] : memref<520x4096xi32, #tpu.memory_space<hbm>> -> memref<20x1024xi32, #tpu.memory_space<hbm>>
      tpu.enqueue_dma source(%dma_start3A_35 : memref<20x1024xi32, #tpu.memory_space<hbm>>) target(%dma_start3A_33 : memref<20x1024xi32, #tpu.memory_space<vmem_shared>>) target_semaphore(%arg9 : memref<!tpu.dma_semaphore, #tpu.memory_space<semaphore_mem>>)
    } else {
    }
    "tpu.region"() ({
      %run_scoped3A = tpu.sem_alloc : memref<!tpu.dma_semaphore, #tpu.memory_space<semaphore_mem>>
      %dma_start3A = arith.constant 0 : i32
      %dma_start3A_19 = tpu.memref_slice %arg2[%add3A_9, %dma_start3A] : memref<32x100000xf32, #tpu.memory_space<hbm>> -> memref<1x100000xf32, #tpu.memory_space<hbm>>
      %dma_start3A_20 = tpu.memref_squeeze %dma_start3A_19 : memref<1x100000xf32, #tpu.memory_space<hbm>> -> memref<100000xf32, #tpu.memory_space<hbm>>
      %dma_start3A_21 = arith.constant 0 : i32
      %dma_start3A_22 = tpu.memref_slice %arg2[%add3A_9, %dma_start3A_21] : memref<32x100000xf32, #tpu.memory_space<hbm>> -> memref<1x100000xf32, #tpu.memory_space<hbm>>
      %dma_start3A_23 = tpu.memref_squeeze %dma_start3A_22 : memref<1x100000xf32, #tpu.memory_space<hbm>> -> memref<100000xf32, #tpu.memory_space<hbm>>
      tpu.enqueue_dma source(%dma_start3A_23 : memref<100000xf32, #tpu.memory_space<hbm>>) target(%arg5 : memref<100000xf32, #tpu.memory_space<vmem>>) target_semaphore(%run_scoped3A : memref<!tpu.dma_semaphore, #tpu.memory_space<semaphore_mem>>)
      %dma_wait3A = arith.constant 0 : i32
      %dma_wait3A_24 = tpu.memref_slice %arg2[%add3A_9, %dma_wait3A] : memref<32x100000xf32, #tpu.memory_space<hbm>> -> memref<1x100000xf32, #tpu.memory_space<hbm>>
      %dma_wait3A_25 = tpu.memref_squeeze %dma_wait3A_24 : memref<1x100000xf32, #tpu.memory_space<hbm>> -> memref<100000xf32, #tpu.memory_space<hbm>>
      %dma_wait3A_26 = arith.constant 0 : i32
      %dma_wait3A_27 = tpu.memref_slice %arg2[%add3A_9, %dma_wait3A_26] : memref<32x100000xf32, #tpu.memory_space<hbm>> -> memref<1x100000xf32, #tpu.memory_space<hbm>>
      %dma_wait3A_28 = tpu.memref_squeeze %dma_wait3A_27 : memref<1x100000xf32, #tpu.memory_space<hbm>> -> memref<100000xf32, #tpu.memory_space<hbm>>
      tpu.wait_dma2 semaphore(%run_scoped3A : memref<!tpu.dma_semaphore, #tpu.memory_space<semaphore_mem>>) src(%dma_wait3A_28 : memref<100000xf32, #tpu.memory_space<hbm>>) dst(%arg5 : memref<100000xf32, #tpu.memory_space<vmem>>)
      tpu.yield
    }) : () -> ()
    %scan3A_12 = arith.constant 0 : i32
    %scan3A_13 = arith.constant 0 : i32
    %scan3A_14 = arith.constant 4 : i32
    %scan3A_15 = arith.addi %scan3A_13, %scan3A_14 : i32
    %scan3A_16 = arith.constant 1 : i32
    scf.for %scan3A_19 = %scan3A_13 to %scan3A_15 step %scan3A_16  : i32 {
      %rem3A = arith.constant 2 : i32
      %rem3A_20 = arith.remsi %scan3A_19, %rem3A : i32
      %eq3A_21 = arith.constant 0 : i32
      %eq3A_22 = arith.cmpi eq, %arg1, %eq3A_21 : i32
      %convert_element_type3A_23 = arith.extui %eq3A_22 : i1 to i32
      %cond3A_24 = arith.constant 0 : i32
      %cond3A_25 = arith.cmpi ne, %convert_element_type3A_23, %cond3A_24 : i32
      scf.if %cond3A_25 {
        %mul3A_37 = arith.constant 20 : i32
        %mul3A_38 = arith.muli %add3A_3, %mul3A_37 : i32
        %mul3A_39 = arith.constant 1024 : i32
        %mul3A_40 = arith.muli %scan3A_19, %mul3A_39 : i32
        %dma_wait3A = arith.constant 0 : i32
        %dma_wait3A_41 = arith.constant 0 : i32
        %dma_wait3A_42 = tpu.memref_slice %arg8[%rem3A_20, %dma_wait3A, %dma_wait3A_41] : memref<2x20x1024xi32, #tpu.memory_space<vmem_shared>> -> memref<1x20x1024xi32, #tpu.memory_space<vmem_shared>>
        %dma_wait3A_43 = tpu.memref_squeeze %dma_wait3A_42 : memref<1x20x1024xi32, #tpu.memory_space<vmem_shared>> -> memref<20x1024xi32, #tpu.memory_space<vmem_shared>>
        %dma_wait3A_44 = tpu.memref_slice %arg3[%mul3A_38, %mul3A_40] : memref<520x4096xi32, #tpu.memory_space<hbm>> -> memref<20x1024xi32, #tpu.memory_space<hbm>>
        tpu.wait_dma2 semaphore(%arg9 : memref<!tpu.dma_semaphore, #tpu.memory_space<semaphore_mem>>) src(%dma_wait3A_44 : memref<20x1024xi32, #tpu.memory_space<hbm>>) dst(%dma_wait3A_43 : memref<20x1024xi32, #tpu.memory_space<vmem_shared>>)
      } else {
      }
      %barrier3A = arith.constant 0 : index
      tpu.barrier barrier_id(%barrier3A)
      "tpu.region"() ({
        %run_scoped3A = tpu.sem_alloc : memref<!tpu.dma_semaphore, #tpu.memory_space<semaphore_mem>>
        %dma_start3A = arith.constant 0 : i32
        %dma_start3A_37 = arith.constant 0 : i32
        %dma_start3A_38 = tpu.memref_slice %arg8[%rem3A_20, %dma_start3A, %dma_start3A_37] : memref<2x20x1024xi32, #tpu.memory_space<vmem_shared>> -> memref<1x20x1024xi32, #tpu.memory_space<vmem_shared>>
        %dma_start3A_39 = tpu.memref_squeeze %dma_start3A_38 : memref<1x20x1024xi32, #tpu.memory_space<vmem_shared>> -> memref<20x1024xi32, #tpu.memory_space<vmem_shared>>
        %dma_start3A_40 = arith.constant 0 : i32
        %dma_start3A_41 = arith.constant 0 : i32
        %dma_start3A_42 = tpu.memref_slice %arg8[%rem3A_20, %dma_start3A_40, %dma_start3A_41] : memref<2x20x1024xi32, #tpu.memory_space<vmem_shared>> -> memref<1x20x1024xi32, #tpu.memory_space<vmem_shared>>
        %dma_start3A_43 = tpu.memref_squeeze %dma_start3A_42 : memref<1x20x1024xi32, #tpu.memory_space<vmem_shared>> -> memref<20x1024xi32, #tpu.memory_space<vmem_shared>>
        tpu.enqueue_dma source(%dma_start3A_43 : memref<20x1024xi32, #tpu.memory_space<vmem_shared>>) target(%arg6 : memref<20x1024xi32, #tpu.memory_space<vmem>>) target_semaphore(%run_scoped3A : memref<!tpu.dma_semaphore, #tpu.memory_space<semaphore_mem>>)
        %dma_wait3A = arith.constant 0 : i32
        %dma_wait3A_44 = arith.constant 0 : i32
        %dma_wait3A_45 = tpu.memref_slice %arg8[%rem3A_20, %dma_wait3A, %dma_wait3A_44] : memref<2x20x1024xi32, #tpu.memory_space<vmem_shared>> -> memref<1x20x1024xi32, #tpu.memory_space<vmem_shared>>
        %dma_wait3A_46 = tpu.memref_squeeze %dma_wait3A_45 : memref<1x20x1024xi32, #tpu.memory_space<vmem_shared>> -> memref<20x1024xi32, #tpu.memory_space<vmem_shared>>
        %dma_wait3A_47 = arith.constant 0 : i32
        %dma_wait3A_48 = arith.constant 0 : i32
        %dma_wait3A_49 = tpu.memref_slice %arg8[%rem3A_20, %dma_wait3A_47, %dma_wait3A_48] : memref<2x20x1024xi32, #tpu.memory_space<vmem_shared>> -> memref<1x20x1024xi32, #tpu.memory_space<vmem_shared>>
        %dma_wait3A_50 = tpu.memref_squeeze %dma_wait3A_49 : memref<1x20x1024xi32, #tpu.memory_space<vmem_shared>> -> memref<20x1024xi32, #tpu.memory_space<vmem_shared>>
        tpu.wait_dma2 semaphore(%run_scoped3A : memref<!tpu.dma_semaphore, #tpu.memory_space<semaphore_mem>>) src(%dma_wait3A_50 : memref<20x1024xi32, #tpu.memory_space<vmem_shared>>) dst(%arg6 : memref<20x1024xi32, #tpu.memory_space<vmem>>)
        tpu.yield
      }) : () -> ()
      %barrier3A_26 = arith.constant 0 : index
      tpu.barrier barrier_id(%barrier3A_26)
      %eq3A_27 = arith.constant 0 : i32
      %eq3A_28 = arith.cmpi eq, %arg1, %eq3A_27 : i32
      %add3A_29 = arith.constant 2 : i32
      %add3A_30 = arith.addi %scan3A_19, %add3A_29 : i32
      %lt3A = arith.constant 4 : i32
      %lt3A_31 = arith.cmpi slt, %add3A_30, %lt3A : i32
      %and3A = arith.andi %eq3A_28, %lt3A_31 : i1
      %convert_element_type3A_32 = arith.extui %and3A : i1 to i32
      %cond3A_33 = arith.constant 0 : i32
      %cond3A_34 = arith.cmpi ne, %convert_element_type3A_32, %cond3A_33 : i32
      scf.if %cond3A_34 {
        %add3A_37 = arith.constant 2 : i32
        %add3A_38 = arith.addi %scan3A_19, %add3A_37 : i32
        %mul3A_39 = arith.constant 20 : i32
        %mul3A_40 = arith.muli %add3A_3, %mul3A_39 : i32
        %mul3A_41 = arith.constant 1024 : i32
        %mul3A_42 = arith.muli %add3A_38, %mul3A_41 : i32
        %dma_start3A = arith.constant 0 : i32
        %dma_start3A_43 = arith.constant 0 : i32
        %dma_start3A_44 = tpu.memref_slice %arg8[%rem3A_20, %dma_start3A, %dma_start3A_43] : memref<2x20x1024xi32, #tpu.memory_space<vmem_shared>> -> memref<1x20x1024xi32, #tpu.memory_space<vmem_shared>>
        %dma_start3A_45 = tpu.memref_squeeze %dma_start3A_44 : memref<1x20x1024xi32, #tpu.memory_space<vmem_shared>> -> memref<20x1024xi32, #tpu.memory_space<vmem_shared>>
        %dma_start3A_46 = tpu.memref_slice %arg3[%mul3A_40, %mul3A_42] : memref<520x4096xi32, #tpu.memory_space<hbm>> -> memref<20x1024xi32, #tpu.memory_space<hbm>>
        tpu.enqueue_dma source(%dma_start3A_46 : memref<20x1024xi32, #tpu.memory_space<hbm>>) target(%dma_start3A_45 : memref<20x1024xi32, #tpu.memory_space<vmem_shared>>) target_semaphore(%arg9 : memref<!tpu.dma_semaphore, #tpu.memory_space<semaphore_mem>>)
      } else {
      }
      %parallel_loop3A = arith.constant 0 : i32
      %parallel_loop3A_35 = arith.constant 64 : i32
      %parallel_loop3A_36 = arith.constant 1 : i32
      scf.for %parallel_loop3A_37 = %parallel_loop3A to %parallel_loop3A_35 step %parallel_loop3A_36  : i32 {
        %parallel_loop3A_38 = arith.constant 0.000000e+00 : f32
        %parallel_loop3A_39 = vector.broadcast %parallel_loop3A_38 : f32 to vector<16xf32>
        %parallel_loop3A_40 = arith.constant 0.000000e+00 : f32
        %parallel_loop3A_41 = vector.broadcast %parallel_loop3A_40 : f32 to vector<16xf32>
        %parallel_loop3A_42 = arith.constant 16 : i32
        %parallel_loop3A_43 = arith.muli %parallel_loop3A_37, %parallel_loop3A_42 : i32
        %parallel_loop3A_44 = arith.constant 0 : i32
        %parallel_loop3A_45 = arith.index_cast %parallel_loop3A_44 : i32 to index
        %parallel_loop3A_46 = arith.index_cast %parallel_loop3A_43 : i32 to index
        %parallel_loop3A_47 = tpu.vector_load %arg6[%parallel_loop3A_45, %parallel_loop3A_46] {strides = array<i32>} : memref<20x1024xi32, #tpu.memory_space<vmem>>, vector<16xi32>,
        %parallel_loop3A_48 = arith.constant 16 : i32
        %parallel_loop3A_49 = arith.muli %parallel_loop3A_37, %parallel_loop3A_48 : i32
        %parallel_loop3A_50 = arith.constant 1 : i32
        %parallel_loop3A_51 = arith.index_cast %parallel_loop3A_50 : i32 to index
        %parallel_loop3A_52 = arith.index_cast %parallel_loop3A_49 : i32 to index
        %parallel_loop3A_53 = tpu.vector_load %arg6[%parallel_loop3A_51, %parallel_loop3A_52] {strides = array<i32>} : memref<20x1024xi32, #tpu.memory_space<vmem>>, vector<16xi32>,
        %parallel_loop3A_54 = tpu.vector_load_idx %arg5[%parallel_loop3A_47] : memref<100000xf32, #tpu.memory_space<vmem>>[vector<16xi32>], vector<16xf32>,
        %parallel_loop3A_55 = arith.addf %parallel_loop3A_39, %parallel_loop3A_54 : vector<16xf32>
        %parallel_loop3A_56 = tpu.vector_load_idx %arg5[%parallel_loop3A_53] : memref<100000xf32, #tpu.memory_space<vmem>>[vector<16xi32>], vector<16xf32>,
        %parallel_loop3A_57 = arith.addf %parallel_loop3A_41, %parallel_loop3A_56 : vector<16xf32>
        %parallel_loop3A_58 = arith.constant 16 : i32
        %parallel_loop3A_59 = arith.muli %parallel_loop3A_37, %parallel_loop3A_58 : i32
        %parallel_loop3A_60 = arith.constant 2 : i32
        %parallel_loop3A_61 = arith.index_cast %parallel_loop3A_60 : i32 to index
        %parallel_loop3A_62 = arith.index_cast %parallel_loop3A_59 : i32 to index
        %parallel_loop3A_63 = tpu.vector_load %arg6[%parallel_loop3A_61, %parallel_loop3A_62] {strides = array<i32>} : memref<20x1024xi32, #tpu.memory_space<vmem>>, vector<16xi32>,
        %parallel_loop3A_64 = arith.constant 16 : i32
        %parallel_loop3A_65 = arith.muli %parallel_loop3A_37, %parallel_loop3A_64 : i32
        %parallel_loop3A_66 = arith.constant 3 : i32
        %parallel_loop3A_67 = arith.index_cast %parallel_loop3A_66 : i32 to index
        %parallel_loop3A_68 = arith.index_cast %parallel_loop3A_65 : i32 to index
        %parallel_loop3A_69 = tpu.vector_load %arg6[%parallel_loop3A_67, %parallel_loop3A_68] {strides = array<i32>} : memref<20x1024xi32, #tpu.memory_space<vmem>>, vector<16xi32>,
        %parallel_loop3A_70 = tpu.vector_load_idx %arg5[%parallel_loop3A_63] : memref<100000xf32, #tpu.memory_space<vmem>>[vector<16xi32>], vector<16xf32>,
        %parallel_loop3A_71 = arith.addf %parallel_loop3A_55, %parallel_loop3A_70 : vector<16xf32>
        %parallel_loop3A_72 = tpu.vector_load_idx %arg5[%parallel_loop3A_69] : memref<100000xf32, #tpu.memory_space<vmem>>[vector<16xi32>], vector<16xf32>,
        %parallel_loop3A_73 = arith.addf %parallel_loop3A_57, %parallel_loop3A_72 : vector<16xf32>
        %parallel_loop3A_74 = arith.constant 16 : i32
        %parallel_loop3A_75 = arith.muli %parallel_loop3A_37, %parallel_loop3A_74 : i32
        %parallel_loop3A_76 = arith.constant 4 : i32
        %parallel_loop3A_77 = arith.index_cast %parallel_loop3A_76 : i32 to index
        %parallel_loop3A_78 = arith.index_cast %parallel_loop3A_75 : i32 to index
        %parallel_loop3A_79 = tpu.vector_load %arg6[%parallel_loop3A_77, %parallel_loop3A_78] {strides = array<i32>} : memref<20x1024xi32, #tpu.memory_space<vmem>>, vector<16xi32>,
        %parallel_loop3A_80 = arith.constant 16 : i32
        %parallel_loop3A_81 = arith.muli %parallel_loop3A_37, %parallel_loop3A_80 : i32
        %parallel_loop3A_82 = arith.constant 5 : i32
        %parallel_loop3A_83 = arith.index_cast %parallel_loop3A_82 : i32 to index
        %parallel_loop3A_84 = arith.index_cast %parallel_loop3A_81 : i32 to index
        %parallel_loop3A_85 = tpu.vector_load %arg6[%parallel_loop3A_83, %parallel_loop3A_84] {strides = array<i32>} : memref<20x1024xi32, #tpu.memory_space<vmem>>, vector<16xi32>,
        %parallel_loop3A_86 = tpu.vector_load_idx %arg5[%parallel_loop3A_79] : memref<100000xf32, #tpu.memory_space<vmem>>[vector<16xi32>], vector<16xf32>,
        %parallel_loop3A_87 = arith.addf %parallel_loop3A_71, %parallel_loop3A_86 : vector<16xf32>
        %parallel_loop3A_88 = tpu.vector_load_idx %arg5[%parallel_loop3A_85] : memref<100000xf32, #tpu.memory_space<vmem>>[vector<16xi32>], vector<16xf32>,
        %parallel_loop3A_89 = arith.addf %parallel_loop3A_73, %parallel_loop3A_88 : vector<16xf32>
        %parallel_loop3A_90 = arith.constant 16 : i32
        %parallel_loop3A_91 = arith.muli %parallel_loop3A_37, %parallel_loop3A_90 : i32
        %parallel_loop3A_92 = arith.constant 6 : i32
        %parallel_loop3A_93 = arith.index_cast %parallel_loop3A_92 : i32 to index
        %parallel_loop3A_94 = arith.index_cast %parallel_loop3A_91 : i32 to index
        %parallel_loop3A_95 = tpu.vector_load %arg6[%parallel_loop3A_93, %parallel_loop3A_94] {strides = array<i32>} : memref<20x1024xi32, #tpu.memory_space<vmem>>, vector<16xi32>,
        %parallel_loop3A_96 = arith.constant 16 : i32
        %parallel_loop3A_97 = arith.muli %parallel_loop3A_37, %parallel_loop3A_96 : i32
        %parallel_loop3A_98 = arith.constant 7 : i32
        %parallel_loop3A_99 = arith.index_cast %parallel_loop3A_98 : i32 to index
        %parallel_loop3A_100 = arith.index_cast %parallel_loop3A_97 : i32 to index
        %parallel_loop3A_101 = tpu.vector_load %arg6[%parallel_loop3A_99, %parallel_loop3A_100] {strides = array<i32>} : memref<20x1024xi32, #tpu.memory_space<vmem>>, vector<16xi32>,
        %parallel_loop3A_102 = tpu.vector_load_idx %arg5[%parallel_loop3A_95] : memref<100000xf32, #tpu.memory_space<vmem>>[vector<16xi32>], vector<16xf32>,
        %parallel_loop3A_103 = arith.addf %parallel_loop3A_87, %parallel_loop3A_102 : vector<16xf32>
        %parallel_loop3A_104 = tpu.vector_load_idx %arg5[%parallel_loop3A_101] : memref<100000xf32, #tpu.memory_space<vmem>>[vector<16xi32>], vector<16xf32>,
        %parallel_loop3A_105 = arith.addf %parallel_loop3A_89, %parallel_loop3A_104 : vector<16xf32>
        %parallel_loop3A_106 = arith.constant 16 : i32
        %parallel_loop3A_107 = arith.muli %parallel_loop3A_37, %parallel_loop3A_106 : i32
        %parallel_loop3A_108 = arith.constant 8 : i32
        %parallel_loop3A_109 = arith.index_cast %parallel_loop3A_108 : i32 to index
        %parallel_loop3A_110 = arith.index_cast %parallel_loop3A_107 : i32 to index
        %parallel_loop3A_111 = tpu.vector_load %arg6[%parallel_loop3A_109, %parallel_loop3A_110] {strides = array<i32>} : memref<20x1024xi32, #tpu.memory_space<vmem>>, vector<16xi32>,
        %parallel_loop3A_112 = arith.constant 16 : i32
        %parallel_loop3A_113 = arith.muli %parallel_loop3A_37, %parallel_loop3A_112 : i32
        %parallel_loop3A_114 = arith.constant 9 : i32
        %parallel_loop3A_115 = arith.index_cast %parallel_loop3A_114 : i32 to index
        %parallel_loop3A_116 = arith.index_cast %parallel_loop3A_113 : i32 to index
        %parallel_loop3A_117 = tpu.vector_load %arg6[%parallel_loop3A_115, %parallel_loop3A_116] {strides = array<i32>} : memref<20x1024xi32, #tpu.memory_space<vmem>>, vector<16xi32>,
        %parallel_loop3A_118 = tpu.vector_load_idx %arg5[%parallel_loop3A_111] : memref<100000xf32, #tpu.memory_space<vmem>>[vector<16xi32>], vector<16xf32>,
        %parallel_loop3A_119 = arith.addf %parallel_loop3A_103, %parallel_loop3A_118 : vector<16xf32>
        %parallel_loop3A_120 = tpu.vector_load_idx %arg5[%parallel_loop3A_117] : memref<100000xf32, #tpu.memory_space<vmem>>[vector<16xi32>], vector<16xf32>,
        %parallel_loop3A_121 = arith.addf %parallel_loop3A_105, %parallel_loop3A_120 : vector<16xf32>
        %parallel_loop3A_122 = arith.constant 16 : i32
        %parallel_loop3A_123 = arith.muli %parallel_loop3A_37, %parallel_loop3A_122 : i32
        %parallel_loop3A_124 = arith.constant 10 : i32
        %parallel_loop3A_125 = arith.index_cast %parallel_loop3A_124 : i32 to index
        %parallel_loop3A_126 = arith.index_cast %parallel_loop3A_123 : i32 to index
        %parallel_loop3A_127 = tpu.vector_load %arg6[%parallel_loop3A_125, %parallel_loop3A_126] {strides = array<i32>} : memref<20x1024xi32, #tpu.memory_space<vmem>>, vector<16xi32>,
        %parallel_loop3A_128 = arith.constant 16 : i32
        %parallel_loop3A_129 = arith.muli %parallel_loop3A_37, %parallel_loop3A_128 : i32
        %parallel_loop3A_130 = arith.constant 11 : i32
        %parallel_loop3A_131 = arith.index_cast %parallel_loop3A_130 : i32 to index
        %parallel_loop3A_132 = arith.index_cast %parallel_loop3A_129 : i32 to index
        %parallel_loop3A_133 = tpu.vector_load %arg6[%parallel_loop3A_131, %parallel_loop3A_132] {strides = array<i32>} : memref<20x1024xi32, #tpu.memory_space<vmem>>, vector<16xi32>,
        %parallel_loop3A_134 = tpu.vector_load_idx %arg5[%parallel_loop3A_127] : memref<100000xf32, #tpu.memory_space<vmem>>[vector<16xi32>], vector<16xf32>,
        %parallel_loop3A_135 = arith.addf %parallel_loop3A_119, %parallel_loop3A_134 : vector<16xf32>
        %parallel_loop3A_136 = tpu.vector_load_idx %arg5[%parallel_loop3A_133] : memref<100000xf32, #tpu.memory_space<vmem>>[vector<16xi32>], vector<16xf32>,
        %parallel_loop3A_137 = arith.addf %parallel_loop3A_121, %parallel_loop3A_136 : vector<16xf32>
        %parallel_loop3A_138 = arith.constant 16 : i32
        %parallel_loop3A_139 = arith.muli %parallel_loop3A_37, %parallel_loop3A_138 : i32
        %parallel_loop3A_140 = arith.constant 12 : i32
        %parallel_loop3A_141 = arith.index_cast %parallel_loop3A_140 : i32 to index
        %parallel_loop3A_142 = arith.index_cast %parallel_loop3A_139 : i32 to index
        %parallel_loop3A_143 = tpu.vector_load %arg6[%parallel_loop3A_141, %parallel_loop3A_142] {strides = array<i32>} : memref<20x1024xi32, #tpu.memory_space<vmem>>, vector<16xi32>,
        %parallel_loop3A_144 = arith.constant 16 : i32
        %parallel_loop3A_145 = arith.muli %parallel_loop3A_37, %parallel_loop3A_144 : i32
        %parallel_loop3A_146 = arith.constant 13 : i32
        %parallel_loop3A_147 = arith.index_cast %parallel_loop3A_146 : i32 to index
        %parallel_loop3A_148 = arith.index_cast %parallel_loop3A_145 : i32 to index
        %parallel_loop3A_149 = tpu.vector_load %arg6[%parallel_loop3A_147, %parallel_loop3A_148] {strides = array<i32>} : memref<20x1024xi32, #tpu.memory_space<vmem>>, vector<16xi32>,
        %parallel_loop3A_150 = tpu.vector_load_idx %arg5[%parallel_loop3A_143] : memref<100000xf32, #tpu.memory_space<vmem>>[vector<16xi32>], vector<16xf32>,
        %parallel_loop3A_151 = arith.addf %parallel_loop3A_135, %parallel_loop3A_150 : vector<16xf32>
        %parallel_loop3A_152 = tpu.vector_load_idx %arg5[%parallel_loop3A_149] : memref<100000xf32, #tpu.memory_space<vmem>>[vector<16xi32>], vector<16xf32>,
        %parallel_loop3A_153 = arith.addf %parallel_loop3A_137, %parallel_loop3A_152 : vector<16xf32>
        %parallel_loop3A_154 = arith.constant 16 : i32
        %parallel_loop3A_155 = arith.muli %parallel_loop3A_37, %parallel_loop3A_154 : i32
        %parallel_loop3A_156 = arith.constant 14 : i32
        %parallel_loop3A_157 = arith.index_cast %parallel_loop3A_156 : i32 to index
        %parallel_loop3A_158 = arith.index_cast %parallel_loop3A_155 : i32 to index
        %parallel_loop3A_159 = tpu.vector_load %arg6[%parallel_loop3A_157, %parallel_loop3A_158] {strides = array<i32>} : memref<20x1024xi32, #tpu.memory_space<vmem>>, vector<16xi32>,
        %parallel_loop3A_160 = arith.constant 16 : i32
        %parallel_loop3A_161 = arith.muli %parallel_loop3A_37, %parallel_loop3A_160 : i32
        %parallel_loop3A_162 = arith.constant 15 : i32
        %parallel_loop3A_163 = arith.index_cast %parallel_loop3A_162 : i32 to index
        %parallel_loop3A_164 = arith.index_cast %parallel_loop3A_161 : i32 to index
        %parallel_loop3A_165 = tpu.vector_load %arg6[%parallel_loop3A_163, %parallel_loop3A_164] {strides = array<i32>} : memref<20x1024xi32, #tpu.memory_space<vmem>>, vector<16xi32>,
        %parallel_loop3A_166 = tpu.vector_load_idx %arg5[%parallel_loop3A_159] : memref<100000xf32, #tpu.memory_space<vmem>>[vector<16xi32>], vector<16xf32>,
        %parallel_loop3A_167 = arith.addf %parallel_loop3A_151, %parallel_loop3A_166 : vector<16xf32>
        %parallel_loop3A_168 = tpu.vector_load_idx %arg5[%parallel_loop3A_165] : memref<100000xf32, #tpu.memory_space<vmem>>[vector<16xi32>], vector<16xf32>,
        %parallel_loop3A_169 = arith.addf %parallel_loop3A_153, %parallel_loop3A_168 : vector<16xf32>
        %parallel_loop3A_170 = arith.constant 16 : i32
        %parallel_loop3A_171 = arith.muli %parallel_loop3A_37, %parallel_loop3A_170 : i32
        %parallel_loop3A_172 = arith.constant 16 : i32
        %parallel_loop3A_173 = arith.index_cast %parallel_loop3A_172 : i32 to index
        %parallel_loop3A_174 = arith.index_cast %parallel_loop3A_171 : i32 to index
        %parallel_loop3A_175 = tpu.vector_load %arg6[%parallel_loop3A_173, %parallel_loop3A_174] {strides = array<i32>} : memref<20x1024xi32, #tpu.memory_space<vmem>>, vector<16xi32>,
        %parallel_loop3A_176 = arith.constant 16 : i32
        %parallel_loop3A_177 = arith.muli %parallel_loop3A_37, %parallel_loop3A_176 : i32
        %parallel_loop3A_178 = arith.constant 17 : i32
        %parallel_loop3A_179 = arith.index_cast %parallel_loop3A_178 : i32 to index
        %parallel_loop3A_180 = arith.index_cast %parallel_loop3A_177 : i32 to index
        %parallel_loop3A_181 = tpu.vector_load %arg6[%parallel_loop3A_179, %parallel_loop3A_180] {strides = array<i32>} : memref<20x1024xi32, #tpu.memory_space<vmem>>, vector<16xi32>,
        %parallel_loop3A_182 = tpu.vector_load_idx %arg5[%parallel_loop3A_175] : memref<100000xf32, #tpu.memory_space<vmem>>[vector<16xi32>], vector<16xf32>,
        %parallel_loop3A_183 = arith.addf %parallel_loop3A_167, %parallel_loop3A_182 : vector<16xf32>
        %parallel_loop3A_184 = tpu.vector_load_idx %arg5[%parallel_loop3A_181] : memref<100000xf32, #tpu.memory_space<vmem>>[vector<16xi32>], vector<16xf32>,
        %parallel_loop3A_185 = arith.addf %parallel_loop3A_169, %parallel_loop3A_184 : vector<16xf32>
        %parallel_loop3A_186 = arith.constant 16 : i32
        %parallel_loop3A_187 = arith.muli %parallel_loop3A_37, %parallel_loop3A_186 : i32
        %parallel_loop3A_188 = arith.constant 18 : i32
        %parallel_loop3A_189 = arith.index_cast %parallel_loop3A_188 : i32 to index
        %parallel_loop3A_190 = arith.index_cast %parallel_loop3A_187 : i32 to index
        %parallel_loop3A_191 = tpu.vector_load %arg6[%parallel_loop3A_189, %parallel_loop3A_190] {strides = array<i32>} : memref<20x1024xi32, #tpu.memory_space<vmem>>, vector<16xi32>,
        %parallel_loop3A_192 = arith.constant 16 : i32
        %parallel_loop3A_193 = arith.muli %parallel_loop3A_37, %parallel_loop3A_192 : i32
        %parallel_loop3A_194 = arith.constant 19 : i32
        %parallel_loop3A_195 = arith.index_cast %parallel_loop3A_194 : i32 to index
        %parallel_loop3A_196 = arith.index_cast %parallel_loop3A_193 : i32 to index
        %parallel_loop3A_197 = tpu.vector_load %arg6[%parallel_loop3A_195, %parallel_loop3A_196] {strides = array<i32>} : memref<20x1024xi32, #tpu.memory_space<vmem>>, vector<16xi32>,
        %parallel_loop3A_198 = tpu.vector_load_idx %arg5[%parallel_loop3A_191] : memref<100000xf32, #tpu.memory_space<vmem>>[vector<16xi32>], vector<16xf32>,
        %parallel_loop3A_199 = arith.addf %parallel_loop3A_183, %parallel_loop3A_198 : vector<16xf32>
        %parallel_loop3A_200 = tpu.vector_load_idx %arg5[%parallel_loop3A_197] : memref<100000xf32, #tpu.memory_space<vmem>>[vector<16xi32>], vector<16xf32>,
        %parallel_loop3A_201 = arith.addf %parallel_loop3A_185, %parallel_loop3A_200 : vector<16xf32>
        %parallel_loop3A_202 = arith.addf %parallel_loop3A_199, %parallel_loop3A_201 : vector<16xf32>
        %parallel_loop3A_203 = arith.constant 1024 : i32
        %parallel_loop3A_204 = arith.muli %scan3A_19, %parallel_loop3A_203 : i32
        %parallel_loop3A_205 = arith.constant 16 : i32
        %parallel_loop3A_206 = arith.muli %parallel_loop3A_37, %parallel_loop3A_205 : i32
        %parallel_loop3A_207 = arith.addi %parallel_loop3A_204, %parallel_loop3A_206 : i32
        %parallel_loop3A_208 = arith.index_cast %parallel_loop3A_207 : i32 to index
        %parallel_loop3A_209 = tpu.vector_load %arg7[%parallel_loop3A_208] {strides = array<i32>} : memref<4096xf32, #tpu.memory_space<vmem>>, vector<16xf32>,
        tpu.vector_store %arg7[%parallel_loop3A_208], %parallel_loop3A_202 {strides = array<i32>} : memref<4096xf32, #tpu.memory_space<vmem>>, vector<16xf32>,
      } {sc.loop_unroll_factor = 2 : i64, sc.parallel_access}
    }
    %scan3A_17 = arith.constant 4 : i32
    "tpu.region"() ({
      %run_scoped3A = tpu.sem_alloc : memref<!tpu.dma_semaphore, #tpu.memory_space<semaphore_mem>>
      %dma_start3A = arith.constant 0 : i32
      %dma_start3A_19 = tpu.memref_slice %arg4[%add3A_9, %dma_start3A] : memref<32x4096xf32, #tpu.memory_space<hbm>> -> memref<1x4096xf32, #tpu.memory_space<hbm>>
      %dma_start3A_20 = tpu.memref_squeeze %dma_start3A_19 : memref<1x4096xf32, #tpu.memory_space<hbm>> -> memref<4096xf32, #tpu.memory_space<hbm>>
      %dma_start3A_21 = arith.constant 0 : i32
      %dma_start3A_22 = tpu.memref_slice %arg4[%add3A_9, %dma_start3A_21] : memref<32x4096xf32, #tpu.memory_space<hbm>> -> memref<1x4096xf32, #tpu.memory_space<hbm>>
      %dma_start3A_23 = tpu.memref_squeeze %dma_start3A_22 : memref<1x4096xf32, #tpu.memory_space<hbm>> -> memref<4096xf32, #tpu.memory_space<hbm>>
      tpu.enqueue_dma source(%arg7 : memref<4096xf32, #tpu.memory_space<vmem>>) target(%dma_start3A_23 : memref<4096xf32, #tpu.memory_space<hbm>>) target_semaphore(%run_scoped3A : memref<!tpu.dma_semaphore, #tpu.memory_space<semaphore_mem>>)
      %dma_wait3A = arith.constant 0 : i32
      %dma_wait3A_24 = tpu.memref_slice %arg4[%add3A_9, %dma_wait3A] : memref<32x4096xf32, #tpu.memory_space<hbm>> -> memref<1x4096xf32, #tpu.memory_space<hbm>>
      %dma_wait3A_25 = tpu.memref_squeeze %dma_wait3A_24 : memref<1x4096xf32, #tpu.memory_space<hbm>> -> memref<4096xf32, #tpu.memory_space<hbm>>
      %dma_wait3A_26 = arith.constant 0 : i32
      %dma_wait3A_27 = tpu.memref_slice %arg4[%add3A_9, %dma_wait3A_26] : memref<32x4096xf32, #tpu.memory_space<hbm>> -> memref<1x4096xf32, #tpu.memory_space<hbm>>
      %dma_wait3A_28 = tpu.memref_squeeze %dma_wait3A_27 : memref<1x4096xf32, #tpu.memory_space<hbm>> -> memref<4096xf32, #tpu.memory_space<hbm>>
      tpu.wait_dma2 semaphore(%run_scoped3A : memref<!tpu.dma_semaphore, #tpu.memory_space<semaphore_mem>>) src(%arg7 : memref<4096xf32, #tpu.memory_space<vmem>>) dst(%dma_wait3A_28 : memref<4096xf32, #tpu.memory_space<hbm>>)
      tpu.yield
    }) : () -> ()
    %scan3A_18 = arith.constant 1 : i32
    return
  }
}

#map = affine_map<(d0, d1) -> (0, 0)>
module attributes {stable_mosaic.version = 14 : i64} {
  func.func @body(%arg0: i32, %arg1: i32, %arg2: memref<32x100000xf32, #tpu.memory_space<hbm>>, %arg3: memref<520x4096xi32, #tpu.memory_space<hbm>>, %arg4: memref<32x4096xf32, #tpu.memory_space<hbm>>, %arg5: memref<100000xf32, #tpu.memory_space<vmem>>, %arg6: memref<20x1024xi32, #tpu.memory_space<vmem>>, %arg7: memref<4096xf32, #tpu.memory_space<vmem>>, %arg8: memref<2x20x1024xi32, #tpu.memory_space<vmem_shared>>, %arg9: memref<!tpu.dma_semaphore, #tpu.memory_space<semaphore_mem>>) attributes {dimension_semantics = [#tpu.dimension_semantics<core_parallel>, #tpu.dimension_semantics<subcore_parallel>], iteration_bounds = array<i64: 2, 16>, scalar_prefetch = 0 : i64, scratch_operands = 5 : i64, tpu.core_type = #tpu.core_type<sc_vector_subcore>, window_params = [{transform_indices = #map}, {transform_indices = #map}, {transform_indices = #map}]} {
    %scan3A = arith.constant 0 : i32
    %scan3A_0 = arith.constant 0 : i32
    %mul3A = arith.constant 1 : i32
    %mul3A_1 = arith.muli %arg0, %mul3A : i32
    %add3A = arith.constant 24 : i32
    %add3A_2 = arith.addi %add3A, %mul3A_1 : i32
    %add3A_3 = arith.addi %add3A_2, %scan3A_0 : i32
    %mul3A_4 = arith.constant 1 : i32
    %mul3A_5 = arith.muli %arg0, %mul3A_4 : i32
    %add3A_6 = arith.addi %mul3A_5, %scan3A_0 : i32
    %mul3A_7 = arith.constant 16 : i32
    %mul3A_8 = arith.muli %add3A_6, %mul3A_7 : i32
    %add3A_9 = arith.addi %mul3A_8, %arg1 : i32
    %eq3A = arith.constant 0 : i32
    %eq3A_10 = arith.cmpi eq, %arg1, %eq3A : i32
    %convert_element_type3A = arith.extui %eq3A_10 : i1 to i32
    %cond3A = arith.constant 0 : i32
    %cond3A_11 = arith.cmpi ne, %convert_element_type3A, %cond3A : i32
    scf.if %cond3A_11 {
      %mul3A_19 = arith.constant 20 : i32
      %mul3A_20 = arith.muli %add3A_3, %mul3A_19 : i32
      %dma_start3A = arith.constant 0 : i32
      %dma_start3A_21 = arith.constant 0 : i32
      %dma_start3A_22 = arith.constant 0 : i32
      %dma_start3A_23 = tpu.memref_slice %arg8[%dma_start3A, %dma_start3A_21, %dma_start3A_22] : memref<2x20x1024xi32, #tpu.memory_space<vmem_shared>> -> memref<1x20x1024xi32, #tpu.memory_space<vmem_shared>>
      %dma_start3A_24 = tpu.memref_squeeze %dma_start3A_23 : memref<1x20x1024xi32, #tpu.memory_space<vmem_shared>> -> memref<20x1024xi32, #tpu.memory_space<vmem_shared>>
      %dma_start3A_25 = arith.constant 0 : i32
      %dma_start3A_26 = tpu.memref_slice %arg3[%mul3A_20, %dma_start3A_25] : memref<520x4096xi32, #tpu.memory_space<hbm>> -> memref<20x1024xi32, #tpu.memory_space<hbm>>
      tpu.enqueue_dma source(%dma_start3A_26 : memref<20x1024xi32, #tpu.memory_space<hbm>>) target(%dma_start3A_24 : memref<20x1024xi32, #tpu.memory_space<vmem_shared>>) target_semaphore(%arg9 : memref<!tpu.dma_semaphore, #tpu.memory_space<semaphore_mem>>)
      %mul3A_27 = arith.constant 20 : i32
      %mul3A_28 = arith.muli %add3A_3, %mul3A_27 : i32
      %dma_start3A_29 = arith.constant 1 : i32
      %dma_start3A_30 = arith.constant 0 : i32
      %dma_start3A_31 = arith.constant 0 : i32
      %dma_start3A_32 = tpu.memref_slice %arg8[%dma_start3A_29, %dma_start3A_30, %dma_start3A_31] : memref<2x20x1024xi32, #tpu.memory_space<vmem_shared>> -> memref<1x20x1024xi32, #tpu.memory_space<vmem_shared>>
      %dma_start3A_33 = tpu.memref_squeeze %dma_start3A_32 : memref<1x20x1024xi32, #tpu.memory_space<vmem_shared>> -> memref<20x1024xi32, #tpu.memory_space<vmem_shared>>
      %dma_start3A_34 = arith.constant 1024 : i32
      %dma_start3A_35 = tpu.memref_slice %arg3[%mul3A_28, %dma_start3A_34] : memref<520x4096xi32, #tpu.memory_space<hbm>> -> memref<20x1024xi32, #tpu.memory_space<hbm>>
      tpu.enqueue_dma source(%dma_start3A_35 : memref<20x1024xi32, #tpu.memory_space<hbm>>) target(%dma_start3A_33 : memref<20x1024xi32, #tpu.memory_space<vmem_shared>>) target_semaphore(%arg9 : memref<!tpu.dma_semaphore, #tpu.memory_space<semaphore_mem>>)
    } else {
    }
    "tpu.region"() ({
      %run_scoped3A = tpu.sem_alloc : memref<!tpu.dma_semaphore, #tpu.memory_space<semaphore_mem>>
      %dma_start3A = arith.constant 0 : i32
      %dma_start3A_19 = tpu.memref_slice %arg2[%add3A_9, %dma_start3A] : memref<32x100000xf32, #tpu.memory_space<hbm>> -> memref<1x100000xf32, #tpu.memory_space<hbm>>
      %dma_start3A_20 = tpu.memref_squeeze %dma_start3A_19 : memref<1x100000xf32, #tpu.memory_space<hbm>> -> memref<100000xf32, #tpu.memory_space<hbm>>
      %dma_start3A_21 = arith.constant 0 : i32
      %dma_start3A_22 = tpu.memref_slice %arg2[%add3A_9, %dma_start3A_21] : memref<32x100000xf32, #tpu.memory_space<hbm>> -> memref<1x100000xf32, #tpu.memory_space<hbm>>
      %dma_start3A_23 = tpu.memref_squeeze %dma_start3A_22 : memref<1x100000xf32, #tpu.memory_space<hbm>> -> memref<100000xf32, #tpu.memory_space<hbm>>
      tpu.enqueue_dma source(%dma_start3A_23 : memref<100000xf32, #tpu.memory_space<hbm>>) target(%arg5 : memref<100000xf32, #tpu.memory_space<vmem>>) target_semaphore(%run_scoped3A : memref<!tpu.dma_semaphore, #tpu.memory_space<semaphore_mem>>)
      %dma_wait3A = arith.constant 0 : i32
      %dma_wait3A_24 = tpu.memref_slice %arg2[%add3A_9, %dma_wait3A] : memref<32x100000xf32, #tpu.memory_space<hbm>> -> memref<1x100000xf32, #tpu.memory_space<hbm>>
      %dma_wait3A_25 = tpu.memref_squeeze %dma_wait3A_24 : memref<1x100000xf32, #tpu.memory_space<hbm>> -> memref<100000xf32, #tpu.memory_space<hbm>>
      %dma_wait3A_26 = arith.constant 0 : i32
      %dma_wait3A_27 = tpu.memref_slice %arg2[%add3A_9, %dma_wait3A_26] : memref<32x100000xf32, #tpu.memory_space<hbm>> -> memref<1x100000xf32, #tpu.memory_space<hbm>>
      %dma_wait3A_28 = tpu.memref_squeeze %dma_wait3A_27 : memref<1x100000xf32, #tpu.memory_space<hbm>> -> memref<100000xf32, #tpu.memory_space<hbm>>
      tpu.wait_dma2 semaphore(%run_scoped3A : memref<!tpu.dma_semaphore, #tpu.memory_space<semaphore_mem>>) src(%dma_wait3A_28 : memref<100000xf32, #tpu.memory_space<hbm>>) dst(%arg5 : memref<100000xf32, #tpu.memory_space<vmem>>)
      tpu.yield
    }) : () -> ()
    %scan3A_12 = arith.constant 0 : i32
    %scan3A_13 = arith.constant 0 : i32
    %scan3A_14 = arith.constant 4 : i32
    %scan3A_15 = arith.addi %scan3A_13, %scan3A_14 : i32
    %scan3A_16 = arith.constant 1 : i32
    scf.for %scan3A_19 = %scan3A_13 to %scan3A_15 step %scan3A_16  : i32 {
      %rem3A = arith.constant 2 : i32
      %rem3A_20 = arith.remsi %scan3A_19, %rem3A : i32
      %eq3A_21 = arith.constant 0 : i32
      %eq3A_22 = arith.cmpi eq, %arg1, %eq3A_21 : i32
      %convert_element_type3A_23 = arith.extui %eq3A_22 : i1 to i32
      %cond3A_24 = arith.constant 0 : i32
      %cond3A_25 = arith.cmpi ne, %convert_element_type3A_23, %cond3A_24 : i32
      scf.if %cond3A_25 {
        %mul3A_37 = arith.constant 20 : i32
        %mul3A_38 = arith.muli %add3A_3, %mul3A_37 : i32
        %mul3A_39 = arith.constant 1024 : i32
        %mul3A_40 = arith.muli %scan3A_19, %mul3A_39 : i32
        %dma_wait3A = arith.constant 0 : i32
        %dma_wait3A_41 = arith.constant 0 : i32
        %dma_wait3A_42 = tpu.memref_slice %arg8[%rem3A_20, %dma_wait3A, %dma_wait3A_41] : memref<2x20x1024xi32, #tpu.memory_space<vmem_shared>> -> memref<1x20x1024xi32, #tpu.memory_space<vmem_shared>>
        %dma_wait3A_43 = tpu.memref_squeeze %dma_wait3A_42 : memref<1x20x1024xi32, #tpu.memory_space<vmem_shared>> -> memref<20x1024xi32, #tpu.memory_space<vmem_shared>>
        %dma_wait3A_44 = tpu.memref_slice %arg3[%mul3A_38, %mul3A_40] : memref<520x4096xi32, #tpu.memory_space<hbm>> -> memref<20x1024xi32, #tpu.memory_space<hbm>>
        tpu.wait_dma2 semaphore(%arg9 : memref<!tpu.dma_semaphore, #tpu.memory_space<semaphore_mem>>) src(%dma_wait3A_44 : memref<20x1024xi32, #tpu.memory_space<hbm>>) dst(%dma_wait3A_43 : memref<20x1024xi32, #tpu.memory_space<vmem_shared>>)
      } else {
      }
      %barrier3A = arith.constant 0 : index
      tpu.barrier barrier_id(%barrier3A)
      "tpu.region"() ({
        %run_scoped3A = tpu.sem_alloc : memref<!tpu.dma_semaphore, #tpu.memory_space<semaphore_mem>>
        %dma_start3A = arith.constant 0 : i32
        %dma_start3A_37 = arith.constant 0 : i32
        %dma_start3A_38 = tpu.memref_slice %arg8[%rem3A_20, %dma_start3A, %dma_start3A_37] : memref<2x20x1024xi32, #tpu.memory_space<vmem_shared>> -> memref<1x20x1024xi32, #tpu.memory_space<vmem_shared>>
        %dma_start3A_39 = tpu.memref_squeeze %dma_start3A_38 : memref<1x20x1024xi32, #tpu.memory_space<vmem_shared>> -> memref<20x1024xi32, #tpu.memory_space<vmem_shared>>
        %dma_start3A_40 = arith.constant 0 : i32
        %dma_start3A_41 = arith.constant 0 : i32
        %dma_start3A_42 = tpu.memref_slice %arg8[%rem3A_20, %dma_start3A_40, %dma_start3A_41] : memref<2x20x1024xi32, #tpu.memory_space<vmem_shared>> -> memref<1x20x1024xi32, #tpu.memory_space<vmem_shared>>
        %dma_start3A_43 = tpu.memref_squeeze %dma_start3A_42 : memref<1x20x1024xi32, #tpu.memory_space<vmem_shared>> -> memref<20x1024xi32, #tpu.memory_space<vmem_shared>>
        tpu.enqueue_dma source(%dma_start3A_43 : memref<20x1024xi32, #tpu.memory_space<vmem_shared>>) target(%arg6 : memref<20x1024xi32, #tpu.memory_space<vmem>>) target_semaphore(%run_scoped3A : memref<!tpu.dma_semaphore, #tpu.memory_space<semaphore_mem>>)
        %dma_wait3A = arith.constant 0 : i32
        %dma_wait3A_44 = arith.constant 0 : i32
        %dma_wait3A_45 = tpu.memref_slice %arg8[%rem3A_20, %dma_wait3A, %dma_wait3A_44] : memref<2x20x1024xi32, #tpu.memory_space<vmem_shared>> -> memref<1x20x1024xi32, #tpu.memory_space<vmem_shared>>
        %dma_wait3A_46 = tpu.memref_squeeze %dma_wait3A_45 : memref<1x20x1024xi32, #tpu.memory_space<vmem_shared>> -> memref<20x1024xi32, #tpu.memory_space<vmem_shared>>
        %dma_wait3A_47 = arith.constant 0 : i32
        %dma_wait3A_48 = arith.constant 0 : i32
        %dma_wait3A_49 = tpu.memref_slice %arg8[%rem3A_20, %dma_wait3A_47, %dma_wait3A_48] : memref<2x20x1024xi32, #tpu.memory_space<vmem_shared>> -> memref<1x20x1024xi32, #tpu.memory_space<vmem_shared>>
        %dma_wait3A_50 = tpu.memref_squeeze %dma_wait3A_49 : memref<1x20x1024xi32, #tpu.memory_space<vmem_shared>> -> memref<20x1024xi32, #tpu.memory_space<vmem_shared>>
        tpu.wait_dma2 semaphore(%run_scoped3A : memref<!tpu.dma_semaphore, #tpu.memory_space<semaphore_mem>>) src(%dma_wait3A_50 : memref<20x1024xi32, #tpu.memory_space<vmem_shared>>) dst(%arg6 : memref<20x1024xi32, #tpu.memory_space<vmem>>)
        tpu.yield
      }) : () -> ()
      %barrier3A_26 = arith.constant 0 : index
      tpu.barrier barrier_id(%barrier3A_26)
      %eq3A_27 = arith.constant 0 : i32
      %eq3A_28 = arith.cmpi eq, %arg1, %eq3A_27 : i32
      %add3A_29 = arith.constant 2 : i32
      %add3A_30 = arith.addi %scan3A_19, %add3A_29 : i32
      %lt3A = arith.constant 4 : i32
      %lt3A_31 = arith.cmpi slt, %add3A_30, %lt3A : i32
      %and3A = arith.andi %eq3A_28, %lt3A_31 : i1
      %convert_element_type3A_32 = arith.extui %and3A : i1 to i32
      %cond3A_33 = arith.constant 0 : i32
      %cond3A_34 = arith.cmpi ne, %convert_element_type3A_32, %cond3A_33 : i32
      scf.if %cond3A_34 {
        %add3A_37 = arith.constant 2 : i32
        %add3A_38 = arith.addi %scan3A_19, %add3A_37 : i32
        %mul3A_39 = arith.constant 20 : i32
        %mul3A_40 = arith.muli %add3A_3, %mul3A_39 : i32
        %mul3A_41 = arith.constant 1024 : i32
        %mul3A_42 = arith.muli %add3A_38, %mul3A_41 : i32
        %dma_start3A = arith.constant 0 : i32
        %dma_start3A_43 = arith.constant 0 : i32
        %dma_start3A_44 = tpu.memref_slice %arg8[%rem3A_20, %dma_start3A, %dma_start3A_43] : memref<2x20x1024xi32, #tpu.memory_space<vmem_shared>> -> memref<1x20x1024xi32, #tpu.memory_space<vmem_shared>>
        %dma_start3A_45 = tpu.memref_squeeze %dma_start3A_44 : memref<1x20x1024xi32, #tpu.memory_space<vmem_shared>> -> memref<20x1024xi32, #tpu.memory_space<vmem_shared>>
        %dma_start3A_46 = tpu.memref_slice %arg3[%mul3A_40, %mul3A_42] : memref<520x4096xi32, #tpu.memory_space<hbm>> -> memref<20x1024xi32, #tpu.memory_space<hbm>>
        tpu.enqueue_dma source(%dma_start3A_46 : memref<20x1024xi32, #tpu.memory_space<hbm>>) target(%dma_start3A_45 : memref<20x1024xi32, #tpu.memory_space<vmem_shared>>) target_semaphore(%arg9 : memref<!tpu.dma_semaphore, #tpu.memory_space<semaphore_mem>>)
      } else {
      }
      %parallel_loop3A = arith.constant 0 : i32
      %parallel_loop3A_35 = arith.constant 64 : i32
      %parallel_loop3A_36 = arith.constant 1 : i32
      scf.for %parallel_loop3A_37 = %parallel_loop3A to %parallel_loop3A_35 step %parallel_loop3A_36  : i32 {
        %parallel_loop3A_38 = arith.constant 0.000000e+00 : f32
        %parallel_loop3A_39 = vector.broadcast %parallel_loop3A_38 : f32 to vector<16xf32>
        %parallel_loop3A_40 = arith.constant 0.000000e+00 : f32
        %parallel_loop3A_41 = vector.broadcast %parallel_loop3A_40 : f32 to vector<16xf32>
        %parallel_loop3A_42 = arith.constant 16 : i32
        %parallel_loop3A_43 = arith.muli %parallel_loop3A_37, %parallel_loop3A_42 : i32
        %parallel_loop3A_44 = arith.constant 0 : i32
        %parallel_loop3A_45 = arith.index_cast %parallel_loop3A_44 : i32 to index
        %parallel_loop3A_46 = arith.index_cast %parallel_loop3A_43 : i32 to index
        %parallel_loop3A_47 = tpu.vector_load %arg6[%parallel_loop3A_45, %parallel_loop3A_46] {strides = array<i32>} : memref<20x1024xi32, #tpu.memory_space<vmem>>, vector<16xi32>,
        %parallel_loop3A_48 = arith.constant 16 : i32
        %parallel_loop3A_49 = arith.muli %parallel_loop3A_37, %parallel_loop3A_48 : i32
        %parallel_loop3A_50 = arith.constant 1 : i32
        %parallel_loop3A_51 = arith.index_cast %parallel_loop3A_50 : i32 to index
        %parallel_loop3A_52 = arith.index_cast %parallel_loop3A_49 : i32 to index
        %parallel_loop3A_53 = tpu.vector_load %arg6[%parallel_loop3A_51, %parallel_loop3A_52] {strides = array<i32>} : memref<20x1024xi32, #tpu.memory_space<vmem>>, vector<16xi32>,
        %parallel_loop3A_54 = tpu.vector_load_idx %arg5[%parallel_loop3A_47] : memref<100000xf32, #tpu.memory_space<vmem>>[vector<16xi32>], vector<16xf32>,
        %parallel_loop3A_55 = arith.addf %parallel_loop3A_39, %parallel_loop3A_54 : vector<16xf32>
        %parallel_loop3A_56 = tpu.vector_load_idx %arg5[%parallel_loop3A_53] : memref<100000xf32, #tpu.memory_space<vmem>>[vector<16xi32>], vector<16xf32>,
        %parallel_loop3A_57 = arith.addf %parallel_loop3A_41, %parallel_loop3A_56 : vector<16xf32>
        %parallel_loop3A_58 = arith.constant 16 : i32
        %parallel_loop3A_59 = arith.muli %parallel_loop3A_37, %parallel_loop3A_58 : i32
        %parallel_loop3A_60 = arith.constant 2 : i32
        %parallel_loop3A_61 = arith.index_cast %parallel_loop3A_60 : i32 to index
        %parallel_loop3A_62 = arith.index_cast %parallel_loop3A_59 : i32 to index
        %parallel_loop3A_63 = tpu.vector_load %arg6[%parallel_loop3A_61, %parallel_loop3A_62] {strides = array<i32>} : memref<20x1024xi32, #tpu.memory_space<vmem>>, vector<16xi32>,
        %parallel_loop3A_64 = arith.constant 16 : i32
        %parallel_loop3A_65 = arith.muli %parallel_loop3A_37, %parallel_loop3A_64 : i32
        %parallel_loop3A_66 = arith.constant 3 : i32
        %parallel_loop3A_67 = arith.index_cast %parallel_loop3A_66 : i32 to index
        %parallel_loop3A_68 = arith.index_cast %parallel_loop3A_65 : i32 to index
        %parallel_loop3A_69 = tpu.vector_load %arg6[%parallel_loop3A_67, %parallel_loop3A_68] {strides = array<i32>} : memref<20x1024xi32, #tpu.memory_space<vmem>>, vector<16xi32>,
        %parallel_loop3A_70 = tpu.vector_load_idx %arg5[%parallel_loop3A_63] : memref<100000xf32, #tpu.memory_space<vmem>>[vector<16xi32>], vector<16xf32>,
        %parallel_loop3A_71 = arith.addf %parallel_loop3A_55, %parallel_loop3A_70 : vector<16xf32>
        %parallel_loop3A_72 = tpu.vector_load_idx %arg5[%parallel_loop3A_69] : memref<100000xf32, #tpu.memory_space<vmem>>[vector<16xi32>], vector<16xf32>,
        %parallel_loop3A_73 = arith.addf %parallel_loop3A_57, %parallel_loop3A_72 : vector<16xf32>
        %parallel_loop3A_74 = arith.constant 16 : i32
        %parallel_loop3A_75 = arith.muli %parallel_loop3A_37, %parallel_loop3A_74 : i32
        %parallel_loop3A_76 = arith.constant 4 : i32
        %parallel_loop3A_77 = arith.index_cast %parallel_loop3A_76 : i32 to index
        %parallel_loop3A_78 = arith.index_cast %parallel_loop3A_75 : i32 to index
        %parallel_loop3A_79 = tpu.vector_load %arg6[%parallel_loop3A_77, %parallel_loop3A_78] {strides = array<i32>} : memref<20x1024xi32, #tpu.memory_space<vmem>>, vector<16xi32>,
        %parallel_loop3A_80 = arith.constant 16 : i32
        %parallel_loop3A_81 = arith.muli %parallel_loop3A_37, %parallel_loop3A_80 : i32
        %parallel_loop3A_82 = arith.constant 5 : i32
        %parallel_loop3A_83 = arith.index_cast %parallel_loop3A_82 : i32 to index
        %parallel_loop3A_84 = arith.index_cast %parallel_loop3A_81 : i32 to index
        %parallel_loop3A_85 = tpu.vector_load %arg6[%parallel_loop3A_83, %parallel_loop3A_84] {strides = array<i32>} : memref<20x1024xi32, #tpu.memory_space<vmem>>, vector<16xi32>,
        %parallel_loop3A_86 = tpu.vector_load_idx %arg5[%parallel_loop3A_79] : memref<100000xf32, #tpu.memory_space<vmem>>[vector<16xi32>], vector<16xf32>,
        %parallel_loop3A_87 = arith.addf %parallel_loop3A_71, %parallel_loop3A_86 : vector<16xf32>
        %parallel_loop3A_88 = tpu.vector_load_idx %arg5[%parallel_loop3A_85] : memref<100000xf32, #tpu.memory_space<vmem>>[vector<16xi32>], vector<16xf32>,
        %parallel_loop3A_89 = arith.addf %parallel_loop3A_73, %parallel_loop3A_88 : vector<16xf32>
        %parallel_loop3A_90 = arith.constant 16 : i32
        %parallel_loop3A_91 = arith.muli %parallel_loop3A_37, %parallel_loop3A_90 : i32
        %parallel_loop3A_92 = arith.constant 6 : i32
        %parallel_loop3A_93 = arith.index_cast %parallel_loop3A_92 : i32 to index
        %parallel_loop3A_94 = arith.index_cast %parallel_loop3A_91 : i32 to index
        %parallel_loop3A_95 = tpu.vector_load %arg6[%parallel_loop3A_93, %parallel_loop3A_94] {strides = array<i32>} : memref<20x1024xi32, #tpu.memory_space<vmem>>, vector<16xi32>,
        %parallel_loop3A_96 = arith.constant 16 : i32
        %parallel_loop3A_97 = arith.muli %parallel_loop3A_37, %parallel_loop3A_96 : i32
        %parallel_loop3A_98 = arith.constant 7 : i32
        %parallel_loop3A_99 = arith.index_cast %parallel_loop3A_98 : i32 to index
        %parallel_loop3A_100 = arith.index_cast %parallel_loop3A_97 : i32 to index
        %parallel_loop3A_101 = tpu.vector_load %arg6[%parallel_loop3A_99, %parallel_loop3A_100] {strides = array<i32>} : memref<20x1024xi32, #tpu.memory_space<vmem>>, vector<16xi32>,
        %parallel_loop3A_102 = tpu.vector_load_idx %arg5[%parallel_loop3A_95] : memref<100000xf32, #tpu.memory_space<vmem>>[vector<16xi32>], vector<16xf32>,
        %parallel_loop3A_103 = arith.addf %parallel_loop3A_87, %parallel_loop3A_102 : vector<16xf32>
        %parallel_loop3A_104 = tpu.vector_load_idx %arg5[%parallel_loop3A_101] : memref<100000xf32, #tpu.memory_space<vmem>>[vector<16xi32>], vector<16xf32>,
        %parallel_loop3A_105 = arith.addf %parallel_loop3A_89, %parallel_loop3A_104 : vector<16xf32>
        %parallel_loop3A_106 = arith.constant 16 : i32
        %parallel_loop3A_107 = arith.muli %parallel_loop3A_37, %parallel_loop3A_106 : i32
        %parallel_loop3A_108 = arith.constant 8 : i32
        %parallel_loop3A_109 = arith.index_cast %parallel_loop3A_108 : i32 to index
        %parallel_loop3A_110 = arith.index_cast %parallel_loop3A_107 : i32 to index
        %parallel_loop3A_111 = tpu.vector_load %arg6[%parallel_loop3A_109, %parallel_loop3A_110] {strides = array<i32>} : memref<20x1024xi32, #tpu.memory_space<vmem>>, vector<16xi32>,
        %parallel_loop3A_112 = arith.constant 16 : i32
        %parallel_loop3A_113 = arith.muli %parallel_loop3A_37, %parallel_loop3A_112 : i32
        %parallel_loop3A_114 = arith.constant 9 : i32
        %parallel_loop3A_115 = arith.index_cast %parallel_loop3A_114 : i32 to index
        %parallel_loop3A_116 = arith.index_cast %parallel_loop3A_113 : i32 to index
        %parallel_loop3A_117 = tpu.vector_load %arg6[%parallel_loop3A_115, %parallel_loop3A_116] {strides = array<i32>} : memref<20x1024xi32, #tpu.memory_space<vmem>>, vector<16xi32>,
        %parallel_loop3A_118 = tpu.vector_load_idx %arg5[%parallel_loop3A_111] : memref<100000xf32, #tpu.memory_space<vmem>>[vector<16xi32>], vector<16xf32>,
        %parallel_loop3A_119 = arith.addf %parallel_loop3A_103, %parallel_loop3A_118 : vector<16xf32>
        %parallel_loop3A_120 = tpu.vector_load_idx %arg5[%parallel_loop3A_117] : memref<100000xf32, #tpu.memory_space<vmem>>[vector<16xi32>], vector<16xf32>,
        %parallel_loop3A_121 = arith.addf %parallel_loop3A_105, %parallel_loop3A_120 : vector<16xf32>
        %parallel_loop3A_122 = arith.constant 16 : i32
        %parallel_loop3A_123 = arith.muli %parallel_loop3A_37, %parallel_loop3A_122 : i32
        %parallel_loop3A_124 = arith.constant 10 : i32
        %parallel_loop3A_125 = arith.index_cast %parallel_loop3A_124 : i32 to index
        %parallel_loop3A_126 = arith.index_cast %parallel_loop3A_123 : i32 to index
        %parallel_loop3A_127 = tpu.vector_load %arg6[%parallel_loop3A_125, %parallel_loop3A_126] {strides = array<i32>} : memref<20x1024xi32, #tpu.memory_space<vmem>>, vector<16xi32>,
        %parallel_loop3A_128 = arith.constant 16 : i32
        %parallel_loop3A_129 = arith.muli %parallel_loop3A_37, %parallel_loop3A_128 : i32
        %parallel_loop3A_130 = arith.constant 11 : i32
        %parallel_loop3A_131 = arith.index_cast %parallel_loop3A_130 : i32 to index
        %parallel_loop3A_132 = arith.index_cast %parallel_loop3A_129 : i32 to index
        %parallel_loop3A_133 = tpu.vector_load %arg6[%parallel_loop3A_131, %parallel_loop3A_132] {strides = array<i32>} : memref<20x1024xi32, #tpu.memory_space<vmem>>, vector<16xi32>,
        %parallel_loop3A_134 = tpu.vector_load_idx %arg5[%parallel_loop3A_127] : memref<100000xf32, #tpu.memory_space<vmem>>[vector<16xi32>], vector<16xf32>,
        %parallel_loop3A_135 = arith.addf %parallel_loop3A_119, %parallel_loop3A_134 : vector<16xf32>
        %parallel_loop3A_136 = tpu.vector_load_idx %arg5[%parallel_loop3A_133] : memref<100000xf32, #tpu.memory_space<vmem>>[vector<16xi32>], vector<16xf32>,
        %parallel_loop3A_137 = arith.addf %parallel_loop3A_121, %parallel_loop3A_136 : vector<16xf32>
        %parallel_loop3A_138 = arith.constant 16 : i32
        %parallel_loop3A_139 = arith.muli %parallel_loop3A_37, %parallel_loop3A_138 : i32
        %parallel_loop3A_140 = arith.constant 12 : i32
        %parallel_loop3A_141 = arith.index_cast %parallel_loop3A_140 : i32 to index
        %parallel_loop3A_142 = arith.index_cast %parallel_loop3A_139 : i32 to index
        %parallel_loop3A_143 = tpu.vector_load %arg6[%parallel_loop3A_141, %parallel_loop3A_142] {strides = array<i32>} : memref<20x1024xi32, #tpu.memory_space<vmem>>, vector<16xi32>,
        %parallel_loop3A_144 = arith.constant 16 : i32
        %parallel_loop3A_145 = arith.muli %parallel_loop3A_37, %parallel_loop3A_144 : i32
        %parallel_loop3A_146 = arith.constant 13 : i32
        %parallel_loop3A_147 = arith.index_cast %parallel_loop3A_146 : i32 to index
        %parallel_loop3A_148 = arith.index_cast %parallel_loop3A_145 : i32 to index
        %parallel_loop3A_149 = tpu.vector_load %arg6[%parallel_loop3A_147, %parallel_loop3A_148] {strides = array<i32>} : memref<20x1024xi32, #tpu.memory_space<vmem>>, vector<16xi32>,
        %parallel_loop3A_150 = tpu.vector_load_idx %arg5[%parallel_loop3A_143] : memref<100000xf32, #tpu.memory_space<vmem>>[vector<16xi32>], vector<16xf32>,
        %parallel_loop3A_151 = arith.addf %parallel_loop3A_135, %parallel_loop3A_150 : vector<16xf32>
        %parallel_loop3A_152 = tpu.vector_load_idx %arg5[%parallel_loop3A_149] : memref<100000xf32, #tpu.memory_space<vmem>>[vector<16xi32>], vector<16xf32>,
        %parallel_loop3A_153 = arith.addf %parallel_loop3A_137, %parallel_loop3A_152 : vector<16xf32>
        %parallel_loop3A_154 = arith.constant 16 : i32
        %parallel_loop3A_155 = arith.muli %parallel_loop3A_37, %parallel_loop3A_154 : i32
        %parallel_loop3A_156 = arith.constant 14 : i32
        %parallel_loop3A_157 = arith.index_cast %parallel_loop3A_156 : i32 to index
        %parallel_loop3A_158 = arith.index_cast %parallel_loop3A_155 : i32 to index
        %parallel_loop3A_159 = tpu.vector_load %arg6[%parallel_loop3A_157, %parallel_loop3A_158] {strides = array<i32>} : memref<20x1024xi32, #tpu.memory_space<vmem>>, vector<16xi32>,
        %parallel_loop3A_160 = arith.constant 16 : i32
        %parallel_loop3A_161 = arith.muli %parallel_loop3A_37, %parallel_loop3A_160 : i32
        %parallel_loop3A_162 = arith.constant 15 : i32
        %parallel_loop3A_163 = arith.index_cast %parallel_loop3A_162 : i32 to index
        %parallel_loop3A_164 = arith.index_cast %parallel_loop3A_161 : i32 to index
        %parallel_loop3A_165 = tpu.vector_load %arg6[%parallel_loop3A_163, %parallel_loop3A_164] {strides = array<i32>} : memref<20x1024xi32, #tpu.memory_space<vmem>>, vector<16xi32>,
        %parallel_loop3A_166 = tpu.vector_load_idx %arg5[%parallel_loop3A_159] : memref<100000xf32, #tpu.memory_space<vmem>>[vector<16xi32>], vector<16xf32>,
        %parallel_loop3A_167 = arith.addf %parallel_loop3A_151, %parallel_loop3A_166 : vector<16xf32>
        %parallel_loop3A_168 = tpu.vector_load_idx %arg5[%parallel_loop3A_165] : memref<100000xf32, #tpu.memory_space<vmem>>[vector<16xi32>], vector<16xf32>,
        %parallel_loop3A_169 = arith.addf %parallel_loop3A_153, %parallel_loop3A_168 : vector<16xf32>
        %parallel_loop3A_170 = arith.constant 16 : i32
        %parallel_loop3A_171 = arith.muli %parallel_loop3A_37, %parallel_loop3A_170 : i32
        %parallel_loop3A_172 = arith.constant 16 : i32
        %parallel_loop3A_173 = arith.index_cast %parallel_loop3A_172 : i32 to index
        %parallel_loop3A_174 = arith.index_cast %parallel_loop3A_171 : i32 to index
        %parallel_loop3A_175 = tpu.vector_load %arg6[%parallel_loop3A_173, %parallel_loop3A_174] {strides = array<i32>} : memref<20x1024xi32, #tpu.memory_space<vmem>>, vector<16xi32>,
        %parallel_loop3A_176 = arith.constant 16 : i32
        %parallel_loop3A_177 = arith.muli %parallel_loop3A_37, %parallel_loop3A_176 : i32
        %parallel_loop3A_178 = arith.constant 17 : i32
        %parallel_loop3A_179 = arith.index_cast %parallel_loop3A_178 : i32 to index
        %parallel_loop3A_180 = arith.index_cast %parallel_loop3A_177 : i32 to index
        %parallel_loop3A_181 = tpu.vector_load %arg6[%parallel_loop3A_179, %parallel_loop3A_180] {strides = array<i32>} : memref<20x1024xi32, #tpu.memory_space<vmem>>, vector<16xi32>,
        %parallel_loop3A_182 = tpu.vector_load_idx %arg5[%parallel_loop3A_175] : memref<100000xf32, #tpu.memory_space<vmem>>[vector<16xi32>], vector<16xf32>,
        %parallel_loop3A_183 = arith.addf %parallel_loop3A_167, %parallel_loop3A_182 : vector<16xf32>
        %parallel_loop3A_184 = tpu.vector_load_idx %arg5[%parallel_loop3A_181] : memref<100000xf32, #tpu.memory_space<vmem>>[vector<16xi32>], vector<16xf32>,
        %parallel_loop3A_185 = arith.addf %parallel_loop3A_169, %parallel_loop3A_184 : vector<16xf32>
        %parallel_loop3A_186 = arith.constant 16 : i32
        %parallel_loop3A_187 = arith.muli %parallel_loop3A_37, %parallel_loop3A_186 : i32
        %parallel_loop3A_188 = arith.constant 18 : i32
        %parallel_loop3A_189 = arith.index_cast %parallel_loop3A_188 : i32 to index
        %parallel_loop3A_190 = arith.index_cast %parallel_loop3A_187 : i32 to index
        %parallel_loop3A_191 = tpu.vector_load %arg6[%parallel_loop3A_189, %parallel_loop3A_190] {strides = array<i32>} : memref<20x1024xi32, #tpu.memory_space<vmem>>, vector<16xi32>,
        %parallel_loop3A_192 = arith.constant 16 : i32
        %parallel_loop3A_193 = arith.muli %parallel_loop3A_37, %parallel_loop3A_192 : i32
        %parallel_loop3A_194 = arith.constant 19 : i32
        %parallel_loop3A_195 = arith.index_cast %parallel_loop3A_194 : i32 to index
        %parallel_loop3A_196 = arith.index_cast %parallel_loop3A_193 : i32 to index
        %parallel_loop3A_197 = tpu.vector_load %arg6[%parallel_loop3A_195, %parallel_loop3A_196] {strides = array<i32>} : memref<20x1024xi32, #tpu.memory_space<vmem>>, vector<16xi32>,
        %parallel_loop3A_198 = tpu.vector_load_idx %arg5[%parallel_loop3A_191] : memref<100000xf32, #tpu.memory_space<vmem>>[vector<16xi32>], vector<16xf32>,
        %parallel_loop3A_199 = arith.addf %parallel_loop3A_183, %parallel_loop3A_198 : vector<16xf32>
        %parallel_loop3A_200 = tpu.vector_load_idx %arg5[%parallel_loop3A_197] : memref<100000xf32, #tpu.memory_space<vmem>>[vector<16xi32>], vector<16xf32>,
        %parallel_loop3A_201 = arith.addf %parallel_loop3A_185, %parallel_loop3A_200 : vector<16xf32>
        %parallel_loop3A_202 = arith.addf %parallel_loop3A_199, %parallel_loop3A_201 : vector<16xf32>
        %parallel_loop3A_203 = arith.constant 1024 : i32
        %parallel_loop3A_204 = arith.muli %scan3A_19, %parallel_loop3A_203 : i32
        %parallel_loop3A_205 = arith.constant 16 : i32
        %parallel_loop3A_206 = arith.muli %parallel_loop3A_37, %parallel_loop3A_205 : i32
        %parallel_loop3A_207 = arith.addi %parallel_loop3A_204, %parallel_loop3A_206 : i32
        %parallel_loop3A_208 = arith.index_cast %parallel_loop3A_207 : i32 to index
        %parallel_loop3A_209 = tpu.vector_load %arg7[%parallel_loop3A_208] {strides = array<i32>} : memref<4096xf32, #tpu.memory_space<vmem>>, vector<16xf32>,
        tpu.vector_store %arg7[%parallel_loop3A_208], %parallel_loop3A_202 {strides = array<i32>} : memref<4096xf32, #tpu.memory_space<vmem>>, vector<16xf32>,
      } {sc.loop_unroll_factor = 2 : i64, sc.parallel_access}
    }
    %scan3A_17 = arith.constant 4 : i32
    "tpu.region"() ({
      %run_scoped3A = tpu.sem_alloc : memref<!tpu.dma_semaphore, #tpu.memory_space<semaphore_mem>>
      %dma_start3A = arith.constant 0 : i32
      %dma_start3A_19 = tpu.memref_slice %arg4[%add3A_9, %dma_start3A] : memref<32x4096xf32, #tpu.memory_space<hbm>> -> memref<1x4096xf32, #tpu.memory_space<hbm>>
      %dma_start3A_20 = tpu.memref_squeeze %dma_start3A_19 : memref<1x4096xf32, #tpu.memory_space<hbm>> -> memref<4096xf32, #tpu.memory_space<hbm>>
      %dma_start3A_21 = arith.constant 0 : i32
      %dma_start3A_22 = tpu.memref_slice %arg4[%add3A_9, %dma_start3A_21] : memref<32x4096xf32, #tpu.memory_space<hbm>> -> memref<1x4096xf32, #tpu.memory_space<hbm>>
      %dma_start3A_23 = tpu.memref_squeeze %dma_start3A_22 : memref<1x4096xf32, #tpu.memory_space<hbm>> -> memref<4096xf32, #tpu.memory_space<hbm>>
      tpu.enqueue_dma source(%arg7 : memref<4096xf32, #tpu.memory_space<vmem>>) target(%dma_start3A_23 : memref<4096xf32, #tpu.memory_space<hbm>>) target_semaphore(%run_scoped3A : memref<!tpu.dma_semaphore, #tpu.memory_space<semaphore_mem>>)
      %dma_wait3A = arith.constant 0 : i32
      %dma_wait3A_24 = tpu.memref_slice %arg4[%add3A_9, %dma_wait3A] : memref<32x4096xf32, #tpu.memory_space<hbm>> -> memref<1x4096xf32, #tpu.memory_space<hbm>>
      %dma_wait3A_25 = tpu.memref_squeeze %dma_wait3A_24 : memref<1x4096xf32, #tpu.memory_space<hbm>> -> memref<4096xf32, #tpu.memory_space<hbm>>
      %dma_wait3A_26 = arith.constant 0 : i32
      %dma_wait3A_27 = tpu.memref_slice %arg4[%add3A_9, %dma_wait3A_26] : memref<32x4096xf32, #tpu.memory_space<hbm>> -> memref<1x4096xf32, #tpu.memory_space<hbm>>
      %dma_wait3A_28 = tpu.memref_squeeze %dma_wait3A_27 : memref<1x4096xf32, #tpu.memory_space<hbm>> -> memref<4096xf32, #tpu.memory_space<hbm>>
      tpu.wait_dma2 semaphore(%run_scoped3A : memref<!tpu.dma_semaphore, #tpu.memory_space<semaphore_mem>>) src(%arg7 : memref<4096xf32, #tpu.memory_space<vmem>>) dst(%dma_wait3A_28 : memref<4096xf32, #tpu.memory_space<hbm>>)
      tpu.yield
    }) : () -> ()
    %scan3A_18 = arith.constant 1 : i32
    return
  }
}

#map = affine_map<(d0, d1) -> (0, 0)>
module attributes {stable_mosaic.version = 14 : i64} {
  func.func @body(%arg0: i32, %arg1: i32, %arg2: memref<128x100000xf32, #tpu.memory_space<hbm>>, %arg3: memref<520x4096xi32, #tpu.memory_space<hbm>>, %arg4: memref<128x4096xf32, #tpu.memory_space<hbm>>, %arg5: memref<100000xf32, #tpu.memory_space<vmem>>, %arg6: memref<20x1024xi32, #tpu.memory_space<vmem>>, %arg7: memref<4096xf32, #tpu.memory_space<vmem>>, %arg8: memref<2x20x1024xi32, #tpu.memory_space<vmem_shared>>, %arg9: memref<!tpu.dma_semaphore, #tpu.memory_space<semaphore_mem>>) attributes {dimension_semantics = [#tpu.dimension_semantics<core_parallel>, #tpu.dimension_semantics<subcore_parallel>], iteration_bounds = array<i64: 2, 16>, scalar_prefetch = 0 : i64, scratch_operands = 5 : i64, tpu.core_type = #tpu.core_type<sc_vector_subcore>, window_params = [{transform_indices = #map}, {transform_indices = #map}, {transform_indices = #map}]} {
    %scan3A = arith.constant 0 : i32
    %scan3A_0 = arith.constant 0 : i32
    %scan3A_1 = arith.constant 4 : i32
    %scan3A_2 = arith.addi %scan3A_0, %scan3A_1 : i32
    %scan3A_3 = arith.constant 1 : i32
    scf.for %scan3A_5 = %scan3A_0 to %scan3A_2 step %scan3A_3  : i32 {
      %mul3A = arith.constant 4 : i32
      %mul3A_6 = arith.muli %arg0, %mul3A : i32
      %add3A = arith.constant 8 : i32
      %add3A_7 = arith.addi %add3A, %mul3A_6 : i32
      %add3A_8 = arith.addi %add3A_7, %scan3A_5 : i32
      %mul3A_9 = arith.constant 4 : i32
      %mul3A_10 = arith.muli %arg0, %mul3A_9 : i32
      %add3A_11 = arith.addi %mul3A_10, %scan3A_5 : i32
      %mul3A_12 = arith.constant 16 : i32
      %mul3A_13 = arith.muli %add3A_11, %mul3A_12 : i32
      %add3A_14 = arith.addi %mul3A_13, %arg1 : i32
      %eq3A = arith.constant 0 : i32
      %eq3A_15 = arith.cmpi eq, %arg1, %eq3A : i32
      %convert_element_type3A = arith.extui %eq3A_15 : i1 to i32
      %cond3A = arith.constant 0 : i32
      %cond3A_16 = arith.cmpi ne, %convert_element_type3A, %cond3A : i32
      scf.if %cond3A_16 {
        %mul3A_23 = arith.constant 20 : i32
        %mul3A_24 = arith.muli %add3A_8, %mul3A_23 : i32
        %dma_start3A = arith.constant 0 : i32
        %dma_start3A_25 = arith.constant 0 : i32
        %dma_start3A_26 = arith.constant 0 : i32
        %dma_start3A_27 = tpu.memref_slice %arg8[%dma_start3A, %dma_start3A_25, %dma_start3A_26] : memref<2x20x1024xi32, #tpu.memory_space<vmem_shared>> -> memref<1x20x1024xi32, #tpu.memory_space<vmem_shared>>
        %dma_start3A_28 = tpu.memref_squeeze %dma_start3A_27 : memref<1x20x1024xi32, #tpu.memory_space<vmem_shared>> -> memref<20x1024xi32, #tpu.memory_space<vmem_shared>>
        %dma_start3A_29 = arith.constant 0 : i32
        %dma_start3A_30 = tpu.memref_slice %arg3[%mul3A_24, %dma_start3A_29] : memref<520x4096xi32, #tpu.memory_space<hbm>> -> memref<20x1024xi32, #tpu.memory_space<hbm>>
        tpu.enqueue_dma source(%dma_start3A_30 : memref<20x1024xi32, #tpu.memory_space<hbm>>) target(%dma_start3A_28 : memref<20x1024xi32, #tpu.memory_space<vmem_shared>>) target_semaphore(%arg9 : memref<!tpu.dma_semaphore, #tpu.memory_space<semaphore_mem>>)
        %mul3A_31 = arith.constant 20 : i32
        %mul3A_32 = arith.muli %add3A_8, %mul3A_31 : i32
        %dma_start3A_33 = arith.constant 1 : i32
        %dma_start3A_34 = arith.constant 0 : i32
        %dma_start3A_35 = arith.constant 0 : i32
        %dma_start3A_36 = tpu.memref_slice %arg8[%dma_start3A_33, %dma_start3A_34, %dma_start3A_35] : memref<2x20x1024xi32, #tpu.memory_space<vmem_shared>> -> memref<1x20x1024xi32, #tpu.memory_space<vmem_shared>>
        %dma_start3A_37 = tpu.memref_squeeze %dma_start3A_36 : memref<1x20x1024xi32, #tpu.memory_space<vmem_shared>> -> memref<20x1024xi32, #tpu.memory_space<vmem_shared>>
        %dma_start3A_38 = arith.constant 1024 : i32
        %dma_start3A_39 = tpu.memref_slice %arg3[%mul3A_32, %dma_start3A_38] : memref<520x4096xi32, #tpu.memory_space<hbm>> -> memref<20x1024xi32, #tpu.memory_space<hbm>>
        tpu.enqueue_dma source(%dma_start3A_39 : memref<20x1024xi32, #tpu.memory_space<hbm>>) target(%dma_start3A_37 : memref<20x1024xi32, #tpu.memory_space<vmem_shared>>) target_semaphore(%arg9 : memref<!tpu.dma_semaphore, #tpu.memory_space<semaphore_mem>>)
      } else {
      }
      "tpu.region"() ({
        %run_scoped3A = tpu.sem_alloc : memref<!tpu.dma_semaphore, #tpu.memory_space<semaphore_mem>>
        %dma_start3A = arith.constant 0 : i32
        %dma_start3A_23 = tpu.memref_slice %arg2[%add3A_14, %dma_start3A] : memref<128x100000xf32, #tpu.memory_space<hbm>> -> memref<1x100000xf32, #tpu.memory_space<hbm>>
        %dma_start3A_24 = tpu.memref_squeeze %dma_start3A_23 : memref<1x100000xf32, #tpu.memory_space<hbm>> -> memref<100000xf32, #tpu.memory_space<hbm>>
        %dma_start3A_25 = arith.constant 0 : i32
        %dma_start3A_26 = tpu.memref_slice %arg2[%add3A_14, %dma_start3A_25] : memref<128x100000xf32, #tpu.memory_space<hbm>> -> memref<1x100000xf32, #tpu.memory_space<hbm>>
        %dma_start3A_27 = tpu.memref_squeeze %dma_start3A_26 : memref<1x100000xf32, #tpu.memory_space<hbm>> -> memref<100000xf32, #tpu.memory_space<hbm>>
        tpu.enqueue_dma source(%dma_start3A_27 : memref<100000xf32, #tpu.memory_space<hbm>>) target(%arg5 : memref<100000xf32, #tpu.memory_space<vmem>>) target_semaphore(%run_scoped3A : memref<!tpu.dma_semaphore, #tpu.memory_space<semaphore_mem>>)
        %dma_wait3A = arith.constant 0 : i32
        %dma_wait3A_28 = tpu.memref_slice %arg2[%add3A_14, %dma_wait3A] : memref<128x100000xf32, #tpu.memory_space<hbm>> -> memref<1x100000xf32, #tpu.memory_space<hbm>>
        %dma_wait3A_29 = tpu.memref_squeeze %dma_wait3A_28 : memref<1x100000xf32, #tpu.memory_space<hbm>> -> memref<100000xf32, #tpu.memory_space<hbm>>
        %dma_wait3A_30 = arith.constant 0 : i32
        %dma_wait3A_31 = tpu.memref_slice %arg2[%add3A_14, %dma_wait3A_30] : memref<128x100000xf32, #tpu.memory_space<hbm>> -> memref<1x100000xf32, #tpu.memory_space<hbm>>
        %dma_wait3A_32 = tpu.memref_squeeze %dma_wait3A_31 : memref<1x100000xf32, #tpu.memory_space<hbm>> -> memref<100000xf32, #tpu.memory_space<hbm>>
        tpu.wait_dma2 semaphore(%run_scoped3A : memref<!tpu.dma_semaphore, #tpu.memory_space<semaphore_mem>>) src(%dma_wait3A_32 : memref<100000xf32, #tpu.memory_space<hbm>>) dst(%arg5 : memref<100000xf32, #tpu.memory_space<vmem>>)
        tpu.yield
      }) : () -> ()
      %scan3A_17 = arith.constant 0 : i32
      %scan3A_18 = arith.constant 0 : i32
      %scan3A_19 = arith.constant 4 : i32
      %scan3A_20 = arith.addi %scan3A_18, %scan3A_19 : i32
      %scan3A_21 = arith.constant 1 : i32
      scf.for %scan3A_23 = %scan3A_18 to %scan3A_20 step %scan3A_21  : i32 {
        %rem3A = arith.constant 2 : i32
        %rem3A_24 = arith.remsi %scan3A_23, %rem3A : i32
        %eq3A_25 = arith.constant 0 : i32
        %eq3A_26 = arith.cmpi eq, %arg1, %eq3A_25 : i32
        %convert_element_type3A_27 = arith.extui %eq3A_26 : i1 to i32
        %cond3A_28 = arith.constant 0 : i32
        %cond3A_29 = arith.cmpi ne, %convert_element_type3A_27, %cond3A_28 : i32
        scf.if %cond3A_29 {
          %mul3A_41 = arith.constant 20 : i32
          %mul3A_42 = arith.muli %add3A_8, %mul3A_41 : i32
          %mul3A_43 = arith.constant 1024 : i32
          %mul3A_44 = arith.muli %scan3A_23, %mul3A_43 : i32
          %dma_wait3A = arith.constant 0 : i32
          %dma_wait3A_45 = arith.constant 0 : i32
          %dma_wait3A_46 = tpu.memref_slice %arg8[%rem3A_24, %dma_wait3A, %dma_wait3A_45] : memref<2x20x1024xi32, #tpu.memory_space<vmem_shared>> -> memref<1x20x1024xi32, #tpu.memory_space<vmem_shared>>
          %dma_wait3A_47 = tpu.memref_squeeze %dma_wait3A_46 : memref<1x20x1024xi32, #tpu.memory_space<vmem_shared>> -> memref<20x1024xi32, #tpu.memory_space<vmem_shared>>
          %dma_wait3A_48 = tpu.memref_slice %arg3[%mul3A_42, %mul3A_44] : memref<520x4096xi32, #tpu.memory_space<hbm>> -> memref<20x1024xi32, #tpu.memory_space<hbm>>
          tpu.wait_dma2 semaphore(%arg9 : memref<!tpu.dma_semaphore, #tpu.memory_space<semaphore_mem>>) src(%dma_wait3A_48 : memref<20x1024xi32, #tpu.memory_space<hbm>>) dst(%dma_wait3A_47 : memref<20x1024xi32, #tpu.memory_space<vmem_shared>>)
        } else {
        }
        %barrier3A = arith.constant 0 : index
        tpu.barrier barrier_id(%barrier3A)
        "tpu.region"() ({
          %run_scoped3A = tpu.sem_alloc : memref<!tpu.dma_semaphore, #tpu.memory_space<semaphore_mem>>
          %dma_start3A = arith.constant 0 : i32
          %dma_start3A_41 = arith.constant 0 : i32
          %dma_start3A_42 = tpu.memref_slice %arg8[%rem3A_24, %dma_start3A, %dma_start3A_41] : memref<2x20x1024xi32, #tpu.memory_space<vmem_shared>> -> memref<1x20x1024xi32, #tpu.memory_space<vmem_shared>>
          %dma_start3A_43 = tpu.memref_squeeze %dma_start3A_42 : memref<1x20x1024xi32, #tpu.memory_space<vmem_shared>> -> memref<20x1024xi32, #tpu.memory_space<vmem_shared>>
          %dma_start3A_44 = arith.constant 0 : i32
          %dma_start3A_45 = arith.constant 0 : i32
          %dma_start3A_46 = tpu.memref_slice %arg8[%rem3A_24, %dma_start3A_44, %dma_start3A_45] : memref<2x20x1024xi32, #tpu.memory_space<vmem_shared>> -> memref<1x20x1024xi32, #tpu.memory_space<vmem_shared>>
          %dma_start3A_47 = tpu.memref_squeeze %dma_start3A_46 : memref<1x20x1024xi32, #tpu.memory_space<vmem_shared>> -> memref<20x1024xi32, #tpu.memory_space<vmem_shared>>
          tpu.enqueue_dma source(%dma_start3A_47 : memref<20x1024xi32, #tpu.memory_space<vmem_shared>>) target(%arg6 : memref<20x1024xi32, #tpu.memory_space<vmem>>) target_semaphore(%run_scoped3A : memref<!tpu.dma_semaphore, #tpu.memory_space<semaphore_mem>>)
          %dma_wait3A = arith.constant 0 : i32
          %dma_wait3A_48 = arith.constant 0 : i32
          %dma_wait3A_49 = tpu.memref_slice %arg8[%rem3A_24, %dma_wait3A, %dma_wait3A_48] : memref<2x20x1024xi32, #tpu.memory_space<vmem_shared>> -> memref<1x20x1024xi32, #tpu.memory_space<vmem_shared>>
          %dma_wait3A_50 = tpu.memref_squeeze %dma_wait3A_49 : memref<1x20x1024xi32, #tpu.memory_space<vmem_shared>> -> memref<20x1024xi32, #tpu.memory_space<vmem_shared>>
          %dma_wait3A_51 = arith.constant 0 : i32
          %dma_wait3A_52 = arith.constant 0 : i32
          %dma_wait3A_53 = tpu.memref_slice %arg8[%rem3A_24, %dma_wait3A_51, %dma_wait3A_52] : memref<2x20x1024xi32, #tpu.memory_space<vmem_shared>> -> memref<1x20x1024xi32, #tpu.memory_space<vmem_shared>>
          %dma_wait3A_54 = tpu.memref_squeeze %dma_wait3A_53 : memref<1x20x1024xi32, #tpu.memory_space<vmem_shared>> -> memref<20x1024xi32, #tpu.memory_space<vmem_shared>>
          tpu.wait_dma2 semaphore(%run_scoped3A : memref<!tpu.dma_semaphore, #tpu.memory_space<semaphore_mem>>) src(%dma_wait3A_54 : memref<20x1024xi32, #tpu.memory_space<vmem_shared>>) dst(%arg6 : memref<20x1024xi32, #tpu.memory_space<vmem>>)
          tpu.yield
        }) : () -> ()
        %barrier3A_30 = arith.constant 0 : index
        tpu.barrier barrier_id(%barrier3A_30)
        %eq3A_31 = arith.constant 0 : i32
        %eq3A_32 = arith.cmpi eq, %arg1, %eq3A_31 : i32
        %add3A_33 = arith.constant 2 : i32
        %add3A_34 = arith.addi %scan3A_23, %add3A_33 : i32
        %lt3A = arith.constant 4 : i32
        %lt3A_35 = arith.cmpi slt, %add3A_34, %lt3A : i32
        %and3A = arith.andi %eq3A_32, %lt3A_35 : i1
        %convert_element_type3A_36 = arith.extui %and3A : i1 to i32
        %cond3A_37 = arith.constant 0 : i32
        %cond3A_38 = arith.cmpi ne, %convert_element_type3A_36, %cond3A_37 : i32
        scf.if %cond3A_38 {
          %add3A_41 = arith.constant 2 : i32
          %add3A_42 = arith.addi %scan3A_23, %add3A_41 : i32
          %mul3A_43 = arith.constant 20 : i32
          %mul3A_44 = arith.muli %add3A_8, %mul3A_43 : i32
          %mul3A_45 = arith.constant 1024 : i32
          %mul3A_46 = arith.muli %add3A_42, %mul3A_45 : i32
          %dma_start3A = arith.constant 0 : i32
          %dma_start3A_47 = arith.constant 0 : i32
          %dma_start3A_48 = tpu.memref_slice %arg8[%rem3A_24, %dma_start3A, %dma_start3A_47] : memref<2x20x1024xi32, #tpu.memory_space<vmem_shared>> -> memref<1x20x1024xi32, #tpu.memory_space<vmem_shared>>
          %dma_start3A_49 = tpu.memref_squeeze %dma_start3A_48 : memref<1x20x1024xi32, #tpu.memory_space<vmem_shared>> -> memref<20x1024xi32, #tpu.memory_space<vmem_shared>>
          %dma_start3A_50 = tpu.memref_slice %arg3[%mul3A_44, %mul3A_46] : memref<520x4096xi32, #tpu.memory_space<hbm>> -> memref<20x1024xi32, #tpu.memory_space<hbm>>
          tpu.enqueue_dma source(%dma_start3A_50 : memref<20x1024xi32, #tpu.memory_space<hbm>>) target(%dma_start3A_49 : memref<20x1024xi32, #tpu.memory_space<vmem_shared>>) target_semaphore(%arg9 : memref<!tpu.dma_semaphore, #tpu.memory_space<semaphore_mem>>)
        } else {
        }
        %parallel_loop3A = arith.constant 0 : i32
        %parallel_loop3A_39 = arith.constant 64 : i32
        %parallel_loop3A_40 = arith.constant 1 : i32
        scf.for %parallel_loop3A_41 = %parallel_loop3A to %parallel_loop3A_39 step %parallel_loop3A_40  : i32 {
          %parallel_loop3A_42 = arith.constant 0.000000e+00 : f32
          %parallel_loop3A_43 = vector.broadcast %parallel_loop3A_42 : f32 to vector<16xf32>
          %parallel_loop3A_44 = arith.constant 0.000000e+00 : f32
          %parallel_loop3A_45 = vector.broadcast %parallel_loop3A_44 : f32 to vector<16xf32>
          %parallel_loop3A_46 = arith.constant 16 : i32
          %parallel_loop3A_47 = arith.muli %parallel_loop3A_41, %parallel_loop3A_46 : i32
          %parallel_loop3A_48 = arith.constant 0 : i32
          %parallel_loop3A_49 = arith.index_cast %parallel_loop3A_48 : i32 to index
          %parallel_loop3A_50 = arith.index_cast %parallel_loop3A_47 : i32 to index
          %parallel_loop3A_51 = tpu.vector_load %arg6[%parallel_loop3A_49, %parallel_loop3A_50] {strides = array<i32>} : memref<20x1024xi32, #tpu.memory_space<vmem>>, vector<16xi32>,
          %parallel_loop3A_52 = arith.constant 16 : i32
          %parallel_loop3A_53 = arith.muli %parallel_loop3A_41, %parallel_loop3A_52 : i32
          %parallel_loop3A_54 = arith.constant 1 : i32
          %parallel_loop3A_55 = arith.index_cast %parallel_loop3A_54 : i32 to index
          %parallel_loop3A_56 = arith.index_cast %parallel_loop3A_53 : i32 to index
          %parallel_loop3A_57 = tpu.vector_load %arg6[%parallel_loop3A_55, %parallel_loop3A_56] {strides = array<i32>} : memref<20x1024xi32, #tpu.memory_space<vmem>>, vector<16xi32>,
          %parallel_loop3A_58 = tpu.vector_load_idx %arg5[%parallel_loop3A_51] : memref<100000xf32, #tpu.memory_space<vmem>>[vector<16xi32>], vector<16xf32>,
          %parallel_loop3A_59 = arith.addf %parallel_loop3A_43, %parallel_loop3A_58 : vector<16xf32>
          %parallel_loop3A_60 = tpu.vector_load_idx %arg5[%parallel_loop3A_57] : memref<100000xf32, #tpu.memory_space<vmem>>[vector<16xi32>], vector<16xf32>,
          %parallel_loop3A_61 = arith.addf %parallel_loop3A_45, %parallel_loop3A_60 : vector<16xf32>
          %parallel_loop3A_62 = arith.constant 16 : i32
          %parallel_loop3A_63 = arith.muli %parallel_loop3A_41, %parallel_loop3A_62 : i32
          %parallel_loop3A_64 = arith.constant 2 : i32
          %parallel_loop3A_65 = arith.index_cast %parallel_loop3A_64 : i32 to index
          %parallel_loop3A_66 = arith.index_cast %parallel_loop3A_63 : i32 to index
          %parallel_loop3A_67 = tpu.vector_load %arg6[%parallel_loop3A_65, %parallel_loop3A_66] {strides = array<i32>} : memref<20x1024xi32, #tpu.memory_space<vmem>>, vector<16xi32>,
          %parallel_loop3A_68 = arith.constant 16 : i32
          %parallel_loop3A_69 = arith.muli %parallel_loop3A_41, %parallel_loop3A_68 : i32
          %parallel_loop3A_70 = arith.constant 3 : i32
          %parallel_loop3A_71 = arith.index_cast %parallel_loop3A_70 : i32 to index
          %parallel_loop3A_72 = arith.index_cast %parallel_loop3A_69 : i32 to index
          %parallel_loop3A_73 = tpu.vector_load %arg6[%parallel_loop3A_71, %parallel_loop3A_72] {strides = array<i32>} : memref<20x1024xi32, #tpu.memory_space<vmem>>, vector<16xi32>,
          %parallel_loop3A_74 = tpu.vector_load_idx %arg5[%parallel_loop3A_67] : memref<100000xf32, #tpu.memory_space<vmem>>[vector<16xi32>], vector<16xf32>,
          %parallel_loop3A_75 = arith.addf %parallel_loop3A_59, %parallel_loop3A_74 : vector<16xf32>
          %parallel_loop3A_76 = tpu.vector_load_idx %arg5[%parallel_loop3A_73] : memref<100000xf32, #tpu.memory_space<vmem>>[vector<16xi32>], vector<16xf32>,
          %parallel_loop3A_77 = arith.addf %parallel_loop3A_61, %parallel_loop3A_76 : vector<16xf32>
          %parallel_loop3A_78 = arith.constant 16 : i32
          %parallel_loop3A_79 = arith.muli %parallel_loop3A_41, %parallel_loop3A_78 : i32
          %parallel_loop3A_80 = arith.constant 4 : i32
          %parallel_loop3A_81 = arith.index_cast %parallel_loop3A_80 : i32 to index
          %parallel_loop3A_82 = arith.index_cast %parallel_loop3A_79 : i32 to index
          %parallel_loop3A_83 = tpu.vector_load %arg6[%parallel_loop3A_81, %parallel_loop3A_82] {strides = array<i32>} : memref<20x1024xi32, #tpu.memory_space<vmem>>, vector<16xi32>,
          %parallel_loop3A_84 = arith.constant 16 : i32
          %parallel_loop3A_85 = arith.muli %parallel_loop3A_41, %parallel_loop3A_84 : i32
          %parallel_loop3A_86 = arith.constant 5 : i32
          %parallel_loop3A_87 = arith.index_cast %parallel_loop3A_86 : i32 to index
          %parallel_loop3A_88 = arith.index_cast %parallel_loop3A_85 : i32 to index
          %parallel_loop3A_89 = tpu.vector_load %arg6[%parallel_loop3A_87, %parallel_loop3A_88] {strides = array<i32>} : memref<20x1024xi32, #tpu.memory_space<vmem>>, vector<16xi32>,
          %parallel_loop3A_90 = tpu.vector_load_idx %arg5[%parallel_loop3A_83] : memref<100000xf32, #tpu.memory_space<vmem>>[vector<16xi32>], vector<16xf32>,
          %parallel_loop3A_91 = arith.addf %parallel_loop3A_75, %parallel_loop3A_90 : vector<16xf32>
          %parallel_loop3A_92 = tpu.vector_load_idx %arg5[%parallel_loop3A_89] : memref<100000xf32, #tpu.memory_space<vmem>>[vector<16xi32>], vector<16xf32>,
          %parallel_loop3A_93 = arith.addf %parallel_loop3A_77, %parallel_loop3A_92 : vector<16xf32>
          %parallel_loop3A_94 = arith.constant 16 : i32
          %parallel_loop3A_95 = arith.muli %parallel_loop3A_41, %parallel_loop3A_94 : i32
          %parallel_loop3A_96 = arith.constant 6 : i32
          %parallel_loop3A_97 = arith.index_cast %parallel_loop3A_96 : i32 to index
          %parallel_loop3A_98 = arith.index_cast %parallel_loop3A_95 : i32 to index
          %parallel_loop3A_99 = tpu.vector_load %arg6[%parallel_loop3A_97, %parallel_loop3A_98] {strides = array<i32>} : memref<20x1024xi32, #tpu.memory_space<vmem>>, vector<16xi32>,
          %parallel_loop3A_100 = arith.constant 16 : i32
          %parallel_loop3A_101 = arith.muli %parallel_loop3A_41, %parallel_loop3A_100 : i32
          %parallel_loop3A_102 = arith.constant 7 : i32
          %parallel_loop3A_103 = arith.index_cast %parallel_loop3A_102 : i32 to index
          %parallel_loop3A_104 = arith.index_cast %parallel_loop3A_101 : i32 to index
          %parallel_loop3A_105 = tpu.vector_load %arg6[%parallel_loop3A_103, %parallel_loop3A_104] {strides = array<i32>} : memref<20x1024xi32, #tpu.memory_space<vmem>>, vector<16xi32>,
          %parallel_loop3A_106 = tpu.vector_load_idx %arg5[%parallel_loop3A_99] : memref<100000xf32, #tpu.memory_space<vmem>>[vector<16xi32>], vector<16xf32>,
          %parallel_loop3A_107 = arith.addf %parallel_loop3A_91, %parallel_loop3A_106 : vector<16xf32>
          %parallel_loop3A_108 = tpu.vector_load_idx %arg5[%parallel_loop3A_105] : memref<100000xf32, #tpu.memory_space<vmem>>[vector<16xi32>], vector<16xf32>,
          %parallel_loop3A_109 = arith.addf %parallel_loop3A_93, %parallel_loop3A_108 : vector<16xf32>
          %parallel_loop3A_110 = arith.constant 16 : i32
          %parallel_loop3A_111 = arith.muli %parallel_loop3A_41, %parallel_loop3A_110 : i32
          %parallel_loop3A_112 = arith.constant 8 : i32
          %parallel_loop3A_113 = arith.index_cast %parallel_loop3A_112 : i32 to index
          %parallel_loop3A_114 = arith.index_cast %parallel_loop3A_111 : i32 to index
          %parallel_loop3A_115 = tpu.vector_load %arg6[%parallel_loop3A_113, %parallel_loop3A_114] {strides = array<i32>} : memref<20x1024xi32, #tpu.memory_space<vmem>>, vector<16xi32>,
          %parallel_loop3A_116 = arith.constant 16 : i32
          %parallel_loop3A_117 = arith.muli %parallel_loop3A_41, %parallel_loop3A_116 : i32
          %parallel_loop3A_118 = arith.constant 9 : i32
          %parallel_loop3A_119 = arith.index_cast %parallel_loop3A_118 : i32 to index
          %parallel_loop3A_120 = arith.index_cast %parallel_loop3A_117 : i32 to index
          %parallel_loop3A_121 = tpu.vector_load %arg6[%parallel_loop3A_119, %parallel_loop3A_120] {strides = array<i32>} : memref<20x1024xi32, #tpu.memory_space<vmem>>, vector<16xi32>,
          %parallel_loop3A_122 = tpu.vector_load_idx %arg5[%parallel_loop3A_115] : memref<100000xf32, #tpu.memory_space<vmem>>[vector<16xi32>], vector<16xf32>,
          %parallel_loop3A_123 = arith.addf %parallel_loop3A_107, %parallel_loop3A_122 : vector<16xf32>
          %parallel_loop3A_124 = tpu.vector_load_idx %arg5[%parallel_loop3A_121] : memref<100000xf32, #tpu.memory_space<vmem>>[vector<16xi32>], vector<16xf32>,
          %parallel_loop3A_125 = arith.addf %parallel_loop3A_109, %parallel_loop3A_124 : vector<16xf32>
          %parallel_loop3A_126 = arith.constant 16 : i32
          %parallel_loop3A_127 = arith.muli %parallel_loop3A_41, %parallel_loop3A_126 : i32
          %parallel_loop3A_128 = arith.constant 10 : i32
          %parallel_loop3A_129 = arith.index_cast %parallel_loop3A_128 : i32 to index
          %parallel_loop3A_130 = arith.index_cast %parallel_loop3A_127 : i32 to index
          %parallel_loop3A_131 = tpu.vector_load %arg6[%parallel_loop3A_129, %parallel_loop3A_130] {strides = array<i32>} : memref<20x1024xi32, #tpu.memory_space<vmem>>, vector<16xi32>,
          %parallel_loop3A_132 = arith.constant 16 : i32
          %parallel_loop3A_133 = arith.muli %parallel_loop3A_41, %parallel_loop3A_132 : i32
          %parallel_loop3A_134 = arith.constant 11 : i32
          %parallel_loop3A_135 = arith.index_cast %parallel_loop3A_134 : i32 to index
          %parallel_loop3A_136 = arith.index_cast %parallel_loop3A_133 : i32 to index
          %parallel_loop3A_137 = tpu.vector_load %arg6[%parallel_loop3A_135, %parallel_loop3A_136] {strides = array<i32>} : memref<20x1024xi32, #tpu.memory_space<vmem>>, vector<16xi32>,
          %parallel_loop3A_138 = tpu.vector_load_idx %arg5[%parallel_loop3A_131] : memref<100000xf32, #tpu.memory_space<vmem>>[vector<16xi32>], vector<16xf32>,
          %parallel_loop3A_139 = arith.addf %parallel_loop3A_123, %parallel_loop3A_138 : vector<16xf32>
          %parallel_loop3A_140 = tpu.vector_load_idx %arg5[%parallel_loop3A_137] : memref<100000xf32, #tpu.memory_space<vmem>>[vector<16xi32>], vector<16xf32>,
          %parallel_loop3A_141 = arith.addf %parallel_loop3A_125, %parallel_loop3A_140 : vector<16xf32>
          %parallel_loop3A_142 = arith.constant 16 : i32
          %parallel_loop3A_143 = arith.muli %parallel_loop3A_41, %parallel_loop3A_142 : i32
          %parallel_loop3A_144 = arith.constant 12 : i32
          %parallel_loop3A_145 = arith.index_cast %parallel_loop3A_144 : i32 to index
          %parallel_loop3A_146 = arith.index_cast %parallel_loop3A_143 : i32 to index
          %parallel_loop3A_147 = tpu.vector_load %arg6[%parallel_loop3A_145, %parallel_loop3A_146] {strides = array<i32>} : memref<20x1024xi32, #tpu.memory_space<vmem>>, vector<16xi32>,
          %parallel_loop3A_148 = arith.constant 16 : i32
          %parallel_loop3A_149 = arith.muli %parallel_loop3A_41, %parallel_loop3A_148 : i32
          %parallel_loop3A_150 = arith.constant 13 : i32
          %parallel_loop3A_151 = arith.index_cast %parallel_loop3A_150 : i32 to index
          %parallel_loop3A_152 = arith.index_cast %parallel_loop3A_149 : i32 to index
          %parallel_loop3A_153 = tpu.vector_load %arg6[%parallel_loop3A_151, %parallel_loop3A_152] {strides = array<i32>} : memref<20x1024xi32, #tpu.memory_space<vmem>>, vector<16xi32>,
          %parallel_loop3A_154 = tpu.vector_load_idx %arg5[%parallel_loop3A_147] : memref<100000xf32, #tpu.memory_space<vmem>>[vector<16xi32>], vector<16xf32>,
          %parallel_loop3A_155 = arith.addf %parallel_loop3A_139, %parallel_loop3A_154 : vector<16xf32>
          %parallel_loop3A_156 = tpu.vector_load_idx %arg5[%parallel_loop3A_153] : memref<100000xf32, #tpu.memory_space<vmem>>[vector<16xi32>], vector<16xf32>,
          %parallel_loop3A_157 = arith.addf %parallel_loop3A_141, %parallel_loop3A_156 : vector<16xf32>
          %parallel_loop3A_158 = arith.constant 16 : i32
          %parallel_loop3A_159 = arith.muli %parallel_loop3A_41, %parallel_loop3A_158 : i32
          %parallel_loop3A_160 = arith.constant 14 : i32
          %parallel_loop3A_161 = arith.index_cast %parallel_loop3A_160 : i32 to index
          %parallel_loop3A_162 = arith.index_cast %parallel_loop3A_159 : i32 to index
          %parallel_loop3A_163 = tpu.vector_load %arg6[%parallel_loop3A_161, %parallel_loop3A_162] {strides = array<i32>} : memref<20x1024xi32, #tpu.memory_space<vmem>>, vector<16xi32>,
          %parallel_loop3A_164 = arith.constant 16 : i32
          %parallel_loop3A_165 = arith.muli %parallel_loop3A_41, %parallel_loop3A_164 : i32
          %parallel_loop3A_166 = arith.constant 15 : i32
          %parallel_loop3A_167 = arith.index_cast %parallel_loop3A_166 : i32 to index
          %parallel_loop3A_168 = arith.index_cast %parallel_loop3A_165 : i32 to index
          %parallel_loop3A_169 = tpu.vector_load %arg6[%parallel_loop3A_167, %parallel_loop3A_168] {strides = array<i32>} : memref<20x1024xi32, #tpu.memory_space<vmem>>, vector<16xi32>,
          %parallel_loop3A_170 = tpu.vector_load_idx %arg5[%parallel_loop3A_163] : memref<100000xf32, #tpu.memory_space<vmem>>[vector<16xi32>], vector<16xf32>,
          %parallel_loop3A_171 = arith.addf %parallel_loop3A_155, %parallel_loop3A_170 : vector<16xf32>
          %parallel_loop3A_172 = tpu.vector_load_idx %arg5[%parallel_loop3A_169] : memref<100000xf32, #tpu.memory_space<vmem>>[vector<16xi32>], vector<16xf32>,
          %parallel_loop3A_173 = arith.addf %parallel_loop3A_157, %parallel_loop3A_172 : vector<16xf32>
          %parallel_loop3A_174 = arith.constant 16 : i32
          %parallel_loop3A_175 = arith.muli %parallel_loop3A_41, %parallel_loop3A_174 : i32
          %parallel_loop3A_176 = arith.constant 16 : i32
          %parallel_loop3A_177 = arith.index_cast %parallel_loop3A_176 : i32 to index
          %parallel_loop3A_178 = arith.index_cast %parallel_loop3A_175 : i32 to index
          %parallel_loop3A_179 = tpu.vector_load %arg6[%parallel_loop3A_177, %parallel_loop3A_178] {strides = array<i32>} : memref<20x1024xi32, #tpu.memory_space<vmem>>, vector<16xi32>,
          %parallel_loop3A_180 = arith.constant 16 : i32
          %parallel_loop3A_181 = arith.muli %parallel_loop3A_41, %parallel_loop3A_180 : i32
          %parallel_loop3A_182 = arith.constant 17 : i32
          %parallel_loop3A_183 = arith.index_cast %parallel_loop3A_182 : i32 to index
          %parallel_loop3A_184 = arith.index_cast %parallel_loop3A_181 : i32 to index
          %parallel_loop3A_185 = tpu.vector_load %arg6[%parallel_loop3A_183, %parallel_loop3A_184] {strides = array<i32>} : memref<20x1024xi32, #tpu.memory_space<vmem>>, vector<16xi32>,
          %parallel_loop3A_186 = tpu.vector_load_idx %arg5[%parallel_loop3A_179] : memref<100000xf32, #tpu.memory_space<vmem>>[vector<16xi32>], vector<16xf32>,
          %parallel_loop3A_187 = arith.addf %parallel_loop3A_171, %parallel_loop3A_186 : vector<16xf32>
          %parallel_loop3A_188 = tpu.vector_load_idx %arg5[%parallel_loop3A_185] : memref<100000xf32, #tpu.memory_space<vmem>>[vector<16xi32>], vector<16xf32>,
          %parallel_loop3A_189 = arith.addf %parallel_loop3A_173, %parallel_loop3A_188 : vector<16xf32>
          %parallel_loop3A_190 = arith.constant 16 : i32
          %parallel_loop3A_191 = arith.muli %parallel_loop3A_41, %parallel_loop3A_190 : i32
          %parallel_loop3A_192 = arith.constant 18 : i32
          %parallel_loop3A_193 = arith.index_cast %parallel_loop3A_192 : i32 to index
          %parallel_loop3A_194 = arith.index_cast %parallel_loop3A_191 : i32 to index
          %parallel_loop3A_195 = tpu.vector_load %arg6[%parallel_loop3A_193, %parallel_loop3A_194] {strides = array<i32>} : memref<20x1024xi32, #tpu.memory_space<vmem>>, vector<16xi32>,
          %parallel_loop3A_196 = arith.constant 16 : i32
          %parallel_loop3A_197 = arith.muli %parallel_loop3A_41, %parallel_loop3A_196 : i32
          %parallel_loop3A_198 = arith.constant 19 : i32
          %parallel_loop3A_199 = arith.index_cast %parallel_loop3A_198 : i32 to index
          %parallel_loop3A_200 = arith.index_cast %parallel_loop3A_197 : i32 to index
          %parallel_loop3A_201 = tpu.vector_load %arg6[%parallel_loop3A_199, %parallel_loop3A_200] {strides = array<i32>} : memref<20x1024xi32, #tpu.memory_space<vmem>>, vector<16xi32>,
          %parallel_loop3A_202 = tpu.vector_load_idx %arg5[%parallel_loop3A_195] : memref<100000xf32, #tpu.memory_space<vmem>>[vector<16xi32>], vector<16xf32>,
          %parallel_loop3A_203 = arith.addf %parallel_loop3A_187, %parallel_loop3A_202 : vector<16xf32>
          %parallel_loop3A_204 = tpu.vector_load_idx %arg5[%parallel_loop3A_201] : memref<100000xf32, #tpu.memory_space<vmem>>[vector<16xi32>], vector<16xf32>,
          %parallel_loop3A_205 = arith.addf %parallel_loop3A_189, %parallel_loop3A_204 : vector<16xf32>
          %parallel_loop3A_206 = arith.addf %parallel_loop3A_203, %parallel_loop3A_205 : vector<16xf32>
          %parallel_loop3A_207 = arith.constant 1024 : i32
          %parallel_loop3A_208 = arith.muli %scan3A_23, %parallel_loop3A_207 : i32
          %parallel_loop3A_209 = arith.constant 16 : i32
          %parallel_loop3A_210 = arith.muli %parallel_loop3A_41, %parallel_loop3A_209 : i32
          %parallel_loop3A_211 = arith.addi %parallel_loop3A_208, %parallel_loop3A_210 : i32
          %parallel_loop3A_212 = arith.index_cast %parallel_loop3A_211 : i32 to index
          %parallel_loop3A_213 = tpu.vector_load %arg7[%parallel_loop3A_212] {strides = array<i32>} : memref<4096xf32, #tpu.memory_space<vmem>>, vector<16xf32>,
          tpu.vector_store %arg7[%parallel_loop3A_212], %parallel_loop3A_206 {strides = array<i32>} : memref<4096xf32, #tpu.memory_space<vmem>>, vector<16xf32>,
        } {sc.loop_unroll_factor = 2 : i64, sc.parallel_access}
      }
      %scan3A_22 = arith.constant 4 : i32
      "tpu.region"() ({
        %run_scoped3A = tpu.sem_alloc : memref<!tpu.dma_semaphore, #tpu.memory_space<semaphore_mem>>
        %dma_start3A = arith.constant 0 : i32
        %dma_start3A_23 = tpu.memref_slice %arg4[%add3A_14, %dma_start3A] : memref<128x4096xf32, #tpu.memory_space<hbm>> -> memref<1x4096xf32, #tpu.memory_space<hbm>>
        %dma_start3A_24 = tpu.memref_squeeze %dma_start3A_23 : memref<1x4096xf32, #tpu.memory_space<hbm>> -> memref<4096xf32, #tpu.memory_space<hbm>>
        %dma_start3A_25 = arith.constant 0 : i32
        %dma_start3A_26 = tpu.memref_slice %arg4[%add3A_14, %dma_start3A_25] : memref<128x4096xf32, #tpu.memory_space<hbm>> -> memref<1x4096xf32, #tpu.memory_space<hbm>>
        %dma_start3A_27 = tpu.memref_squeeze %dma_start3A_26 : memref<1x4096xf32, #tpu.memory_space<hbm>> -> memref<4096xf32, #tpu.memory_space<hbm>>
        tpu.enqueue_dma source(%arg7 : memref<4096xf32, #tpu.memory_space<vmem>>) target(%dma_start3A_27 : memref<4096xf32, #tpu.memory_space<hbm>>) target_semaphore(%run_scoped3A : memref<!tpu.dma_semaphore, #tpu.memory_space<semaphore_mem>>)
        %dma_wait3A = arith.constant 0 : i32
        %dma_wait3A_28 = tpu.memref_slice %arg4[%add3A_14, %dma_wait3A] : memref<128x4096xf32, #tpu.memory_space<hbm>> -> memref<1x4096xf32, #tpu.memory_space<hbm>>
        %dma_wait3A_29 = tpu.memref_squeeze %dma_wait3A_28 : memref<1x4096xf32, #tpu.memory_space<hbm>> -> memref<4096xf32, #tpu.memory_space<hbm>>
        %dma_wait3A_30 = arith.constant 0 : i32
        %dma_wait3A_31 = tpu.memref_slice %arg4[%add3A_14, %dma_wait3A_30] : memref<128x4096xf32, #tpu.memory_space<hbm>> -> memref<1x4096xf32, #tpu.memory_space<hbm>>
        %dma_wait3A_32 = tpu.memref_squeeze %dma_wait3A_31 : memref<1x4096xf32, #tpu.memory_space<hbm>> -> memref<4096xf32, #tpu.memory_space<hbm>>
        tpu.wait_dma2 semaphore(%run_scoped3A : memref<!tpu.dma_semaphore, #tpu.memory_space<semaphore_mem>>) src(%arg7 : memref<4096xf32, #tpu.memory_space<vmem>>) dst(%dma_wait3A_32 : memref<4096xf32, #tpu.memory_space<hbm>>)
        tpu.yield
      }) : () -> ()
    }
    %scan3A_4 = arith.constant 4 : i32
    return
  }
}

#map = affine_map<(d0, d1) -> (0, 0)>
module attributes {stable_mosaic.version = 14 : i64} {
  func.func @body(%arg0: i32, %arg1: i32, %arg2: memref<96x100000xf32, #tpu.memory_space<hbm>>, %arg3: memref<520x4096xi32, #tpu.memory_space<hbm>>, %arg4: memref<96x4096xf32, #tpu.memory_space<hbm>>, %arg5: memref<100000xf32, #tpu.memory_space<vmem>>, %arg6: memref<20x1024xi32, #tpu.memory_space<vmem>>, %arg7: memref<4096xf32, #tpu.memory_space<vmem>>, %arg8: memref<2x20x1024xi32, #tpu.memory_space<vmem_shared>>, %arg9: memref<!tpu.dma_semaphore, #tpu.memory_space<semaphore_mem>>) attributes {dimension_semantics = [#tpu.dimension_semantics<core_parallel>, #tpu.dimension_semantics<subcore_parallel>], iteration_bounds = array<i64: 2, 16>, scalar_prefetch = 0 : i64, scratch_operands = 5 : i64, tpu.core_type = #tpu.core_type<sc_vector_subcore>, window_params = [{transform_indices = #map}, {transform_indices = #map}, {transform_indices = #map}]} {
    %scan3A = arith.constant 0 : i32
    %scan3A_0 = arith.constant 0 : i32
    %scan3A_1 = arith.constant 3 : i32
    %scan3A_2 = arith.addi %scan3A_0, %scan3A_1 : i32
    %scan3A_3 = arith.constant 1 : i32
    scf.for %scan3A_5 = %scan3A_0 to %scan3A_2 step %scan3A_3  : i32 {
      %mul3A = arith.constant 3 : i32
      %mul3A_6 = arith.muli %arg0, %mul3A : i32
      %add3A = arith.constant 2 : i32
      %add3A_7 = arith.addi %add3A, %mul3A_6 : i32
      %add3A_8 = arith.addi %add3A_7, %scan3A_5 : i32
      %mul3A_9 = arith.constant 3 : i32
      %mul3A_10 = arith.muli %arg0, %mul3A_9 : i32
      %add3A_11 = arith.addi %mul3A_10, %scan3A_5 : i32
      %mul3A_12 = arith.constant 16 : i32
      %mul3A_13 = arith.muli %add3A_11, %mul3A_12 : i32
      %add3A_14 = arith.addi %mul3A_13, %arg1 : i32
      %eq3A = arith.constant 0 : i32
      %eq3A_15 = arith.cmpi eq, %arg1, %eq3A : i32
      %convert_element_type3A = arith.extui %eq3A_15 : i1 to i32
      %cond3A = arith.constant 0 : i32
      %cond3A_16 = arith.cmpi ne, %convert_element_type3A, %cond3A : i32
      scf.if %cond3A_16 {
        %mul3A_23 = arith.constant 20 : i32
        %mul3A_24 = arith.muli %add3A_8, %mul3A_23 : i32
        %dma_start3A = arith.constant 0 : i32
        %dma_start3A_25 = arith.constant 0 : i32
        %dma_start3A_26 = arith.constant 0 : i32
        %dma_start3A_27 = tpu.memref_slice %arg8[%dma_start3A, %dma_start3A_25, %dma_start3A_26] : memref<2x20x1024xi32, #tpu.memory_space<vmem_shared>> -> memref<1x20x1024xi32, #tpu.memory_space<vmem_shared>>
        %dma_start3A_28 = tpu.memref_squeeze %dma_start3A_27 : memref<1x20x1024xi32, #tpu.memory_space<vmem_shared>> -> memref<20x1024xi32, #tpu.memory_space<vmem_shared>>
        %dma_start3A_29 = arith.constant 0 : i32
        %dma_start3A_30 = tpu.memref_slice %arg3[%mul3A_24, %dma_start3A_29] : memref<520x4096xi32, #tpu.memory_space<hbm>> -> memref<20x1024xi32, #tpu.memory_space<hbm>>
        tpu.enqueue_dma source(%dma_start3A_30 : memref<20x1024xi32, #tpu.memory_space<hbm>>) target(%dma_start3A_28 : memref<20x1024xi32, #tpu.memory_space<vmem_shared>>) target_semaphore(%arg9 : memref<!tpu.dma_semaphore, #tpu.memory_space<semaphore_mem>>)
        %mul3A_31 = arith.constant 20 : i32
        %mul3A_32 = arith.muli %add3A_8, %mul3A_31 : i32
        %dma_start3A_33 = arith.constant 1 : i32
        %dma_start3A_34 = arith.constant 0 : i32
        %dma_start3A_35 = arith.constant 0 : i32
        %dma_start3A_36 = tpu.memref_slice %arg8[%dma_start3A_33, %dma_start3A_34, %dma_start3A_35] : memref<2x20x1024xi32, #tpu.memory_space<vmem_shared>> -> memref<1x20x1024xi32, #tpu.memory_space<vmem_shared>>
        %dma_start3A_37 = tpu.memref_squeeze %dma_start3A_36 : memref<1x20x1024xi32, #tpu.memory_space<vmem_shared>> -> memref<20x1024xi32, #tpu.memory_space<vmem_shared>>
        %dma_start3A_38 = arith.constant 1024 : i32
        %dma_start3A_39 = tpu.memref_slice %arg3[%mul3A_32, %dma_start3A_38] : memref<520x4096xi32, #tpu.memory_space<hbm>> -> memref<20x1024xi32, #tpu.memory_space<hbm>>
        tpu.enqueue_dma source(%dma_start3A_39 : memref<20x1024xi32, #tpu.memory_space<hbm>>) target(%dma_start3A_37 : memref<20x1024xi32, #tpu.memory_space<vmem_shared>>) target_semaphore(%arg9 : memref<!tpu.dma_semaphore, #tpu.memory_space<semaphore_mem>>)
      } else {
      }
      "tpu.region"() ({
        %run_scoped3A = tpu.sem_alloc : memref<!tpu.dma_semaphore, #tpu.memory_space<semaphore_mem>>
        %dma_start3A = arith.constant 0 : i32
        %dma_start3A_23 = tpu.memref_slice %arg2[%add3A_14, %dma_start3A] : memref<96x100000xf32, #tpu.memory_space<hbm>> -> memref<1x100000xf32, #tpu.memory_space<hbm>>
        %dma_start3A_24 = tpu.memref_squeeze %dma_start3A_23 : memref<1x100000xf32, #tpu.memory_space<hbm>> -> memref<100000xf32, #tpu.memory_space<hbm>>
        %dma_start3A_25 = arith.constant 0 : i32
        %dma_start3A_26 = tpu.memref_slice %arg2[%add3A_14, %dma_start3A_25] : memref<96x100000xf32, #tpu.memory_space<hbm>> -> memref<1x100000xf32, #tpu.memory_space<hbm>>
        %dma_start3A_27 = tpu.memref_squeeze %dma_start3A_26 : memref<1x100000xf32, #tpu.memory_space<hbm>> -> memref<100000xf32, #tpu.memory_space<hbm>>
        tpu.enqueue_dma source(%dma_start3A_27 : memref<100000xf32, #tpu.memory_space<hbm>>) target(%arg5 : memref<100000xf32, #tpu.memory_space<vmem>>) target_semaphore(%run_scoped3A : memref<!tpu.dma_semaphore, #tpu.memory_space<semaphore_mem>>)
        %dma_wait3A = arith.constant 0 : i32
        %dma_wait3A_28 = tpu.memref_slice %arg2[%add3A_14, %dma_wait3A] : memref<96x100000xf32, #tpu.memory_space<hbm>> -> memref<1x100000xf32, #tpu.memory_space<hbm>>
        %dma_wait3A_29 = tpu.memref_squeeze %dma_wait3A_28 : memref<1x100000xf32, #tpu.memory_space<hbm>> -> memref<100000xf32, #tpu.memory_space<hbm>>
        %dma_wait3A_30 = arith.constant 0 : i32
        %dma_wait3A_31 = tpu.memref_slice %arg2[%add3A_14, %dma_wait3A_30] : memref<96x100000xf32, #tpu.memory_space<hbm>> -> memref<1x100000xf32, #tpu.memory_space<hbm>>
        %dma_wait3A_32 = tpu.memref_squeeze %dma_wait3A_31 : memref<1x100000xf32, #tpu.memory_space<hbm>> -> memref<100000xf32, #tpu.memory_space<hbm>>
        tpu.wait_dma2 semaphore(%run_scoped3A : memref<!tpu.dma_semaphore, #tpu.memory_space<semaphore_mem>>) src(%dma_wait3A_32 : memref<100000xf32, #tpu.memory_space<hbm>>) dst(%arg5 : memref<100000xf32, #tpu.memory_space<vmem>>)
        tpu.yield
      }) : () -> ()
      %scan3A_17 = arith.constant 0 : i32
      %scan3A_18 = arith.constant 0 : i32
      %scan3A_19 = arith.constant 4 : i32
      %scan3A_20 = arith.addi %scan3A_18, %scan3A_19 : i32
      %scan3A_21 = arith.constant 1 : i32
      scf.for %scan3A_23 = %scan3A_18 to %scan3A_20 step %scan3A_21  : i32 {
        %rem3A = arith.constant 2 : i32
        %rem3A_24 = arith.remsi %scan3A_23, %rem3A : i32
        %eq3A_25 = arith.constant 0 : i32
        %eq3A_26 = arith.cmpi eq, %arg1, %eq3A_25 : i32
        %convert_element_type3A_27 = arith.extui %eq3A_26 : i1 to i32
        %cond3A_28 = arith.constant 0 : i32
        %cond3A_29 = arith.cmpi ne, %convert_element_type3A_27, %cond3A_28 : i32
        scf.if %cond3A_29 {
          %mul3A_41 = arith.constant 20 : i32
          %mul3A_42 = arith.muli %add3A_8, %mul3A_41 : i32
          %mul3A_43 = arith.constant 1024 : i32
          %mul3A_44 = arith.muli %scan3A_23, %mul3A_43 : i32
          %dma_wait3A = arith.constant 0 : i32
          %dma_wait3A_45 = arith.constant 0 : i32
          %dma_wait3A_46 = tpu.memref_slice %arg8[%rem3A_24, %dma_wait3A, %dma_wait3A_45] : memref<2x20x1024xi32, #tpu.memory_space<vmem_shared>> -> memref<1x20x1024xi32, #tpu.memory_space<vmem_shared>>
          %dma_wait3A_47 = tpu.memref_squeeze %dma_wait3A_46 : memref<1x20x1024xi32, #tpu.memory_space<vmem_shared>> -> memref<20x1024xi32, #tpu.memory_space<vmem_shared>>
          %dma_wait3A_48 = tpu.memref_slice %arg3[%mul3A_42, %mul3A_44] : memref<520x4096xi32, #tpu.memory_space<hbm>> -> memref<20x1024xi32, #tpu.memory_space<hbm>>
          tpu.wait_dma2 semaphore(%arg9 : memref<!tpu.dma_semaphore, #tpu.memory_space<semaphore_mem>>) src(%dma_wait3A_48 : memref<20x1024xi32, #tpu.memory_space<hbm>>) dst(%dma_wait3A_47 : memref<20x1024xi32, #tpu.memory_space<vmem_shared>>)
        } else {
        }
        %barrier3A = arith.constant 0 : index
        tpu.barrier barrier_id(%barrier3A)
        "tpu.region"() ({
          %run_scoped3A = tpu.sem_alloc : memref<!tpu.dma_semaphore, #tpu.memory_space<semaphore_mem>>
          %dma_start3A = arith.constant 0 : i32
          %dma_start3A_41 = arith.constant 0 : i32
          %dma_start3A_42 = tpu.memref_slice %arg8[%rem3A_24, %dma_start3A, %dma_start3A_41] : memref<2x20x1024xi32, #tpu.memory_space<vmem_shared>> -> memref<1x20x1024xi32, #tpu.memory_space<vmem_shared>>
          %dma_start3A_43 = tpu.memref_squeeze %dma_start3A_42 : memref<1x20x1024xi32, #tpu.memory_space<vmem_shared>> -> memref<20x1024xi32, #tpu.memory_space<vmem_shared>>
          %dma_start3A_44 = arith.constant 0 : i32
          %dma_start3A_45 = arith.constant 0 : i32
          %dma_start3A_46 = tpu.memref_slice %arg8[%rem3A_24, %dma_start3A_44, %dma_start3A_45] : memref<2x20x1024xi32, #tpu.memory_space<vmem_shared>> -> memref<1x20x1024xi32, #tpu.memory_space<vmem_shared>>
          %dma_start3A_47 = tpu.memref_squeeze %dma_start3A_46 : memref<1x20x1024xi32, #tpu.memory_space<vmem_shared>> -> memref<20x1024xi32, #tpu.memory_space<vmem_shared>>
          tpu.enqueue_dma source(%dma_start3A_47 : memref<20x1024xi32, #tpu.memory_space<vmem_shared>>) target(%arg6 : memref<20x1024xi32, #tpu.memory_space<vmem>>) target_semaphore(%run_scoped3A : memref<!tpu.dma_semaphore, #tpu.memory_space<semaphore_mem>>)
          %dma_wait3A = arith.constant 0 : i32
          %dma_wait3A_48 = arith.constant 0 : i32
          %dma_wait3A_49 = tpu.memref_slice %arg8[%rem3A_24, %dma_wait3A, %dma_wait3A_48] : memref<2x20x1024xi32, #tpu.memory_space<vmem_shared>> -> memref<1x20x1024xi32, #tpu.memory_space<vmem_shared>>
          %dma_wait3A_50 = tpu.memref_squeeze %dma_wait3A_49 : memref<1x20x1024xi32, #tpu.memory_space<vmem_shared>> -> memref<20x1024xi32, #tpu.memory_space<vmem_shared>>
          %dma_wait3A_51 = arith.constant 0 : i32
          %dma_wait3A_52 = arith.constant 0 : i32
          %dma_wait3A_53 = tpu.memref_slice %arg8[%rem3A_24, %dma_wait3A_51, %dma_wait3A_52] : memref<2x20x1024xi32, #tpu.memory_space<vmem_shared>> -> memref<1x20x1024xi32, #tpu.memory_space<vmem_shared>>
          %dma_wait3A_54 = tpu.memref_squeeze %dma_wait3A_53 : memref<1x20x1024xi32, #tpu.memory_space<vmem_shared>> -> memref<20x1024xi32, #tpu.memory_space<vmem_shared>>
          tpu.wait_dma2 semaphore(%run_scoped3A : memref<!tpu.dma_semaphore, #tpu.memory_space<semaphore_mem>>) src(%dma_wait3A_54 : memref<20x1024xi32, #tpu.memory_space<vmem_shared>>) dst(%arg6 : memref<20x1024xi32, #tpu.memory_space<vmem>>)
          tpu.yield
        }) : () -> ()
        %barrier3A_30 = arith.constant 0 : index
        tpu.barrier barrier_id(%barrier3A_30)
        %eq3A_31 = arith.constant 0 : i32
        %eq3A_32 = arith.cmpi eq, %arg1, %eq3A_31 : i32
        %add3A_33 = arith.constant 2 : i32
        %add3A_34 = arith.addi %scan3A_23, %add3A_33 : i32
        %lt3A = arith.constant 4 : i32
        %lt3A_35 = arith.cmpi slt, %add3A_34, %lt3A : i32
        %and3A = arith.andi %eq3A_32, %lt3A_35 : i1
        %convert_element_type3A_36 = arith.extui %and3A : i1 to i32
        %cond3A_37 = arith.constant 0 : i32
        %cond3A_38 = arith.cmpi ne, %convert_element_type3A_36, %cond3A_37 : i32
        scf.if %cond3A_38 {
          %add3A_41 = arith.constant 2 : i32
          %add3A_42 = arith.addi %scan3A_23, %add3A_41 : i32
          %mul3A_43 = arith.constant 20 : i32
          %mul3A_44 = arith.muli %add3A_8, %mul3A_43 : i32
          %mul3A_45 = arith.constant 1024 : i32
          %mul3A_46 = arith.muli %add3A_42, %mul3A_45 : i32
          %dma_start3A = arith.constant 0 : i32
          %dma_start3A_47 = arith.constant 0 : i32
          %dma_start3A_48 = tpu.memref_slice %arg8[%rem3A_24, %dma_start3A, %dma_start3A_47] : memref<2x20x1024xi32, #tpu.memory_space<vmem_shared>> -> memref<1x20x1024xi32, #tpu.memory_space<vmem_shared>>
          %dma_start3A_49 = tpu.memref_squeeze %dma_start3A_48 : memref<1x20x1024xi32, #tpu.memory_space<vmem_shared>> -> memref<20x1024xi32, #tpu.memory_space<vmem_shared>>
          %dma_start3A_50 = tpu.memref_slice %arg3[%mul3A_44, %mul3A_46] : memref<520x4096xi32, #tpu.memory_space<hbm>> -> memref<20x1024xi32, #tpu.memory_space<hbm>>
          tpu.enqueue_dma source(%dma_start3A_50 : memref<20x1024xi32, #tpu.memory_space<hbm>>) target(%dma_start3A_49 : memref<20x1024xi32, #tpu.memory_space<vmem_shared>>) target_semaphore(%arg9 : memref<!tpu.dma_semaphore, #tpu.memory_space<semaphore_mem>>)
        } else {
        }
        %parallel_loop3A = arith.constant 0 : i32
        %parallel_loop3A_39 = arith.constant 64 : i32
        %parallel_loop3A_40 = arith.constant 1 : i32
        scf.for %parallel_loop3A_41 = %parallel_loop3A to %parallel_loop3A_39 step %parallel_loop3A_40  : i32 {
          %parallel_loop3A_42 = arith.constant 0.000000e+00 : f32
          %parallel_loop3A_43 = vector.broadcast %parallel_loop3A_42 : f32 to vector<16xf32>
          %parallel_loop3A_44 = arith.constant 0.000000e+00 : f32
          %parallel_loop3A_45 = vector.broadcast %parallel_loop3A_44 : f32 to vector<16xf32>
          %parallel_loop3A_46 = arith.constant 16 : i32
          %parallel_loop3A_47 = arith.muli %parallel_loop3A_41, %parallel_loop3A_46 : i32
          %parallel_loop3A_48 = arith.constant 0 : i32
          %parallel_loop3A_49 = arith.index_cast %parallel_loop3A_48 : i32 to index
          %parallel_loop3A_50 = arith.index_cast %parallel_loop3A_47 : i32 to index
          %parallel_loop3A_51 = tpu.vector_load %arg6[%parallel_loop3A_49, %parallel_loop3A_50] {strides = array<i32>} : memref<20x1024xi32, #tpu.memory_space<vmem>>, vector<16xi32>,
          %parallel_loop3A_52 = arith.constant 16 : i32
          %parallel_loop3A_53 = arith.muli %parallel_loop3A_41, %parallel_loop3A_52 : i32
          %parallel_loop3A_54 = arith.constant 1 : i32
          %parallel_loop3A_55 = arith.index_cast %parallel_loop3A_54 : i32 to index
          %parallel_loop3A_56 = arith.index_cast %parallel_loop3A_53 : i32 to index
          %parallel_loop3A_57 = tpu.vector_load %arg6[%parallel_loop3A_55, %parallel_loop3A_56] {strides = array<i32>} : memref<20x1024xi32, #tpu.memory_space<vmem>>, vector<16xi32>,
          %parallel_loop3A_58 = tpu.vector_load_idx %arg5[%parallel_loop3A_51] : memref<100000xf32, #tpu.memory_space<vmem>>[vector<16xi32>], vector<16xf32>,
          %parallel_loop3A_59 = arith.addf %parallel_loop3A_43, %parallel_loop3A_58 : vector<16xf32>
          %parallel_loop3A_60 = tpu.vector_load_idx %arg5[%parallel_loop3A_57] : memref<100000xf32, #tpu.memory_space<vmem>>[vector<16xi32>], vector<16xf32>,
          %parallel_loop3A_61 = arith.addf %parallel_loop3A_45, %parallel_loop3A_60 : vector<16xf32>
          %parallel_loop3A_62 = arith.constant 16 : i32
          %parallel_loop3A_63 = arith.muli %parallel_loop3A_41, %parallel_loop3A_62 : i32
          %parallel_loop3A_64 = arith.constant 2 : i32
          %parallel_loop3A_65 = arith.index_cast %parallel_loop3A_64 : i32 to index
          %parallel_loop3A_66 = arith.index_cast %parallel_loop3A_63 : i32 to index
          %parallel_loop3A_67 = tpu.vector_load %arg6[%parallel_loop3A_65, %parallel_loop3A_66] {strides = array<i32>} : memref<20x1024xi32, #tpu.memory_space<vmem>>, vector<16xi32>,
          %parallel_loop3A_68 = arith.constant 16 : i32
          %parallel_loop3A_69 = arith.muli %parallel_loop3A_41, %parallel_loop3A_68 : i32
          %parallel_loop3A_70 = arith.constant 3 : i32
          %parallel_loop3A_71 = arith.index_cast %parallel_loop3A_70 : i32 to index
          %parallel_loop3A_72 = arith.index_cast %parallel_loop3A_69 : i32 to index
          %parallel_loop3A_73 = tpu.vector_load %arg6[%parallel_loop3A_71, %parallel_loop3A_72] {strides = array<i32>} : memref<20x1024xi32, #tpu.memory_space<vmem>>, vector<16xi32>,
          %parallel_loop3A_74 = tpu.vector_load_idx %arg5[%parallel_loop3A_67] : memref<100000xf32, #tpu.memory_space<vmem>>[vector<16xi32>], vector<16xf32>,
          %parallel_loop3A_75 = arith.addf %parallel_loop3A_59, %parallel_loop3A_74 : vector<16xf32>
          %parallel_loop3A_76 = tpu.vector_load_idx %arg5[%parallel_loop3A_73] : memref<100000xf32, #tpu.memory_space<vmem>>[vector<16xi32>], vector<16xf32>,
          %parallel_loop3A_77 = arith.addf %parallel_loop3A_61, %parallel_loop3A_76 : vector<16xf32>
          %parallel_loop3A_78 = arith.constant 16 : i32
          %parallel_loop3A_79 = arith.muli %parallel_loop3A_41, %parallel_loop3A_78 : i32
          %parallel_loop3A_80 = arith.constant 4 : i32
          %parallel_loop3A_81 = arith.index_cast %parallel_loop3A_80 : i32 to index
          %parallel_loop3A_82 = arith.index_cast %parallel_loop3A_79 : i32 to index
          %parallel_loop3A_83 = tpu.vector_load %arg6[%parallel_loop3A_81, %parallel_loop3A_82] {strides = array<i32>} : memref<20x1024xi32, #tpu.memory_space<vmem>>, vector<16xi32>,
          %parallel_loop3A_84 = arith.constant 16 : i32
          %parallel_loop3A_85 = arith.muli %parallel_loop3A_41, %parallel_loop3A_84 : i32
          %parallel_loop3A_86 = arith.constant 5 : i32
          %parallel_loop3A_87 = arith.index_cast %parallel_loop3A_86 : i32 to index
          %parallel_loop3A_88 = arith.index_cast %parallel_loop3A_85 : i32 to index
          %parallel_loop3A_89 = tpu.vector_load %arg6[%parallel_loop3A_87, %parallel_loop3A_88] {strides = array<i32>} : memref<20x1024xi32, #tpu.memory_space<vmem>>, vector<16xi32>,
          %parallel_loop3A_90 = tpu.vector_load_idx %arg5[%parallel_loop3A_83] : memref<100000xf32, #tpu.memory_space<vmem>>[vector<16xi32>], vector<16xf32>,
          %parallel_loop3A_91 = arith.addf %parallel_loop3A_75, %parallel_loop3A_90 : vector<16xf32>
          %parallel_loop3A_92 = tpu.vector_load_idx %arg5[%parallel_loop3A_89] : memref<100000xf32, #tpu.memory_space<vmem>>[vector<16xi32>], vector<16xf32>,
          %parallel_loop3A_93 = arith.addf %parallel_loop3A_77, %parallel_loop3A_92 : vector<16xf32>
          %parallel_loop3A_94 = arith.constant 16 : i32
          %parallel_loop3A_95 = arith.muli %parallel_loop3A_41, %parallel_loop3A_94 : i32
          %parallel_loop3A_96 = arith.constant 6 : i32
          %parallel_loop3A_97 = arith.index_cast %parallel_loop3A_96 : i32 to index
          %parallel_loop3A_98 = arith.index_cast %parallel_loop3A_95 : i32 to index
          %parallel_loop3A_99 = tpu.vector_load %arg6[%parallel_loop3A_97, %parallel_loop3A_98] {strides = array<i32>} : memref<20x1024xi32, #tpu.memory_space<vmem>>, vector<16xi32>,
          %parallel_loop3A_100 = arith.constant 16 : i32
          %parallel_loop3A_101 = arith.muli %parallel_loop3A_41, %parallel_loop3A_100 : i32
          %parallel_loop3A_102 = arith.constant 7 : i32
          %parallel_loop3A_103 = arith.index_cast %parallel_loop3A_102 : i32 to index
          %parallel_loop3A_104 = arith.index_cast %parallel_loop3A_101 : i32 to index
          %parallel_loop3A_105 = tpu.vector_load %arg6[%parallel_loop3A_103, %parallel_loop3A_104] {strides = array<i32>} : memref<20x1024xi32, #tpu.memory_space<vmem>>, vector<16xi32>,
          %parallel_loop3A_106 = tpu.vector_load_idx %arg5[%parallel_loop3A_99] : memref<100000xf32, #tpu.memory_space<vmem>>[vector<16xi32>], vector<16xf32>,
          %parallel_loop3A_107 = arith.addf %parallel_loop3A_91, %parallel_loop3A_106 : vector<16xf32>
          %parallel_loop3A_108 = tpu.vector_load_idx %arg5[%parallel_loop3A_105] : memref<100000xf32, #tpu.memory_space<vmem>>[vector<16xi32>], vector<16xf32>,
          %parallel_loop3A_109 = arith.addf %parallel_loop3A_93, %parallel_loop3A_108 : vector<16xf32>
          %parallel_loop3A_110 = arith.constant 16 : i32
          %parallel_loop3A_111 = arith.muli %parallel_loop3A_41, %parallel_loop3A_110 : i32
          %parallel_loop3A_112 = arith.constant 8 : i32
          %parallel_loop3A_113 = arith.index_cast %parallel_loop3A_112 : i32 to index
          %parallel_loop3A_114 = arith.index_cast %parallel_loop3A_111 : i32 to index
          %parallel_loop3A_115 = tpu.vector_load %arg6[%parallel_loop3A_113, %parallel_loop3A_114] {strides = array<i32>} : memref<20x1024xi32, #tpu.memory_space<vmem>>, vector<16xi32>,
          %parallel_loop3A_116 = arith.constant 16 : i32
          %parallel_loop3A_117 = arith.muli %parallel_loop3A_41, %parallel_loop3A_116 : i32
          %parallel_loop3A_118 = arith.constant 9 : i32
          %parallel_loop3A_119 = arith.index_cast %parallel_loop3A_118 : i32 to index
          %parallel_loop3A_120 = arith.index_cast %parallel_loop3A_117 : i32 to index
          %parallel_loop3A_121 = tpu.vector_load %arg6[%parallel_loop3A_119, %parallel_loop3A_120] {strides = array<i32>} : memref<20x1024xi32, #tpu.memory_space<vmem>>, vector<16xi32>,
          %parallel_loop3A_122 = tpu.vector_load_idx %arg5[%parallel_loop3A_115] : memref<100000xf32, #tpu.memory_space<vmem>>[vector<16xi32>], vector<16xf32>,
          %parallel_loop3A_123 = arith.addf %parallel_loop3A_107, %parallel_loop3A_122 : vector<16xf32>
          %parallel_loop3A_124 = tpu.vector_load_idx %arg5[%parallel_loop3A_121] : memref<100000xf32, #tpu.memory_space<vmem>>[vector<16xi32>], vector<16xf32>,
          %parallel_loop3A_125 = arith.addf %parallel_loop3A_109, %parallel_loop3A_124 : vector<16xf32>
          %parallel_loop3A_126 = arith.constant 16 : i32
          %parallel_loop3A_127 = arith.muli %parallel_loop3A_41, %parallel_loop3A_126 : i32
          %parallel_loop3A_128 = arith.constant 10 : i32
          %parallel_loop3A_129 = arith.index_cast %parallel_loop3A_128 : i32 to index
          %parallel_loop3A_130 = arith.index_cast %parallel_loop3A_127 : i32 to index
          %parallel_loop3A_131 = tpu.vector_load %arg6[%parallel_loop3A_129, %parallel_loop3A_130] {strides = array<i32>} : memref<20x1024xi32, #tpu.memory_space<vmem>>, vector<16xi32>,
          %parallel_loop3A_132 = arith.constant 16 : i32
          %parallel_loop3A_133 = arith.muli %parallel_loop3A_41, %parallel_loop3A_132 : i32
          %parallel_loop3A_134 = arith.constant 11 : i32
          %parallel_loop3A_135 = arith.index_cast %parallel_loop3A_134 : i32 to index
          %parallel_loop3A_136 = arith.index_cast %parallel_loop3A_133 : i32 to index
          %parallel_loop3A_137 = tpu.vector_load %arg6[%parallel_loop3A_135, %parallel_loop3A_136] {strides = array<i32>} : memref<20x1024xi32, #tpu.memory_space<vmem>>, vector<16xi32>,
          %parallel_loop3A_138 = tpu.vector_load_idx %arg5[%parallel_loop3A_131] : memref<100000xf32, #tpu.memory_space<vmem>>[vector<16xi32>], vector<16xf32>,
          %parallel_loop3A_139 = arith.addf %parallel_loop3A_123, %parallel_loop3A_138 : vector<16xf32>
          %parallel_loop3A_140 = tpu.vector_load_idx %arg5[%parallel_loop3A_137] : memref<100000xf32, #tpu.memory_space<vmem>>[vector<16xi32>], vector<16xf32>,
          %parallel_loop3A_141 = arith.addf %parallel_loop3A_125, %parallel_loop3A_140 : vector<16xf32>
          %parallel_loop3A_142 = arith.constant 16 : i32
          %parallel_loop3A_143 = arith.muli %parallel_loop3A_41, %parallel_loop3A_142 : i32
          %parallel_loop3A_144 = arith.constant 12 : i32
          %parallel_loop3A_145 = arith.index_cast %parallel_loop3A_144 : i32 to index
          %parallel_loop3A_146 = arith.index_cast %parallel_loop3A_143 : i32 to index
          %parallel_loop3A_147 = tpu.vector_load %arg6[%parallel_loop3A_145, %parallel_loop3A_146] {strides = array<i32>} : memref<20x1024xi32, #tpu.memory_space<vmem>>, vector<16xi32>,
          %parallel_loop3A_148 = arith.constant 16 : i32
          %parallel_loop3A_149 = arith.muli %parallel_loop3A_41, %parallel_loop3A_148 : i32
          %parallel_loop3A_150 = arith.constant 13 : i32
          %parallel_loop3A_151 = arith.index_cast %parallel_loop3A_150 : i32 to index
          %parallel_loop3A_152 = arith.index_cast %parallel_loop3A_149 : i32 to index
          %parallel_loop3A_153 = tpu.vector_load %arg6[%parallel_loop3A_151, %parallel_loop3A_152] {strides = array<i32>} : memref<20x1024xi32, #tpu.memory_space<vmem>>, vector<16xi32>,
          %parallel_loop3A_154 = tpu.vector_load_idx %arg5[%parallel_loop3A_147] : memref<100000xf32, #tpu.memory_space<vmem>>[vector<16xi32>], vector<16xf32>,
          %parallel_loop3A_155 = arith.addf %parallel_loop3A_139, %parallel_loop3A_154 : vector<16xf32>
          %parallel_loop3A_156 = tpu.vector_load_idx %arg5[%parallel_loop3A_153] : memref<100000xf32, #tpu.memory_space<vmem>>[vector<16xi32>], vector<16xf32>,
          %parallel_loop3A_157 = arith.addf %parallel_loop3A_141, %parallel_loop3A_156 : vector<16xf32>
          %parallel_loop3A_158 = arith.constant 16 : i32
          %parallel_loop3A_159 = arith.muli %parallel_loop3A_41, %parallel_loop3A_158 : i32
          %parallel_loop3A_160 = arith.constant 14 : i32
          %parallel_loop3A_161 = arith.index_cast %parallel_loop3A_160 : i32 to index
          %parallel_loop3A_162 = arith.index_cast %parallel_loop3A_159 : i32 to index
          %parallel_loop3A_163 = tpu.vector_load %arg6[%parallel_loop3A_161, %parallel_loop3A_162] {strides = array<i32>} : memref<20x1024xi32, #tpu.memory_space<vmem>>, vector<16xi32>,
          %parallel_loop3A_164 = arith.constant 16 : i32
          %parallel_loop3A_165 = arith.muli %parallel_loop3A_41, %parallel_loop3A_164 : i32
          %parallel_loop3A_166 = arith.constant 15 : i32
          %parallel_loop3A_167 = arith.index_cast %parallel_loop3A_166 : i32 to index
          %parallel_loop3A_168 = arith.index_cast %parallel_loop3A_165 : i32 to index
          %parallel_loop3A_169 = tpu.vector_load %arg6[%parallel_loop3A_167, %parallel_loop3A_168] {strides = array<i32>} : memref<20x1024xi32, #tpu.memory_space<vmem>>, vector<16xi32>,
          %parallel_loop3A_170 = tpu.vector_load_idx %arg5[%parallel_loop3A_163] : memref<100000xf32, #tpu.memory_space<vmem>>[vector<16xi32>], vector<16xf32>,
          %parallel_loop3A_171 = arith.addf %parallel_loop3A_155, %parallel_loop3A_170 : vector<16xf32>
          %parallel_loop3A_172 = tpu.vector_load_idx %arg5[%parallel_loop3A_169] : memref<100000xf32, #tpu.memory_space<vmem>>[vector<16xi32>], vector<16xf32>,
          %parallel_loop3A_173 = arith.addf %parallel_loop3A_157, %parallel_loop3A_172 : vector<16xf32>
          %parallel_loop3A_174 = arith.constant 16 : i32
          %parallel_loop3A_175 = arith.muli %parallel_loop3A_41, %parallel_loop3A_174 : i32
          %parallel_loop3A_176 = arith.constant 16 : i32
          %parallel_loop3A_177 = arith.index_cast %parallel_loop3A_176 : i32 to index
          %parallel_loop3A_178 = arith.index_cast %parallel_loop3A_175 : i32 to index
          %parallel_loop3A_179 = tpu.vector_load %arg6[%parallel_loop3A_177, %parallel_loop3A_178] {strides = array<i32>} : memref<20x1024xi32, #tpu.memory_space<vmem>>, vector<16xi32>,
          %parallel_loop3A_180 = arith.constant 16 : i32
          %parallel_loop3A_181 = arith.muli %parallel_loop3A_41, %parallel_loop3A_180 : i32
          %parallel_loop3A_182 = arith.constant 17 : i32
          %parallel_loop3A_183 = arith.index_cast %parallel_loop3A_182 : i32 to index
          %parallel_loop3A_184 = arith.index_cast %parallel_loop3A_181 : i32 to index
          %parallel_loop3A_185 = tpu.vector_load %arg6[%parallel_loop3A_183, %parallel_loop3A_184] {strides = array<i32>} : memref<20x1024xi32, #tpu.memory_space<vmem>>, vector<16xi32>,
          %parallel_loop3A_186 = tpu.vector_load_idx %arg5[%parallel_loop3A_179] : memref<100000xf32, #tpu.memory_space<vmem>>[vector<16xi32>], vector<16xf32>,
          %parallel_loop3A_187 = arith.addf %parallel_loop3A_171, %parallel_loop3A_186 : vector<16xf32>
          %parallel_loop3A_188 = tpu.vector_load_idx %arg5[%parallel_loop3A_185] : memref<100000xf32, #tpu.memory_space<vmem>>[vector<16xi32>], vector<16xf32>,
          %parallel_loop3A_189 = arith.addf %parallel_loop3A_173, %parallel_loop3A_188 : vector<16xf32>
          %parallel_loop3A_190 = arith.constant 16 : i32
          %parallel_loop3A_191 = arith.muli %parallel_loop3A_41, %parallel_loop3A_190 : i32
          %parallel_loop3A_192 = arith.constant 18 : i32
          %parallel_loop3A_193 = arith.index_cast %parallel_loop3A_192 : i32 to index
          %parallel_loop3A_194 = arith.index_cast %parallel_loop3A_191 : i32 to index
          %parallel_loop3A_195 = tpu.vector_load %arg6[%parallel_loop3A_193, %parallel_loop3A_194] {strides = array<i32>} : memref<20x1024xi32, #tpu.memory_space<vmem>>, vector<16xi32>,
          %parallel_loop3A_196 = arith.constant 16 : i32
          %parallel_loop3A_197 = arith.muli %parallel_loop3A_41, %parallel_loop3A_196 : i32
          %parallel_loop3A_198 = arith.constant 19 : i32
          %parallel_loop3A_199 = arith.index_cast %parallel_loop3A_198 : i32 to index
          %parallel_loop3A_200 = arith.index_cast %parallel_loop3A_197 : i32 to index
          %parallel_loop3A_201 = tpu.vector_load %arg6[%parallel_loop3A_199, %parallel_loop3A_200] {strides = array<i32>} : memref<20x1024xi32, #tpu.memory_space<vmem>>, vector<16xi32>,
          %parallel_loop3A_202 = tpu.vector_load_idx %arg5[%parallel_loop3A_195] : memref<100000xf32, #tpu.memory_space<vmem>>[vector<16xi32>], vector<16xf32>,
          %parallel_loop3A_203 = arith.addf %parallel_loop3A_187, %parallel_loop3A_202 : vector<16xf32>
          %parallel_loop3A_204 = tpu.vector_load_idx %arg5[%parallel_loop3A_201] : memref<100000xf32, #tpu.memory_space<vmem>>[vector<16xi32>], vector<16xf32>,
          %parallel_loop3A_205 = arith.addf %parallel_loop3A_189, %parallel_loop3A_204 : vector<16xf32>
          %parallel_loop3A_206 = arith.addf %parallel_loop3A_203, %parallel_loop3A_205 : vector<16xf32>
          %parallel_loop3A_207 = arith.constant 1024 : i32
          %parallel_loop3A_208 = arith.muli %scan3A_23, %parallel_loop3A_207 : i32
          %parallel_loop3A_209 = arith.constant 16 : i32
          %parallel_loop3A_210 = arith.muli %parallel_loop3A_41, %parallel_loop3A_209 : i32
          %parallel_loop3A_211 = arith.addi %parallel_loop3A_208, %parallel_loop3A_210 : i32
          %parallel_loop3A_212 = arith.index_cast %parallel_loop3A_211 : i32 to index
          %parallel_loop3A_213 = tpu.vector_load %arg7[%parallel_loop3A_212] {strides = array<i32>} : memref<4096xf32, #tpu.memory_space<vmem>>, vector<16xf32>,
          tpu.vector_store %arg7[%parallel_loop3A_212], %parallel_loop3A_206 {strides = array<i32>} : memref<4096xf32, #tpu.memory_space<vmem>>, vector<16xf32>,
        } {sc.loop_unroll_factor = 2 : i64, sc.parallel_access}
      }
      %scan3A_22 = arith.constant 4 : i32
      "tpu.region"() ({
        %run_scoped3A = tpu.sem_alloc : memref<!tpu.dma_semaphore, #tpu.memory_space<semaphore_mem>>
        %dma_start3A = arith.constant 0 : i32
        %dma_start3A_23 = tpu.memref_slice %arg4[%add3A_14, %dma_start3A] : memref<96x4096xf32, #tpu.memory_space<hbm>> -> memref<1x4096xf32, #tpu.memory_space<hbm>>
        %dma_start3A_24 = tpu.memref_squeeze %dma_start3A_23 : memref<1x4096xf32, #tpu.memory_space<hbm>> -> memref<4096xf32, #tpu.memory_space<hbm>>
        %dma_start3A_25 = arith.constant 0 : i32
        %dma_start3A_26 = tpu.memref_slice %arg4[%add3A_14, %dma_start3A_25] : memref<96x4096xf32, #tpu.memory_space<hbm>> -> memref<1x4096xf32, #tpu.memory_space<hbm>>
        %dma_start3A_27 = tpu.memref_squeeze %dma_start3A_26 : memref<1x4096xf32, #tpu.memory_space<hbm>> -> memref<4096xf32, #tpu.memory_space<hbm>>
        tpu.enqueue_dma source(%arg7 : memref<4096xf32, #tpu.memory_space<vmem>>) target(%dma_start3A_27 : memref<4096xf32, #tpu.memory_space<hbm>>) target_semaphore(%run_scoped3A : memref<!tpu.dma_semaphore, #tpu.memory_space<semaphore_mem>>)
        %dma_wait3A = arith.constant 0 : i32
        %dma_wait3A_28 = tpu.memref_slice %arg4[%add3A_14, %dma_wait3A] : memref<96x4096xf32, #tpu.memory_space<hbm>> -> memref<1x4096xf32, #tpu.memory_space<hbm>>
        %dma_wait3A_29 = tpu.memref_squeeze %dma_wait3A_28 : memref<1x4096xf32, #tpu.memory_space<hbm>> -> memref<4096xf32, #tpu.memory_space<hbm>>
        %dma_wait3A_30 = arith.constant 0 : i32
        %dma_wait3A_31 = tpu.memref_slice %arg4[%add3A_14, %dma_wait3A_30] : memref<96x4096xf32, #tpu.memory_space<hbm>> -> memref<1x4096xf32, #tpu.memory_space<hbm>>
        %dma_wait3A_32 = tpu.memref_squeeze %dma_wait3A_31 : memref<1x4096xf32, #tpu.memory_space<hbm>> -> memref<4096xf32, #tpu.memory_space<hbm>>
        tpu.wait_dma2 semaphore(%run_scoped3A : memref<!tpu.dma_semaphore, #tpu.memory_space<semaphore_mem>>) src(%arg7 : memref<4096xf32, #tpu.memory_space<vmem>>) dst(%dma_wait3A_32 : memref<4096xf32, #tpu.memory_space<hbm>>)
        tpu.yield
      }) : () -> ()
    }
    %scan3A_4 = arith.constant 3 : i32
    return
  }
}

#map = affine_map<(d0, d1) -> (0, 0)>
module attributes {stable_mosaic.version = 14 : i64} {
  func.func @body(%arg0: i32, %arg1: i32, %arg2: memref<128x100000xf32, #tpu.memory_space<hbm>>, %arg3: memref<520x4096xi32, #tpu.memory_space<hbm>>, %arg4: memref<128x4096xf32, #tpu.memory_space<hbm>>, %arg5: memref<100000xf32, #tpu.memory_space<vmem>>, %arg6: memref<20x1024xi32, #tpu.memory_space<vmem>>, %arg7: memref<4096xf32, #tpu.memory_space<vmem>>, %arg8: memref<2x20x1024xi32, #tpu.memory_space<vmem_shared>>, %arg9: memref<!tpu.dma_semaphore, #tpu.memory_space<semaphore_mem>>) attributes {dimension_semantics = [#tpu.dimension_semantics<core_parallel>, #tpu.dimension_semantics<subcore_parallel>], iteration_bounds = array<i64: 2, 16>, scalar_prefetch = 0 : i64, scratch_operands = 5 : i64, tpu.core_type = #tpu.core_type<sc_vector_subcore>, window_params = [{transform_indices = #map}, {transform_indices = #map}, {transform_indices = #map}]} {
    %scan3A = arith.constant 0 : i32
    %scan3A_0 = arith.constant 0 : i32
    %scan3A_1 = arith.constant 4 : i32
    %scan3A_2 = arith.addi %scan3A_0, %scan3A_1 : i32
    %scan3A_3 = arith.constant 1 : i32
    scf.for %scan3A_5 = %scan3A_0 to %scan3A_2 step %scan3A_3  : i32 {
      %mul3A = arith.constant 4 : i32
      %mul3A_6 = arith.muli %arg0, %mul3A : i32
      %add3A = arith.constant 16 : i32
      %add3A_7 = arith.addi %add3A, %mul3A_6 : i32
      %add3A_8 = arith.addi %add3A_7, %scan3A_5 : i32
      %mul3A_9 = arith.constant 4 : i32
      %mul3A_10 = arith.muli %arg0, %mul3A_9 : i32
      %add3A_11 = arith.addi %mul3A_10, %scan3A_5 : i32
      %mul3A_12 = arith.constant 16 : i32
      %mul3A_13 = arith.muli %add3A_11, %mul3A_12 : i32
      %add3A_14 = arith.addi %mul3A_13, %arg1 : i32
      %eq3A = arith.constant 0 : i32
      %eq3A_15 = arith.cmpi eq, %arg1, %eq3A : i32
      %convert_element_type3A = arith.extui %eq3A_15 : i1 to i32
      %cond3A = arith.constant 0 : i32
      %cond3A_16 = arith.cmpi ne, %convert_element_type3A, %cond3A : i32
      scf.if %cond3A_16 {
        %mul3A_23 = arith.constant 20 : i32
        %mul3A_24 = arith.muli %add3A_8, %mul3A_23 : i32
        %dma_start3A = arith.constant 0 : i32
        %dma_start3A_25 = arith.constant 0 : i32
        %dma_start3A_26 = arith.constant 0 : i32
        %dma_start3A_27 = tpu.memref_slice %arg8[%dma_start3A, %dma_start3A_25, %dma_start3A_26] : memref<2x20x1024xi32, #tpu.memory_space<vmem_shared>> -> memref<1x20x1024xi32, #tpu.memory_space<vmem_shared>>
        %dma_start3A_28 = tpu.memref_squeeze %dma_start3A_27 : memref<1x20x1024xi32, #tpu.memory_space<vmem_shared>> -> memref<20x1024xi32, #tpu.memory_space<vmem_shared>>
        %dma_start3A_29 = arith.constant 0 : i32
        %dma_start3A_30 = tpu.memref_slice %arg3[%mul3A_24, %dma_start3A_29] : memref<520x4096xi32, #tpu.memory_space<hbm>> -> memref<20x1024xi32, #tpu.memory_space<hbm>>
        tpu.enqueue_dma source(%dma_start3A_30 : memref<20x1024xi32, #tpu.memory_space<hbm>>) target(%dma_start3A_28 : memref<20x1024xi32, #tpu.memory_space<vmem_shared>>) target_semaphore(%arg9 : memref<!tpu.dma_semaphore, #tpu.memory_space<semaphore_mem>>)
        %mul3A_31 = arith.constant 20 : i32
        %mul3A_32 = arith.muli %add3A_8, %mul3A_31 : i32
        %dma_start3A_33 = arith.constant 1 : i32
        %dma_start3A_34 = arith.constant 0 : i32
        %dma_start3A_35 = arith.constant 0 : i32
        %dma_start3A_36 = tpu.memref_slice %arg8[%dma_start3A_33, %dma_start3A_34, %dma_start3A_35] : memref<2x20x1024xi32, #tpu.memory_space<vmem_shared>> -> memref<1x20x1024xi32, #tpu.memory_space<vmem_shared>>
        %dma_start3A_37 = tpu.memref_squeeze %dma_start3A_36 : memref<1x20x1024xi32, #tpu.memory_space<vmem_shared>> -> memref<20x1024xi32, #tpu.memory_space<vmem_shared>>
        %dma_start3A_38 = arith.constant 1024 : i32
        %dma_start3A_39 = tpu.memref_slice %arg3[%mul3A_32, %dma_start3A_38] : memref<520x4096xi32, #tpu.memory_space<hbm>> -> memref<20x1024xi32, #tpu.memory_space<hbm>>
        tpu.enqueue_dma source(%dma_start3A_39 : memref<20x1024xi32, #tpu.memory_space<hbm>>) target(%dma_start3A_37 : memref<20x1024xi32, #tpu.memory_space<vmem_shared>>) target_semaphore(%arg9 : memref<!tpu.dma_semaphore, #tpu.memory_space<semaphore_mem>>)
      } else {
      }
      "tpu.region"() ({
        %run_scoped3A = tpu.sem_alloc : memref<!tpu.dma_semaphore, #tpu.memory_space<semaphore_mem>>
        %dma_start3A = arith.constant 0 : i32
        %dma_start3A_23 = tpu.memref_slice %arg2[%add3A_14, %dma_start3A] : memref<128x100000xf32, #tpu.memory_space<hbm>> -> memref<1x100000xf32, #tpu.memory_space<hbm>>
        %dma_start3A_24 = tpu.memref_squeeze %dma_start3A_23 : memref<1x100000xf32, #tpu.memory_space<hbm>> -> memref<100000xf32, #tpu.memory_space<hbm>>
        %dma_start3A_25 = arith.constant 0 : i32
        %dma_start3A_26 = tpu.memref_slice %arg2[%add3A_14, %dma_start3A_25] : memref<128x100000xf32, #tpu.memory_space<hbm>> -> memref<1x100000xf32, #tpu.memory_space<hbm>>
        %dma_start3A_27 = tpu.memref_squeeze %dma_start3A_26 : memref<1x100000xf32, #tpu.memory_space<hbm>> -> memref<100000xf32, #tpu.memory_space<hbm>>
        tpu.enqueue_dma source(%dma_start3A_27 : memref<100000xf32, #tpu.memory_space<hbm>>) target(%arg5 : memref<100000xf32, #tpu.memory_space<vmem>>) target_semaphore(%run_scoped3A : memref<!tpu.dma_semaphore, #tpu.memory_space<semaphore_mem>>)
        %dma_wait3A = arith.constant 0 : i32
        %dma_wait3A_28 = tpu.memref_slice %arg2[%add3A_14, %dma_wait3A] : memref<128x100000xf32, #tpu.memory_space<hbm>> -> memref<1x100000xf32, #tpu.memory_space<hbm>>
        %dma_wait3A_29 = tpu.memref_squeeze %dma_wait3A_28 : memref<1x100000xf32, #tpu.memory_space<hbm>> -> memref<100000xf32, #tpu.memory_space<hbm>>
        %dma_wait3A_30 = arith.constant 0 : i32
        %dma_wait3A_31 = tpu.memref_slice %arg2[%add3A_14, %dma_wait3A_30] : memref<128x100000xf32, #tpu.memory_space<hbm>> -> memref<1x100000xf32, #tpu.memory_space<hbm>>
        %dma_wait3A_32 = tpu.memref_squeeze %dma_wait3A_31 : memref<1x100000xf32, #tpu.memory_space<hbm>> -> memref<100000xf32, #tpu.memory_space<hbm>>
        tpu.wait_dma2 semaphore(%run_scoped3A : memref<!tpu.dma_semaphore, #tpu.memory_space<semaphore_mem>>) src(%dma_wait3A_32 : memref<100000xf32, #tpu.memory_space<hbm>>) dst(%arg5 : memref<100000xf32, #tpu.memory_space<vmem>>)
        tpu.yield
      }) : () -> ()
      %scan3A_17 = arith.constant 0 : i32
      %scan3A_18 = arith.constant 0 : i32
      %scan3A_19 = arith.constant 4 : i32
      %scan3A_20 = arith.addi %scan3A_18, %scan3A_19 : i32
      %scan3A_21 = arith.constant 1 : i32
      scf.for %scan3A_23 = %scan3A_18 to %scan3A_20 step %scan3A_21  : i32 {
        %rem3A = arith.constant 2 : i32
        %rem3A_24 = arith.remsi %scan3A_23, %rem3A : i32
        %eq3A_25 = arith.constant 0 : i32
        %eq3A_26 = arith.cmpi eq, %arg1, %eq3A_25 : i32
        %convert_element_type3A_27 = arith.extui %eq3A_26 : i1 to i32
        %cond3A_28 = arith.constant 0 : i32
        %cond3A_29 = arith.cmpi ne, %convert_element_type3A_27, %cond3A_28 : i32
        scf.if %cond3A_29 {
          %mul3A_41 = arith.constant 20 : i32
          %mul3A_42 = arith.muli %add3A_8, %mul3A_41 : i32
          %mul3A_43 = arith.constant 1024 : i32
          %mul3A_44 = arith.muli %scan3A_23, %mul3A_43 : i32
          %dma_wait3A = arith.constant 0 : i32
          %dma_wait3A_45 = arith.constant 0 : i32
          %dma_wait3A_46 = tpu.memref_slice %arg8[%rem3A_24, %dma_wait3A, %dma_wait3A_45] : memref<2x20x1024xi32, #tpu.memory_space<vmem_shared>> -> memref<1x20x1024xi32, #tpu.memory_space<vmem_shared>>
          %dma_wait3A_47 = tpu.memref_squeeze %dma_wait3A_46 : memref<1x20x1024xi32, #tpu.memory_space<vmem_shared>> -> memref<20x1024xi32, #tpu.memory_space<vmem_shared>>
          %dma_wait3A_48 = tpu.memref_slice %arg3[%mul3A_42, %mul3A_44] : memref<520x4096xi32, #tpu.memory_space<hbm>> -> memref<20x1024xi32, #tpu.memory_space<hbm>>
          tpu.wait_dma2 semaphore(%arg9 : memref<!tpu.dma_semaphore, #tpu.memory_space<semaphore_mem>>) src(%dma_wait3A_48 : memref<20x1024xi32, #tpu.memory_space<hbm>>) dst(%dma_wait3A_47 : memref<20x1024xi32, #tpu.memory_space<vmem_shared>>)
        } else {
        }
        %barrier3A = arith.constant 0 : index
        tpu.barrier barrier_id(%barrier3A)
        "tpu.region"() ({
          %run_scoped3A = tpu.sem_alloc : memref<!tpu.dma_semaphore, #tpu.memory_space<semaphore_mem>>
          %dma_start3A = arith.constant 0 : i32
          %dma_start3A_41 = arith.constant 0 : i32
          %dma_start3A_42 = tpu.memref_slice %arg8[%rem3A_24, %dma_start3A, %dma_start3A_41] : memref<2x20x1024xi32, #tpu.memory_space<vmem_shared>> -> memref<1x20x1024xi32, #tpu.memory_space<vmem_shared>>
          %dma_start3A_43 = tpu.memref_squeeze %dma_start3A_42 : memref<1x20x1024xi32, #tpu.memory_space<vmem_shared>> -> memref<20x1024xi32, #tpu.memory_space<vmem_shared>>
          %dma_start3A_44 = arith.constant 0 : i32
          %dma_start3A_45 = arith.constant 0 : i32
          %dma_start3A_46 = tpu.memref_slice %arg8[%rem3A_24, %dma_start3A_44, %dma_start3A_45] : memref<2x20x1024xi32, #tpu.memory_space<vmem_shared>> -> memref<1x20x1024xi32, #tpu.memory_space<vmem_shared>>
          %dma_start3A_47 = tpu.memref_squeeze %dma_start3A_46 : memref<1x20x1024xi32, #tpu.memory_space<vmem_shared>> -> memref<20x1024xi32, #tpu.memory_space<vmem_shared>>
          tpu.enqueue_dma source(%dma_start3A_47 : memref<20x1024xi32, #tpu.memory_space<vmem_shared>>) target(%arg6 : memref<20x1024xi32, #tpu.memory_space<vmem>>) target_semaphore(%run_scoped3A : memref<!tpu.dma_semaphore, #tpu.memory_space<semaphore_mem>>)
          %dma_wait3A = arith.constant 0 : i32
          %dma_wait3A_48 = arith.constant 0 : i32
          %dma_wait3A_49 = tpu.memref_slice %arg8[%rem3A_24, %dma_wait3A, %dma_wait3A_48] : memref<2x20x1024xi32, #tpu.memory_space<vmem_shared>> -> memref<1x20x1024xi32, #tpu.memory_space<vmem_shared>>
          %dma_wait3A_50 = tpu.memref_squeeze %dma_wait3A_49 : memref<1x20x1024xi32, #tpu.memory_space<vmem_shared>> -> memref<20x1024xi32, #tpu.memory_space<vmem_shared>>
          %dma_wait3A_51 = arith.constant 0 : i32
          %dma_wait3A_52 = arith.constant 0 : i32
          %dma_wait3A_53 = tpu.memref_slice %arg8[%rem3A_24, %dma_wait3A_51, %dma_wait3A_52] : memref<2x20x1024xi32, #tpu.memory_space<vmem_shared>> -> memref<1x20x1024xi32, #tpu.memory_space<vmem_shared>>
          %dma_wait3A_54 = tpu.memref_squeeze %dma_wait3A_53 : memref<1x20x1024xi32, #tpu.memory_space<vmem_shared>> -> memref<20x1024xi32, #tpu.memory_space<vmem_shared>>
          tpu.wait_dma2 semaphore(%run_scoped3A : memref<!tpu.dma_semaphore, #tpu.memory_space<semaphore_mem>>) src(%dma_wait3A_54 : memref<20x1024xi32, #tpu.memory_space<vmem_shared>>) dst(%arg6 : memref<20x1024xi32, #tpu.memory_space<vmem>>)
          tpu.yield
        }) : () -> ()
        %barrier3A_30 = arith.constant 0 : index
        tpu.barrier barrier_id(%barrier3A_30)
        %eq3A_31 = arith.constant 0 : i32
        %eq3A_32 = arith.cmpi eq, %arg1, %eq3A_31 : i32
        %add3A_33 = arith.constant 2 : i32
        %add3A_34 = arith.addi %scan3A_23, %add3A_33 : i32
        %lt3A = arith.constant 4 : i32
        %lt3A_35 = arith.cmpi slt, %add3A_34, %lt3A : i32
        %and3A = arith.andi %eq3A_32, %lt3A_35 : i1
        %convert_element_type3A_36 = arith.extui %and3A : i1 to i32
        %cond3A_37 = arith.constant 0 : i32
        %cond3A_38 = arith.cmpi ne, %convert_element_type3A_36, %cond3A_37 : i32
        scf.if %cond3A_38 {
          %add3A_41 = arith.constant 2 : i32
          %add3A_42 = arith.addi %scan3A_23, %add3A_41 : i32
          %mul3A_43 = arith.constant 20 : i32
          %mul3A_44 = arith.muli %add3A_8, %mul3A_43 : i32
          %mul3A_45 = arith.constant 1024 : i32
          %mul3A_46 = arith.muli %add3A_42, %mul3A_45 : i32
          %dma_start3A = arith.constant 0 : i32
          %dma_start3A_47 = arith.constant 0 : i32
          %dma_start3A_48 = tpu.memref_slice %arg8[%rem3A_24, %dma_start3A, %dma_start3A_47] : memref<2x20x1024xi32, #tpu.memory_space<vmem_shared>> -> memref<1x20x1024xi32, #tpu.memory_space<vmem_shared>>
          %dma_start3A_49 = tpu.memref_squeeze %dma_start3A_48 : memref<1x20x1024xi32, #tpu.memory_space<vmem_shared>> -> memref<20x1024xi32, #tpu.memory_space<vmem_shared>>
          %dma_start3A_50 = tpu.memref_slice %arg3[%mul3A_44, %mul3A_46] : memref<520x4096xi32, #tpu.memory_space<hbm>> -> memref<20x1024xi32, #tpu.memory_space<hbm>>
          tpu.enqueue_dma source(%dma_start3A_50 : memref<20x1024xi32, #tpu.memory_space<hbm>>) target(%dma_start3A_49 : memref<20x1024xi32, #tpu.memory_space<vmem_shared>>) target_semaphore(%arg9 : memref<!tpu.dma_semaphore, #tpu.memory_space<semaphore_mem>>)
        } else {
        }
        %parallel_loop3A = arith.constant 0 : i32
        %parallel_loop3A_39 = arith.constant 64 : i32
        %parallel_loop3A_40 = arith.constant 1 : i32
        scf.for %parallel_loop3A_41 = %parallel_loop3A to %parallel_loop3A_39 step %parallel_loop3A_40  : i32 {
          %parallel_loop3A_42 = arith.constant 0.000000e+00 : f32
          %parallel_loop3A_43 = vector.broadcast %parallel_loop3A_42 : f32 to vector<16xf32>
          %parallel_loop3A_44 = arith.constant 0.000000e+00 : f32
          %parallel_loop3A_45 = vector.broadcast %parallel_loop3A_44 : f32 to vector<16xf32>
          %parallel_loop3A_46 = arith.constant 16 : i32
          %parallel_loop3A_47 = arith.muli %parallel_loop3A_41, %parallel_loop3A_46 : i32
          %parallel_loop3A_48 = arith.constant 0 : i32
          %parallel_loop3A_49 = arith.index_cast %parallel_loop3A_48 : i32 to index
          %parallel_loop3A_50 = arith.index_cast %parallel_loop3A_47 : i32 to index
          %parallel_loop3A_51 = tpu.vector_load %arg6[%parallel_loop3A_49, %parallel_loop3A_50] {strides = array<i32>} : memref<20x1024xi32, #tpu.memory_space<vmem>>, vector<16xi32>,
          %parallel_loop3A_52 = arith.constant 16 : i32
          %parallel_loop3A_53 = arith.muli %parallel_loop3A_41, %parallel_loop3A_52 : i32
          %parallel_loop3A_54 = arith.constant 1 : i32
          %parallel_loop3A_55 = arith.index_cast %parallel_loop3A_54 : i32 to index
          %parallel_loop3A_56 = arith.index_cast %parallel_loop3A_53 : i32 to index
          %parallel_loop3A_57 = tpu.vector_load %arg6[%parallel_loop3A_55, %parallel_loop3A_56] {strides = array<i32>} : memref<20x1024xi32, #tpu.memory_space<vmem>>, vector<16xi32>,
          %parallel_loop3A_58 = tpu.vector_load_idx %arg5[%parallel_loop3A_51] : memref<100000xf32, #tpu.memory_space<vmem>>[vector<16xi32>], vector<16xf32>,
          %parallel_loop3A_59 = arith.addf %parallel_loop3A_43, %parallel_loop3A_58 : vector<16xf32>
          %parallel_loop3A_60 = tpu.vector_load_idx %arg5[%parallel_loop3A_57] : memref<100000xf32, #tpu.memory_space<vmem>>[vector<16xi32>], vector<16xf32>,
          %parallel_loop3A_61 = arith.addf %parallel_loop3A_45, %parallel_loop3A_60 : vector<16xf32>
          %parallel_loop3A_62 = arith.constant 16 : i32
          %parallel_loop3A_63 = arith.muli %parallel_loop3A_41, %parallel_loop3A_62 : i32
          %parallel_loop3A_64 = arith.constant 2 : i32
          %parallel_loop3A_65 = arith.index_cast %parallel_loop3A_64 : i32 to index
          %parallel_loop3A_66 = arith.index_cast %parallel_loop3A_63 : i32 to index
          %parallel_loop3A_67 = tpu.vector_load %arg6[%parallel_loop3A_65, %parallel_loop3A_66] {strides = array<i32>} : memref<20x1024xi32, #tpu.memory_space<vmem>>, vector<16xi32>,
          %parallel_loop3A_68 = arith.constant 16 : i32
          %parallel_loop3A_69 = arith.muli %parallel_loop3A_41, %parallel_loop3A_68 : i32
          %parallel_loop3A_70 = arith.constant 3 : i32
          %parallel_loop3A_71 = arith.index_cast %parallel_loop3A_70 : i32 to index
          %parallel_loop3A_72 = arith.index_cast %parallel_loop3A_69 : i32 to index
          %parallel_loop3A_73 = tpu.vector_load %arg6[%parallel_loop3A_71, %parallel_loop3A_72] {strides = array<i32>} : memref<20x1024xi32, #tpu.memory_space<vmem>>, vector<16xi32>,
          %parallel_loop3A_74 = tpu.vector_load_idx %arg5[%parallel_loop3A_67] : memref<100000xf32, #tpu.memory_space<vmem>>[vector<16xi32>], vector<16xf32>,
          %parallel_loop3A_75 = arith.addf %parallel_loop3A_59, %parallel_loop3A_74 : vector<16xf32>
          %parallel_loop3A_76 = tpu.vector_load_idx %arg5[%parallel_loop3A_73] : memref<100000xf32, #tpu.memory_space<vmem>>[vector<16xi32>], vector<16xf32>,
          %parallel_loop3A_77 = arith.addf %parallel_loop3A_61, %parallel_loop3A_76 : vector<16xf32>
          %parallel_loop3A_78 = arith.constant 16 : i32
          %parallel_loop3A_79 = arith.muli %parallel_loop3A_41, %parallel_loop3A_78 : i32
          %parallel_loop3A_80 = arith.constant 4 : i32
          %parallel_loop3A_81 = arith.index_cast %parallel_loop3A_80 : i32 to index
          %parallel_loop3A_82 = arith.index_cast %parallel_loop3A_79 : i32 to index
          %parallel_loop3A_83 = tpu.vector_load %arg6[%parallel_loop3A_81, %parallel_loop3A_82] {strides = array<i32>} : memref<20x1024xi32, #tpu.memory_space<vmem>>, vector<16xi32>,
          %parallel_loop3A_84 = arith.constant 16 : i32
          %parallel_loop3A_85 = arith.muli %parallel_loop3A_41, %parallel_loop3A_84 : i32
          %parallel_loop3A_86 = arith.constant 5 : i32
          %parallel_loop3A_87 = arith.index_cast %parallel_loop3A_86 : i32 to index
          %parallel_loop3A_88 = arith.index_cast %parallel_loop3A_85 : i32 to index
          %parallel_loop3A_89 = tpu.vector_load %arg6[%parallel_loop3A_87, %parallel_loop3A_88] {strides = array<i32>} : memref<20x1024xi32, #tpu.memory_space<vmem>>, vector<16xi32>,
          %parallel_loop3A_90 = tpu.vector_load_idx %arg5[%parallel_loop3A_83] : memref<100000xf32, #tpu.memory_space<vmem>>[vector<16xi32>], vector<16xf32>,
          %parallel_loop3A_91 = arith.addf %parallel_loop3A_75, %parallel_loop3A_90 : vector<16xf32>
          %parallel_loop3A_92 = tpu.vector_load_idx %arg5[%parallel_loop3A_89] : memref<100000xf32, #tpu.memory_space<vmem>>[vector<16xi32>], vector<16xf32>,
          %parallel_loop3A_93 = arith.addf %parallel_loop3A_77, %parallel_loop3A_92 : vector<16xf32>
          %parallel_loop3A_94 = arith.constant 16 : i32
          %parallel_loop3A_95 = arith.muli %parallel_loop3A_41, %parallel_loop3A_94 : i32
          %parallel_loop3A_96 = arith.constant 6 : i32
          %parallel_loop3A_97 = arith.index_cast %parallel_loop3A_96 : i32 to index
          %parallel_loop3A_98 = arith.index_cast %parallel_loop3A_95 : i32 to index
          %parallel_loop3A_99 = tpu.vector_load %arg6[%parallel_loop3A_97, %parallel_loop3A_98] {strides = array<i32>} : memref<20x1024xi32, #tpu.memory_space<vmem>>, vector<16xi32>,
          %parallel_loop3A_100 = arith.constant 16 : i32
          %parallel_loop3A_101 = arith.muli %parallel_loop3A_41, %parallel_loop3A_100 : i32
          %parallel_loop3A_102 = arith.constant 7 : i32
          %parallel_loop3A_103 = arith.index_cast %parallel_loop3A_102 : i32 to index
          %parallel_loop3A_104 = arith.index_cast %parallel_loop3A_101 : i32 to index
          %parallel_loop3A_105 = tpu.vector_load %arg6[%parallel_loop3A_103, %parallel_loop3A_104] {strides = array<i32>} : memref<20x1024xi32, #tpu.memory_space<vmem>>, vector<16xi32>,
          %parallel_loop3A_106 = tpu.vector_load_idx %arg5[%parallel_loop3A_99] : memref<100000xf32, #tpu.memory_space<vmem>>[vector<16xi32>], vector<16xf32>,
          %parallel_loop3A_107 = arith.addf %parallel_loop3A_91, %parallel_loop3A_106 : vector<16xf32>
          %parallel_loop3A_108 = tpu.vector_load_idx %arg5[%parallel_loop3A_105] : memref<100000xf32, #tpu.memory_space<vmem>>[vector<16xi32>], vector<16xf32>,
          %parallel_loop3A_109 = arith.addf %parallel_loop3A_93, %parallel_loop3A_108 : vector<16xf32>
          %parallel_loop3A_110 = arith.constant 16 : i32
          %parallel_loop3A_111 = arith.muli %parallel_loop3A_41, %parallel_loop3A_110 : i32
          %parallel_loop3A_112 = arith.constant 8 : i32
          %parallel_loop3A_113 = arith.index_cast %parallel_loop3A_112 : i32 to index
          %parallel_loop3A_114 = arith.index_cast %parallel_loop3A_111 : i32 to index
          %parallel_loop3A_115 = tpu.vector_load %arg6[%parallel_loop3A_113, %parallel_loop3A_114] {strides = array<i32>} : memref<20x1024xi32, #tpu.memory_space<vmem>>, vector<16xi32>,
          %parallel_loop3A_116 = arith.constant 16 : i32
          %parallel_loop3A_117 = arith.muli %parallel_loop3A_41, %parallel_loop3A_116 : i32
          %parallel_loop3A_118 = arith.constant 9 : i32
          %parallel_loop3A_119 = arith.index_cast %parallel_loop3A_118 : i32 to index
          %parallel_loop3A_120 = arith.index_cast %parallel_loop3A_117 : i32 to index
          %parallel_loop3A_121 = tpu.vector_load %arg6[%parallel_loop3A_119, %parallel_loop3A_120] {strides = array<i32>} : memref<20x1024xi32, #tpu.memory_space<vmem>>, vector<16xi32>,
          %parallel_loop3A_122 = tpu.vector_load_idx %arg5[%parallel_loop3A_115] : memref<100000xf32, #tpu.memory_space<vmem>>[vector<16xi32>], vector<16xf32>,
          %parallel_loop3A_123 = arith.addf %parallel_loop3A_107, %parallel_loop3A_122 : vector<16xf32>
          %parallel_loop3A_124 = tpu.vector_load_idx %arg5[%parallel_loop3A_121] : memref<100000xf32, #tpu.memory_space<vmem>>[vector<16xi32>], vector<16xf32>,
          %parallel_loop3A_125 = arith.addf %parallel_loop3A_109, %parallel_loop3A_124 : vector<16xf32>
          %parallel_loop3A_126 = arith.constant 16 : i32
          %parallel_loop3A_127 = arith.muli %parallel_loop3A_41, %parallel_loop3A_126 : i32
          %parallel_loop3A_128 = arith.constant 10 : i32
          %parallel_loop3A_129 = arith.index_cast %parallel_loop3A_128 : i32 to index
          %parallel_loop3A_130 = arith.index_cast %parallel_loop3A_127 : i32 to index
          %parallel_loop3A_131 = tpu.vector_load %arg6[%parallel_loop3A_129, %parallel_loop3A_130] {strides = array<i32>} : memref<20x1024xi32, #tpu.memory_space<vmem>>, vector<16xi32>,
          %parallel_loop3A_132 = arith.constant 16 : i32
          %parallel_loop3A_133 = arith.muli %parallel_loop3A_41, %parallel_loop3A_132 : i32
          %parallel_loop3A_134 = arith.constant 11 : i32
          %parallel_loop3A_135 = arith.index_cast %parallel_loop3A_134 : i32 to index
          %parallel_loop3A_136 = arith.index_cast %parallel_loop3A_133 : i32 to index
          %parallel_loop3A_137 = tpu.vector_load %arg6[%parallel_loop3A_135, %parallel_loop3A_136] {strides = array<i32>} : memref<20x1024xi32, #tpu.memory_space<vmem>>, vector<16xi32>,
          %parallel_loop3A_138 = tpu.vector_load_idx %arg5[%parallel_loop3A_131] : memref<100000xf32, #tpu.memory_space<vmem>>[vector<16xi32>], vector<16xf32>,
          %parallel_loop3A_139 = arith.addf %parallel_loop3A_123, %parallel_loop3A_138 : vector<16xf32>
          %parallel_loop3A_140 = tpu.vector_load_idx %arg5[%parallel_loop3A_137] : memref<100000xf32, #tpu.memory_space<vmem>>[vector<16xi32>], vector<16xf32>,
          %parallel_loop3A_141 = arith.addf %parallel_loop3A_125, %parallel_loop3A_140 : vector<16xf32>
          %parallel_loop3A_142 = arith.constant 16 : i32
          %parallel_loop3A_143 = arith.muli %parallel_loop3A_41, %parallel_loop3A_142 : i32
          %parallel_loop3A_144 = arith.constant 12 : i32
          %parallel_loop3A_145 = arith.index_cast %parallel_loop3A_144 : i32 to index
          %parallel_loop3A_146 = arith.index_cast %parallel_loop3A_143 : i32 to index
          %parallel_loop3A_147 = tpu.vector_load %arg6[%parallel_loop3A_145, %parallel_loop3A_146] {strides = array<i32>} : memref<20x1024xi32, #tpu.memory_space<vmem>>, vector<16xi32>,
          %parallel_loop3A_148 = arith.constant 16 : i32
          %parallel_loop3A_149 = arith.muli %parallel_loop3A_41, %parallel_loop3A_148 : i32
          %parallel_loop3A_150 = arith.constant 13 : i32
          %parallel_loop3A_151 = arith.index_cast %parallel_loop3A_150 : i32 to index
          %parallel_loop3A_152 = arith.index_cast %parallel_loop3A_149 : i32 to index
          %parallel_loop3A_153 = tpu.vector_load %arg6[%parallel_loop3A_151, %parallel_loop3A_152] {strides = array<i32>} : memref<20x1024xi32, #tpu.memory_space<vmem>>, vector<16xi32>,
          %parallel_loop3A_154 = tpu.vector_load_idx %arg5[%parallel_loop3A_147] : memref<100000xf32, #tpu.memory_space<vmem>>[vector<16xi32>], vector<16xf32>,
          %parallel_loop3A_155 = arith.addf %parallel_loop3A_139, %parallel_loop3A_154 : vector<16xf32>
          %parallel_loop3A_156 = tpu.vector_load_idx %arg5[%parallel_loop3A_153] : memref<100000xf32, #tpu.memory_space<vmem>>[vector<16xi32>], vector<16xf32>,
          %parallel_loop3A_157 = arith.addf %parallel_loop3A_141, %parallel_loop3A_156 : vector<16xf32>
          %parallel_loop3A_158 = arith.constant 16 : i32
          %parallel_loop3A_159 = arith.muli %parallel_loop3A_41, %parallel_loop3A_158 : i32
          %parallel_loop3A_160 = arith.constant 14 : i32
          %parallel_loop3A_161 = arith.index_cast %parallel_loop3A_160 : i32 to index
          %parallel_loop3A_162 = arith.index_cast %parallel_loop3A_159 : i32 to index
          %parallel_loop3A_163 = tpu.vector_load %arg6[%parallel_loop3A_161, %parallel_loop3A_162] {strides = array<i32>} : memref<20x1024xi32, #tpu.memory_space<vmem>>, vector<16xi32>,
          %parallel_loop3A_164 = arith.constant 16 : i32
          %parallel_loop3A_165 = arith.muli %parallel_loop3A_41, %parallel_loop3A_164 : i32
          %parallel_loop3A_166 = arith.constant 15 : i32
          %parallel_loop3A_167 = arith.index_cast %parallel_loop3A_166 : i32 to index
          %parallel_loop3A_168 = arith.index_cast %parallel_loop3A_165 : i32 to index
          %parallel_loop3A_169 = tpu.vector_load %arg6[%parallel_loop3A_167, %parallel_loop3A_168] {strides = array<i32>} : memref<20x1024xi32, #tpu.memory_space<vmem>>, vector<16xi32>,
          %parallel_loop3A_170 = tpu.vector_load_idx %arg5[%parallel_loop3A_163] : memref<100000xf32, #tpu.memory_space<vmem>>[vector<16xi32>], vector<16xf32>,
          %parallel_loop3A_171 = arith.addf %parallel_loop3A_155, %parallel_loop3A_170 : vector<16xf32>
          %parallel_loop3A_172 = tpu.vector_load_idx %arg5[%parallel_loop3A_169] : memref<100000xf32, #tpu.memory_space<vmem>>[vector<16xi32>], vector<16xf32>,
          %parallel_loop3A_173 = arith.addf %parallel_loop3A_157, %parallel_loop3A_172 : vector<16xf32>
          %parallel_loop3A_174 = arith.constant 16 : i32
          %parallel_loop3A_175 = arith.muli %parallel_loop3A_41, %parallel_loop3A_174 : i32
          %parallel_loop3A_176 = arith.constant 16 : i32
          %parallel_loop3A_177 = arith.index_cast %parallel_loop3A_176 : i32 to index
          %parallel_loop3A_178 = arith.index_cast %parallel_loop3A_175 : i32 to index
          %parallel_loop3A_179 = tpu.vector_load %arg6[%parallel_loop3A_177, %parallel_loop3A_178] {strides = array<i32>} : memref<20x1024xi32, #tpu.memory_space<vmem>>, vector<16xi32>,
          %parallel_loop3A_180 = arith.constant 16 : i32
          %parallel_loop3A_181 = arith.muli %parallel_loop3A_41, %parallel_loop3A_180 : i32
          %parallel_loop3A_182 = arith.constant 17 : i32
          %parallel_loop3A_183 = arith.index_cast %parallel_loop3A_182 : i32 to index
          %parallel_loop3A_184 = arith.index_cast %parallel_loop3A_181 : i32 to index
          %parallel_loop3A_185 = tpu.vector_load %arg6[%parallel_loop3A_183, %parallel_loop3A_184] {strides = array<i32>} : memref<20x1024xi32, #tpu.memory_space<vmem>>, vector<16xi32>,
          %parallel_loop3A_186 = tpu.vector_load_idx %arg5[%parallel_loop3A_179] : memref<100000xf32, #tpu.memory_space<vmem>>[vector<16xi32>], vector<16xf32>,
          %parallel_loop3A_187 = arith.addf %parallel_loop3A_171, %parallel_loop3A_186 : vector<16xf32>
          %parallel_loop3A_188 = tpu.vector_load_idx %arg5[%parallel_loop3A_185] : memref<100000xf32, #tpu.memory_space<vmem>>[vector<16xi32>], vector<16xf32>,
          %parallel_loop3A_189 = arith.addf %parallel_loop3A_173, %parallel_loop3A_188 : vector<16xf32>
          %parallel_loop3A_190 = arith.constant 16 : i32
          %parallel_loop3A_191 = arith.muli %parallel_loop3A_41, %parallel_loop3A_190 : i32
          %parallel_loop3A_192 = arith.constant 18 : i32
          %parallel_loop3A_193 = arith.index_cast %parallel_loop3A_192 : i32 to index
          %parallel_loop3A_194 = arith.index_cast %parallel_loop3A_191 : i32 to index
          %parallel_loop3A_195 = tpu.vector_load %arg6[%parallel_loop3A_193, %parallel_loop3A_194] {strides = array<i32>} : memref<20x1024xi32, #tpu.memory_space<vmem>>, vector<16xi32>,
          %parallel_loop3A_196 = arith.constant 16 : i32
          %parallel_loop3A_197 = arith.muli %parallel_loop3A_41, %parallel_loop3A_196 : i32
          %parallel_loop3A_198 = arith.constant 19 : i32
          %parallel_loop3A_199 = arith.index_cast %parallel_loop3A_198 : i32 to index
          %parallel_loop3A_200 = arith.index_cast %parallel_loop3A_197 : i32 to index
          %parallel_loop3A_201 = tpu.vector_load %arg6[%parallel_loop3A_199, %parallel_loop3A_200] {strides = array<i32>} : memref<20x1024xi32, #tpu.memory_space<vmem>>, vector<16xi32>,
          %parallel_loop3A_202 = tpu.vector_load_idx %arg5[%parallel_loop3A_195] : memref<100000xf32, #tpu.memory_space<vmem>>[vector<16xi32>], vector<16xf32>,
          %parallel_loop3A_203 = arith.addf %parallel_loop3A_187, %parallel_loop3A_202 : vector<16xf32>
          %parallel_loop3A_204 = tpu.vector_load_idx %arg5[%parallel_loop3A_201] : memref<100000xf32, #tpu.memory_space<vmem>>[vector<16xi32>], vector<16xf32>,
          %parallel_loop3A_205 = arith.addf %parallel_loop3A_189, %parallel_loop3A_204 : vector<16xf32>
          %parallel_loop3A_206 = arith.addf %parallel_loop3A_203, %parallel_loop3A_205 : vector<16xf32>
          %parallel_loop3A_207 = arith.constant 1024 : i32
          %parallel_loop3A_208 = arith.muli %scan3A_23, %parallel_loop3A_207 : i32
          %parallel_loop3A_209 = arith.constant 16 : i32
          %parallel_loop3A_210 = arith.muli %parallel_loop3A_41, %parallel_loop3A_209 : i32
          %parallel_loop3A_211 = arith.addi %parallel_loop3A_208, %parallel_loop3A_210 : i32
          %parallel_loop3A_212 = arith.index_cast %parallel_loop3A_211 : i32 to index
          %parallel_loop3A_213 = tpu.vector_load %arg7[%parallel_loop3A_212] {strides = array<i32>} : memref<4096xf32, #tpu.memory_space<vmem>>, vector<16xf32>,
          tpu.vector_store %arg7[%parallel_loop3A_212], %parallel_loop3A_206 {strides = array<i32>} : memref<4096xf32, #tpu.memory_space<vmem>>, vector<16xf32>,
        } {sc.loop_unroll_factor = 2 : i64, sc.parallel_access}
      }
      %scan3A_22 = arith.constant 4 : i32
      "tpu.region"() ({
        %run_scoped3A = tpu.sem_alloc : memref<!tpu.dma_semaphore, #tpu.memory_space<semaphore_mem>>
        %dma_start3A = arith.constant 0 : i32
        %dma_start3A_23 = tpu.memref_slice %arg4[%add3A_14, %dma_start3A] : memref<128x4096xf32, #tpu.memory_space<hbm>> -> memref<1x4096xf32, #tpu.memory_space<hbm>>
        %dma_start3A_24 = tpu.memref_squeeze %dma_start3A_23 : memref<1x4096xf32, #tpu.memory_space<hbm>> -> memref<4096xf32, #tpu.memory_space<hbm>>
        %dma_start3A_25 = arith.constant 0 : i32
        %dma_start3A_26 = tpu.memref_slice %arg4[%add3A_14, %dma_start3A_25] : memref<128x4096xf32, #tpu.memory_space<hbm>> -> memref<1x4096xf32, #tpu.memory_space<hbm>>
        %dma_start3A_27 = tpu.memref_squeeze %dma_start3A_26 : memref<1x4096xf32, #tpu.memory_space<hbm>> -> memref<4096xf32, #tpu.memory_space<hbm>>
        tpu.enqueue_dma source(%arg7 : memref<4096xf32, #tpu.memory_space<vmem>>) target(%dma_start3A_27 : memref<4096xf32, #tpu.memory_space<hbm>>) target_semaphore(%run_scoped3A : memref<!tpu.dma_semaphore, #tpu.memory_space<semaphore_mem>>)
        %dma_wait3A = arith.constant 0 : i32
        %dma_wait3A_28 = tpu.memref_slice %arg4[%add3A_14, %dma_wait3A] : memref<128x4096xf32, #tpu.memory_space<hbm>> -> memref<1x4096xf32, #tpu.memory_space<hbm>>
        %dma_wait3A_29 = tpu.memref_squeeze %dma_wait3A_28 : memref<1x4096xf32, #tpu.memory_space<hbm>> -> memref<4096xf32, #tpu.memory_space<hbm>>
        %dma_wait3A_30 = arith.constant 0 : i32
        %dma_wait3A_31 = tpu.memref_slice %arg4[%add3A_14, %dma_wait3A_30] : memref<128x4096xf32, #tpu.memory_space<hbm>> -> memref<1x4096xf32, #tpu.memory_space<hbm>>
        %dma_wait3A_32 = tpu.memref_squeeze %dma_wait3A_31 : memref<1x4096xf32, #tpu.memory_space<hbm>> -> memref<4096xf32, #tpu.memory_space<hbm>>
        tpu.wait_dma2 semaphore(%run_scoped3A : memref<!tpu.dma_semaphore, #tpu.memory_space<semaphore_mem>>) src(%arg7 : memref<4096xf32, #tpu.memory_space<vmem>>) dst(%dma_wait3A_32 : memref<4096xf32, #tpu.memory_space<hbm>>)
        tpu.yield
      }) : () -> ()
    }
    %scan3A_4 = arith.constant 4 : i32
    return
  }
}

</mosaic_0001>

<sc_bundles>
// kernel: kernel.10.cloned.1.call-start
scs
__scs_entry_jumppad:
0x0: {  	(pc) =	sbr.rel $0x88, $3  }
0x1: {  	(tag) =	ssettag $0x0;
	lr =	simm.s32 $0x1  }
0x2: {  	[smem:$0x3F9E] =	sst lr;
	_ =	strace $0xD0000000  }
0x3: {  	_ = 	snop  }
0x4: {  	_ = 	snop  }
0x5: {  	_ = 	snop  }
0x6: {  	_ = 	snop  }
0x7: {  	_ = 	snop  }
__scs_overlays_trampoline_lowered:
0x8: {  	[smem:$0x3FAD] =	sst s0  }
0x9: {  	[smem:$0x3FAE] =	sst s1  }
0xa: {  	[smem:$0x3FAF] =	sst s2  }
0xb: {  	[smem:$0x3FB0] =	sst s3  }
0xc: {  	[smem:$0x3FB1] =	sst s4  }
0xd: {  	[smem:$0x3FB2] =	sst s5  }
0xe: {  	[smem:$0x3FB3] =	sst s6  }
0xf: {  	[smem:$0x3FB4] =	sst s7  }
0x10: {  	[smem:$0x3FB5] =	sst s8  }
0x11: {  	[smem:$0x3FB6] =	sst s9;
	s0 =	simm.s32 @!p0 $0x0  }
0x12: {  	s1 =	sld [smem:$0x3F9C];
	s0 =	simm.s32 @p0 $0x1  }
0x13: {  	[smem:$0x3FB7] =	sst s0;
	s0 =	simm.s32 @!p1 $0x0  }
0x14: {  	s2 =	sld [smem:$0x3F9B];
	s0 =	simm.s32 @p1 $0x1  }
0x15: {  	[smem:$0x3FB8] =	sst s0;
	s0 =	simm.s32 @!p2 $0x0  }
0x16: {  	s3 =	sld [smem:$0x3FDB];
	s0 =	simm.s32 @p2 $0x1  }
0x17: {  	s4 =	simm.s32 $0x1BF5;
	[smem:$0x3FBA] =	sst s0  }
0x18: {  	s0 =	sld [smem:$0x3F9D];
	_ =	swait.ge [sflag:s4], $0x0  }
0x19: {  	s7 =	sld [smem:$0x3F9E]  }
0x1a: {  	s8 =	sadd.s32 $0xFFFFE003, lr  }
0x1b: {  	s9 =	sadd.s32 $0xFFFFFEF7, lr;
	s5 =	simm.s32 $0xFFFFFFFF;
	p2 =	slt.u32 s8, $0xFFFFF086  }
0x1c: {  	p1 =	slt.u32 s9, $0xF7A;
	s5 =	simm.s32 @!p2 $0x0  }
0x1d: {  	s5 =	simm.s32 @p1 $0x1;
	p0 =	seq.s32 s7, s2  }
0x1e: {  	s7 =	smul.u32 @!p0 $0xF7A, s2;
	p2 =	seq.s32 @!p0 s5, $0x0  }
0x1f: {  	s9 =	smul.u32 $0xF7A, s1;
	s8 =	simm.s32 @!p0 $0x1BF5;
	p2 =	por !p2, p0  }
0x20: {  	[sflag:s8] =	ssyncset.s32 @!p0 $0xFFFFF086;
	s6 =	sadd.s32 @!p0 s3, s7;
	s7 =	simm.s32 @!p0 $0x108  }
0x21: {  	s3 =	sadd.s32 s3, s9;
	s6 =	sadd.s32 @!p0 $0x88, s6;
	s7 =	simm.s32 @p2 $0x1082  }
0x22: {  	[simem:s7], [sflag:s8] =	dma.local @!p0 [hbm:s6], $0xF7A  }
0x23: {  	s9 =	sor.u32 $0xD0000000, s2;
	s6 =	simm.s32 $0x108;
	_ =	swait.ge @!p0 [sflag:s8], $0x0  }
0x24: {  	s3 =	sadd.s32 $0x88, s3;
	s6 =	simm.s32 @!p1 $0x1082;
	[sflag:s4] =	ssyncset.s32 $0xFFFFF086  }
0x25: {  	[simem:s6], [sflag:s4] =	dma.local [hbm:s3], $0xF7A  }
0x26: {  	[smem:$0x3F9E] =	sst s1;
	(tag) =	ssettag s2;
	_ =	strace s9  }
0x27: {  	s1 =	sld [smem:$0x3FAE]  }
0x28: {  	s2 =	sld [smem:$0x3FAF]  }
0x29: {  	s4 =	sld [smem:$0x3FB1]  }
0x2a: {  	p0 =	seq.s32 s5, $0x0;
	s5 =	sld [smem:$0x3FB2]  }
0x2b: {  	s6 =	sld [smem:$0x3FB3]  }
0x2c: {  	s7 =	sld [smem:$0x3FB4]  }
0x2d: {  	s3 =	simm.s32 $0x108;
	s8 =	sld [smem:$0x3FB5]  }
0x2e: {  	s3 =	simm.s32 @!p0 $0x1082;
	s9 =	sld [smem:$0x3FB6]  }
0x2f: {  	lr =	sadd.s32 s0, s3;
	s0 =	sld [smem:$0x3FAD]  }
0x30: {  	s3 =	sld [smem:$0x3FB0]  }
0x31: {  	[smem:$0x3FB9] =	sst s10  }
0x32: {  	s10 =	sld [smem:$0x3FB7];
	_ =	sdelay $0x3  }
0x33: {  	p0 =	seq.s32 s10, $0x1;
	s10 =	sld [smem:$0x3FB9];
	_ =	sdelay $0x3  }
0x34: {  	[smem:$0x3FB9] =	sst s10  }
0x35: {  	s10 =	sld [smem:$0x3FB8];
	_ =	sdelay $0x3  }
0x36: {  	p1 =	seq.s32 s10, $0x1;
	s10 =	sld [smem:$0x3FB9];
	_ =	sdelay $0x3  }
0x37: {  	[smem:$0x3FB9] =	sst s10  }
0x38: {  	s10 =	sld [smem:$0x3FBA]  }
0x39: {  	_ = 	snop;
	(pc) =	sbr.ind lr, $3  }
0x3a: {  	_ = 	snop  }
0x3b: {  	_ = 	snop  }
0x3c: {  	p2 =	seq.s32 s10, $0x1;
	s10 =	sld [smem:$0x3FB9]  }
0x3d: {  	_ =	shalt  }
0x3e: {  	_ =	shalt  }
0x3f: {  	_ =	shalt  }
0x40: {  	_ =	shalt  }
0x41: {  	_ =	shalt  }
0x42: {  	_ =	shalt  }
0x43: {  	_ =	shalt  }
0x44: {  	_ =	shalt  }
0x45: {  	_ =	shalt  }
0x46: {  	_ =	shalt  }
0x47: {  	_ =	shalt  }
0x48: {  	_ =	shalt  }
0x49: {  	_ =	shalt  }
0x4a: {  	_ =	shalt  }
0x4b: {  	_ =	shalt  }
0x4c: {  	_ =	shalt  }
0x4d: {  	_ =	shalt  }
0x4e: {  	_ =	shalt  }
0x4f: {  	_ =	shalt  }
0x50: {  	_ =	shalt  }
0x51: {  	_ =	shalt  }
0x52: {  	_ =	shalt  }
0x53: {  	_ =	shalt  }
0x54: {  	_ =	shalt  }
0x55: {  	_ =	shalt  }
0x56: {  	_ =	shalt  }
0x57: {  	_ =	shalt  }
0x58: {  	_ =	shalt  }
0x59: {  	_ =	shalt  }
0x5a: {  	_ =	shalt  }
0x5b: {  	_ =	shalt  }
0x5c: {  	_ =	shalt  }
0x5d: {  	_ =	shalt  }
0x5e: {  	_ =	shalt  }
0x5f: {  	_ =	shalt  }
0x60: {  	_ =	shalt  }
0x61: {  	_ =	shalt  }
0x62: {  	_ =	shalt  }
0x63: {  	_ =	shalt  }
0x64: {  	_ =	shalt  }
0x65: {  	_ =	shalt  }
0x66: {  	_ =	shalt  }
0x67: {  	_ =	shalt  }
0x68: {  	_ =	shalt  }
0x69: {  	_ =	shalt  }
0x6a: {  	_ =	shalt  }
0x6b: {  	_ =	shalt  }
0x6c: {  	_ =	shalt  }
0x6d: {  	_ =	shalt  }
0x6e: {  	_ =	shalt  }
0x6f: {  	_ =	shalt  }
0x70: {  	_ =	shalt  }
0x71: {  	_ =	shalt  }
0x72: {  	_ =	shalt  }
0x73: {  	_ =	shalt  }
0x74: {  	_ =	shalt  }
0x75: {  	_ =	shalt  }
0x76: {  	_ =	shalt  }
0x77: {  	_ =	shalt  }
0x78: {  	_ =	shalt  }
0x79: {  	_ =	shalt  }
0x7a: {  	_ =	shalt  }
0x7b: {  	_ =	shalt  }
0x7c: {  	_ =	shalt  }
0x7d: {  	_ =	shalt  }
0x7e: {  	_ =	shalt  }
0x7f: {  	_ =	shalt  }
0x80: {  	_ =	shalt  }
0x81: {  	_ =	shalt  }
0x82: {  	_ =	shalt  }
0x83: {  	_ =	shalt  }
0x84: {  	_ =	shalt  }
0x85: {  	_ =	shalt  }
0x86: {  	_ =	shalt  }
0x87: {  	_ =	shalt  }
.Lfunc_end0:
.L_simem_size_0:
called_computation.1_lowered:
.L_overlay_start_0:
0x88: {  	s2 =	sld [smem:$0x3FD9]  }
0x89: {  	s3 =	sld [smem:$0x3FFE];
	_ =	sdelay $0x1  }
0x8a: {  	s1 =	srdreg.scid  }
0x8b: {  	s0 =	sand.u32 $0x1, s1  }
0x8c: {  	s17 =	sshll.u32 s0, $0xA;
	s2 =	sadd.s32 s3, s2  }
0x8d: {  	s2 =	sadd.s32 s2, s17  }
0x8e: {  	[smem:$0x3FC5] =	sst s2  }
0x8f: {  	_ = 	snop  }
0x90: {  	(tm) =	ssettm $0x1  }
0x91: {  	s18 =	sld [smem:$0x3FFB];
	_ =	sdelay $0x3  }
0x92: {  	_ =	strace s18  }
0x93: {  	s2 =	sld [smem:$0x3FFC];
	_ =	sdelay $0x3  }
0x94: {  	_ =	strace s2  }
0x95: {  	s2 =	sld [smem:$0x3FFD];
	_ =	sdelay $0x3  }
0x96: {  	_ =	strace s2  }
0x97: {  	_ =	strace $0x8FFFFFFF  }
0x98: {  	s19 =	sld [smem:$0x3FDB];
	_ =	sdelay $0x1  }
0x99: {  	s20 =	simm.s32 $_scs_section_size  }
0x9a: {  	s4 =	simm.s32 $_size__tile_overlayer_lowered;
	s5 =	simm.s32 $_tile_overlayer_lowered  }
0x9b: {  	s6 =	simm.s32 $0x1BFF;
	s21 =	sshll.u32 s5, $0x1;
	s3 =	sadd.s32 s20, s19  }
0x9c: {  	s22 =	simm.s32 $0x0;
	s4 =	sshll.u32 s4, $0x1;
	s5 =	sadd.s32 s21, s3  }
0x9d: {  	[timem:s22], [sflag:s6] =	dma.local [hbm:s5], s4  }
0x9e: {  	_ =	swait.ge [sflag:s6], s4  }
0x9f: {  	s4 =	ssub.s32 $0x0, s4;
	[sflag:s6] =	ssyncset.done $0x0  }
0xa0: {  	[sflag:s6] =	ssyncadd.s32 s4;
	_ =	sdelay $0x1  }
0xa1: {  	s23 =	simm.s32 $0x1B8B  }
0xa2: {  	_ =	swait.ge [sflag:s23], $0x1  }
0xa3: {  	[sflag:s23] =	ssyncset.done $0x0  }
0xa4: {  	[sflag:s23] =	ssyncadd.s32 $0xFFFFFFFF  }
0xa5: {  	s4 =	sld [smem:$0x0]  }
0xa6: {  	s5 =	sand.u32 $0xFFFFFFFE, s1  }
0xa7: {  	p0 =	sne.s32 s1, s5  }
0xa8: {  	s5 =	sshll.u32 @p0 s5, $0xE  }
0xa9: {  	s5 =	sadd.s32 @p0 $0x11B8D, s5;
	s6 =	sshll.u32 @p0 s4, $0x11  }
0xaa: {  	s5 =	sor.u32 @p0 s6, s5  }
0xab: {  	[sflag:s5] =	ssyncadd.remote.s32 @p0 $0x1;
	_ =	sdelay $0x1  }
0xac: {  	s5 =	simm.s32 @p0 $0x1B8D  }
0xad: {  	_ =	swait.eq @p0 [sflag:s5], $0x1  }
0xae: {  	[sflag:s5] =	ssyncadd.s32 @p0 $0xFFFFFFFF  }
0xaf: {  	s6 =	sshll.u32 @!p0 s1, $0xE  }
0xb0: {  	s6 =	sor.u32 @!p0 $0x4000, s6;
	s5 =	simm.s32 @!p0 $0x1B8D  }
0xb1: {  	s4 =	sshll.u32 @!p0 s4, $0x11;
	s6 =	sadd.s32 @!p0 $0x11B8D, s6;
	_ =	swait.eq @!p0 [sflag:s5], $0x1  }
0xb2: {  	s4 =	sor.u32 @!p0 s4, s6;
	[sflag:s5] =	ssyncadd.s32 @!p0 $0xFFFFFFFF  }
0xb3: {  	s25 =	simm.s32 $0x1B8E;
	s24 =	sld [smem:$0x3FFE];
	[sflag:s4] =	ssyncadd.remote.s32 @!p0 $0x1  }
0xb4: {  	s26 =	simm.s32 $execute0_lowered;
	[smem:$0x3FD2] =	sst s25  }
0xb5: {  	s5 =	sshll.u32 s26, $0x1;
	_ =	strace $0x8000004C;
	[dreg:$0x1] =	wrdreg $0xFFFFFFFF  }
0xb6: {  	s28 =	simm.s32 $_size_execute0_lowered;
	s3 =	sadd.s32 s3, s5;
	[dreg:$0x0] =	wrdreg $0x0  }
0xb7: {  	s5 =	sshll.u32 s28, $0x1;
	[dreg:$0x2] =	wrdreg s3  }
0xb8: {  	[dreg:$0x3] =	wrdreg s5  }
0xb9: {  	[dreg:$0x4] =	wrdreg $0xC0  }
0xba: {  	_ =	task [dreg:s22], $0x5FFFF  }
0xbb: {  	[dreg:$0x1] =	wrdreg $0xFFFFFFFF  }
0xbc: {  	[dreg:$0x0] =	wrdreg $0x60  }
0xbd: {  	[dreg:$0x2] =	wrdreg s24  }
0xbe: {  	[dreg:$0x3] =	wrdreg $0x1E6A00  }
0xbf: {  	[dreg:$0x4] =	wrdreg $0xA  }
0xc0: {  	_ =	task.clear_ibuf [dreg:s22], $0x5FFFF;
	_ =	strace $0x9000004C  }
0xc1: {  	s29 =	simm.s32 $0xA;
	_ =	strace $0x8000004E  }
0xc2: {  	_ =	swait.ge [sflag:s29], $0x1  }
0xc3: {  	[sflag:s29] =	ssyncadd.s32 $0xFFFFFFFF  }
0xc4: {  	_ =	strace $0x9000004E  }
0xc5: {  	_ =	sfence  }
0xc6: {  	s30 =	sld [smem:$0x0];
	_ =	sdelay $0x2  }
0xc7: {  	s31 =	sshll.u32 s1, $0xD;
	s1 =	sshrl.u32 s1, $0x2  }
0xc8: {  	s4 =	sand.u32 $0x4000, s31;
	s1 =	sadd.s32 s1, s30  }
0xc9: {  	s0 =	sor.u32 s4, s0;
	s1 =	sshll.u32 s1, $0x11  }
0xca: {  	s0 =	sor.u32 s1, s0  }
0xcb: {  	s0 =	sadd.s32 $0x8F2B, s0  }
0xcc: {  	[sflag:s0] =	ssyncadd.remote.s32 $0x1  }
0xcd: {  	_ =	sfence.sel $0xFFFF  }
0xce: {  	[dreg:$0x0] =	wrdreg $0xFFFFFFFF;
	(pc) =	sbr.abs _section_cstart, $3  }
0xcf: {  	[dreg:$0x1] =	wrdreg $0xFFFFFFFF  }
0xd0: {  	_ =	task.clear_ibuf [dreg:s22], $0x2FFFF;
	_ =	strace $0x9FFFFFFF  }
0xd1: {  	(tm) =	ssettm $0x7FFFFFFF  }
tec
execute0_lowered:
.L_overlay_start_1:
0x0: {  	(tag) =	ssettag $0x1  }
0x1: {  	s9 =	rddreg [dreg:$0x0]  }
0x2: {  	s1 =	rddreg [dreg:$0x1]  }
0x3: {  	s0 =	rddreg [dreg:$0x2]  }
0x4: {  	s2 =	simm.s32 $0x0;
	s4 =	srdreg.scid;
	s7 =	stileid.u32  }
0x5: {  	s13 =	simm.s32 $0x2;
	s14 =	simm.s32 $0x186A0;
	s15 =	simm.s32 $0x1D6A0  }
0x6: {  	s16 =	simm.s32 $0x0;
	[smem:$0x7FF] =	sst s2;
	s3 =	sadd.s32 $0x233800, s9  }
0x7: {  	s5 =	sand.u32 $0x1, s4;
	s4 =	sadd.s32 $0x1C00, s9;
	s6 =	sadd.s32 $0x10E400, s9  }
0x8: {  	s12 =	sadd.s32 $0x5000, s1;
	s9 =	sadd.s32 $0x1C80, s9;
	s8 =	ssub.s32 $0x2, s5  }
0x9: {  	p0 =	sne.s32 s7, $0x0;
	s5 =	smul.u32 $0x3, s5;
	s10 =	sshrl.u32 s8, $0x1  }
0xa: {  	_ =	strace $0x8000004D;
	s11 =	sshrl.u32 @!p0 s1, $0x3;
	s10 =	ssub.s32 s8, s10  }
0xb: {  	s12 =	sshrl.u32 @!p0 s12, $0x3;
	s8 =	sadd.s32 $0x2, s5;
	s10 =	smax.u32 s10, $0x1  }
.LBB2_1:
0xc: {  	s17 =	simm.s32 $0x0  }
.LBB2_2:
0xd: {  	s20 =	sadd.s32 s17, s8;
	s18 =	sadd.s32 s5, s17;
	s22 =	simm.s32 @!p0 $0x8  }
0xe: {  	s23 =	simm.s32 @!p0 $0x80;
	s19 =	smul.u32 @!p0 $0x2800, s20;
	s18 =	sshll.u32 s18, $0x4  }
0xf: {  	s24 =	simm.s32 @!p0 $0x200;
	s25 =	simm.s32 @!p0 $0x1C01;
	s18 =	sor.u32 s7, s18  }
0x10: {  	s21 =	sadd.s32 @!p0 s4, s19;
	s19 =	sadd.s32 @!p0 s19, s9;
	s31 =	smul.u32 $0x30D4, s18  }
0x11: {  	[spmem:s11@s23], [sflag:s25] =	dma.strided @!p0 [hbm:s21@s24], $0xA00, s22, $0x10   }
0x12: {  	[spmem:s12@s23], [sflag:s25] =	dma.strided @!p0 [hbm:s19@s24], $0xA00, s22, $0x10   }
0x13: {  	s21 =	sadd.s32 s3, s31;
	s19 =	simm.s32 $0x0  }
0x14: {  	[tilespmem:s19], [sflag:$0x2] =	stream.linear.gather [hbm4b:s21+s19], $0x186A0, $0x38;
	[tilespmem:$0x1F0A0] =	vst v63  }
0x15: {  	s20 =	smul.u32 $0x14000, s20;
	_ =	swait.ge [sflag:s13], $0x186A0  }
0x16: {  	[sflag:s13] =	ssyncset.done $0x0  }
0x17: {  	s20 =	sor.u32 $0x800, s20;
	s21 =	simm.s32 $0x1D6A0;
	[sflag:s13] =	ssyncadd.s32 $0xFFFE7960  }
.LBB2_3:
0x18: {  	s22 =	simm.s32 @!p0 $0x1;
	s23 =	sand.u32 $0x1, s19  }
0x19: {  	_ =	swait.ge @!p0 [sflag:s22], $0xA00;
	p1 =	seq.s32 s23, $0x1;
	s23 =	simm.s32 $0x5000  }
0x1a: {  	[sflag:s22] =	ssyncset.done @!p0 $0x0;
	s23 =	simm.s32 @!p1 $0x0;
	p1 =	sgt.u32 @!p0 s19, $0x1  }
0x1b: {  	[sflag:s22] =	ssyncadd.s32 @!p0 $0xFFFFF600;
	p1 =	por p1, p0  }
0x1c: {  	s22 =	sadd.s32 s23, s1;
	[bflag:$0x0] =	sbarrier.arrive $0xFFFF;
	s23 =	sshll.u32 @!p1 s19, $0xA  }
0x1d: {  	[tilespmem:s14], [sflag:$0x2] =	stream.linear.gather [spmem:s22], $0x5000, $0x38;
	[tilespmem:$0x1F0A0] =	vst v63  }
0x1e: {  	s24 =	simm.s32 @!p1 $0x8;
	s25 =	simm.s32 @!p1 $0x80;
	_ =	swait.ge [sflag:s13], $0x5000  }
0x1f: {  	s26 =	simm.s32 @!p1 $0x200;
	s23 =	sor.u32 @!p1 s20, s23;
	[sflag:s13] =	ssyncset.done $0x0  }
0x20: {  	s28 =	simm.s32 @!p1 $0x1C01;
	s23 =	sshrl.u32 @!p1 s23, $0x3;
	[sflag:s13] =	ssyncadd.s32 $0xFFFFB000  }
0x21: {  	s22 =	sshrl.u32 @!p1 s22, $0x3;
	s23 =	sadd.s32 @!p1 s4, s23;
	[bflag:$0x0] =	sbarrier.arrive $0xFFFF  }
0x22: {  	[spmem:s22@s25], [sflag:s28] =	dma.strided @!p1 [hbm:s23@s26], $0xA00, s24, $0x10   }
0x23: {  	s22 =	simm.s32 $0x0  }
0x24: {  	v0 =	vld [tilespmem:s22+$0x1CEB0]  }
0x25: {  	v1 =	vld [tilespmem:s22+$0x1D2B0]  }
0x26: {  	v2 =	vld [tilespmem:s22+$0x1C6B0]  }
0x27: {  	v3 =	vld [tilespmem:s22+$0x1CAB0]  }
0x28: {  	v4 =	vld [tilespmem:s22+$0x1BEB0]  }
0x29: {  	v5 =	vld [tilespmem:s22+$0x1C2B0]  }
0x2a: {  	v6 =	vld [tilespmem:s22+$0x1B6B0]  }
0x2b: {  	v7 =	vld [tilespmem:s22+$0x1BAB0]  }
0x2c: {  	v8 =	vld [tilespmem:s22+$0x1AEB0]  }
0x2d: {  	v9 =	vld [tilespmem:s22+$0x1B2B0]  }
0x2e: {  	v10 =	vld [tilespmem:s22+$0x1A6B0]  }
0x2f: {  	v11 =	vld [tilespmem:s22+$0x1AAB0]  }
0x30: {  	v12 =	vld [tilespmem:s22+$0x186B0]  }
0x31: {  	v13 =	vld [tilespmem:s22+$0x18AB0]  }
0x32: {  	v14 =	vld [tilespmem:s22+$0x18EB0]  }
0x33: {  	v15 =	vld [tilespmem:s22+$0x192B0]  }
0x34: {  	v16 =	vld [tilespmem:s22+$0x196B0]  }
0x35: {  	v17 =	vld [tilespmem:s22+$0x19AB0]  }
0x36: {  	v18 =	vld [tilespmem:s22+$0x19EB0]  }
0x37: {  	v19 =	vld [tilespmem:s22+$0x1A2B0]  }
0x38: {  	v25 =	vld [tilespmem:s22+$0x19AA0]  }
0x39: {  	v26 =	vld [tilespmem:s22+$0x19EA0]  }
0x3a: {  	v27 =	vld [tilespmem:s22+$0x1A2A0]  }
0x3b: {  	v33 =	vld [tilespmem:s22+$0x1BAA0]  }
0x3c: {  	v36 =	vld [tilespmem:s22+$0x1C2A0]  }
0x3d: {  	s23 =	simm.s32 $0x20;
	v39 =	vld [tilespmem:s22+$0x1CAA0]  }
0x3e: {  	v63 =	vld [tilespmem:s23+$0x1CEB0]  }
0x3f: {  	v60 =	vld [tilespmem:s23+$0x1D2B0]  }
0x40: {  	v42 =	vld [tilespmem:s23+$0x1C6B0]  }
0x41: {  	v43 =	vld [tilespmem:s23+$0x1CAB0]  }
0x42: {  	v44 =	vld [tilespmem:s23+$0x1BEB0]  }
0x43: {  	v45 =	vld [tilespmem:s23+$0x1C2B0]  }
0x44: {  	v46 =	vld [tilespmem:s23+$0x1B6B0]  }
0x45: {  	v47 =	vld [tilespmem:s23+$0x1BAB0]  }
0x46: {  	v48 =	vld [tilespmem:s23+$0x1AEB0]  }
0x47: {  	v49 =	vld [tilespmem:s23+$0x1B2B0]  }
0x48: {  	v50 =	vld [tilespmem:s23+$0x1A6B0]  }
0x49: {  	v51 =	vld [tilespmem:s23+$0x1AAB0]  }
0x4a: {  	v52 =	vld [tilespmem:s23+$0x186B0]  }
0x4b: {  	v53 =	vld [tilespmem:s23+$0x18AB0]  }
0x4c: {  	v54 =	vld [tilespmem:s23+$0x18EB0]  }
0x4d: {  	v55 =	vld [tilespmem:s23+$0x192B0]  }
0x4e: {  	v56 =	vld [tilespmem:s23+$0x196B0]  }
0x4f: {  	v57 =	vld [tilespmem:s23+$0x19AB0]  }
0x50: {  	v58 =	vld [tilespmem:s23+$0x19EB0]  }
0x51: {  	v59 =	vld [tilespmem:s23+$0x1A2B0]  }
0x52: {  	v62 =	vld [tilespmem:s23+$0x186A0]  }
0x53: {  	v12 =	vld.idx.msk [tilespmem:v12+s2+$0x0], $0xffff  }
0x54: {  	v13 =	vld.idx.msk [tilespmem:v13+s2+$0x0], $0xffff  }
0x55: {  	v14 =	vld.idx.msk [tilespmem:v14+s2+$0x0], $0xffff  }
0x56: {  	v15 =	vld.idx.msk [tilespmem:v15+s2+$0x0], $0xffff  }
0x57: {  	v16 =	vld.idx.msk [tilespmem:v16+s2+$0x0], $0xffff  }
0x58: {  	v17 =	vld.idx.msk [tilespmem:v17+s2+$0x0], $0xffff  }
0x59: {  	v18 =	vld.idx.msk [tilespmem:v18+s2+$0x0], $0xffff  }
0x5a: {  	v19 =	vld.idx.msk [tilespmem:v19+s2+$0x0], $0xffff  }
0x5b: {  	v10 =	vld.idx.msk [tilespmem:v10+s2+$0x0], $0xffff  }
0x5c: {  	v11 =	vld.idx.msk [tilespmem:v11+s2+$0x0], $0xffff  }
0x5d: {  	v8 =	vld.idx.msk [tilespmem:v8+s2+$0x0], $0xffff  }
0x5e: {  	v9 =	vld.idx.msk [tilespmem:v9+s2+$0x0], $0xffff  }
0x5f: {  	v20 =	vld.idx.msk [tilespmem:v6+s2+$0x0], $0xffff  }
0x60: {  	v7 =	vld.idx.msk [tilespmem:v7+s2+$0x0], $0xffff  }
0x61: {  	v21 =	vld.idx.msk [tilespmem:v4+s2+$0x0], $0xffff  }
0x62: {  	v22 =	vld.idx.msk [tilespmem:v5+s2+$0x0], $0xffff  }
0x63: {  	v2 =	vld.idx.msk [tilespmem:v2+s2+$0x0], $0xffff  }
0x64: {  	v23 =	vld.idx.msk [tilespmem:v3+s2+$0x0], $0xffff  }
0x65: {  	v24 =	vld.idx.msk [tilespmem:v0+s2+$0x0], $0xffff  }
0x66: {  	v1 =	vld.idx.msk [tilespmem:v1+s2+$0x0], $0xffff  }
0x67: {  	v0 =	vld [tilespmem:s22+$0x186A0]  }
0x68: {  	v3 =	vld [tilespmem:s22+$0x18AA0]  }
0x69: {  	v4 =	vld [tilespmem:s22+$0x18EA0]  }
0x6a: {  	v5 =	vld [tilespmem:s22+$0x192A0]  }
0x6b: {  	v6 =	vld [tilespmem:s22+$0x196A0]  }
0x6c: {  	v25 =	vld.idx.msk [tilespmem:v25+s2+$0x0], $0xffff  }
0x6d: {  	v26 =	vld.idx.msk [tilespmem:v26+s2+$0x0], $0xffff  }
0x6e: {  	v27 =	vld.idx.msk [tilespmem:v27+s2+$0x0], $0xffff  }
0x6f: {  	v33 =	vld.idx.msk [tilespmem:v33+s2+$0x0], $0xffff  }
0x70: {  	v52 =	vld.idx.msk [tilespmem:v52+s2+$0x0], $0xffff  }
0x71: {  	v53 =	vld.idx.msk [tilespmem:v53+s2+$0x0], $0xffff  }
0x72: {  	v54 =	vld.idx.msk [tilespmem:v54+s2+$0x0], $0xffff  }
0x73: {  	v55 =	vld.idx.msk [tilespmem:v55+s2+$0x0], $0xffff  }
0x74: {  	v56 =	vld.idx.msk [tilespmem:v56+s2+$0x0], $0xffff  }
0x75: {  	v57 =	vld.idx.msk [tilespmem:v57+s2+$0x0], $0xffff  }
0x76: {  	v58 =	vld.idx.msk [tilespmem:v58+s2+$0x0], $0xffff  }
0x77: {  	v59 =	vld.idx.msk [tilespmem:v59+s2+$0x0], $0xffff  }
0x78: {  	v50 =	vld.idx.msk [tilespmem:v50+s2+$0x0], $0xffff  }
0x79: {  	v51 =	vld.idx.msk [tilespmem:v51+s2+$0x0], $0xffff  }
0x7a: {  	v48 =	vld.idx.msk [tilespmem:v48+s2+$0x0], $0xffff  }
0x7b: {  	v49 =	vld.idx.msk [tilespmem:v49+s2+$0x0], $0xffff  }
0x7c: {  	v46 =	vld.idx.msk [tilespmem:v46+s2+$0x0], $0xffff  }
0x7d: {  	v47 =	vld.idx.msk [tilespmem:v47+s2+$0x0], $0xffff  }
0x7e: {  	v44 =	vld.idx.msk [tilespmem:v44+s2+$0x0], $0xffff  }
0x7f: {  	v61 =	vld.idx.msk [tilespmem:v43+s2+$0x0], $0xffff;
	v12 =	vadd.f32 $0.0e+00, v12  }
0x80: {  	v13 =	vadd.f32 $0.0e+00, v13;
	v43 =	vadd.f32 $0.0e+00, v53;
	v53 =	vld [tilespmem:s23+$0x1B6A0]  }
0x81: {  	v12 =	vadd.f32 v14, v12;
	v14 =	vld.idx.msk [tilespmem:v45+s2+$0x0], $0xffff  }
0x82: {  	v13 =	vadd.f32 v15, v13;
	v15 =	vld.idx.msk [tilespmem:v42+s2+$0x0], $0xffff  }
0x83: {  	v45 =	vld [tilespmem:s23+$0x1AEA0]  }
0x84: {  	v28 =	vld.idx.msk [tilespmem:v0+s2+$0x0], $0xffff  }
0x85: {  	v29 =	vld.idx.msk [tilespmem:v3+s2+$0x0], $0xffff  }
0x86: {  	v30 =	vld.idx.msk [tilespmem:v4+s2+$0x0], $0xffff  }
0x87: {  	v31 =	vld.idx.msk [tilespmem:v5+s2+$0x0], $0xffff  }
0x88: {  	v0 =	vld [tilespmem:s22+$0x1A6A0]  }
0x89: {  	v3 =	vld [tilespmem:s22+$0x1AAA0]  }
0x8a: {  	v32 =	vld.idx.msk [tilespmem:v6+s2+$0x0], $0xffff  }
0x8b: {  	v4 =	vld [tilespmem:s22+$0x1AEA0]  }
0x8c: {  	v5 =	vld [tilespmem:s22+$0x1B2A0]  }
0x8d: {  	v6 =	vld [tilespmem:s22+$0x1B6A0]  }
0x8e: {  	v12 =	vadd.f32 v16, v12;
	v13 =	vadd.f32 v17, v13;
	v17 =	vld.idx.msk [tilespmem:v63+s2+$0x0], $0xffff  }
0x8f: {  	v63 =	vld [tilespmem:s23+$0x19EA0]  }
0x90: {  	v12 =	vadd.f32 v18, v12;
	v18 =	vld.idx.msk [tilespmem:v60+s2+$0x0], $0xffff  }
0x91: {  	v13 =	vadd.f32 v19, v13;
	v19 =	vld.idx.msk [tilespmem:v62+s2+$0x0], $0xffff  }
0x92: {  	v60 =	vld [tilespmem:s23+$0x1C6A0]  }
0x93: {  	v10 =	vadd.f32 v10, v12;
	v12 =	vld [tilespmem:s23+$0x18AA0]  }
0x94: {  	v11 =	vadd.f32 v11, v13;
	v13 =	vld [tilespmem:s23+$0x18EA0]  }
0x95: {  	v8 =	vadd.f32 v8, v10;
	v10 =	vld [tilespmem:s23+$0x192A0]  }
0x96: {  	v9 =	vadd.f32 v9, v11;
	v11 =	vld [tilespmem:s23+$0x196A0]  }
0x97: {  	v34 =	vld.idx.msk [tilespmem:v0+s2+$0x0], $0xffff  }
0x98: {  	v35 =	vld.idx.msk [tilespmem:v3+s2+$0x0], $0xffff  }
0x99: {  	v3 =	vld [tilespmem:s22+$0x1BEA0]  }
0x9a: {  	v37 =	vld.idx.msk [tilespmem:v4+s2+$0x0], $0xffff  }
0x9b: {  	v38 =	vld.idx.msk [tilespmem:v5+s2+$0x0], $0xffff  }
0x9c: {  	v4 =	vld [tilespmem:s22+$0x1C6A0]  }
0x9d: {  	v40 =	vld.idx.msk [tilespmem:v6+s2+$0x0], $0xffff  }
0x9e: {  	v5 =	vld [tilespmem:s22+$0x1CEA0]  }
0x9f: {  	v0 =	vld [tilespmem:s22+$0x1D2A0];
	v8 =	vadd.f32 v20, v8  }
0xa0: {  	v6 =	vld.idx.msk [tilespmem:v36+s2+$0x0], $0xffff;
	v7 =	vadd.f32 v7, v9  }
0xa1: {  	v36 =	vld [tilespmem:s23+$0x1A2A0];
	v8 =	vadd.f32 v21, v8  }
0xa2: {  	v9 =	vld [tilespmem:s23+$0x19AA0];
	v7 =	vadd.f32 v22, v7  }
0xa3: {  	v20 =	vld.idx.msk [tilespmem:v63+s2+$0x0], $0xffff;
	v2 =	vadd.f32 v2, v8  }
0xa4: {  	v7 =	vadd.f32 v23, v7;
	v8 =	vld.idx.msk [tilespmem:v12+s2+$0x0], $0xffff  }
0xa5: {  	v12 =	vadd.f32 $0.0e+00, v28;
	v13 =	vld.idx.msk [tilespmem:v13+s2+$0x0], $0xffff;
	v2 =	vadd.f32 v24, v2  }
0xa6: {  	v1 =	vadd.f32 v1, v7;
	v7 =	vld.idx.msk [tilespmem:v10+s2+$0x0], $0xffff;
	v10 =	vadd.f32 $0.0e+00, v29  }
0xa7: {  	v12 =	vadd.f32 v30, v12;
	v11 =	vld.idx.msk [tilespmem:v11+s2+$0x0], $0xffff;
	v24 =	vadd.f32 v55, v43  }
0xa8: {  	v41 =	vld.idx.msk [tilespmem:v3+s2+$0x0], $0xffff;
	v42 =	vadd.f32 v1, v2;
	v2 =	vadd.f32 v31, v10  }
0xa9: {  	v3 =	vld.idx.msk [tilespmem:v4+s2+$0x0], $0xffff;
	v10 =	vadd.f32 v32, v12;
	v12 =	vadd.f32 $0.0e+00, v52  }
0xaa: {  	v19 =	vadd.f32 $0.0e+00, v19;
	v4 =	vld.idx.msk [tilespmem:v39+s2+$0x0], $0xffff  }
0xab: {  	v1 =	vld [tilespmem:s23+$0x1AAA0];
	v24 =	vadd.f32 v57, v24;
	v12 =	vadd.f32 v54, v12  }
0xac: {  	v39 =	vld [tilespmem:s23+$0x1A6A0];
	v8 =	vadd.f32 $0.0e+00, v8;
	v2 =	vadd.f32 v25, v2  }
0xad: {  	v21 =	vld.idx.msk [tilespmem:v36+s2+$0x0], $0xffff;
	v13 =	vadd.f32 v13, v19;
	v12 =	vadd.f32 v56, v12  }
0xae: {  	v5 =	vld.idx.msk [tilespmem:v5+s2+$0x0], $0xffff;
	v10 =	vadd.f32 v26, v10;
	v2 =	vadd.f32 v27, v2  }
0xaf: {  	v9 =	vld.idx.msk [tilespmem:v9+s2+$0x0], $0xffff;
	v24 =	vadd.f32 v59, v24;
	v12 =	vadd.f32 v58, v12  }
0xb0: {  	v52 =	vld [tilespmem:s23+$0x1B2A0];
	v7 =	vadd.f32 v7, v8;
	v2 =	vadd.f32 v35, v2  }
0xb1: {  	v57 =	vld [tilespmem:s23+$0x1BEA0];
	v8 =	vadd.f32 v11, v13;
	v12 =	vadd.f32 v50, v12  }
0xb2: {  	v54 =	vld [tilespmem:s23+$0x1BAA0];
	v24 =	vadd.f32 v51, v24;
	v2 =	vadd.f32 v38, v2  }
0xb3: {  	v10 =	vadd.f32 v34, v10;
	v55 =	vld.idx.msk [tilespmem:v1+s2+$0x0], $0xffff;
	v1 =	vadd.f32 v48, v12  }
0xb4: {  	v22 =	vld.idx.msk [tilespmem:v39+s2+$0x0], $0xffff;
	v56 =	vadd.f32 v33, v2;
	v2 =	vadd.f32 v49, v24  }
0xb5: {  	v7 =	vadd.f32 v9, v7;
	v12 =	vld [tilespmem:s23+$0x1C2A0];
	v1 =	vadd.f32 v46, v1  }
0xb6: {  	v11 =	vld.idx.msk [tilespmem:v53+s2+$0x0], $0xffff;
	v10 =	vadd.f32 v37, v10;
	v2 =	vadd.f32 v47, v2  }
0xb7: {  	v8 =	vadd.f32 v20, v8;
	v58 =	vld.idx.msk [tilespmem:v45+s2+$0x0], $0xffff;
	v1 =	vadd.f32 v44, v1  }
0xb8: {  	v10 =	vadd.f32 v40, v10;
	v2 =	vadd.f32 v14, v2;
	v14 =	vld [tilespmem:s23+$0x1CAA0]  }
0xb9: {  	v59 =	vld.idx.msk [tilespmem:v52+s2+$0x0], $0xffff;
	v62 =	vadd.f32 v22, v8;
	v9 =	vadd.f32 v15, v1  }
0xba: {  	v8 =	vld.idx.msk [tilespmem:v57+s2+$0x0], $0xffff;
	v13 =	vadd.f32 v61, v2;
	v1 =	vmov s21;
	v61 =	vadd.f32 v21, v7  }
0xbb: {  	v10 =	vadd.f32 v41, v10;
	v15 =	vld.idx.msk [tilespmem:v54+s2+$0x0], $0xffff;
	v9 =	vadd.f32 v17, v9  }
0xbc: {  	v7 =	vld [tilespmem:s23+$0x1D2A0];
	v13 =	vadd.f32 v18, v13;
	v16 =	vadd.f32 v55, v61  }
0xbd: {  	v63 =	vadd.f32 v6, v56;
	v6 =	vld.idx.msk [tilespmem:v12+s2+$0x0], $0xffff;
	v12 =	vadd.f32 v58, v62  }
0xbe: {  	v2 =	vld [tilespmem:s23+$0x1CEA0];
	v13 =	vadd.f32 v13, v9;
	v16 =	vadd.f32 v59, v16  }
0xbf: {  	v3 =	vadd.f32 v3, v10;
	v4 =	vadd.f32 v4, v63;
	v9 =	vld.idx.msk [tilespmem:v60+s2+$0x0], $0xffff;
	[tilespmem:v1+s22+$0x10 ss:$0x1] =	vst.idx.msk $0xffff, v42  }
0xc0: {  	s24 =	simm.s32 $0x2;
	s25 =	simm.s32 $0x100;
	v11 =	vadd.f32 v11, v12;
	v10 =	vld.idx.msk [tilespmem:v14+s2+$0x0], $0xffff;
	[tilespmem:v1+s23+$0x10 ss:$0x1] =	vst.idx.msk $0xffff, v13;
	v12 =	vadd.f32 v15, v16  }
.LBB2_4:
0xc1: {  	s26 =	sshra.s32 s25, $0x2;
	v13 =	vld.idx.msk [tilespmem:v0+s2+$0x0], $0xffff;
	v0 =	vmov v7  }
0xc2: {  	v8 =	vadd.f32 v8, v11;
	v7 =	vld [tilespmem:s26+$0x1CEB0]  }
0xc3: {  	v6 =	vadd.f32 v6, v12;
	v11 =	vld [tilespmem:s26+$0x1D2B0]  }
0xc4: {  	v8 =	vadd.f32 v9, v8;
	v12 =	vld [tilespmem:s26+$0x1C6B0]  }
0xc5: {  	v6 =	vadd.f32 v10, v6;
	v9 =	vld [tilespmem:s26+$0x1CAB0]  }
0xc6: {  	v5 =	vadd.f32 v5, v3;
	v3 =	vmov v8;
	v10 =	vld [tilespmem:s26+$0x1BEB0]  }
0xc7: {  	v13 =	vadd.f32 v13, v4;
	v4 =	vmov v6;
	v8 =	vld [tilespmem:s26+$0x1C2B0]  }
0xc8: {  	v6 =	vld [tilespmem:s26+$0x1B6B0]  }
0xc9: {  	v5 =	vadd.f32 v13, v5;
	v14 =	vld [tilespmem:s26+$0x1BAB0]  }
0xca: {  	v13 =	vld [tilespmem:s26+$0x1AEB0]  }
0xcb: {  	v15 =	vld [tilespmem:s26+$0x1B2B0];
	[tilespmem:v1+s22+$0x0 ss:$0x1] =	vst.idx.msk $0xffff, v5;
	s22 =	smov.u32 s23;
	s23 =	smov.u32 s26  }
0xcc: {  	v5 =	vld [tilespmem:s23+$0x1A6B0]  }
0xcd: {  	v16 =	vld [tilespmem:s23+$0x1AAB0]  }
0xce: {  	s24 =	sadd.s32 $0x2, s24;
	v17 =	vld [tilespmem:s23+$0x186B0]  }
0xcf: {  	p1 =	slt.u32 s24, $0x3E;
	v18 =	vld [tilespmem:s23+$0x18AB0]  }
0xd0: {  	v19 =	vld [tilespmem:s23+$0x18EB0]  }
0xd1: {  	v20 =	vld [tilespmem:s23+$0x192B0]  }
0xd2: {  	v21 =	vld [tilespmem:s23+$0x196B0]  }
0xd3: {  	v22 =	vld [tilespmem:s23+$0x19AB0]  }
0xd4: {  	v23 =	vld [tilespmem:s23+$0x19EB0]  }
0xd5: {  	v24 =	vld [tilespmem:s23+$0x1A2B0]  }
0xd6: {  	v17 =	vld.idx.msk [tilespmem:v17+s2+$0x0], $0xffff  }
0xd7: {  	v18 =	vld.idx.msk [tilespmem:v18+s2+$0x0], $0xffff  }
0xd8: {  	v19 =	vld.idx.msk [tilespmem:v19+s2+$0x0], $0xffff  }
0xd9: {  	v20 =	vld.idx.msk [tilespmem:v20+s2+$0x0], $0xffff  }
0xda: {  	v21 =	vld.idx.msk [tilespmem:v21+s2+$0x0], $0xffff  }
0xdb: {  	v22 =	vld.idx.msk [tilespmem:v22+s2+$0x0], $0xffff  }
0xdc: {  	v23 =	vld.idx.msk [tilespmem:v23+s2+$0x0], $0xffff  }
0xdd: {  	v17 =	vadd.f32 $0.0e+00, v17;
	v18 =	vadd.f32 $0.0e+00, v18;
	v24 =	vld.idx.msk [tilespmem:v24+s2+$0x0], $0xffff  }
0xde: {  	v5 =	vld.idx.msk [tilespmem:v5+s2+$0x0], $0xffff  }
0xdf: {  	v17 =	vadd.f32 v19, v17;
	v18 =	vadd.f32 v20, v18;
	v16 =	vld.idx.msk [tilespmem:v16+s2+$0x0], $0xffff  }
0xe0: {  	v13 =	vld.idx.msk [tilespmem:v13+s2+$0x0], $0xffff  }
0xe1: {  	v17 =	vadd.f32 v21, v17;
	v18 =	vadd.f32 v22, v18;
	v15 =	vld.idx.msk [tilespmem:v15+s2+$0x0], $0xffff  }
0xe2: {  	v6 =	vld.idx.msk [tilespmem:v6+s2+$0x0], $0xffff  }
0xe3: {  	v17 =	vadd.f32 v23, v17;
	v18 =	vadd.f32 v24, v18;
	v14 =	vld.idx.msk [tilespmem:v14+s2+$0x0], $0xffff  }
0xe4: {  	v10 =	vld.idx.msk [tilespmem:v10+s2+$0x0], $0xffff  }
0xe5: {  	v5 =	vadd.f32 v5, v17;
	v16 =	vadd.f32 v16, v18;
	v8 =	vld.idx.msk [tilespmem:v8+s2+$0x0], $0xffff  }
0xe6: {  	v12 =	vld.idx.msk [tilespmem:v12+s2+$0x0], $0xffff  }
0xe7: {  	v5 =	vadd.f32 v13, v5;
	v13 =	vadd.f32 v15, v16;
	v9 =	vld.idx.msk [tilespmem:v9+s2+$0x0], $0xffff  }
0xe8: {  	v7 =	vld.idx.msk [tilespmem:v7+s2+$0x0], $0xffff  }
0xe9: {  	v5 =	vadd.f32 v6, v5;
	v6 =	vadd.f32 v14, v13;
	v11 =	vld.idx.msk [tilespmem:v11+s2+$0x0], $0xffff  }
0xea: {  	v13 =	vld [tilespmem:s23+$0x186A0]  }
0xeb: {  	v5 =	vadd.f32 v10, v5;
	v6 =	vadd.f32 v8, v6;
	v14 =	vld [tilespmem:s23+$0x18AA0]  }
0xec: {  	v8 =	vld [tilespmem:s23+$0x18EA0]  }
0xed: {  	v5 =	vadd.f32 v12, v5;
	v6 =	vadd.f32 v9, v6;
	v10 =	vld [tilespmem:s23+$0x192A0]  }
0xee: {  	v9 =	vld [tilespmem:s23+$0x196A0]  }
0xef: {  	v5 =	vadd.f32 v7, v5;
	v6 =	vadd.f32 v11, v6;
	v12 =	vld [tilespmem:s23+$0x19AA0]  }
0xf0: {  	v7 =	vld [tilespmem:s23+$0x19EA0]  }
0xf1: {  	v5 =	vadd.f32 v6, v5;
	v11 =	vld [tilespmem:s23+$0x1A2A0]  }
0xf2: {  	v6 =	vld.idx.msk [tilespmem:v13+s2+$0x0], $0xffff  }
0xf3: {  	v13 =	vld.idx.msk [tilespmem:v14+s2+$0x0], $0xffff;
	[tilespmem:v1+s23+$0x10 ss:$0x1] =	vst.idx.msk $0xffff, v5  }
0xf4: {  	v5 =	vld.idx.msk [tilespmem:v8+s2+$0x0], $0xffff  }
0xf5: {  	v8 =	vld.idx.msk [tilespmem:v10+s2+$0x0], $0xffff  }
0xf6: {  	v10 =	vld [tilespmem:s23+$0x1A6A0]  }
0xf7: {  	v14 =	vld [tilespmem:s23+$0x1AAA0]  }
0xf8: {  	v6 =	vadd.f32 $0.0e+00, v6;
	v9 =	vld.idx.msk [tilespmem:v9+s2+$0x0], $0xffff  }
0xf9: {  	v13 =	vadd.f32 $0.0e+00, v13;
	v12 =	vld.idx.msk [tilespmem:v12+s2+$0x0], $0xffff  }
0xfa: {  	v5 =	vadd.f32 v5, v6;
	v6 =	vld [tilespmem:s23+$0x1AEA0]  }
0xfb: {  	v8 =	vadd.f32 v8, v13;
	v13 =	vld [tilespmem:s23+$0x1B2A0]  }
0xfc: {  	v7 =	vld.idx.msk [tilespmem:v7+s2+$0x0], $0xffff  }
0xfd: {  	v11 =	vld.idx.msk [tilespmem:v11+s2+$0x0], $0xffff  }
0xfe: {  	v5 =	vadd.f32 v9, v5;
	v9 =	vld [tilespmem:s23+$0x1B6A0]  }
0xff: {  	v8 =	vadd.f32 v12, v8;
	v12 =	vld [tilespmem:s23+$0x1BAA0]  }
0x100: {  	v10 =	vld.idx.msk [tilespmem:v10+s2+$0x0], $0xffff  }
0x101: {  	v14 =	vld.idx.msk [tilespmem:v14+s2+$0x0], $0xffff  }
0x102: {  	v5 =	vadd.f32 v7, v5;
	v15 =	vld [tilespmem:s23+$0x1BEA0]  }
0x103: {  	v7 =	vadd.f32 v11, v8;
	v11 =	vld [tilespmem:s23+$0x1C2A0]  }
0x104: {  	v6 =	vld.idx.msk [tilespmem:v6+s2+$0x0], $0xffff  }
0x105: {  	v8 =	vld.idx.msk [tilespmem:v13+s2+$0x0], $0xffff  }
0x106: {  	v5 =	vadd.f32 v10, v5;
	v10 =	vld [tilespmem:s23+$0x1C6A0]  }
0x107: {  	v7 =	vadd.f32 v14, v7;
	v13 =	vld [tilespmem:s23+$0x1CAA0]  }
0x108: {  	v9 =	vld.idx.msk [tilespmem:v9+s2+$0x0], $0xffff  }
0x109: {  	v12 =	vld.idx.msk [tilespmem:v12+s2+$0x0], $0xffff  }
0x10a: {  	v5 =	vadd.f32 v6, v5;
	v14 =	vld [tilespmem:s23+$0x1CEA0]  }
0x10b: {  	v16 =	vadd.f32 v8, v7;
	v7 =	vld [tilespmem:s23+$0x1D2A0]  }
.Ltmp0:
0x10c: {  	v8 =	vld.idx.msk [tilespmem:v15+s2+$0x0], $0xffff;
	(pc) =	sbr.rel @p1 .LBB2_4-.Ltmp0, $4  }
0x10d: {  	v6 =	vld.idx.msk [tilespmem:v11+s2+$0x0], $0xffff  }
0x10e: {  	v11 =	vadd.f32 v9, v5;
	v9 =	vld.idx.msk [tilespmem:v10+s2+$0x0], $0xffff  }
0x10f: {  	v12 =	vadd.f32 v12, v16;
	v10 =	vld.idx.msk [tilespmem:v13+s2+$0x0], $0xffff  }
0x110: {  	s25 =	sadd.s32 $0x80, s25;
	v5 =	vld.idx.msk [tilespmem:v2+s2+$0x0], $0xffff;
	v2 =	vmov v14  }
0x111: {  	_ =	sdelay $0x3  }
0x112: {  	v0 =	vld.idx.msk [tilespmem:v0+s2+$0x0], $0xffff  }
0x113: {  	v2 =	vld.idx.msk [tilespmem:v2+s2+$0x0], $0xffff  }
0x114: {  	v7 =	vld.idx.msk [tilespmem:v7+s2+$0x0], $0xffff  }
0x115: {  	v8 =	vadd.f32 v8, v11;
	v6 =	vadd.f32 v6, v12;
	_ =	sdelay $0x1  }
0x116: {  	s19 =	sadd.s32 $0x1, s19;
	v8 =	vadd.f32 v9, v8;
	v6 =	vadd.f32 v10, v6  }
0x117: {  	p1 =	sne.s32 s19, $0x4;
	v3 =	vadd.f32 v5, v3;
	v0 =	vadd.f32 v0, v4  }
.Ltmp1:
0x118: {  	v2 =	vadd.f32 v2, v8;
	v63 =	vadd.f32 v7, v6;
	(pc) =	sbr.rel @p1 .LBB2_3-.Ltmp1, $4  }
0x119: {  	v0 =	vadd.f32 v0, v3  }
0x11a: {  	v2 =	vadd.f32 v63, v2  }
0x11b: {  	[tilespmem:v1+s22+$0x0 ss:$0x1] =	vst.idx.msk $0xffff, v0  }
0x11c: {  	s21 =	sadd.s32 $0x400, s21;
	[tilespmem:v1+s23+$0x0 ss:$0x1] =	vst.idx.msk $0xffff, v2  }
0x11d: {  	s17 =	sadd.s32 $0x1, s17  }
0x11e: {  	s18 =	sshll.u32 s18, $0x9;
	p1 =	sne.s32 s17, $0x3  }
.Ltmp2:
0x11f: {  	s18 =	sadd.s32 s6, s18;
	(pc) =	sbr.rel @p1 .LBB2_2-.Ltmp2, $4  }
0x120: {  	[hbm4b:s18+s2] =	stream.linear.scatter [tilespmem:s15], [sflag:$0x2], $0x1000, $0x38;
	[tilespmem:$0x1F0A0] =	vst v63  }
0x121: {  	_ =	swait.ge [sflag:s13], $0x1000  }
0x122: {  	[sflag:s13] =	ssyncset.done $0x0  }
0x123: {  	[sflag:s13] =	ssyncadd.s32 $0xFFFFF000  }
0x124: {  	s16 =	sadd.s32 $0x1, s16  }
0x125: {  	p1 =	sne.s32 s16, s10  }
.Ltmp3:
0x126: {  	_ = 	snop;
	(pc) =	sbr.rel @p1 .LBB2_1-.Ltmp3, $1  }
0x127: {  	_ =	sdelay $0x3  }
0x128: {  	_ =	sfence.sel $0x180000  }
0x129: {  	[bflag:$0x0] =	sbarrier.arrive $0xFFFF  }
0x12a: {  	_ =	strace $0x9000004D  }
0x12b: {  	s0 =	sadd.s32 @!p0 $0x100000, s0;
	[bflag:$0x2] =	sbarrier.arrive $0xFFFF  }
0x12c: {  	[sflag:s0] =	ssyncadd.tile.s32 @!p0 $0x1;
	_ =	shalt  }
.Lfunc_end2:
_tile_overlayer_lowered:
.L_overlay_start_2:
0x12d: {  	(tag) =	ssettag $0x2  }
0x12e: {  	s0 =	rddreg [dreg:$0x0];
	s2 =	stileid.u32  }
0x12f: {  	s1 =	rddreg [dreg:$0x1];
	p0 =	sne.s32 s2, $0x0  }
0x130: {  	s3 =	rddreg [dreg:$0x2];
	[bflag:$0x3] =	sbarrier.arrive $0xFFFF;
	s2 =	simm.s32 @!p0 $0x1C02  }
0x131: {  	[timem:s3], [sflag:s2] =	dma.local @!p0 [hbm:s0], s1  }
0x132: {  	s0 =	simm.s32 @!p0 $0x2  }
0x133: {  	_ =	swait.ge @!p0 [sflag:s0], s1  }
0x134: {  	s1 =	ssub.s32 @!p0 $0x0, s1;
	[sflag:s0] =	ssyncset.done @!p0 $0x0  }
0x135: {  	[sflag:s0] =	ssyncadd.s32 @!p0 s1  }
0x136: {  	[bflag:$0x3] =	sbarrier.arrive $0xFFFF  }
0x137: {  	_ =	shalt  }

// kernel: kernel.13.cloned.1.call-start
scs
__scs_entry_jumppad:
0x0: {  	(pc) =	sbr.rel $0x88, $3  }
0x1: {  	(tag) =	ssettag $0x0;
	lr =	simm.s32 $0x1  }
0x2: {  	[smem:$0x3F9E] =	sst lr;
	_ =	strace $0xD0000000  }
0x3: {  	_ = 	snop  }
0x4: {  	_ = 	snop  }
0x5: {  	_ = 	snop  }
0x6: {  	_ = 	snop  }
0x7: {  	_ = 	snop  }
__scs_overlays_trampoline_lowered:
0x8: {  	[smem:$0x3FAD] =	sst s0  }
0x9: {  	[smem:$0x3FAE] =	sst s1  }
0xa: {  	[smem:$0x3FAF] =	sst s2  }
0xb: {  	[smem:$0x3FB0] =	sst s3  }
0xc: {  	[smem:$0x3FB1] =	sst s4  }
0xd: {  	[smem:$0x3FB2] =	sst s5  }
0xe: {  	[smem:$0x3FB3] =	sst s6  }
0xf: {  	[smem:$0x3FB4] =	sst s7  }
0x10: {  	[smem:$0x3FB5] =	sst s8  }
0x11: {  	[smem:$0x3FB6] =	sst s9;
	s0 =	simm.s32 @!p0 $0x0  }
0x12: {  	s1 =	sld [smem:$0x3F9C];
	s0 =	simm.s32 @p0 $0x1  }
0x13: {  	[smem:$0x3FB7] =	sst s0;
	s0 =	simm.s32 @!p1 $0x0  }
0x14: {  	s2 =	sld [smem:$0x3F9B];
	s0 =	simm.s32 @p1 $0x1  }
0x15: {  	[smem:$0x3FB8] =	sst s0;
	s0 =	simm.s32 @!p2 $0x0  }
0x16: {  	s3 =	sld [smem:$0x3FDB];
	s0 =	simm.s32 @p2 $0x1  }
0x17: {  	s4 =	simm.s32 $0x1BF5;
	[smem:$0x3FBA] =	sst s0  }
0x18: {  	s0 =	sld [smem:$0x3F9D];
	_ =	swait.ge [sflag:s4], $0x0  }
0x19: {  	s7 =	sld [smem:$0x3F9E]  }
0x1a: {  	s8 =	sadd.s32 $0xFFFFE003, lr  }
0x1b: {  	s9 =	sadd.s32 $0xFFFFFEF7, lr;
	s5 =	simm.s32 $0xFFFFFFFF;
	p2 =	slt.u32 s8, $0xFFFFF086  }
0x1c: {  	p1 =	slt.u32 s9, $0xF7A;
	s5 =	simm.s32 @!p2 $0x0  }
0x1d: {  	s5 =	simm.s32 @p1 $0x1;
	p0 =	seq.s32 s7, s2  }
0x1e: {  	s7 =	smul.u32 @!p0 $0xF7A, s2;
	p2 =	seq.s32 @!p0 s5, $0x0  }
0x1f: {  	s9 =	smul.u32 $0xF7A, s1;
	s8 =	simm.s32 @!p0 $0x1BF5;
	p2 =	por !p2, p0  }
0x20: {  	[sflag:s8] =	ssyncset.s32 @!p0 $0xFFFFF086;
	s6 =	sadd.s32 @!p0 s3, s7;
	s7 =	simm.s32 @!p0 $0x108  }
0x21: {  	s3 =	sadd.s32 s3, s9;
	s6 =	sadd.s32 @!p0 $0x88, s6;
	s7 =	simm.s32 @p2 $0x1082  }
0x22: {  	[simem:s7], [sflag:s8] =	dma.local @!p0 [hbm:s6], $0xF7A  }
0x23: {  	s9 =	sor.u32 $0xD0000000, s2;
	s6 =	simm.s32 $0x108;
	_ =	swait.ge @!p0 [sflag:s8], $0x0  }
0x24: {  	s3 =	sadd.s32 $0x88, s3;
	s6 =	simm.s32 @!p1 $0x1082;
	[sflag:s4] =	ssyncset.s32 $0xFFFFF086  }
0x25: {  	[simem:s6], [sflag:s4] =	dma.local [hbm:s3], $0xF7A  }
0x26: {  	[smem:$0x3F9E] =	sst s1;
	(tag) =	ssettag s2;
	_ =	strace s9  }
0x27: {  	s1 =	sld [smem:$0x3FAE]  }
0x28: {  	s2 =	sld [smem:$0x3FAF]  }
0x29: {  	s4 =	sld [smem:$0x3FB1]  }
0x2a: {  	p0 =	seq.s32 s5, $0x0;
	s5 =	sld [smem:$0x3FB2]  }
0x2b: {  	s6 =	sld [smem:$0x3FB3]  }
0x2c: {  	s7 =	sld [smem:$0x3FB4]  }
0x2d: {  	s3 =	simm.s32 $0x108;
	s8 =	sld [smem:$0x3FB5]  }
0x2e: {  	s3 =	simm.s32 @!p0 $0x1082;
	s9 =	sld [smem:$0x3FB6]  }
0x2f: {  	lr =	sadd.s32 s0, s3;
	s0 =	sld [smem:$0x3FAD]  }
0x30: {  	s3 =	sld [smem:$0x3FB0]  }
0x31: {  	[smem:$0x3FB9] =	sst s10  }
0x32: {  	s10 =	sld [smem:$0x3FB7];
	_ =	sdelay $0x3  }
0x33: {  	p0 =	seq.s32 s10, $0x1;
	s10 =	sld [smem:$0x3FB9];
	_ =	sdelay $0x3  }
0x34: {  	[smem:$0x3FB9] =	sst s10  }
0x35: {  	s10 =	sld [smem:$0x3FB8];
	_ =	sdelay $0x3  }
0x36: {  	p1 =	seq.s32 s10, $0x1;
	s10 =	sld [smem:$0x3FB9];
	_ =	sdelay $0x3  }
0x37: {  	[smem:$0x3FB9] =	sst s10  }
0x38: {  	s10 =	sld [smem:$0x3FBA]  }
0x39: {  	_ = 	snop;
	(pc) =	sbr.ind lr, $3  }
0x3a: {  	_ = 	snop  }
0x3b: {  	_ = 	snop  }
0x3c: {  	p2 =	seq.s32 s10, $0x1;
	s10 =	sld [smem:$0x3FB9]  }
0x3d: {  	_ =	shalt  }
0x3e: {  	_ =	shalt  }
0x3f: {  	_ =	shalt  }
0x40: {  	_ =	shalt  }
0x41: {  	_ =	shalt  }
0x42: {  	_ =	shalt  }
0x43: {  	_ =	shalt  }
0x44: {  	_ =	shalt  }
0x45: {  	_ =	shalt  }
0x46: {  	_ =	shalt  }
0x47: {  	_ =	shalt  }
0x48: {  	_ =	shalt  }
0x49: {  	_ =	shalt  }
0x4a: {  	_ =	shalt  }
0x4b: {  	_ =	shalt  }
0x4c: {  	_ =	shalt  }
0x4d: {  	_ =	shalt  }
0x4e: {  	_ =	shalt  }
0x4f: {  	_ =	shalt  }
0x50: {  	_ =	shalt  }
0x51: {  	_ =	shalt  }
0x52: {  	_ =	shalt  }
0x53: {  	_ =	shalt  }
0x54: {  	_ =	shalt  }
0x55: {  	_ =	shalt  }
0x56: {  	_ =	shalt  }
0x57: {  	_ =	shalt  }
0x58: {  	_ =	shalt  }
0x59: {  	_ =	shalt  }
0x5a: {  	_ =	shalt  }
0x5b: {  	_ =	shalt  }
0x5c: {  	_ =	shalt  }
0x5d: {  	_ =	shalt  }
0x5e: {  	_ =	shalt  }
0x5f: {  	_ =	shalt  }
0x60: {  	_ =	shalt  }
0x61: {  	_ =	shalt  }
0x62: {  	_ =	shalt  }
0x63: {  	_ =	shalt  }
0x64: {  	_ =	shalt  }
0x65: {  	_ =	shalt  }
0x66: {  	_ =	shalt  }
0x67: {  	_ =	shalt  }
0x68: {  	_ =	shalt  }
0x69: {  	_ =	shalt  }
0x6a: {  	_ =	shalt  }
0x6b: {  	_ =	shalt  }
0x6c: {  	_ =	shalt  }
0x6d: {  	_ =	shalt  }
0x6e: {  	_ =	shalt  }
0x6f: {  	_ =	shalt  }
0x70: {  	_ =	shalt  }
0x71: {  	_ =	shalt  }
0x72: {  	_ =	shalt  }
0x73: {  	_ =	shalt  }
0x74: {  	_ =	shalt  }
0x75: {  	_ =	shalt  }
0x76: {  	_ =	shalt  }
0x77: {  	_ =	shalt  }
0x78: {  	_ =	shalt  }
0x79: {  	_ =	shalt  }
0x7a: {  	_ =	shalt  }
0x7b: {  	_ =	shalt  }
0x7c: {  	_ =	shalt  }
0x7d: {  	_ =	shalt  }
0x7e: {  	_ =	shalt  }
0x7f: {  	_ =	shalt  }
0x80: {  	_ =	shalt  }
0x81: {  	_ =	shalt  }
0x82: {  	_ =	shalt  }
0x83: {  	_ =	shalt  }
0x84: {  	_ =	shalt  }
0x85: {  	_ =	shalt  }
0x86: {  	_ =	shalt  }
0x87: {  	_ =	shalt  }
.Lfunc_end0:
.L_simem_size_0:
called_computation.2_lowered:
.L_overlay_start_0:
0x88: {  	s2 =	sld [smem:$0x3FD9]  }
0x89: {  	s3 =	sld [smem:$0x3FFE];
	_ =	sdelay $0x1  }
0x8a: {  	s1 =	srdreg.scid  }
0x8b: {  	s0 =	sand.u32 $0x1, s1  }
0x8c: {  	s17 =	sshll.u32 s0, $0xA;
	s2 =	sadd.s32 s3, s2  }
0x8d: {  	s2 =	sadd.s32 s2, s17  }
0x8e: {  	[smem:$0x3FC5] =	sst s2  }
0x8f: {  	_ = 	snop  }
0x90: {  	(tm) =	ssettm $0x1  }
0x91: {  	s18 =	sld [smem:$0x3FFB];
	_ =	sdelay $0x3  }
0x92: {  	_ =	strace s18  }
0x93: {  	s2 =	sld [smem:$0x3FFC];
	_ =	sdelay $0x3  }
0x94: {  	_ =	strace s2  }
0x95: {  	s2 =	sld [smem:$0x3FFD];
	_ =	sdelay $0x3  }
0x96: {  	_ =	strace s2  }
0x97: {  	_ =	strace $0x8FFFFFFF  }
0x98: {  	s19 =	sld [smem:$0x3FDB];
	_ =	sdelay $0x1  }
0x99: {  	s20 =	simm.s32 $_scs_section_size  }
0x9a: {  	s4 =	simm.s32 $_size__tile_overlayer_lowered;
	s5 =	simm.s32 $_tile_overlayer_lowered  }
0x9b: {  	s6 =	simm.s32 $0x1BFF;
	s21 =	sshll.u32 s5, $0x1;
	s3 =	sadd.s32 s20, s19  }
0x9c: {  	s22 =	simm.s32 $0x0;
	s4 =	sshll.u32 s4, $0x1;
	s5 =	sadd.s32 s21, s3  }
0x9d: {  	[timem:s22], [sflag:s6] =	dma.local [hbm:s5], s4  }
0x9e: {  	_ =	swait.ge [sflag:s6], s4  }
0x9f: {  	s4 =	ssub.s32 $0x0, s4;
	[sflag:s6] =	ssyncset.done $0x0  }
0xa0: {  	[sflag:s6] =	ssyncadd.s32 s4;
	_ =	sdelay $0x1  }
0xa1: {  	s23 =	simm.s32 $0x1B8B  }
0xa2: {  	_ =	swait.ge [sflag:s23], $0x1  }
0xa3: {  	[sflag:s23] =	ssyncset.done $0x0  }
0xa4: {  	[sflag:s23] =	ssyncadd.s32 $0xFFFFFFFF  }
0xa5: {  	s4 =	sld [smem:$0x0]  }
0xa6: {  	s5 =	sand.u32 $0xFFFFFFFE, s1  }
0xa7: {  	p0 =	sne.s32 s1, s5  }
0xa8: {  	s5 =	sshll.u32 @p0 s5, $0xE  }
0xa9: {  	s5 =	sadd.s32 @p0 $0x11B8D, s5;
	s6 =	sshll.u32 @p0 s4, $0x11  }
0xaa: {  	s5 =	sor.u32 @p0 s6, s5  }
0xab: {  	[sflag:s5] =	ssyncadd.remote.s32 @p0 $0x1;
	_ =	sdelay $0x1  }
0xac: {  	s5 =	simm.s32 @p0 $0x1B8D  }
0xad: {  	_ =	swait.eq @p0 [sflag:s5], $0x1  }
0xae: {  	[sflag:s5] =	ssyncadd.s32 @p0 $0xFFFFFFFF  }
0xaf: {  	s6 =	sshll.u32 @!p0 s1, $0xE  }
0xb0: {  	s6 =	sor.u32 @!p0 $0x4000, s6;
	s5 =	simm.s32 @!p0 $0x1B8D  }
0xb1: {  	s4 =	sshll.u32 @!p0 s4, $0x11;
	s6 =	sadd.s32 @!p0 $0x11B8D, s6;
	_ =	swait.eq @!p0 [sflag:s5], $0x1  }
0xb2: {  	s4 =	sor.u32 @!p0 s4, s6;
	[sflag:s5] =	ssyncadd.s32 @!p0 $0xFFFFFFFF  }
0xb3: {  	s25 =	simm.s32 $0x1B8E;
	s24 =	sld [smem:$0x3FFE];
	[sflag:s4] =	ssyncadd.remote.s32 @!p0 $0x1  }
0xb4: {  	s26 =	simm.s32 $execute0_lowered;
	[smem:$0x3FD2] =	sst s25  }
0xb5: {  	s5 =	sshll.u32 s26, $0x1;
	_ =	strace $0x8000004F;
	[dreg:$0x1] =	wrdreg $0xFFFFFFFF  }
0xb6: {  	s28 =	simm.s32 $_size_execute0_lowered;
	s3 =	sadd.s32 s3, s5;
	[dreg:$0x0] =	wrdreg $0x0  }
0xb7: {  	s5 =	sshll.u32 s28, $0x1;
	[dreg:$0x2] =	wrdreg s3  }
0xb8: {  	[dreg:$0x3] =	wrdreg s5  }
0xb9: {  	[dreg:$0x4] =	wrdreg $0xC0  }
0xba: {  	_ =	task [dreg:s22], $0x5FFFF  }
0xbb: {  	[dreg:$0x1] =	wrdreg $0xFFFFFFFF  }
0xbc: {  	[dreg:$0x0] =	wrdreg $0x60  }
0xbd: {  	[dreg:$0x2] =	wrdreg s24  }
0xbe: {  	[dreg:$0x3] =	wrdreg $0x1E6A00  }
0xbf: {  	[dreg:$0x4] =	wrdreg $0xB  }
0xc0: {  	_ =	task.clear_ibuf [dreg:s22], $0x5FFFF;
	_ =	strace $0x9000004F  }
0xc1: {  	s29 =	simm.s32 $0xB;
	_ =	strace $0x80000051  }
0xc2: {  	_ =	swait.ge [sflag:s29], $0x1  }
0xc3: {  	[sflag:s29] =	ssyncadd.s32 $0xFFFFFFFF  }
0xc4: {  	_ =	strace $0x90000051  }
0xc5: {  	_ =	sfence  }
0xc6: {  	s30 =	sld [smem:$0x0];
	_ =	sdelay $0x2  }
0xc7: {  	s31 =	sshll.u32 s1, $0xD;
	s1 =	sshrl.u32 s1, $0x2  }
0xc8: {  	s4 =	sand.u32 $0x4000, s31;
	s1 =	sadd.s32 s1, s30  }
0xc9: {  	s0 =	sor.u32 s4, s0;
	s1 =	sshll.u32 s1, $0x11  }
0xca: {  	s0 =	sor.u32 s1, s0  }
0xcb: {  	s0 =	sadd.s32 $0x8F2B, s0  }
0xcc: {  	[sflag:s0] =	ssyncadd.remote.s32 $0x1  }
0xcd: {  	_ =	sfence.sel $0xFFFF  }
0xce: {  	[dreg:$0x0] =	wrdreg $0xFFFFFFFF;
	(pc) =	sbr.abs _section_cstart, $3  }
0xcf: {  	[dreg:$0x1] =	wrdreg $0xFFFFFFFF  }
0xd0: {  	_ =	task.clear_ibuf [dreg:s22], $0x2FFFF;
	_ =	strace $0x9FFFFFFF  }
0xd1: {  	(tm) =	ssettm $0x7FFFFFFF  }
tec
execute0_lowered:
.L_overlay_start_1:
0x0: {  	(tag) =	ssettag $0x1  }
0x1: {  	s8 =	rddreg [dreg:$0x0]  }
0x2: {  	s1 =	rddreg [dreg:$0x1]  }
0x3: {  	s0 =	rddreg [dreg:$0x2];
	s2 =	simm.s32 $0x0;
	s3 =	srdreg.scid  }
0x4: {  	s6 =	stileid.u32;
	s12 =	simm.s32 $0x2;
	s13 =	simm.s32 $0x186A0  }
0x5: {  	s14 =	simm.s32 $0x1D6A0;
	s15 =	simm.s32 $0x0;
	[smem:$0x7FF] =	sst s2  }
0x6: {  	s7 =	sand.u32 $0x1, s3;
	s3 =	sadd.s32 $0x666800, s8;
	s4 =	sadd.s32 $0x1C00, s8  }
0x7: {  	s5 =	sadd.s32 $0x11A400, s8;
	s11 =	sadd.s32 $0x5000, s1;
	s9 =	ssub.s32 $0x2, s7  }
0x8: {  	s8 =	sadd.s32 $0x1C80, s8;
	p0 =	sne.s32 s6, $0x0;
	s10 =	sshrl.u32 s9, $0x1  }
0x9: {  	_ =	strace $0x80000050;
	s7 =	sshll.u32 s7, $0x2;
	s9 =	ssub.s32 s9, s10  }
0xa: {  	s11 =	sshrl.u32 @!p0 s11, $0x3;
	s10 =	sshrl.u32 @!p0 s1, $0x3;
	s9 =	smax.u32 s9, $0x1  }
.LBB2_1:
0xb: {  	s16 =	simm.s32 $0x0  }
.LBB2_2:
0xc: {  	s17 =	sadd.s32 s7, s16  }
0xd: {  	s21 =	simm.s32 @!p0 $0x8;
	s19 =	sor.u32 $0x8, s17  }
0xe: {  	s22 =	simm.s32 @!p0 $0x80;
	s17 =	sshll.u32 s17, $0x4;
	s18 =	smul.u32 @!p0 $0x2800, s19  }
0xf: {  	s23 =	simm.s32 @!p0 $0x200;
	s24 =	simm.s32 @!p0 $0x1C01;
	s17 =	sor.u32 s6, s17  }
0x10: {  	s31 =	smul.u32 $0x30D4, s17;
	s20 =	sadd.s32 @!p0 s4, s18;
	s18 =	sadd.s32 @!p0 s18, s8  }
0x11: {  	[spmem:s10@s22], [sflag:s24] =	dma.strided @!p0 [hbm:s20@s23], $0xA00, s21, $0x10   }
0x12: {  	[spmem:s11@s22], [sflag:s24] =	dma.strided @!p0 [hbm:s18@s23], $0xA00, s21, $0x10   }
0x13: {  	s20 =	sadd.s32 s3, s31;
	s18 =	simm.s32 $0x0  }
0x14: {  	[tilespmem:s18], [sflag:$0x2] =	stream.linear.gather [hbm4b:s20+s18], $0x186A0, $0x38;
	[tilespmem:$0x1F0A0] =	vst v63  }
0x15: {  	s19 =	smul.u32 $0x14000, s19;
	_ =	swait.ge [sflag:s12], $0x186A0  }
0x16: {  	[sflag:s12] =	ssyncset.done $0x0  }
0x17: {  	s19 =	sor.u32 $0x800, s19;
	s20 =	simm.s32 $0x1D6A0;
	[sflag:s12] =	ssyncadd.s32 $0xFFFE7960  }
.LBB2_3:
0x18: {  	s21 =	simm.s32 @!p0 $0x1;
	s22 =	sand.u32 $0x1, s18  }
0x19: {  	_ =	swait.ge @!p0 [sflag:s21], $0xA00;
	p1 =	seq.s32 s22, $0x1;
	s22 =	simm.s32 $0x5000  }
0x1a: {  	[sflag:s21] =	ssyncset.done @!p0 $0x0;
	s22 =	simm.s32 @!p1 $0x0;
	p1 =	sgt.u32 @!p0 s18, $0x1  }
0x1b: {  	[sflag:s21] =	ssyncadd.s32 @!p0 $0xFFFFF600;
	p1 =	por p1, p0  }
0x1c: {  	s21 =	sadd.s32 s22, s1;
	[bflag:$0x0] =	sbarrier.arrive $0xFFFF;
	s22 =	sshll.u32 @!p1 s18, $0xA  }
0x1d: {  	[tilespmem:s13], [sflag:$0x2] =	stream.linear.gather [spmem:s21], $0x5000, $0x38;
	[tilespmem:$0x1F0A0] =	vst v63  }
0x1e: {  	s23 =	simm.s32 @!p1 $0x8;
	s24 =	simm.s32 @!p1 $0x80;
	_ =	swait.ge [sflag:s12], $0x5000  }
0x1f: {  	s25 =	simm.s32 @!p1 $0x200;
	s22 =	sor.u32 @!p1 s19, s22;
	[sflag:s12] =	ssyncset.done $0x0  }
0x20: {  	s26 =	simm.s32 @!p1 $0x1C01;
	s22 =	sshrl.u32 @!p1 s22, $0x3;
	[sflag:s12] =	ssyncadd.s32 $0xFFFFB000  }
0x21: {  	s21 =	sshrl.u32 @!p1 s21, $0x3;
	s22 =	sadd.s32 @!p1 s4, s22;
	[bflag:$0x0] =	sbarrier.arrive $0xFFFF  }
0x22: {  	[spmem:s21@s24], [sflag:s26] =	dma.strided @!p1 [hbm:s22@s25], $0xA00, s23, $0x10   }
0x23: {  	s21 =	simm.s32 $0x0  }
0x24: {  	v0 =	vld [tilespmem:s21+$0x1CEB0]  }
0x25: {  	v1 =	vld [tilespmem:s21+$0x1D2B0]  }
0x26: {  	v2 =	vld [tilespmem:s21+$0x1C6B0]  }
0x27: {  	v3 =	vld [tilespmem:s21+$0x1CAB0]  }
0x28: {  	v4 =	vld [tilespmem:s21+$0x1BEB0]  }
0x29: {  	v5 =	vld [tilespmem:s21+$0x1C2B0]  }
0x2a: {  	v6 =	vld [tilespmem:s21+$0x1B6B0]  }
0x2b: {  	v7 =	vld [tilespmem:s21+$0x1BAB0]  }
0x2c: {  	v8 =	vld [tilespmem:s21+$0x1AEB0]  }
0x2d: {  	v9 =	vld [tilespmem:s21+$0x1B2B0]  }
0x2e: {  	v10 =	vld [tilespmem:s21+$0x1A6B0]  }
0x2f: {  	v11 =	vld [tilespmem:s21+$0x1AAB0]  }
0x30: {  	v12 =	vld [tilespmem:s21+$0x186B0]  }
0x31: {  	v13 =	vld [tilespmem:s21+$0x18AB0]  }
0x32: {  	v14 =	vld [tilespmem:s21+$0x18EB0]  }
0x33: {  	v15 =	vld [tilespmem:s21+$0x192B0]  }
0x34: {  	v16 =	vld [tilespmem:s21+$0x196B0]  }
0x35: {  	v17 =	vld [tilespmem:s21+$0x19AB0]  }
0x36: {  	v18 =	vld [tilespmem:s21+$0x19EB0]  }
0x37: {  	v19 =	vld [tilespmem:s21+$0x1A2B0]  }
0x38: {  	v25 =	vld [tilespmem:s21+$0x19AA0]  }
0x39: {  	v26 =	vld [tilespmem:s21+$0x19EA0]  }
0x3a: {  	v27 =	vld [tilespmem:s21+$0x1A2A0]  }
0x3b: {  	v33 =	vld [tilespmem:s21+$0x1BAA0]  }
0x3c: {  	v36 =	vld [tilespmem:s21+$0x1C2A0]  }
0x3d: {  	s22 =	simm.s32 $0x20;
	v39 =	vld [tilespmem:s21+$0x1CAA0]  }
0x3e: {  	v63 =	vld [tilespmem:s22+$0x1CEB0]  }
0x3f: {  	v60 =	vld [tilespmem:s22+$0x1D2B0]  }
0x40: {  	v42 =	vld [tilespmem:s22+$0x1C6B0]  }
0x41: {  	v43 =	vld [tilespmem:s22+$0x1CAB0]  }
0x42: {  	v44 =	vld [tilespmem:s22+$0x1BEB0]  }
0x43: {  	v45 =	vld [tilespmem:s22+$0x1C2B0]  }
0x44: {  	v46 =	vld [tilespmem:s22+$0x1B6B0]  }
0x45: {  	v47 =	vld [tilespmem:s22+$0x1BAB0]  }
0x46: {  	v48 =	vld [tilespmem:s22+$0x1AEB0]  }
0x47: {  	v49 =	vld [tilespmem:s22+$0x1B2B0]  }
0x48: {  	v50 =	vld [tilespmem:s22+$0x1A6B0]  }
0x49: {  	v51 =	vld [tilespmem:s22+$0x1AAB0]  }
0x4a: {  	v52 =	vld [tilespmem:s22+$0x186B0]  }
0x4b: {  	v53 =	vld [tilespmem:s22+$0x18AB0]  }
0x4c: {  	v54 =	vld [tilespmem:s22+$0x18EB0]  }
0x4d: {  	v55 =	vld [tilespmem:s22+$0x192B0]  }
0x4e: {  	v56 =	vld [tilespmem:s22+$0x196B0]  }
0x4f: {  	v57 =	vld [tilespmem:s22+$0x19AB0]  }
0x50: {  	v58 =	vld [tilespmem:s22+$0x19EB0]  }
0x51: {  	v59 =	vld [tilespmem:s22+$0x1A2B0]  }
0x52: {  	v62 =	vld [tilespmem:s22+$0x186A0]  }
0x53: {  	v12 =	vld.idx.msk [tilespmem:v12+s2+$0x0], $0xffff  }
0x54: {  	v13 =	vld.idx.msk [tilespmem:v13+s2+$0x0], $0xffff  }
0x55: {  	v14 =	vld.idx.msk [tilespmem:v14+s2+$0x0], $0xffff  }
0x56: {  	v15 =	vld.idx.msk [tilespmem:v15+s2+$0x0], $0xffff  }
0x57: {  	v16 =	vld.idx.msk [tilespmem:v16+s2+$0x0], $0xffff  }
0x58: {  	v17 =	vld.idx.msk [tilespmem:v17+s2+$0x0], $0xffff  }
0x59: {  	v18 =	vld.idx.msk [tilespmem:v18+s2+$0x0], $0xffff  }
0x5a: {  	v19 =	vld.idx.msk [tilespmem:v19+s2+$0x0], $0xffff  }
0x5b: {  	v10 =	vld.idx.msk [tilespmem:v10+s2+$0x0], $0xffff  }
0x5c: {  	v11 =	vld.idx.msk [tilespmem:v11+s2+$0x0], $0xffff  }
0x5d: {  	v8 =	vld.idx.msk [tilespmem:v8+s2+$0x0], $0xffff  }
0x5e: {  	v9 =	vld.idx.msk [tilespmem:v9+s2+$0x0], $0xffff  }
0x5f: {  	v20 =	vld.idx.msk [tilespmem:v6+s2+$0x0], $0xffff  }
0x60: {  	v7 =	vld.idx.msk [tilespmem:v7+s2+$0x0], $0xffff  }
0x61: {  	v21 =	vld.idx.msk [tilespmem:v4+s2+$0x0], $0xffff  }
0x62: {  	v22 =	vld.idx.msk [tilespmem:v5+s2+$0x0], $0xffff  }
0x63: {  	v2 =	vld.idx.msk [tilespmem:v2+s2+$0x0], $0xffff  }
0x64: {  	v23 =	vld.idx.msk [tilespmem:v3+s2+$0x0], $0xffff  }
0x65: {  	v24 =	vld.idx.msk [tilespmem:v0+s2+$0x0], $0xffff  }
0x66: {  	v1 =	vld.idx.msk [tilespmem:v1+s2+$0x0], $0xffff  }
0x67: {  	v0 =	vld [tilespmem:s21+$0x186A0]  }
0x68: {  	v3 =	vld [tilespmem:s21+$0x18AA0]  }
0x69: {  	v4 =	vld [tilespmem:s21+$0x18EA0]  }
0x6a: {  	v5 =	vld [tilespmem:s21+$0x192A0]  }
0x6b: {  	v6 =	vld [tilespmem:s21+$0x196A0]  }
0x6c: {  	v25 =	vld.idx.msk [tilespmem:v25+s2+$0x0], $0xffff  }
0x6d: {  	v26 =	vld.idx.msk [tilespmem:v26+s2+$0x0], $0xffff  }
0x6e: {  	v27 =	vld.idx.msk [tilespmem:v27+s2+$0x0], $0xffff  }
0x6f: {  	v33 =	vld.idx.msk [tilespmem:v33+s2+$0x0], $0xffff  }
0x70: {  	v52 =	vld.idx.msk [tilespmem:v52+s2+$0x0], $0xffff  }
0x71: {  	v53 =	vld.idx.msk [tilespmem:v53+s2+$0x0], $0xffff  }
0x72: {  	v54 =	vld.idx.msk [tilespmem:v54+s2+$0x0], $0xffff  }
0x73: {  	v55 =	vld.idx.msk [tilespmem:v55+s2+$0x0], $0xffff  }
0x74: {  	v56 =	vld.idx.msk [tilespmem:v56+s2+$0x0], $0xffff  }
0x75: {  	v57 =	vld.idx.msk [tilespmem:v57+s2+$0x0], $0xffff  }
0x76: {  	v58 =	vld.idx.msk [tilespmem:v58+s2+$0x0], $0xffff  }
0x77: {  	v59 =	vld.idx.msk [tilespmem:v59+s2+$0x0], $0xffff  }
0x78: {  	v50 =	vld.idx.msk [tilespmem:v50+s2+$0x0], $0xffff  }
0x79: {  	v51 =	vld.idx.msk [tilespmem:v51+s2+$0x0], $0xffff  }
0x7a: {  	v48 =	vld.idx.msk [tilespmem:v48+s2+$0x0], $0xffff  }
0x7b: {  	v49 =	vld.idx.msk [tilespmem:v49+s2+$0x0], $0xffff  }
0x7c: {  	v46 =	vld.idx.msk [tilespmem:v46+s2+$0x0], $0xffff  }
0x7d: {  	v47 =	vld.idx.msk [tilespmem:v47+s2+$0x0], $0xffff  }
0x7e: {  	v44 =	vld.idx.msk [tilespmem:v44+s2+$0x0], $0xffff  }
0x7f: {  	v61 =	vld.idx.msk [tilespmem:v43+s2+$0x0], $0xffff;
	v12 =	vadd.f32 $0.0e+00, v12  }
0x80: {  	v13 =	vadd.f32 $0.0e+00, v13;
	v43 =	vadd.f32 $0.0e+00, v53;
	v53 =	vld [tilespmem:s22+$0x1B6A0]  }
0x81: {  	v12 =	vadd.f32 v14, v12;
	v14 =	vld.idx.msk [tilespmem:v45+s2+$0x0], $0xffff  }
0x82: {  	v13 =	vadd.f32 v15, v13;
	v15 =	vld.idx.msk [tilespmem:v42+s2+$0x0], $0xffff  }
0x83: {  	v45 =	vld [tilespmem:s22+$0x1AEA0]  }
0x84: {  	v28 =	vld.idx.msk [tilespmem:v0+s2+$0x0], $0xffff  }
0x85: {  	v29 =	vld.idx.msk [tilespmem:v3+s2+$0x0], $0xffff  }
0x86: {  	v30 =	vld.idx.msk [tilespmem:v4+s2+$0x0], $0xffff  }
0x87: {  	v31 =	vld.idx.msk [tilespmem:v5+s2+$0x0], $0xffff  }
0x88: {  	v0 =	vld [tilespmem:s21+$0x1A6A0]  }
0x89: {  	v3 =	vld [tilespmem:s21+$0x1AAA0]  }
0x8a: {  	v32 =	vld.idx.msk [tilespmem:v6+s2+$0x0], $0xffff  }
0x8b: {  	v4 =	vld [tilespmem:s21+$0x1AEA0]  }
0x8c: {  	v5 =	vld [tilespmem:s21+$0x1B2A0]  }
0x8d: {  	v6 =	vld [tilespmem:s21+$0x1B6A0]  }
0x8e: {  	v12 =	vadd.f32 v16, v12;
	v13 =	vadd.f32 v17, v13;
	v17 =	vld.idx.msk [tilespmem:v63+s2+$0x0], $0xffff  }
0x8f: {  	v63 =	vld [tilespmem:s22+$0x19EA0]  }
0x90: {  	v12 =	vadd.f32 v18, v12;
	v18 =	vld.idx.msk [tilespmem:v60+s2+$0x0], $0xffff  }
0x91: {  	v13 =	vadd.f32 v19, v13;
	v19 =	vld.idx.msk [tilespmem:v62+s2+$0x0], $0xffff  }
0x92: {  	v60 =	vld [tilespmem:s22+$0x1C6A0]  }
0x93: {  	v10 =	vadd.f32 v10, v12;
	v12 =	vld [tilespmem:s22+$0x18AA0]  }
0x94: {  	v11 =	vadd.f32 v11, v13;
	v13 =	vld [tilespmem:s22+$0x18EA0]  }
0x95: {  	v8 =	vadd.f32 v8, v10;
	v10 =	vld [tilespmem:s22+$0x192A0]  }
0x96: {  	v9 =	vadd.f32 v9, v11;
	v11 =	vld [tilespmem:s22+$0x196A0]  }
0x97: {  	v34 =	vld.idx.msk [tilespmem:v0+s2+$0x0], $0xffff  }
0x98: {  	v35 =	vld.idx.msk [tilespmem:v3+s2+$0x0], $0xffff  }
0x99: {  	v3 =	vld [tilespmem:s21+$0x1BEA0]  }
0x9a: {  	v37 =	vld.idx.msk [tilespmem:v4+s2+$0x0], $0xffff  }
0x9b: {  	v38 =	vld.idx.msk [tilespmem:v5+s2+$0x0], $0xffff  }
0x9c: {  	v4 =	vld [tilespmem:s21+$0x1C6A0]  }
0x9d: {  	v40 =	vld.idx.msk [tilespmem:v6+s2+$0x0], $0xffff  }
0x9e: {  	v5 =	vld [tilespmem:s21+$0x1CEA0]  }
0x9f: {  	v0 =	vld [tilespmem:s21+$0x1D2A0];
	v8 =	vadd.f32 v20, v8  }
0xa0: {  	v6 =	vld.idx.msk [tilespmem:v36+s2+$0x0], $0xffff;
	v7 =	vadd.f32 v7, v9  }
0xa1: {  	v36 =	vld [tilespmem:s22+$0x1A2A0];
	v8 =	vadd.f32 v21, v8  }
0xa2: {  	v9 =	vld [tilespmem:s22+$0x19AA0];
	v7 =	vadd.f32 v22, v7  }
0xa3: {  	v20 =	vld.idx.msk [tilespmem:v63+s2+$0x0], $0xffff;
	v2 =	vadd.f32 v2, v8  }
0xa4: {  	v7 =	vadd.f32 v23, v7;
	v8 =	vld.idx.msk [tilespmem:v12+s2+$0x0], $0xffff  }
0xa5: {  	v12 =	vadd.f32 $0.0e+00, v28;
	v13 =	vld.idx.msk [tilespmem:v13+s2+$0x0], $0xffff;
	v2 =	vadd.f32 v24, v2  }
0xa6: {  	v1 =	vadd.f32 v1, v7;
	v7 =	vld.idx.msk [tilespmem:v10+s2+$0x0], $0xffff;
	v10 =	vadd.f32 $0.0e+00, v29  }
0xa7: {  	v12 =	vadd.f32 v30, v12;
	v11 =	vld.idx.msk [tilespmem:v11+s2+$0x0], $0xffff;
	v24 =	vadd.f32 v55, v43  }
0xa8: {  	v41 =	vld.idx.msk [tilespmem:v3+s2+$0x0], $0xffff;
	v42 =	vadd.f32 v1, v2;
	v2 =	vadd.f32 v31, v10  }
0xa9: {  	v3 =	vld.idx.msk [tilespmem:v4+s2+$0x0], $0xffff;
	v10 =	vadd.f32 v32, v12;
	v12 =	vadd.f32 $0.0e+00, v52  }
0xaa: {  	v19 =	vadd.f32 $0.0e+00, v19;
	v4 =	vld.idx.msk [tilespmem:v39+s2+$0x0], $0xffff  }
0xab: {  	v1 =	vld [tilespmem:s22+$0x1AAA0];
	v24 =	vadd.f32 v57, v24;
	v12 =	vadd.f32 v54, v12  }
0xac: {  	v39 =	vld [tilespmem:s22+$0x1A6A0];
	v8 =	vadd.f32 $0.0e+00, v8;
	v2 =	vadd.f32 v25, v2  }
0xad: {  	v21 =	vld.idx.msk [tilespmem:v36+s2+$0x0], $0xffff;
	v13 =	vadd.f32 v13, v19;
	v12 =	vadd.f32 v56, v12  }
0xae: {  	v5 =	vld.idx.msk [tilespmem:v5+s2+$0x0], $0xffff;
	v10 =	vadd.f32 v26, v10;
	v2 =	vadd.f32 v27, v2  }
0xaf: {  	v9 =	vld.idx.msk [tilespmem:v9+s2+$0x0], $0xffff;
	v24 =	vadd.f32 v59, v24;
	v12 =	vadd.f32 v58, v12  }
0xb0: {  	v52 =	vld [tilespmem:s22+$0x1B2A0];
	v7 =	vadd.f32 v7, v8;
	v2 =	vadd.f32 v35, v2  }
0xb1: {  	v57 =	vld [tilespmem:s22+$0x1BEA0];
	v8 =	vadd.f32 v11, v13;
	v12 =	vadd.f32 v50, v12  }
0xb2: {  	v54 =	vld [tilespmem:s22+$0x1BAA0];
	v24 =	vadd.f32 v51, v24;
	v2 =	vadd.f32 v38, v2  }
0xb3: {  	v10 =	vadd.f32 v34, v10;
	v55 =	vld.idx.msk [tilespmem:v1+s2+$0x0], $0xffff;
	v1 =	vadd.f32 v48, v12  }
0xb4: {  	v22 =	vld.idx.msk [tilespmem:v39+s2+$0x0], $0xffff;
	v56 =	vadd.f32 v33, v2;
	v2 =	vadd.f32 v49, v24  }
0xb5: {  	v7 =	vadd.f32 v9, v7;
	v12 =	vld [tilespmem:s22+$0x1C2A0];
	v1 =	vadd.f32 v46, v1  }
0xb6: {  	v11 =	vld.idx.msk [tilespmem:v53+s2+$0x0], $0xffff;
	v10 =	vadd.f32 v37, v10;
	v2 =	vadd.f32 v47, v2  }
0xb7: {  	v8 =	vadd.f32 v20, v8;
	v58 =	vld.idx.msk [tilespmem:v45+s2+$0x0], $0xffff;
	v1 =	vadd.f32 v44, v1  }
0xb8: {  	v10 =	vadd.f32 v40, v10;
	v2 =	vadd.f32 v14, v2;
	v14 =	vld [tilespmem:s22+$0x1CAA0]  }
0xb9: {  	v59 =	vld.idx.msk [tilespmem:v52+s2+$0x0], $0xffff;
	v62 =	vadd.f32 v22, v8;
	v9 =	vadd.f32 v15, v1  }
0xba: {  	v8 =	vld.idx.msk [tilespmem:v57+s2+$0x0], $0xffff;
	v13 =	vadd.f32 v61, v2;
	v1 =	vmov s20;
	v61 =	vadd.f32 v21, v7  }
0xbb: {  	v10 =	vadd.f32 v41, v10;
	v15 =	vld.idx.msk [tilespmem:v54+s2+$0x0], $0xffff;
	v9 =	vadd.f32 v17, v9  }
0xbc: {  	v7 =	vld [tilespmem:s22+$0x1D2A0];
	v13 =	vadd.f32 v18, v13;
	v16 =	vadd.f32 v55, v61  }
0xbd: {  	v63 =	vadd.f32 v6, v56;
	v6 =	vld.idx.msk [tilespmem:v12+s2+$0x0], $0xffff;
	v12 =	vadd.f32 v58, v62  }
0xbe: {  	v2 =	vld [tilespmem:s22+$0x1CEA0];
	v13 =	vadd.f32 v13, v9;
	v16 =	vadd.f32 v59, v16  }
0xbf: {  	v3 =	vadd.f32 v3, v10;
	v4 =	vadd.f32 v4, v63;
	v9 =	vld.idx.msk [tilespmem:v60+s2+$0x0], $0xffff;
	[tilespmem:v1+s21+$0x10 ss:$0x1] =	vst.idx.msk $0xffff, v42  }
0xc0: {  	s23 =	simm.s32 $0x2;
	s24 =	simm.s32 $0x100;
	v11 =	vadd.f32 v11, v12;
	v10 =	vld.idx.msk [tilespmem:v14+s2+$0x0], $0xffff;
	[tilespmem:v1+s22+$0x10 ss:$0x1] =	vst.idx.msk $0xffff, v13;
	v12 =	vadd.f32 v15, v16  }
.LBB2_4:
0xc1: {  	s25 =	sshra.s32 s24, $0x2;
	v13 =	vld.idx.msk [tilespmem:v0+s2+$0x0], $0xffff;
	v0 =	vmov v7  }
0xc2: {  	v8 =	vadd.f32 v8, v11;
	v7 =	vld [tilespmem:s25+$0x1CEB0]  }
0xc3: {  	v6 =	vadd.f32 v6, v12;
	v11 =	vld [tilespmem:s25+$0x1D2B0]  }
0xc4: {  	v8 =	vadd.f32 v9, v8;
	v12 =	vld [tilespmem:s25+$0x1C6B0]  }
0xc5: {  	v6 =	vadd.f32 v10, v6;
	v9 =	vld [tilespmem:s25+$0x1CAB0]  }
0xc6: {  	v5 =	vadd.f32 v5, v3;
	v3 =	vmov v8;
	v10 =	vld [tilespmem:s25+$0x1BEB0]  }
0xc7: {  	v13 =	vadd.f32 v13, v4;
	v4 =	vmov v6;
	v8 =	vld [tilespmem:s25+$0x1C2B0]  }
0xc8: {  	v6 =	vld [tilespmem:s25+$0x1B6B0]  }
0xc9: {  	v5 =	vadd.f32 v13, v5;
	v14 =	vld [tilespmem:s25+$0x1BAB0]  }
0xca: {  	v13 =	vld [tilespmem:s25+$0x1AEB0]  }
0xcb: {  	v15 =	vld [tilespmem:s25+$0x1B2B0];
	[tilespmem:v1+s21+$0x0 ss:$0x1] =	vst.idx.msk $0xffff, v5;
	s21 =	smov.u32 s22;
	s22 =	smov.u32 s25  }
0xcc: {  	v5 =	vld [tilespmem:s22+$0x1A6B0]  }
0xcd: {  	v16 =	vld [tilespmem:s22+$0x1AAB0]  }
0xce: {  	s23 =	sadd.s32 $0x2, s23;
	v17 =	vld [tilespmem:s22+$0x186B0]  }
0xcf: {  	p1 =	slt.u32 s23, $0x3E;
	v18 =	vld [tilespmem:s22+$0x18AB0]  }
0xd0: {  	v19 =	vld [tilespmem:s22+$0x18EB0]  }
0xd1: {  	v20 =	vld [tilespmem:s22+$0x192B0]  }
0xd2: {  	v21 =	vld [tilespmem:s22+$0x196B0]  }
0xd3: {  	v22 =	vld [tilespmem:s22+$0x19AB0]  }
0xd4: {  	v23 =	vld [tilespmem:s22+$0x19EB0]  }
0xd5: {  	v24 =	vld [tilespmem:s22+$0x1A2B0]  }
0xd6: {  	v17 =	vld.idx.msk [tilespmem:v17+s2+$0x0], $0xffff  }
0xd7: {  	v18 =	vld.idx.msk [tilespmem:v18+s2+$0x0], $0xffff  }
0xd8: {  	v19 =	vld.idx.msk [tilespmem:v19+s2+$0x0], $0xffff  }
0xd9: {  	v20 =	vld.idx.msk [tilespmem:v20+s2+$0x0], $0xffff  }
0xda: {  	v21 =	vld.idx.msk [tilespmem:v21+s2+$0x0], $0xffff  }
0xdb: {  	v22 =	vld.idx.msk [tilespmem:v22+s2+$0x0], $0xffff  }
0xdc: {  	v23 =	vld.idx.msk [tilespmem:v23+s2+$0x0], $0xffff  }
0xdd: {  	v17 =	vadd.f32 $0.0e+00, v17;
	v18 =	vadd.f32 $0.0e+00, v18;
	v24 =	vld.idx.msk [tilespmem:v24+s2+$0x0], $0xffff  }
0xde: {  	v5 =	vld.idx.msk [tilespmem:v5+s2+$0x0], $0xffff  }
0xdf: {  	v17 =	vadd.f32 v19, v17;
	v18 =	vadd.f32 v20, v18;
	v16 =	vld.idx.msk [tilespmem:v16+s2+$0x0], $0xffff  }
0xe0: {  	v13 =	vld.idx.msk [tilespmem:v13+s2+$0x0], $0xffff  }
0xe1: {  	v17 =	vadd.f32 v21, v17;
	v18 =	vadd.f32 v22, v18;
	v15 =	vld.idx.msk [tilespmem:v15+s2+$0x0], $0xffff  }
0xe2: {  	v6 =	vld.idx.msk [tilespmem:v6+s2+$0x0], $0xffff  }
0xe3: {  	v17 =	vadd.f32 v23, v17;
	v18 =	vadd.f32 v24, v18;
	v14 =	vld.idx.msk [tilespmem:v14+s2+$0x0], $0xffff  }
0xe4: {  	v10 =	vld.idx.msk [tilespmem:v10+s2+$0x0], $0xffff  }
0xe5: {  	v5 =	vadd.f32 v5, v17;
	v16 =	vadd.f32 v16, v18;
	v8 =	vld.idx.msk [tilespmem:v8+s2+$0x0], $0xffff  }
0xe6: {  	v12 =	vld.idx.msk [tilespmem:v12+s2+$0x0], $0xffff  }
0xe7: {  	v5 =	vadd.f32 v13, v5;
	v13 =	vadd.f32 v15, v16;
	v9 =	vld.idx.msk [tilespmem:v9+s2+$0x0], $0xffff  }
0xe8: {  	v7 =	vld.idx.msk [tilespmem:v7+s2+$0x0], $0xffff  }
0xe9: {  	v5 =	vadd.f32 v6, v5;
	v6 =	vadd.f32 v14, v13;
	v11 =	vld.idx.msk [tilespmem:v11+s2+$0x0], $0xffff  }
0xea: {  	v13 =	vld [tilespmem:s22+$0x186A0]  }
0xeb: {  	v5 =	vadd.f32 v10, v5;
	v6 =	vadd.f32 v8, v6;
	v14 =	vld [tilespmem:s22+$0x18AA0]  }
0xec: {  	v8 =	vld [tilespmem:s22+$0x18EA0]  }
0xed: {  	v5 =	vadd.f32 v12, v5;
	v6 =	vadd.f32 v9, v6;
	v10 =	vld [tilespmem:s22+$0x192A0]  }
0xee: {  	v9 =	vld [tilespmem:s22+$0x196A0]  }
0xef: {  	v5 =	vadd.f32 v7, v5;
	v6 =	vadd.f32 v11, v6;
	v12 =	vld [tilespmem:s22+$0x19AA0]  }
0xf0: {  	v7 =	vld [tilespmem:s22+$0x19EA0]  }
0xf1: {  	v5 =	vadd.f32 v6, v5;
	v11 =	vld [tilespmem:s22+$0x1A2A0]  }
0xf2: {  	v6 =	vld.idx.msk [tilespmem:v13+s2+$0x0], $0xffff  }
0xf3: {  	v13 =	vld.idx.msk [tilespmem:v14+s2+$0x0], $0xffff;
	[tilespmem:v1+s22+$0x10 ss:$0x1] =	vst.idx.msk $0xffff, v5  }
0xf4: {  	v5 =	vld.idx.msk [tilespmem:v8+s2+$0x0], $0xffff  }
0xf5: {  	v8 =	vld.idx.msk [tilespmem:v10+s2+$0x0], $0xffff  }
0xf6: {  	v10 =	vld [tilespmem:s22+$0x1A6A0]  }
0xf7: {  	v14 =	vld [tilespmem:s22+$0x1AAA0]  }
0xf8: {  	v6 =	vadd.f32 $0.0e+00, v6;
	v9 =	vld.idx.msk [tilespmem:v9+s2+$0x0], $0xffff  }
0xf9: {  	v13 =	vadd.f32 $0.0e+00, v13;
	v12 =	vld.idx.msk [tilespmem:v12+s2+$0x0], $0xffff  }
0xfa: {  	v5 =	vadd.f32 v5, v6;
	v6 =	vld [tilespmem:s22+$0x1AEA0]  }
0xfb: {  	v8 =	vadd.f32 v8, v13;
	v13 =	vld [tilespmem:s22+$0x1B2A0]  }
0xfc: {  	v7 =	vld.idx.msk [tilespmem:v7+s2+$0x0], $0xffff  }
0xfd: {  	v11 =	vld.idx.msk [tilespmem:v11+s2+$0x0], $0xffff  }
0xfe: {  	v5 =	vadd.f32 v9, v5;
	v9 =	vld [tilespmem:s22+$0x1B6A0]  }
0xff: {  	v8 =	vadd.f32 v12, v8;
	v12 =	vld [tilespmem:s22+$0x1BAA0]  }
0x100: {  	v10 =	vld.idx.msk [tilespmem:v10+s2+$0x0], $0xffff  }
0x101: {  	v14 =	vld.idx.msk [tilespmem:v14+s2+$0x0], $0xffff  }
0x102: {  	v5 =	vadd.f32 v7, v5;
	v15 =	vld [tilespmem:s22+$0x1BEA0]  }
0x103: {  	v7 =	vadd.f32 v11, v8;
	v11 =	vld [tilespmem:s22+$0x1C2A0]  }
0x104: {  	v6 =	vld.idx.msk [tilespmem:v6+s2+$0x0], $0xffff  }
0x105: {  	v8 =	vld.idx.msk [tilespmem:v13+s2+$0x0], $0xffff  }
0x106: {  	v5 =	vadd.f32 v10, v5;
	v10 =	vld [tilespmem:s22+$0x1C6A0]  }
0x107: {  	v7 =	vadd.f32 v14, v7;
	v13 =	vld [tilespmem:s22+$0x1CAA0]  }
0x108: {  	v9 =	vld.idx.msk [tilespmem:v9+s2+$0x0], $0xffff  }
0x109: {  	v12 =	vld.idx.msk [tilespmem:v12+s2+$0x0], $0xffff  }
0x10a: {  	v5 =	vadd.f32 v6, v5;
	v14 =	vld [tilespmem:s22+$0x1CEA0]  }
0x10b: {  	v16 =	vadd.f32 v8, v7;
	v7 =	vld [tilespmem:s22+$0x1D2A0]  }
.Ltmp0:
0x10c: {  	v8 =	vld.idx.msk [tilespmem:v15+s2+$0x0], $0xffff;
	(pc) =	sbr.rel @p1 .LBB2_4-.Ltmp0, $4  }
0x10d: {  	v6 =	vld.idx.msk [tilespmem:v11+s2+$0x0], $0xffff  }
0x10e: {  	v11 =	vadd.f32 v9, v5;
	v9 =	vld.idx.msk [tilespmem:v10+s2+$0x0], $0xffff  }
0x10f: {  	v12 =	vadd.f32 v12, v16;
	v10 =	vld.idx.msk [tilespmem:v13+s2+$0x0], $0xffff  }
0x110: {  	s24 =	sadd.s32 $0x80, s24;
	v5 =	vld.idx.msk [tilespmem:v2+s2+$0x0], $0xffff;
	v2 =	vmov v14  }
0x111: {  	_ =	sdelay $0x3  }
0x112: {  	v0 =	vld.idx.msk [tilespmem:v0+s2+$0x0], $0xffff  }
0x113: {  	v2 =	vld.idx.msk [tilespmem:v2+s2+$0x0], $0xffff  }
0x114: {  	v7 =	vld.idx.msk [tilespmem:v7+s2+$0x0], $0xffff  }
0x115: {  	v8 =	vadd.f32 v8, v11;
	v6 =	vadd.f32 v6, v12;
	_ =	sdelay $0x1  }
0x116: {  	s18 =	sadd.s32 $0x1, s18;
	v8 =	vadd.f32 v9, v8;
	v6 =	vadd.f32 v10, v6  }
0x117: {  	p1 =	sne.s32 s18, $0x4;
	v3 =	vadd.f32 v5, v3;
	v0 =	vadd.f32 v0, v4  }
.Ltmp1:
0x118: {  	v2 =	vadd.f32 v2, v8;
	v63 =	vadd.f32 v7, v6;
	(pc) =	sbr.rel @p1 .LBB2_3-.Ltmp1, $4  }
0x119: {  	v0 =	vadd.f32 v0, v3  }
0x11a: {  	v2 =	vadd.f32 v63, v2  }
0x11b: {  	[tilespmem:v1+s21+$0x0 ss:$0x1] =	vst.idx.msk $0xffff, v0  }
0x11c: {  	s20 =	sadd.s32 $0x400, s20;
	[tilespmem:v1+s22+$0x0 ss:$0x1] =	vst.idx.msk $0xffff, v2  }
0x11d: {  	s16 =	sadd.s32 $0x1, s16  }
0x11e: {  	s17 =	sshll.u32 s17, $0x9;
	p1 =	sne.s32 s16, $0x4  }
.Ltmp2:
0x11f: {  	s17 =	sadd.s32 s5, s17;
	(pc) =	sbr.rel @p1 .LBB2_2-.Ltmp2, $4  }
0x120: {  	[hbm4b:s17+s2] =	stream.linear.scatter [tilespmem:s14], [sflag:$0x2], $0x1000, $0x38;
	[tilespmem:$0x1F0A0] =	vst v63  }
0x121: {  	_ =	swait.ge [sflag:s12], $0x1000  }
0x122: {  	[sflag:s12] =	ssyncset.done $0x0  }
0x123: {  	[sflag:s12] =	ssyncadd.s32 $0xFFFFF000  }
0x124: {  	s15 =	sadd.s32 $0x1, s15  }
0x125: {  	p1 =	sne.s32 s15, s9  }
.Ltmp3:
0x126: {  	_ = 	snop;
	(pc) =	sbr.rel @p1 .LBB2_1-.Ltmp3, $1  }
0x127: {  	_ =	sdelay $0x3  }
0x128: {  	_ =	sfence.sel $0x180000  }
0x129: {  	[bflag:$0x0] =	sbarrier.arrive $0xFFFF  }
0x12a: {  	_ =	strace $0x90000050  }
0x12b: {  	s0 =	sadd.s32 @!p0 $0x100000, s0;
	[bflag:$0x2] =	sbarrier.arrive $0xFFFF  }
0x12c: {  	[sflag:s0] =	ssyncadd.tile.s32 @!p0 $0x1;
	_ =	shalt  }
.Lfunc_end2:
_tile_overlayer_lowered:
.L_overlay_start_2:
0x12d: {  	(tag) =	ssettag $0x2  }
0x12e: {  	s0 =	rddreg [dreg:$0x0];
	s2 =	stileid.u32  }
0x12f: {  	s1 =	rddreg [dreg:$0x1];
	p0 =	sne.s32 s2, $0x0  }
0x130: {  	s3 =	rddreg [dreg:$0x2];
	[bflag:$0x3] =	sbarrier.arrive $0xFFFF;
	s2 =	simm.s32 @!p0 $0x1C02  }
0x131: {  	[timem:s3], [sflag:s2] =	dma.local @!p0 [hbm:s0], s1  }
0x132: {  	s0 =	simm.s32 @!p0 $0x2  }
0x133: {  	_ =	swait.ge @!p0 [sflag:s0], s1  }
0x134: {  	s1 =	ssub.s32 @!p0 $0x0, s1;
	[sflag:s0] =	ssyncset.done @!p0 $0x0  }
0x135: {  	[sflag:s0] =	ssyncadd.s32 @!p0 s1  }
0x136: {  	[bflag:$0x3] =	sbarrier.arrive $0xFFFF  }
0x137: {  	_ =	shalt  }

// kernel: kernel.16.cloned.1.call-start
scs
__scs_entry_jumppad:
0x0: {  	(pc) =	sbr.rel $0x88, $3  }
0x1: {  	(tag) =	ssettag $0x0;
	lr =	simm.s32 $0x1  }
0x2: {  	[smem:$0x3F9E] =	sst lr;
	_ =	strace $0xD0000000  }
0x3: {  	_ = 	snop  }
0x4: {  	_ = 	snop  }
0x5: {  	_ = 	snop  }
0x6: {  	_ = 	snop  }
0x7: {  	_ = 	snop  }
__scs_overlays_trampoline_lowered:
0x8: {  	[smem:$0x3FAD] =	sst s0  }
0x9: {  	[smem:$0x3FAE] =	sst s1  }
0xa: {  	[smem:$0x3FAF] =	sst s2  }
0xb: {  	[smem:$0x3FB0] =	sst s3  }
0xc: {  	[smem:$0x3FB1] =	sst s4  }
0xd: {  	[smem:$0x3FB2] =	sst s5  }
0xe: {  	[smem:$0x3FB3] =	sst s6  }
0xf: {  	[smem:$0x3FB4] =	sst s7  }
0x10: {  	[smem:$0x3FB5] =	sst s8  }
0x11: {  	[smem:$0x3FB6] =	sst s9;
	s0 =	simm.s32 @!p0 $0x0  }
0x12: {  	s1 =	sld [smem:$0x3F9C];
	s0 =	simm.s32 @p0 $0x1  }
0x13: {  	[smem:$0x3FB7] =	sst s0;
	s0 =	simm.s32 @!p1 $0x0  }
0x14: {  	s2 =	sld [smem:$0x3F9B];
	s0 =	simm.s32 @p1 $0x1  }
0x15: {  	[smem:$0x3FB8] =	sst s0;
	s0 =	simm.s32 @!p2 $0x0  }
0x16: {  	s3 =	sld [smem:$0x3FDB];
	s0 =	simm.s32 @p2 $0x1  }
0x17: {  	s4 =	simm.s32 $0x1BF5;
	[smem:$0x3FBA] =	sst s0  }
0x18: {  	s0 =	sld [smem:$0x3F9D];
	_ =	swait.ge [sflag:s4], $0x0  }
0x19: {  	s7 =	sld [smem:$0x3F9E]  }
0x1a: {  	s8 =	sadd.s32 $0xFFFFE003, lr  }
0x1b: {  	s9 =	sadd.s32 $0xFFFFFEF7, lr;
	s5 =	simm.s32 $0xFFFFFFFF;
	p2 =	slt.u32 s8, $0xFFFFF086  }
0x1c: {  	p1 =	slt.u32 s9, $0xF7A;
	s5 =	simm.s32 @!p2 $0x0  }
0x1d: {  	s5 =	simm.s32 @p1 $0x1;
	p0 =	seq.s32 s7, s2  }
0x1e: {  	s7 =	smul.u32 @!p0 $0xF7A, s2;
	p2 =	seq.s32 @!p0 s5, $0x0  }
0x1f: {  	s9 =	smul.u32 $0xF7A, s1;
	s8 =	simm.s32 @!p0 $0x1BF5;
	p2 =	por !p2, p0  }
0x20: {  	[sflag:s8] =	ssyncset.s32 @!p0 $0xFFFFF086;
	s6 =	sadd.s32 @!p0 s3, s7;
	s7 =	simm.s32 @!p0 $0x108  }
0x21: {  	s3 =	sadd.s32 s3, s9;
	s6 =	sadd.s32 @!p0 $0x88, s6;
	s7 =	simm.s32 @p2 $0x1082  }
0x22: {  	[simem:s7], [sflag:s8] =	dma.local @!p0 [hbm:s6], $0xF7A  }
0x23: {  	s9 =	sor.u32 $0xD0000000, s2;
	s6 =	simm.s32 $0x108;
	_ =	swait.ge @!p0 [sflag:s8], $0x0  }
0x24: {  	s3 =	sadd.s32 $0x88, s3;
	s6 =	simm.s32 @!p1 $0x1082;
	[sflag:s4] =	ssyncset.s32 $0xFFFFF086  }
0x25: {  	[simem:s6], [sflag:s4] =	dma.local [hbm:s3], $0xF7A  }
0x26: {  	[smem:$0x3F9E] =	sst s1;
	(tag) =	ssettag s2;
	_ =	strace s9  }
0x27: {  	s1 =	sld [smem:$0x3FAE]  }
0x28: {  	s2 =	sld [smem:$0x3FAF]  }
0x29: {  	s4 =	sld [smem:$0x3FB1]  }
0x2a: {  	p0 =	seq.s32 s5, $0x0;
	s5 =	sld [smem:$0x3FB2]  }
0x2b: {  	s6 =	sld [smem:$0x3FB3]  }
0x2c: {  	s7 =	sld [smem:$0x3FB4]  }
0x2d: {  	s3 =	simm.s32 $0x108;
	s8 =	sld [smem:$0x3FB5]  }
0x2e: {  	s3 =	simm.s32 @!p0 $0x1082;
	s9 =	sld [smem:$0x3FB6]  }
0x2f: {  	lr =	sadd.s32 s0, s3;
	s0 =	sld [smem:$0x3FAD]  }
0x30: {  	s3 =	sld [smem:$0x3FB0]  }
0x31: {  	[smem:$0x3FB9] =	sst s10  }
0x32: {  	s10 =	sld [smem:$0x3FB7];
	_ =	sdelay $0x3  }
0x33: {  	p0 =	seq.s32 s10, $0x1;
	s10 =	sld [smem:$0x3FB9];
	_ =	sdelay $0x3  }
0x34: {  	[smem:$0x3FB9] =	sst s10  }
0x35: {  	s10 =	sld [smem:$0x3FB8];
	_ =	sdelay $0x3  }
0x36: {  	p1 =	seq.s32 s10, $0x1;
	s10 =	sld [smem:$0x3FB9];
	_ =	sdelay $0x3  }
0x37: {  	[smem:$0x3FB9] =	sst s10  }
0x38: {  	s10 =	sld [smem:$0x3FBA]  }
0x39: {  	_ = 	snop;
	(pc) =	sbr.ind lr, $3  }
0x3a: {  	_ = 	snop  }
0x3b: {  	_ = 	snop  }
0x3c: {  	p2 =	seq.s32 s10, $0x1;
	s10 =	sld [smem:$0x3FB9]  }
0x3d: {  	_ =	shalt  }
0x3e: {  	_ =	shalt  }
0x3f: {  	_ =	shalt  }
0x40: {  	_ =	shalt  }
0x41: {  	_ =	shalt  }
0x42: {  	_ =	shalt  }
0x43: {  	_ =	shalt  }
0x44: {  	_ =	shalt  }
0x45: {  	_ =	shalt  }
0x46: {  	_ =	shalt  }
0x47: {  	_ =	shalt  }
0x48: {  	_ =	shalt  }
0x49: {  	_ =	shalt  }
0x4a: {  	_ =	shalt  }
0x4b: {  	_ =	shalt  }
0x4c: {  	_ =	shalt  }
0x4d: {  	_ =	shalt  }
0x4e: {  	_ =	shalt  }
0x4f: {  	_ =	shalt  }
0x50: {  	_ =	shalt  }
0x51: {  	_ =	shalt  }
0x52: {  	_ =	shalt  }
0x53: {  	_ =	shalt  }
0x54: {  	_ =	shalt  }
0x55: {  	_ =	shalt  }
0x56: {  	_ =	shalt  }
0x57: {  	_ =	shalt  }
0x58: {  	_ =	shalt  }
0x59: {  	_ =	shalt  }
0x5a: {  	_ =	shalt  }
0x5b: {  	_ =	shalt  }
0x5c: {  	_ =	shalt  }
0x5d: {  	_ =	shalt  }
0x5e: {  	_ =	shalt  }
0x5f: {  	_ =	shalt  }
0x60: {  	_ =	shalt  }
0x61: {  	_ =	shalt  }
0x62: {  	_ =	shalt  }
0x63: {  	_ =	shalt  }
0x64: {  	_ =	shalt  }
0x65: {  	_ =	shalt  }
0x66: {  	_ =	shalt  }
0x67: {  	_ =	shalt  }
0x68: {  	_ =	shalt  }
0x69: {  	_ =	shalt  }
0x6a: {  	_ =	shalt  }
0x6b: {  	_ =	shalt  }
0x6c: {  	_ =	shalt  }
0x6d: {  	_ =	shalt  }
0x6e: {  	_ =	shalt  }
0x6f: {  	_ =	shalt  }
0x70: {  	_ =	shalt  }
0x71: {  	_ =	shalt  }
0x72: {  	_ =	shalt  }
0x73: {  	_ =	shalt  }
0x74: {  	_ =	shalt  }
0x75: {  	_ =	shalt  }
0x76: {  	_ =	shalt  }
0x77: {  	_ =	shalt  }
0x78: {  	_ =	shalt  }
0x79: {  	_ =	shalt  }
0x7a: {  	_ =	shalt  }
0x7b: {  	_ =	shalt  }
0x7c: {  	_ =	shalt  }
0x7d: {  	_ =	shalt  }
0x7e: {  	_ =	shalt  }
0x7f: {  	_ =	shalt  }
0x80: {  	_ =	shalt  }
0x81: {  	_ =	shalt  }
0x82: {  	_ =	shalt  }
0x83: {  	_ =	shalt  }
0x84: {  	_ =	shalt  }
0x85: {  	_ =	shalt  }
0x86: {  	_ =	shalt  }
0x87: {  	_ =	shalt  }
.Lfunc_end0:
.L_simem_size_0:
called_computation.3_lowered:
.L_overlay_start_0:
0x88: {  	s2 =	sld [smem:$0x3FD9]  }
0x89: {  	s3 =	sld [smem:$0x3FFE];
	_ =	sdelay $0x1  }
0x8a: {  	s1 =	srdreg.scid  }
0x8b: {  	s0 =	sand.u32 $0x1, s1  }
0x8c: {  	s17 =	sshll.u32 s0, $0xA;
	s2 =	sadd.s32 s3, s2  }
0x8d: {  	s2 =	sadd.s32 s2, s17  }
0x8e: {  	[smem:$0x3FC5] =	sst s2  }
0x8f: {  	_ = 	snop  }
0x90: {  	s18 =	sld [smem:$0x3FD0];
	(tm) =	ssettm $0x1  }
0x91: {  	s19 =	sld [smem:$0x3FFB];
	_ =	sdelay $0x3  }
0x92: {  	_ =	strace s19  }
0x93: {  	s2 =	sld [smem:$0x3FFC];
	_ =	sdelay $0x3  }
0x94: {  	_ =	strace s2  }
0x95: {  	s2 =	sld [smem:$0x3FFD];
	_ =	sdelay $0x3  }
0x96: {  	_ =	strace s2  }
0x97: {  	_ =	strace $0x8FFFFFFF  }
0x98: {  	s20 =	sld [smem:$0x3FDB];
	_ =	sdelay $0x1  }
0x99: {  	s4 =	simm.s32 $_scs_section_size  }
0x9a: {  	s5 =	simm.s32 $_size__tile_overlayer_lowered;
	s6 =	simm.s32 $_tile_overlayer_lowered  }
0x9b: {  	s7 =	simm.s32 $0x1BFF;
	s21 =	sshll.u32 s6, $0x1;
	s4 =	sadd.s32 s4, s20  }
0x9c: {  	s22 =	simm.s32 $0x0;
	s5 =	sshll.u32 s5, $0x1;
	s6 =	sadd.s32 s21, s4  }
0x9d: {  	[timem:s22], [sflag:s7] =	dma.local [hbm:s6], s5  }
0x9e: {  	_ =	swait.ge [sflag:s7], s5  }
0x9f: {  	s5 =	ssub.s32 $0x0, s5;
	[sflag:s7] =	ssyncset.done $0x0  }
0xa0: {  	[sflag:s7] =	ssyncadd.s32 s5;
	_ =	sdelay $0x1  }
0xa1: {  	s23 =	simm.s32 $0x1B8B  }
0xa2: {  	_ =	swait.ge [sflag:s23], $0x1  }
0xa3: {  	[sflag:s23] =	ssyncset.done $0x0  }
0xa4: {  	[sflag:s23] =	ssyncadd.s32 $0xFFFFFFFF  }
0xa5: {  	s5 =	sld [smem:$0x0]  }
0xa6: {  	s6 =	sand.u32 $0xFFFFFFFE, s1  }
0xa7: {  	p0 =	sne.s32 s1, s6  }
0xa8: {  	s6 =	sshll.u32 @p0 s6, $0xE  }
0xa9: {  	s6 =	sadd.s32 @p0 $0x11B8D, s6;
	s7 =	sshll.u32 @p0 s5, $0x11  }
0xaa: {  	s6 =	sor.u32 @p0 s7, s6  }
0xab: {  	[sflag:s6] =	ssyncadd.remote.s32 @p0 $0x1;
	_ =	sdelay $0x1  }
0xac: {  	s6 =	simm.s32 @p0 $0x1B8D  }
0xad: {  	_ =	swait.eq @p0 [sflag:s6], $0x1  }
0xae: {  	[sflag:s6] =	ssyncadd.s32 @p0 $0xFFFFFFFF  }
0xaf: {  	s7 =	sshll.u32 @!p0 s1, $0xE  }
0xb0: {  	s7 =	sor.u32 @!p0 $0x4000, s7;
	s6 =	simm.s32 @!p0 $0x1B8D  }
0xb1: {  	s5 =	sshll.u32 @!p0 s5, $0x11;
	s7 =	sadd.s32 @!p0 $0x11B8D, s7;
	_ =	swait.eq @!p0 [sflag:s6], $0x1  }
0xb2: {  	s5 =	sor.u32 @!p0 s5, s7;
	[sflag:s6] =	ssyncadd.s32 @!p0 $0xFFFFFFFF  }
0xb3: {  	s25 =	simm.s32 $0x1B8E;
	s24 =	sld [smem:$0x3FFE];
	[sflag:s5] =	ssyncadd.remote.s32 @!p0 $0x1  }
0xb4: {  	s26 =	simm.s32 $execute0_lowered;
	[smem:$0x3FD2] =	sst s25  }
0xb5: {  	s6 =	sshll.u32 s26, $0x1;
	_ =	strace $0x80000052;
	[dreg:$0x1] =	wrdreg $0xFFFFFFFF  }
0xb6: {  	s28 =	simm.s32 $_size_execute0_lowered;
	s4 =	sadd.s32 s4, s6;
	[dreg:$0x0] =	wrdreg $0x0  }
0xb7: {  	s6 =	sshll.u32 s28, $0x1;
	[dreg:$0x2] =	wrdreg s4  }
0xb8: {  	[dreg:$0x3] =	wrdreg s6  }
0xb9: {  	[dreg:$0x4] =	wrdreg $0xC0  }
0xba: {  	_ =	task [dreg:s22], $0x5FFFF  }
0xbb: {  	[dreg:$0x1] =	wrdreg $0xFFFFFFFF  }
0xbc: {  	[dreg:$0x0] =	wrdreg $0x60  }
0xbd: {  	[dreg:$0x2] =	wrdreg s24  }
0xbe: {  	[dreg:$0x3] =	wrdreg s18  }
0xbf: {  	[dreg:$0x4] =	wrdreg $0x1E6A00  }
0xc0: {  	[dreg:$0x5] =	wrdreg $0xC  }
0xc1: {  	_ =	task.clear_ibuf [dreg:s22], $0x6FFFF;
	_ =	strace $0x90000052  }
0xc2: {  	s29 =	simm.s32 $0xC;
	_ =	strace $0x80000054  }
0xc3: {  	_ =	swait.ge [sflag:s29], $0x1  }
0xc4: {  	[sflag:s29] =	ssyncadd.s32 $0xFFFFFFFF  }
0xc5: {  	_ =	strace $0x90000054  }
0xc6: {  	_ =	sfence  }
0xc7: {  	s30 =	sld [smem:$0x0];
	_ =	sdelay $0x2  }
0xc8: {  	s31 =	sshll.u32 s1, $0xD;
	s1 =	sshrl.u32 s1, $0x2  }
0xc9: {  	s4 =	sand.u32 $0x4000, s31;
	s1 =	sadd.s32 s1, s30  }
0xca: {  	s0 =	sor.u32 s4, s0;
	s1 =	sshll.u32 s1, $0x11  }
0xcb: {  	s0 =	sor.u32 s1, s0  }
0xcc: {  	s0 =	sadd.s32 $0x8F2B, s0  }
0xcd: {  	[sflag:s0] =	ssyncadd.remote.s32 $0x1  }
0xce: {  	_ =	sfence.sel $0xFFFF  }
0xcf: {  	[dreg:$0x0] =	wrdreg $0xFFFFFFFF;
	(pc) =	sbr.abs _section_cstart, $3  }
0xd0: {  	[dreg:$0x1] =	wrdreg $0xFFFFFFFF  }
0xd1: {  	_ =	task.clear_ibuf [dreg:s22], $0x2FFFF;
	_ =	strace $0x9FFFFFFF  }
0xd2: {  	(tm) =	ssettm $0x7FFFFFFF  }
0xd3: {  	_ =	shalt  }
tec
execute0_lowered:
.L_overlay_start_1:
0x0: {  	(tag) =	ssettag $0x1  }
0x1: {  	s8 =	rddreg [dreg:$0x0]  }
0x2: {  	s1 =	rddreg [dreg:$0x1]  }
0x3: {  	s2 =	rddreg [dreg:$0x2]  }
0x4: {  	s0 =	rddreg [dreg:$0x3];
	s3 =	simm.s32 $0x0  }
0x5: {  	s4 =	srdreg.scid;
	s6 =	stileid.u32;
	s12 =	simm.s32 $0x2  }
0x6: {  	s13 =	simm.s32 $0x186A0;
	s14 =	simm.s32 $0x1D6A0;
	s15 =	simm.s32 $0x0  }
0x7: {  	[smem:$0x7FF] =	sst s3;
	s7 =	sand.u32 $0x1, s4;
	s4 =	sadd.s32 $0x358800, s8  }
0x8: {  	s5 =	sadd.s32 $0x1C00, s8;
	s11 =	sadd.s32 $0x5000, s2;
	s9 =	ssub.s32 $0x2, s7  }
0x9: {  	s8 =	sadd.s32 $0x1C80, s8;
	p0 =	sne.s32 s6, $0x0;
	s10 =	sshrl.u32 s9, $0x1  }
0xa: {  	_ =	strace $0x80000053;
	s7 =	sshll.u32 s7, $0x2;
	s9 =	ssub.s32 s9, s10  }
0xb: {  	s11 =	sshrl.u32 @!p0 s11, $0x3;
	s10 =	sshrl.u32 @!p0 s2, $0x3;
	s9 =	smax.u32 s9, $0x1  }
.LBB2_1:
0xc: {  	s16 =	simm.s32 $0x0  }
.LBB2_2:
0xd: {  	s17 =	sadd.s32 s7, s16  }
0xe: {  	s21 =	simm.s32 @!p0 $0x8;
	s19 =	sor.u32 $0x10, s17  }
0xf: {  	s22 =	simm.s32 @!p0 $0x80;
	s17 =	sshll.u32 s17, $0x4;
	s18 =	smul.u32 @!p0 $0x2800, s19  }
0x10: {  	s23 =	simm.s32 @!p0 $0x200;
	s24 =	simm.s32 @!p0 $0x1C01;
	s17 =	sor.u32 s6, s17  }
0x11: {  	s31 =	smul.u32 $0x30D4, s17;
	s20 =	sadd.s32 @!p0 s5, s18;
	s18 =	sadd.s32 @!p0 s18, s8  }
0x12: {  	[spmem:s10@s22], [sflag:s24] =	dma.strided @!p0 [hbm:s20@s23], $0xA00, s21, $0x10   }
0x13: {  	[spmem:s11@s22], [sflag:s24] =	dma.strided @!p0 [hbm:s18@s23], $0xA00, s21, $0x10   }
0x14: {  	s20 =	sadd.s32 s4, s31;
	s18 =	simm.s32 $0x0  }
0x15: {  	[tilespmem:s18], [sflag:$0x2] =	stream.linear.gather [hbm4b:s20+s18], $0x186A0, $0x38;
	[tilespmem:$0x1F0A0] =	vst v63  }
0x16: {  	s19 =	smul.u32 $0x14000, s19;
	_ =	swait.ge [sflag:s12], $0x186A0  }
0x17: {  	[sflag:s12] =	ssyncset.done $0x0  }
0x18: {  	s19 =	sor.u32 $0x800, s19;
	s20 =	simm.s32 $0x1D6A0;
	[sflag:s12] =	ssyncadd.s32 $0xFFFE7960  }
.LBB2_3:
0x19: {  	s21 =	simm.s32 @!p0 $0x1;
	s22 =	sand.u32 $0x1, s18  }
0x1a: {  	_ =	swait.ge @!p0 [sflag:s21], $0xA00;
	p1 =	seq.s32 s22, $0x1;
	s22 =	simm.s32 $0x5000  }
0x1b: {  	[sflag:s21] =	ssyncset.done @!p0 $0x0;
	s22 =	simm.s32 @!p1 $0x0;
	p1 =	sgt.u32 @!p0 s18, $0x1  }
0x1c: {  	[sflag:s21] =	ssyncadd.s32 @!p0 $0xFFFFF600;
	p1 =	por p1, p0  }
0x1d: {  	s21 =	sadd.s32 s22, s2;
	[bflag:$0x0] =	sbarrier.arrive $0xFFFF;
	s22 =	sshll.u32 @!p1 s18, $0xA  }
0x1e: {  	[tilespmem:s13], [sflag:$0x2] =	stream.linear.gather [spmem:s21], $0x5000, $0x38;
	[tilespmem:$0x1F0A0] =	vst v63  }
0x1f: {  	s23 =	simm.s32 @!p1 $0x8;
	s24 =	simm.s32 @!p1 $0x80;
	_ =	swait.ge [sflag:s12], $0x5000  }
0x20: {  	s25 =	simm.s32 @!p1 $0x200;
	s22 =	sor.u32 @!p1 s19, s22;
	[sflag:s12] =	ssyncset.done $0x0  }
0x21: {  	s26 =	simm.s32 @!p1 $0x1C01;
	s22 =	sshrl.u32 @!p1 s22, $0x3;
	[sflag:s12] =	ssyncadd.s32 $0xFFFFB000  }
0x22: {  	s21 =	sshrl.u32 @!p1 s21, $0x3;
	s22 =	sadd.s32 @!p1 s5, s22;
	[bflag:$0x0] =	sbarrier.arrive $0xFFFF  }
0x23: {  	[spmem:s21@s24], [sflag:s26] =	dma.strided @!p1 [hbm:s22@s25], $0xA00, s23, $0x10   }
0x24: {  	s21 =	simm.s32 $0x0  }
0x25: {  	v0 =	vld [tilespmem:s21+$0x1CEB0]  }
0x26: {  	v1 =	vld [tilespmem:s21+$0x1D2B0]  }
0x27: {  	v2 =	vld [tilespmem:s21+$0x1C6B0]  }
0x28: {  	v3 =	vld [tilespmem:s21+$0x1CAB0]  }
0x29: {  	v4 =	vld [tilespmem:s21+$0x1BEB0]  }
0x2a: {  	v5 =	vld [tilespmem:s21+$0x1C2B0]  }
0x2b: {  	v6 =	vld [tilespmem:s21+$0x1B6B0]  }
0x2c: {  	v7 =	vld [tilespmem:s21+$0x1BAB0]  }
0x2d: {  	v8 =	vld [tilespmem:s21+$0x1AEB0]  }
0x2e: {  	v9 =	vld [tilespmem:s21+$0x1B2B0]  }
0x2f: {  	v10 =	vld [tilespmem:s21+$0x1A6B0]  }
0x30: {  	v11 =	vld [tilespmem:s21+$0x1AAB0]  }
0x31: {  	v12 =	vld [tilespmem:s21+$0x186B0]  }
0x32: {  	v13 =	vld [tilespmem:s21+$0x18AB0]  }
0x33: {  	v14 =	vld [tilespmem:s21+$0x18EB0]  }
0x34: {  	v15 =	vld [tilespmem:s21+$0x192B0]  }
0x35: {  	v16 =	vld [tilespmem:s21+$0x196B0]  }
0x36: {  	v17 =	vld [tilespmem:s21+$0x19AB0]  }
0x37: {  	v18 =	vld [tilespmem:s21+$0x19EB0]  }
0x38: {  	v19 =	vld [tilespmem:s21+$0x1A2B0]  }
0x39: {  	v25 =	vld [tilespmem:s21+$0x19AA0]  }
0x3a: {  	v26 =	vld [tilespmem:s21+$0x19EA0]  }
0x3b: {  	v27 =	vld [tilespmem:s21+$0x1A2A0]  }
0x3c: {  	v33 =	vld [tilespmem:s21+$0x1BAA0]  }
0x3d: {  	v36 =	vld [tilespmem:s21+$0x1C2A0]  }
0x3e: {  	s22 =	simm.s32 $0x20;
	v39 =	vld [tilespmem:s21+$0x1CAA0]  }
0x3f: {  	v63 =	vld [tilespmem:s22+$0x1CEB0]  }
0x40: {  	v60 =	vld [tilespmem:s22+$0x1D2B0]  }
0x41: {  	v42 =	vld [tilespmem:s22+$0x1C6B0]  }
0x42: {  	v43 =	vld [tilespmem:s22+$0x1CAB0]  }
0x43: {  	v44 =	vld [tilespmem:s22+$0x1BEB0]  }
0x44: {  	v45 =	vld [tilespmem:s22+$0x1C2B0]  }
0x45: {  	v46 =	vld [tilespmem:s22+$0x1B6B0]  }
0x46: {  	v47 =	vld [tilespmem:s22+$0x1BAB0]  }
0x47: {  	v48 =	vld [tilespmem:s22+$0x1AEB0]  }
0x48: {  	v49 =	vld [tilespmem:s22+$0x1B2B0]  }
0x49: {  	v50 =	vld [tilespmem:s22+$0x1A6B0]  }
0x4a: {  	v51 =	vld [tilespmem:s22+$0x1AAB0]  }
0x4b: {  	v52 =	vld [tilespmem:s22+$0x186B0]  }
0x4c: {  	v53 =	vld [tilespmem:s22+$0x18AB0]  }
0x4d: {  	v54 =	vld [tilespmem:s22+$0x18EB0]  }
0x4e: {  	v55 =	vld [tilespmem:s22+$0x192B0]  }
0x4f: {  	v56 =	vld [tilespmem:s22+$0x196B0]  }
0x50: {  	v57 =	vld [tilespmem:s22+$0x19AB0]  }
0x51: {  	v58 =	vld [tilespmem:s22+$0x19EB0]  }
0x52: {  	v59 =	vld [tilespmem:s22+$0x1A2B0]  }
0x53: {  	v62 =	vld [tilespmem:s22+$0x186A0]  }
0x54: {  	v12 =	vld.idx.msk [tilespmem:v12+s3+$0x0], $0xffff  }
0x55: {  	v13 =	vld.idx.msk [tilespmem:v13+s3+$0x0], $0xffff  }
0x56: {  	v14 =	vld.idx.msk [tilespmem:v14+s3+$0x0], $0xffff  }
0x57: {  	v15 =	vld.idx.msk [tilespmem:v15+s3+$0x0], $0xffff  }
0x58: {  	v16 =	vld.idx.msk [tilespmem:v16+s3+$0x0], $0xffff  }
0x59: {  	v17 =	vld.idx.msk [tilespmem:v17+s3+$0x0], $0xffff  }
0x5a: {  	v18 =	vld.idx.msk [tilespmem:v18+s3+$0x0], $0xffff  }
0x5b: {  	v19 =	vld.idx.msk [tilespmem:v19+s3+$0x0], $0xffff  }
0x5c: {  	v10 =	vld.idx.msk [tilespmem:v10+s3+$0x0], $0xffff  }
0x5d: {  	v11 =	vld.idx.msk [tilespmem:v11+s3+$0x0], $0xffff  }
0x5e: {  	v8 =	vld.idx.msk [tilespmem:v8+s3+$0x0], $0xffff  }
0x5f: {  	v9 =	vld.idx.msk [tilespmem:v9+s3+$0x0], $0xffff  }
0x60: {  	v20 =	vld.idx.msk [tilespmem:v6+s3+$0x0], $0xffff  }
0x61: {  	v7 =	vld.idx.msk [tilespmem:v7+s3+$0x0], $0xffff  }
0x62: {  	v21 =	vld.idx.msk [tilespmem:v4+s3+$0x0], $0xffff  }
0x63: {  	v22 =	vld.idx.msk [tilespmem:v5+s3+$0x0], $0xffff  }
0x64: {  	v2 =	vld.idx.msk [tilespmem:v2+s3+$0x0], $0xffff  }
0x65: {  	v23 =	vld.idx.msk [tilespmem:v3+s3+$0x0], $0xffff  }
0x66: {  	v24 =	vld.idx.msk [tilespmem:v0+s3+$0x0], $0xffff  }
0x67: {  	v1 =	vld.idx.msk [tilespmem:v1+s3+$0x0], $0xffff  }
0x68: {  	v0 =	vld [tilespmem:s21+$0x186A0]  }
0x69: {  	v3 =	vld [tilespmem:s21+$0x18AA0]  }
0x6a: {  	v4 =	vld [tilespmem:s21+$0x18EA0]  }
0x6b: {  	v5 =	vld [tilespmem:s21+$0x192A0]  }
0x6c: {  	v6 =	vld [tilespmem:s21+$0x196A0]  }
0x6d: {  	v25 =	vld.idx.msk [tilespmem:v25+s3+$0x0], $0xffff  }
0x6e: {  	v26 =	vld.idx.msk [tilespmem:v26+s3+$0x0], $0xffff  }
0x6f: {  	v27 =	vld.idx.msk [tilespmem:v27+s3+$0x0], $0xffff  }
0x70: {  	v33 =	vld.idx.msk [tilespmem:v33+s3+$0x0], $0xffff  }
0x71: {  	v52 =	vld.idx.msk [tilespmem:v52+s3+$0x0], $0xffff  }
0x72: {  	v53 =	vld.idx.msk [tilespmem:v53+s3+$0x0], $0xffff  }
0x73: {  	v54 =	vld.idx.msk [tilespmem:v54+s3+$0x0], $0xffff  }
0x74: {  	v55 =	vld.idx.msk [tilespmem:v55+s3+$0x0], $0xffff  }
0x75: {  	v56 =	vld.idx.msk [tilespmem:v56+s3+$0x0], $0xffff  }
0x76: {  	v57 =	vld.idx.msk [tilespmem:v57+s3+$0x0], $0xffff  }
0x77: {  	v58 =	vld.idx.msk [tilespmem:v58+s3+$0x0], $0xffff  }
0x78: {  	v59 =	vld.idx.msk [tilespmem:v59+s3+$0x0], $0xffff  }
0x79: {  	v50 =	vld.idx.msk [tilespmem:v50+s3+$0x0], $0xffff  }
0x7a: {  	v51 =	vld.idx.msk [tilespmem:v51+s3+$0x0], $0xffff  }
0x7b: {  	v48 =	vld.idx.msk [tilespmem:v48+s3+$0x0], $0xffff  }
0x7c: {  	v49 =	vld.idx.msk [tilespmem:v49+s3+$0x0], $0xffff  }
0x7d: {  	v46 =	vld.idx.msk [tilespmem:v46+s3+$0x0], $0xffff  }
0x7e: {  	v47 =	vld.idx.msk [tilespmem:v47+s3+$0x0], $0xffff  }
0x7f: {  	v44 =	vld.idx.msk [tilespmem:v44+s3+$0x0], $0xffff  }
0x80: {  	v61 =	vld.idx.msk [tilespmem:v43+s3+$0x0], $0xffff;
	v12 =	vadd.f32 $0.0e+00, v12  }
0x81: {  	v13 =	vadd.f32 $0.0e+00, v13;
	v43 =	vadd.f32 $0.0e+00, v53;
	v53 =	vld [tilespmem:s22+$0x1B6A0]  }
0x82: {  	v12 =	vadd.f32 v14, v12;
	v14 =	vld.idx.msk [tilespmem:v45+s3+$0x0], $0xffff  }
0x83: {  	v13 =	vadd.f32 v15, v13;
	v15 =	vld.idx.msk [tilespmem:v42+s3+$0x0], $0xffff  }
0x84: {  	v45 =	vld [tilespmem:s22+$0x1AEA0]  }
0x85: {  	v28 =	vld.idx.msk [tilespmem:v0+s3+$0x0], $0xffff  }
0x86: {  	v29 =	vld.idx.msk [tilespmem:v3+s3+$0x0], $0xffff  }
0x87: {  	v30 =	vld.idx.msk [tilespmem:v4+s3+$0x0], $0xffff  }
0x88: {  	v31 =	vld.idx.msk [tilespmem:v5+s3+$0x0], $0xffff  }
0x89: {  	v0 =	vld [tilespmem:s21+$0x1A6A0]  }
0x8a: {  	v3 =	vld [tilespmem:s21+$0x1AAA0]  }
0x8b: {  	v32 =	vld.idx.msk [tilespmem:v6+s3+$0x0], $0xffff  }
0x8c: {  	v4 =	vld [tilespmem:s21+$0x1AEA0]  }
0x8d: {  	v5 =	vld [tilespmem:s21+$0x1B2A0]  }
0x8e: {  	v6 =	vld [tilespmem:s21+$0x1B6A0]  }
0x8f: {  	v12 =	vadd.f32 v16, v12;
	v13 =	vadd.f32 v17, v13;
	v17 =	vld.idx.msk [tilespmem:v63+s3+$0x0], $0xffff  }
0x90: {  	v63 =	vld [tilespmem:s22+$0x19EA0]  }
0x91: {  	v12 =	vadd.f32 v18, v12;
	v18 =	vld.idx.msk [tilespmem:v60+s3+$0x0], $0xffff  }
0x92: {  	v13 =	vadd.f32 v19, v13;
	v19 =	vld.idx.msk [tilespmem:v62+s3+$0x0], $0xffff  }
0x93: {  	v60 =	vld [tilespmem:s22+$0x1C6A0]  }
0x94: {  	v10 =	vadd.f32 v10, v12;
	v12 =	vld [tilespmem:s22+$0x18AA0]  }
0x95: {  	v11 =	vadd.f32 v11, v13;
	v13 =	vld [tilespmem:s22+$0x18EA0]  }
0x96: {  	v8 =	vadd.f32 v8, v10;
	v10 =	vld [tilespmem:s22+$0x192A0]  }
0x97: {  	v9 =	vadd.f32 v9, v11;
	v11 =	vld [tilespmem:s22+$0x196A0]  }
0x98: {  	v34 =	vld.idx.msk [tilespmem:v0+s3+$0x0], $0xffff  }
0x99: {  	v35 =	vld.idx.msk [tilespmem:v3+s3+$0x0], $0xffff  }
0x9a: {  	v3 =	vld [tilespmem:s21+$0x1BEA0]  }
0x9b: {  	v37 =	vld.idx.msk [tilespmem:v4+s3+$0x0], $0xffff  }
0x9c: {  	v38 =	vld.idx.msk [tilespmem:v5+s3+$0x0], $0xffff  }
0x9d: {  	v4 =	vld [tilespmem:s21+$0x1C6A0]  }
0x9e: {  	v40 =	vld.idx.msk [tilespmem:v6+s3+$0x0], $0xffff  }
0x9f: {  	v5 =	vld [tilespmem:s21+$0x1CEA0]  }
0xa0: {  	v0 =	vld [tilespmem:s21+$0x1D2A0];
	v8 =	vadd.f32 v20, v8  }
0xa1: {  	v6 =	vld.idx.msk [tilespmem:v36+s3+$0x0], $0xffff;
	v7 =	vadd.f32 v7, v9  }
0xa2: {  	v36 =	vld [tilespmem:s22+$0x1A2A0];
	v8 =	vadd.f32 v21, v8  }
0xa3: {  	v9 =	vld [tilespmem:s22+$0x19AA0];
	v7 =	vadd.f32 v22, v7  }
0xa4: {  	v20 =	vld.idx.msk [tilespmem:v63+s3+$0x0], $0xffff;
	v2 =	vadd.f32 v2, v8  }
0xa5: {  	v7 =	vadd.f32 v23, v7;
	v8 =	vld.idx.msk [tilespmem:v12+s3+$0x0], $0xffff  }
0xa6: {  	v12 =	vadd.f32 $0.0e+00, v28;
	v13 =	vld.idx.msk [tilespmem:v13+s3+$0x0], $0xffff;
	v2 =	vadd.f32 v24, v2  }
0xa7: {  	v1 =	vadd.f32 v1, v7;
	v7 =	vld.idx.msk [tilespmem:v10+s3+$0x0], $0xffff;
	v10 =	vadd.f32 $0.0e+00, v29  }
0xa8: {  	v12 =	vadd.f32 v30, v12;
	v11 =	vld.idx.msk [tilespmem:v11+s3+$0x0], $0xffff;
	v24 =	vadd.f32 v55, v43  }
0xa9: {  	v41 =	vld.idx.msk [tilespmem:v3+s3+$0x0], $0xffff;
	v42 =	vadd.f32 v1, v2;
	v2 =	vadd.f32 v31, v10  }
0xaa: {  	v3 =	vld.idx.msk [tilespmem:v4+s3+$0x0], $0xffff;
	v10 =	vadd.f32 v32, v12;
	v12 =	vadd.f32 $0.0e+00, v52  }
0xab: {  	v19 =	vadd.f32 $0.0e+00, v19;
	v4 =	vld.idx.msk [tilespmem:v39+s3+$0x0], $0xffff  }
0xac: {  	v1 =	vld [tilespmem:s22+$0x1AAA0];
	v24 =	vadd.f32 v57, v24;
	v12 =	vadd.f32 v54, v12  }
0xad: {  	v39 =	vld [tilespmem:s22+$0x1A6A0];
	v8 =	vadd.f32 $0.0e+00, v8;
	v2 =	vadd.f32 v25, v2  }
0xae: {  	v21 =	vld.idx.msk [tilespmem:v36+s3+$0x0], $0xffff;
	v13 =	vadd.f32 v13, v19;
	v12 =	vadd.f32 v56, v12  }
0xaf: {  	v5 =	vld.idx.msk [tilespmem:v5+s3+$0x0], $0xffff;
	v10 =	vadd.f32 v26, v10;
	v2 =	vadd.f32 v27, v2  }
0xb0: {  	v9 =	vld.idx.msk [tilespmem:v9+s3+$0x0], $0xffff;
	v24 =	vadd.f32 v59, v24;
	v12 =	vadd.f32 v58, v12  }
0xb1: {  	v52 =	vld [tilespmem:s22+$0x1B2A0];
	v7 =	vadd.f32 v7, v8;
	v2 =	vadd.f32 v35, v2  }
0xb2: {  	v57 =	vld [tilespmem:s22+$0x1BEA0];
	v8 =	vadd.f32 v11, v13;
	v12 =	vadd.f32 v50, v12  }
0xb3: {  	v54 =	vld [tilespmem:s22+$0x1BAA0];
	v24 =	vadd.f32 v51, v24;
	v2 =	vadd.f32 v38, v2  }
0xb4: {  	v10 =	vadd.f32 v34, v10;
	v55 =	vld.idx.msk [tilespmem:v1+s3+$0x0], $0xffff;
	v1 =	vadd.f32 v48, v12  }
0xb5: {  	v22 =	vld.idx.msk [tilespmem:v39+s3+$0x0], $0xffff;
	v56 =	vadd.f32 v33, v2;
	v2 =	vadd.f32 v49, v24  }
0xb6: {  	v7 =	vadd.f32 v9, v7;
	v12 =	vld [tilespmem:s22+$0x1C2A0];
	v1 =	vadd.f32 v46, v1  }
0xb7: {  	v11 =	vld.idx.msk [tilespmem:v53+s3+$0x0], $0xffff;
	v10 =	vadd.f32 v37, v10;
	v2 =	vadd.f32 v47, v2  }
0xb8: {  	v8 =	vadd.f32 v20, v8;
	v58 =	vld.idx.msk [tilespmem:v45+s3+$0x0], $0xffff;
	v1 =	vadd.f32 v44, v1  }
0xb9: {  	v10 =	vadd.f32 v40, v10;
	v2 =	vadd.f32 v14, v2;
	v14 =	vld [tilespmem:s22+$0x1CAA0]  }
0xba: {  	v59 =	vld.idx.msk [tilespmem:v52+s3+$0x0], $0xffff;
	v62 =	vadd.f32 v22, v8;
	v9 =	vadd.f32 v15, v1  }
0xbb: {  	v8 =	vld.idx.msk [tilespmem:v57+s3+$0x0], $0xffff;
	v13 =	vadd.f32 v61, v2;
	v1 =	vmov s20;
	v61 =	vadd.f32 v21, v7  }
0xbc: {  	v10 =	vadd.f32 v41, v10;
	v15 =	vld.idx.msk [tilespmem:v54+s3+$0x0], $0xffff;
	v9 =	vadd.f32 v17, v9  }
0xbd: {  	v7 =	vld [tilespmem:s22+$0x1D2A0];
	v13 =	vadd.f32 v18, v13;
	v16 =	vadd.f32 v55, v61  }
0xbe: {  	v63 =	vadd.f32 v6, v56;
	v6 =	vld.idx.msk [tilespmem:v12+s3+$0x0], $0xffff;
	v12 =	vadd.f32 v58, v62  }
0xbf: {  	v2 =	vld [tilespmem:s22+$0x1CEA0];
	v13 =	vadd.f32 v13, v9;
	v16 =	vadd.f32 v59, v16  }
0xc0: {  	v3 =	vadd.f32 v3, v10;
	v4 =	vadd.f32 v4, v63;
	v9 =	vld.idx.msk [tilespmem:v60+s3+$0x0], $0xffff;
	[tilespmem:v1+s21+$0x10 ss:$0x1] =	vst.idx.msk $0xffff, v42  }
0xc1: {  	s23 =	simm.s32 $0x2;
	s24 =	simm.s32 $0x100;
	v11 =	vadd.f32 v11, v12;
	v10 =	vld.idx.msk [tilespmem:v14+s3+$0x0], $0xffff;
	[tilespmem:v1+s22+$0x10 ss:$0x1] =	vst.idx.msk $0xffff, v13;
	v12 =	vadd.f32 v15, v16  }
.LBB2_4:
0xc2: {  	s25 =	sshra.s32 s24, $0x2;
	v13 =	vld.idx.msk [tilespmem:v0+s3+$0x0], $0xffff;
	v0 =	vmov v7  }
0xc3: {  	v8 =	vadd.f32 v8, v11;
	v7 =	vld [tilespmem:s25+$0x1CEB0]  }
0xc4: {  	v6 =	vadd.f32 v6, v12;
	v11 =	vld [tilespmem:s25+$0x1D2B0]  }
0xc5: {  	v8 =	vadd.f32 v9, v8;
	v12 =	vld [tilespmem:s25+$0x1C6B0]  }
0xc6: {  	v6 =	vadd.f32 v10, v6;
	v9 =	vld [tilespmem:s25+$0x1CAB0]  }
0xc7: {  	v5 =	vadd.f32 v5, v3;
	v3 =	vmov v8;
	v10 =	vld [tilespmem:s25+$0x1BEB0]  }
0xc8: {  	v13 =	vadd.f32 v13, v4;
	v4 =	vmov v6;
	v8 =	vld [tilespmem:s25+$0x1C2B0]  }
0xc9: {  	v6 =	vld [tilespmem:s25+$0x1B6B0]  }
0xca: {  	v5 =	vadd.f32 v13, v5;
	v14 =	vld [tilespmem:s25+$0x1BAB0]  }
0xcb: {  	v13 =	vld [tilespmem:s25+$0x1AEB0]  }
0xcc: {  	v15 =	vld [tilespmem:s25+$0x1B2B0];
	[tilespmem:v1+s21+$0x0 ss:$0x1] =	vst.idx.msk $0xffff, v5;
	s21 =	smov.u32 s22;
	s22 =	smov.u32 s25  }
0xcd: {  	v5 =	vld [tilespmem:s22+$0x1A6B0]  }
0xce: {  	v16 =	vld [tilespmem:s22+$0x1AAB0]  }
0xcf: {  	s23 =	sadd.s32 $0x2, s23;
	v17 =	vld [tilespmem:s22+$0x186B0]  }
0xd0: {  	p1 =	slt.u32 s23, $0x3E;
	v18 =	vld [tilespmem:s22+$0x18AB0]  }
0xd1: {  	v19 =	vld [tilespmem:s22+$0x18EB0]  }
0xd2: {  	v20 =	vld [tilespmem:s22+$0x192B0]  }
0xd3: {  	v21 =	vld [tilespmem:s22+$0x196B0]  }
0xd4: {  	v22 =	vld [tilespmem:s22+$0x19AB0]  }
0xd5: {  	v23 =	vld [tilespmem:s22+$0x19EB0]  }
0xd6: {  	v24 =	vld [tilespmem:s22+$0x1A2B0]  }
0xd7: {  	v17 =	vld.idx.msk [tilespmem:v17+s3+$0x0], $0xffff  }
0xd8: {  	v18 =	vld.idx.msk [tilespmem:v18+s3+$0x0], $0xffff  }
0xd9: {  	v19 =	vld.idx.msk [tilespmem:v19+s3+$0x0], $0xffff  }
0xda: {  	v20 =	vld.idx.msk [tilespmem:v20+s3+$0x0], $0xffff  }
0xdb: {  	v21 =	vld.idx.msk [tilespmem:v21+s3+$0x0], $0xffff  }
0xdc: {  	v22 =	vld.idx.msk [tilespmem:v22+s3+$0x0], $0xffff  }
0xdd: {  	v23 =	vld.idx.msk [tilespmem:v23+s3+$0x0], $0xffff  }
0xde: {  	v17 =	vadd.f32 $0.0e+00, v17;
	v18 =	vadd.f32 $0.0e+00, v18;
	v24 =	vld.idx.msk [tilespmem:v24+s3+$0x0], $0xffff  }
0xdf: {  	v5 =	vld.idx.msk [tilespmem:v5+s3+$0x0], $0xffff  }
0xe0: {  	v17 =	vadd.f32 v19, v17;
	v18 =	vadd.f32 v20, v18;
	v16 =	vld.idx.msk [tilespmem:v16+s3+$0x0], $0xffff  }
0xe1: {  	v13 =	vld.idx.msk [tilespmem:v13+s3+$0x0], $0xffff  }
0xe2: {  	v17 =	vadd.f32 v21, v17;
	v18 =	vadd.f32 v22, v18;
	v15 =	vld.idx.msk [tilespmem:v15+s3+$0x0], $0xffff  }
0xe3: {  	v6 =	vld.idx.msk [tilespmem:v6+s3+$0x0], $0xffff  }
0xe4: {  	v17 =	vadd.f32 v23, v17;
	v18 =	vadd.f32 v24, v18;
	v14 =	vld.idx.msk [tilespmem:v14+s3+$0x0], $0xffff  }
0xe5: {  	v10 =	vld.idx.msk [tilespmem:v10+s3+$0x0], $0xffff  }
0xe6: {  	v5 =	vadd.f32 v5, v17;
	v16 =	vadd.f32 v16, v18;
	v8 =	vld.idx.msk [tilespmem:v8+s3+$0x0], $0xffff  }
0xe7: {  	v12 =	vld.idx.msk [tilespmem:v12+s3+$0x0], $0xffff  }
0xe8: {  	v5 =	vadd.f32 v13, v5;
	v13 =	vadd.f32 v15, v16;
	v9 =	vld.idx.msk [tilespmem:v9+s3+$0x0], $0xffff  }
0xe9: {  	v7 =	vld.idx.msk [tilespmem:v7+s3+$0x0], $0xffff  }
0xea: {  	v5 =	vadd.f32 v6, v5;
	v6 =	vadd.f32 v14, v13;
	v11 =	vld.idx.msk [tilespmem:v11+s3+$0x0], $0xffff  }
0xeb: {  	v13 =	vld [tilespmem:s22+$0x186A0]  }
0xec: {  	v5 =	vadd.f32 v10, v5;
	v6 =	vadd.f32 v8, v6;
	v14 =	vld [tilespmem:s22+$0x18AA0]  }
0xed: {  	v8 =	vld [tilespmem:s22+$0x18EA0]  }
0xee: {  	v5 =	vadd.f32 v12, v5;
	v6 =	vadd.f32 v9, v6;
	v10 =	vld [tilespmem:s22+$0x192A0]  }
0xef: {  	v9 =	vld [tilespmem:s22+$0x196A0]  }
0xf0: {  	v5 =	vadd.f32 v7, v5;
	v6 =	vadd.f32 v11, v6;
	v12 =	vld [tilespmem:s22+$0x19AA0]  }
0xf1: {  	v7 =	vld [tilespmem:s22+$0x19EA0]  }
0xf2: {  	v5 =	vadd.f32 v6, v5;
	v11 =	vld [tilespmem:s22+$0x1A2A0]  }
0xf3: {  	v6 =	vld.idx.msk [tilespmem:v13+s3+$0x0], $0xffff  }
0xf4: {  	v13 =	vld.idx.msk [tilespmem:v14+s3+$0x0], $0xffff;
	[tilespmem:v1+s22+$0x10 ss:$0x1] =	vst.idx.msk $0xffff, v5  }
0xf5: {  	v5 =	vld.idx.msk [tilespmem:v8+s3+$0x0], $0xffff  }
0xf6: {  	v8 =	vld.idx.msk [tilespmem:v10+s3+$0x0], $0xffff  }
0xf7: {  	v10 =	vld [tilespmem:s22+$0x1A6A0]  }
0xf8: {  	v14 =	vld [tilespmem:s22+$0x1AAA0]  }
0xf9: {  	v6 =	vadd.f32 $0.0e+00, v6;
	v9 =	vld.idx.msk [tilespmem:v9+s3+$0x0], $0xffff  }
0xfa: {  	v13 =	vadd.f32 $0.0e+00, v13;
	v12 =	vld.idx.msk [tilespmem:v12+s3+$0x0], $0xffff  }
0xfb: {  	v5 =	vadd.f32 v5, v6;
	v6 =	vld [tilespmem:s22+$0x1AEA0]  }
0xfc: {  	v8 =	vadd.f32 v8, v13;
	v13 =	vld [tilespmem:s22+$0x1B2A0]  }
0xfd: {  	v7 =	vld.idx.msk [tilespmem:v7+s3+$0x0], $0xffff  }
0xfe: {  	v11 =	vld.idx.msk [tilespmem:v11+s3+$0x0], $0xffff  }
0xff: {  	v5 =	vadd.f32 v9, v5;
	v9 =	vld [tilespmem:s22+$0x1B6A0]  }
0x100: {  	v8 =	vadd.f32 v12, v8;
	v12 =	vld [tilespmem:s22+$0x1BAA0]  }
0x101: {  	v10 =	vld.idx.msk [tilespmem:v10+s3+$0x0], $0xffff  }
0x102: {  	v14 =	vld.idx.msk [tilespmem:v14+s3+$0x0], $0xffff  }
0x103: {  	v5 =	vadd.f32 v7, v5;
	v15 =	vld [tilespmem:s22+$0x1BEA0]  }
0x104: {  	v7 =	vadd.f32 v11, v8;
	v11 =	vld [tilespmem:s22+$0x1C2A0]  }
0x105: {  	v6 =	vld.idx.msk [tilespmem:v6+s3+$0x0], $0xffff  }
0x106: {  	v8 =	vld.idx.msk [tilespmem:v13+s3+$0x0], $0xffff  }
0x107: {  	v5 =	vadd.f32 v10, v5;
	v10 =	vld [tilespmem:s22+$0x1C6A0]  }
0x108: {  	v7 =	vadd.f32 v14, v7;
	v13 =	vld [tilespmem:s22+$0x1CAA0]  }
0x109: {  	v9 =	vld.idx.msk [tilespmem:v9+s3+$0x0], $0xffff  }
0x10a: {  	v12 =	vld.idx.msk [tilespmem:v12+s3+$0x0], $0xffff  }
0x10b: {  	v5 =	vadd.f32 v6, v5;
	v14 =	vld [tilespmem:s22+$0x1CEA0]  }
0x10c: {  	v16 =	vadd.f32 v8, v7;
	v7 =	vld [tilespmem:s22+$0x1D2A0]  }
.Ltmp0:
0x10d: {  	v8 =	vld.idx.msk [tilespmem:v15+s3+$0x0], $0xffff;
	(pc) =	sbr.rel @p1 .LBB2_4-.Ltmp0, $4  }
0x10e: {  	v6 =	vld.idx.msk [tilespmem:v11+s3+$0x0], $0xffff  }
0x10f: {  	v11 =	vadd.f32 v9, v5;
	v9 =	vld.idx.msk [tilespmem:v10+s3+$0x0], $0xffff  }
0x110: {  	v12 =	vadd.f32 v12, v16;
	v10 =	vld.idx.msk [tilespmem:v13+s3+$0x0], $0xffff  }
0x111: {  	s24 =	sadd.s32 $0x80, s24;
	v5 =	vld.idx.msk [tilespmem:v2+s3+$0x0], $0xffff;
	v2 =	vmov v14  }
0x112: {  	_ =	sdelay $0x3  }
0x113: {  	v0 =	vld.idx.msk [tilespmem:v0+s3+$0x0], $0xffff  }
0x114: {  	v2 =	vld.idx.msk [tilespmem:v2+s3+$0x0], $0xffff  }
0x115: {  	v7 =	vld.idx.msk [tilespmem:v7+s3+$0x0], $0xffff  }
0x116: {  	v8 =	vadd.f32 v8, v11;
	v6 =	vadd.f32 v6, v12;
	_ =	sdelay $0x1  }
0x117: {  	s18 =	sadd.s32 $0x1, s18;
	v8 =	vadd.f32 v9, v8;
	v6 =	vadd.f32 v10, v6  }
0x118: {  	p1 =	sne.s32 s18, $0x4;
	v3 =	vadd.f32 v5, v3;
	v0 =	vadd.f32 v0, v4  }
.Ltmp1:
0x119: {  	v2 =	vadd.f32 v2, v8;
	v63 =	vadd.f32 v7, v6;
	(pc) =	sbr.rel @p1 .LBB2_3-.Ltmp1, $4  }
0x11a: {  	v0 =	vadd.f32 v0, v3  }
0x11b: {  	v2 =	vadd.f32 v63, v2  }
0x11c: {  	[tilespmem:v1+s21+$0x0 ss:$0x1] =	vst.idx.msk $0xffff, v0  }
0x11d: {  	s20 =	sadd.s32 $0x400, s20;
	[tilespmem:v1+s22+$0x0 ss:$0x1] =	vst.idx.msk $0xffff, v2  }
0x11e: {  	s16 =	sadd.s32 $0x1, s16  }
0x11f: {  	s17 =	sshll.u32 s17, $0x9;
	p1 =	sne.s32 s16, $0x4  }
.Ltmp2:
0x120: {  	s17 =	sadd.s32 s1, s17;
	(pc) =	sbr.rel @p1 .LBB2_2-.Ltmp2, $4  }
0x121: {  	[hbm4b:s17+s3] =	stream.linear.scatter [tilespmem:s14], [sflag:$0x2], $0x1000, $0x38;
	[tilespmem:$0x1F0A0] =	vst v63  }
0x122: {  	_ =	swait.ge [sflag:s12], $0x1000  }
0x123: {  	[sflag:s12] =	ssyncset.done $0x0  }
0x124: {  	[sflag:s12] =	ssyncadd.s32 $0xFFFFF000  }
0x125: {  	s15 =	sadd.s32 $0x1, s15  }
0x126: {  	p1 =	sne.s32 s15, s9  }
.Ltmp3:
0x127: {  	_ = 	snop;
	(pc) =	sbr.rel @p1 .LBB2_1-.Ltmp3, $1  }
0x128: {  	_ =	sdelay $0x3  }
0x129: {  	_ =	sfence.sel $0x180000  }
0x12a: {  	[bflag:$0x0] =	sbarrier.arrive $0xFFFF  }
0x12b: {  	_ =	strace $0x90000053  }
0x12c: {  	s0 =	sadd.s32 @!p0 $0x100000, s0;
	[bflag:$0x2] =	sbarrier.arrive $0xFFFF  }
0x12d: {  	[sflag:s0] =	ssyncadd.tile.s32 @!p0 $0x1;
	_ =	shalt  }
.Lfunc_end2:
_tile_overlayer_lowered:
.L_overlay_start_2:
0x12e: {  	(tag) =	ssettag $0x2  }
0x12f: {  	s0 =	rddreg [dreg:$0x0];
	s2 =	stileid.u32  }
0x130: {  	s1 =	rddreg [dreg:$0x1];
	p0 =	sne.s32 s2, $0x0  }
0x131: {  	s3 =	rddreg [dreg:$0x2];
	[bflag:$0x3] =	sbarrier.arrive $0xFFFF;
	s2 =	simm.s32 @!p0 $0x1C02  }
0x132: {  	[timem:s3], [sflag:s2] =	dma.local @!p0 [hbm:s0], s1  }
0x133: {  	s0 =	simm.s32 @!p0 $0x2  }
0x134: {  	_ =	swait.ge @!p0 [sflag:s0], s1  }
0x135: {  	s1 =	ssub.s32 @!p0 $0x0, s1;
	[sflag:s0] =	ssyncset.done @!p0 $0x0  }
0x136: {  	[sflag:s0] =	ssyncadd.s32 @!p0 s1  }
0x137: {  	[bflag:$0x3] =	sbarrier.arrive $0xFFFF  }
0x138: {  	_ =	shalt  }

// kernel: kernel.19.cloned.1.call-start
scs
__scs_entry_jumppad:
0x0: {  	(pc) =	sbr.rel $0x88, $3  }
0x1: {  	(tag) =	ssettag $0x0;
	lr =	simm.s32 $0x1  }
0x2: {  	[smem:$0x3F9E] =	sst lr;
	_ =	strace $0xD0000000  }
0x3: {  	_ = 	snop  }
0x4: {  	_ = 	snop  }
0x5: {  	_ = 	snop  }
0x6: {  	_ = 	snop  }
0x7: {  	_ = 	snop  }
__scs_overlays_trampoline_lowered:
0x8: {  	[smem:$0x3FAD] =	sst s0  }
0x9: {  	[smem:$0x3FAE] =	sst s1  }
0xa: {  	[smem:$0x3FAF] =	sst s2  }
0xb: {  	[smem:$0x3FB0] =	sst s3  }
0xc: {  	[smem:$0x3FB1] =	sst s4  }
0xd: {  	[smem:$0x3FB2] =	sst s5  }
0xe: {  	[smem:$0x3FB3] =	sst s6  }
0xf: {  	[smem:$0x3FB4] =	sst s7  }
0x10: {  	[smem:$0x3FB5] =	sst s8  }
0x11: {  	[smem:$0x3FB6] =	sst s9;
	s0 =	simm.s32 @!p0 $0x0  }
0x12: {  	s1 =	sld [smem:$0x3F9C];
	s0 =	simm.s32 @p0 $0x1  }
0x13: {  	[smem:$0x3FB7] =	sst s0;
	s0 =	simm.s32 @!p1 $0x0  }
0x14: {  	s2 =	sld [smem:$0x3F9B];
	s0 =	simm.s32 @p1 $0x1  }
0x15: {  	[smem:$0x3FB8] =	sst s0;
	s0 =	simm.s32 @!p2 $0x0  }
0x16: {  	s3 =	sld [smem:$0x3FDB];
	s0 =	simm.s32 @p2 $0x1  }
0x17: {  	s4 =	simm.s32 $0x1BF5;
	[smem:$0x3FBA] =	sst s0  }
0x18: {  	s0 =	sld [smem:$0x3F9D];
	_ =	swait.ge [sflag:s4], $0x0  }
0x19: {  	s7 =	sld [smem:$0x3F9E]  }
0x1a: {  	s8 =	sadd.s32 $0xFFFFE003, lr  }
0x1b: {  	s9 =	sadd.s32 $0xFFFFFEF7, lr;
	s5 =	simm.s32 $0xFFFFFFFF;
	p2 =	slt.u32 s8, $0xFFFFF086  }
0x1c: {  	p1 =	slt.u32 s9, $0xF7A;
	s5 =	simm.s32 @!p2 $0x0  }
0x1d: {  	s5 =	simm.s32 @p1 $0x1;
	p0 =	seq.s32 s7, s2  }
0x1e: {  	s7 =	smul.u32 @!p0 $0xF7A, s2;
	p2 =	seq.s32 @!p0 s5, $0x0  }
0x1f: {  	s9 =	smul.u32 $0xF7A, s1;
	s8 =	simm.s32 @!p0 $0x1BF5;
	p2 =	por !p2, p0  }
0x20: {  	[sflag:s8] =	ssyncset.s32 @!p0 $0xFFFFF086;
	s6 =	sadd.s32 @!p0 s3, s7;
	s7 =	simm.s32 @!p0 $0x108  }
0x21: {  	s3 =	sadd.s32 s3, s9;
	s6 =	sadd.s32 @!p0 $0x88, s6;
	s7 =	simm.s32 @p2 $0x1082  }
0x22: {  	[simem:s7], [sflag:s8] =	dma.local @!p0 [hbm:s6], $0xF7A  }
0x23: {  	s9 =	sor.u32 $0xD0000000, s2;
	s6 =	simm.s32 $0x108;
	_ =	swait.ge @!p0 [sflag:s8], $0x0  }
0x24: {  	s3 =	sadd.s32 $0x88, s3;
	s6 =	simm.s32 @!p1 $0x1082;
	[sflag:s4] =	ssyncset.s32 $0xFFFFF086  }
0x25: {  	[simem:s6], [sflag:s4] =	dma.local [hbm:s3], $0xF7A  }
0x26: {  	[smem:$0x3F9E] =	sst s1;
	(tag) =	ssettag s2;
	_ =	strace s9  }
0x27: {  	s1 =	sld [smem:$0x3FAE]  }
0x28: {  	s2 =	sld [smem:$0x3FAF]  }
0x29: {  	s4 =	sld [smem:$0x3FB1]  }
0x2a: {  	p0 =	seq.s32 s5, $0x0;
	s5 =	sld [smem:$0x3FB2]  }
0x2b: {  	s6 =	sld [smem:$0x3FB3]  }
0x2c: {  	s7 =	sld [smem:$0x3FB4]  }
0x2d: {  	s3 =	simm.s32 $0x108;
	s8 =	sld [smem:$0x3FB5]  }
0x2e: {  	s3 =	simm.s32 @!p0 $0x1082;
	s9 =	sld [smem:$0x3FB6]  }
0x2f: {  	lr =	sadd.s32 s0, s3;
	s0 =	sld [smem:$0x3FAD]  }
0x30: {  	s3 =	sld [smem:$0x3FB0]  }
0x31: {  	[smem:$0x3FB9] =	sst s10  }
0x32: {  	s10 =	sld [smem:$0x3FB7];
	_ =	sdelay $0x3  }
0x33: {  	p0 =	seq.s32 s10, $0x1;
	s10 =	sld [smem:$0x3FB9];
	_ =	sdelay $0x3  }
0x34: {  	[smem:$0x3FB9] =	sst s10  }
0x35: {  	s10 =	sld [smem:$0x3FB8];
	_ =	sdelay $0x3  }
0x36: {  	p1 =	seq.s32 s10, $0x1;
	s10 =	sld [smem:$0x3FB9];
	_ =	sdelay $0x3  }
0x37: {  	[smem:$0x3FB9] =	sst s10  }
0x38: {  	s10 =	sld [smem:$0x3FBA]  }
0x39: {  	_ = 	snop;
	(pc) =	sbr.ind lr, $3  }
0x3a: {  	_ = 	snop  }
0x3b: {  	_ = 	snop  }
0x3c: {  	p2 =	seq.s32 s10, $0x1;
	s10 =	sld [smem:$0x3FB9]  }
0x3d: {  	_ =	shalt  }
0x3e: {  	_ =	shalt  }
0x3f: {  	_ =	shalt  }
0x40: {  	_ =	shalt  }
0x41: {  	_ =	shalt  }
0x42: {  	_ =	shalt  }
0x43: {  	_ =	shalt  }
0x44: {  	_ =	shalt  }
0x45: {  	_ =	shalt  }
0x46: {  	_ =	shalt  }
0x47: {  	_ =	shalt  }
0x48: {  	_ =	shalt  }
0x49: {  	_ =	shalt  }
0x4a: {  	_ =	shalt  }
0x4b: {  	_ =	shalt  }
0x4c: {  	_ =	shalt  }
0x4d: {  	_ =	shalt  }
0x4e: {  	_ =	shalt  }
0x4f: {  	_ =	shalt  }
0x50: {  	_ =	shalt  }
0x51: {  	_ =	shalt  }
0x52: {  	_ =	shalt  }
0x53: {  	_ =	shalt  }
0x54: {  	_ =	shalt  }
0x55: {  	_ =	shalt  }
0x56: {  	_ =	shalt  }
0x57: {  	_ =	shalt  }
0x58: {  	_ =	shalt  }
0x59: {  	_ =	shalt  }
0x5a: {  	_ =	shalt  }
0x5b: {  	_ =	shalt  }
0x5c: {  	_ =	shalt  }
0x5d: {  	_ =	shalt  }
0x5e: {  	_ =	shalt  }
0x5f: {  	_ =	shalt  }
0x60: {  	_ =	shalt  }
0x61: {  	_ =	shalt  }
0x62: {  	_ =	shalt  }
0x63: {  	_ =	shalt  }
0x64: {  	_ =	shalt  }
0x65: {  	_ =	shalt  }
0x66: {  	_ =	shalt  }
0x67: {  	_ =	shalt  }
0x68: {  	_ =	shalt  }
0x69: {  	_ =	shalt  }
0x6a: {  	_ =	shalt  }
0x6b: {  	_ =	shalt  }
0x6c: {  	_ =	shalt  }
0x6d: {  	_ =	shalt  }
0x6e: {  	_ =	shalt  }
0x6f: {  	_ =	shalt  }
0x70: {  	_ =	shalt  }
0x71: {  	_ =	shalt  }
0x72: {  	_ =	shalt  }
0x73: {  	_ =	shalt  }
0x74: {  	_ =	shalt  }
0x75: {  	_ =	shalt  }
0x76: {  	_ =	shalt  }
0x77: {  	_ =	shalt  }
0x78: {  	_ =	shalt  }
0x79: {  	_ =	shalt  }
0x7a: {  	_ =	shalt  }
0x7b: {  	_ =	shalt  }
0x7c: {  	_ =	shalt  }
0x7d: {  	_ =	shalt  }
0x7e: {  	_ =	shalt  }
0x7f: {  	_ =	shalt  }
0x80: {  	_ =	shalt  }
0x81: {  	_ =	shalt  }
0x82: {  	_ =	shalt  }
0x83: {  	_ =	shalt  }
0x84: {  	_ =	shalt  }
0x85: {  	_ =	shalt  }
0x86: {  	_ =	shalt  }
0x87: {  	_ =	shalt  }
.Lfunc_end0:
.L_simem_size_0:
called_computation.4_lowered:
.L_overlay_start_0:
0x88: {  	s2 =	sld [smem:$0x3FD9]  }
0x89: {  	s3 =	sld [smem:$0x3FFE];
	_ =	sdelay $0x1  }
0x8a: {  	s1 =	srdreg.scid  }
0x8b: {  	s0 =	sand.u32 $0x1, s1  }
0x8c: {  	s17 =	sshll.u32 s0, $0xA;
	s2 =	sadd.s32 s3, s2  }
0x8d: {  	s2 =	sadd.s32 s2, s17  }
0x8e: {  	[smem:$0x3FC5] =	sst s2  }
0x8f: {  	_ = 	snop  }
0x90: {  	(tm) =	ssettm $0x1  }
0x91: {  	s18 =	sld [smem:$0x3FFB];
	_ =	sdelay $0x3  }
0x92: {  	_ =	strace s18  }
0x93: {  	s2 =	sld [smem:$0x3FFC];
	_ =	sdelay $0x3  }
0x94: {  	_ =	strace s2  }
0x95: {  	s2 =	sld [smem:$0x3FFD];
	_ =	sdelay $0x3  }
0x96: {  	_ =	strace s2  }
0x97: {  	_ =	strace $0x8FFFFFFF  }
0x98: {  	s19 =	sld [smem:$0x3FDB];
	_ =	sdelay $0x1  }
0x99: {  	s20 =	simm.s32 $_scs_section_size  }
0x9a: {  	s4 =	simm.s32 $_size__tile_overlayer_lowered;
	s5 =	simm.s32 $_tile_overlayer_lowered  }
0x9b: {  	s6 =	simm.s32 $0x1BFF;
	s21 =	sshll.u32 s5, $0x1;
	s3 =	sadd.s32 s20, s19  }
0x9c: {  	s22 =	simm.s32 $0x0;
	s4 =	sshll.u32 s4, $0x1;
	s5 =	sadd.s32 s21, s3  }
0x9d: {  	[timem:s22], [sflag:s6] =	dma.local [hbm:s5], s4  }
0x9e: {  	_ =	swait.ge [sflag:s6], s4  }
0x9f: {  	s4 =	ssub.s32 $0x0, s4;
	[sflag:s6] =	ssyncset.done $0x0  }
0xa0: {  	[sflag:s6] =	ssyncadd.s32 s4;
	_ =	sdelay $0x1  }
0xa1: {  	s23 =	simm.s32 $0x1B8B  }
0xa2: {  	_ =	swait.ge [sflag:s23], $0x1  }
0xa3: {  	[sflag:s23] =	ssyncset.done $0x0  }
0xa4: {  	[sflag:s23] =	ssyncadd.s32 $0xFFFFFFFF  }
0xa5: {  	s4 =	sld [smem:$0x0]  }
0xa6: {  	s5 =	sand.u32 $0xFFFFFFFE, s1  }
0xa7: {  	p0 =	sne.s32 s1, s5  }
0xa8: {  	s5 =	sshll.u32 @p0 s5, $0xE  }
0xa9: {  	s5 =	sadd.s32 @p0 $0x11B8D, s5;
	s6 =	sshll.u32 @p0 s4, $0x11  }
0xaa: {  	s5 =	sor.u32 @p0 s6, s5  }
0xab: {  	[sflag:s5] =	ssyncadd.remote.s32 @p0 $0x1;
	_ =	sdelay $0x1  }
0xac: {  	s5 =	simm.s32 @p0 $0x1B8D  }
0xad: {  	_ =	swait.eq @p0 [sflag:s5], $0x1  }
0xae: {  	[sflag:s5] =	ssyncadd.s32 @p0 $0xFFFFFFFF  }
0xaf: {  	s6 =	sshll.u32 @!p0 s1, $0xE  }
0xb0: {  	s6 =	sor.u32 @!p0 $0x4000, s6;
	s5 =	simm.s32 @!p0 $0x1B8D  }
0xb1: {  	s4 =	sshll.u32 @!p0 s4, $0x11;
	s6 =	sadd.s32 @!p0 $0x11B8D, s6;
	_ =	swait.eq @!p0 [sflag:s5], $0x1  }
0xb2: {  	s4 =	sor.u32 @!p0 s4, s6;
	[sflag:s5] =	ssyncadd.s32 @!p0 $0xFFFFFFFF  }
0xb3: {  	s25 =	simm.s32 $0x1B8E;
	s24 =	sld [smem:$0x3FFE];
	[sflag:s4] =	ssyncadd.remote.s32 @!p0 $0x1  }
0xb4: {  	s26 =	simm.s32 $execute0_lowered;
	[smem:$0x3FD2] =	sst s25  }
0xb5: {  	s5 =	sshll.u32 s26, $0x1;
	_ =	strace $0x80000049;
	[dreg:$0x1] =	wrdreg $0xFFFFFFFF  }
0xb6: {  	s28 =	simm.s32 $_size_execute0_lowered;
	s3 =	sadd.s32 s3, s5;
	[dreg:$0x0] =	wrdreg $0x0  }
0xb7: {  	s5 =	sshll.u32 s28, $0x1;
	[dreg:$0x2] =	wrdreg s3  }
0xb8: {  	[dreg:$0x3] =	wrdreg s5  }
0xb9: {  	[dreg:$0x4] =	wrdreg $0xC0  }
0xba: {  	_ =	task [dreg:s22], $0x5FFFF  }
0xbb: {  	[dreg:$0x1] =	wrdreg $0xFFFFFFFF  }
0xbc: {  	[dreg:$0x0] =	wrdreg $0x60  }
0xbd: {  	[dreg:$0x2] =	wrdreg s24  }
0xbe: {  	[dreg:$0x3] =	wrdreg $0x1E6A00  }
0xbf: {  	[dreg:$0x4] =	wrdreg $0xD  }
0xc0: {  	_ =	task.clear_ibuf [dreg:s22], $0x5FFFF;
	_ =	strace $0x90000049  }
0xc1: {  	s29 =	simm.s32 $0xD;
	_ =	strace $0x8000004B  }
0xc2: {  	_ =	swait.ge [sflag:s29], $0x1  }
0xc3: {  	[sflag:s29] =	ssyncadd.s32 $0xFFFFFFFF  }
0xc4: {  	_ =	strace $0x9000004B  }
0xc5: {  	_ =	sfence  }
0xc6: {  	s30 =	sld [smem:$0x0];
	_ =	sdelay $0x2  }
0xc7: {  	s31 =	sshll.u32 s1, $0xD;
	s1 =	sshrl.u32 s1, $0x2  }
0xc8: {  	s4 =	sand.u32 $0x4000, s31;
	s1 =	sadd.s32 s1, s30  }
0xc9: {  	s0 =	sor.u32 s4, s0;
	s1 =	sshll.u32 s1, $0x11  }
0xca: {  	s0 =	sor.u32 s1, s0  }
0xcb: {  	s0 =	sadd.s32 $0x8F2B, s0  }
0xcc: {  	[sflag:s0] =	ssyncadd.remote.s32 $0x1  }
0xcd: {  	_ =	sfence.sel $0xFFFF  }
0xce: {  	[dreg:$0x0] =	wrdreg $0xFFFFFFFF;
	(pc) =	sbr.abs _section_cstart, $3  }
0xcf: {  	[dreg:$0x1] =	wrdreg $0xFFFFFFFF  }
0xd0: {  	_ =	task.clear_ibuf [dreg:s22], $0x2FFFF;
	_ =	strace $0x9FFFFFFF  }
0xd1: {  	(tm) =	ssettm $0x7FFFFFFF  }
tec
execute0_lowered:
.L_overlay_start_1:
0x0: {  	(tag) =	ssettag $0x1  }
0x1: {  	s4 =	rddreg [dreg:$0x0]  }
0x2: {  	s0 =	srdreg.scid;
	s1 =	rddreg [dreg:$0x1]  }
0x3: {  	s10 =	stileid.u32;
	s2 =	simm.s32 $0x0;
	s14 =	simm.s32 $0x1D6A0  }
0x4: {  	s15 =	simm.s32 $0x0;
	s5 =	sand.u32 $0x1, s0;
	s0 =	rddreg [dreg:$0x2]  }
0x5: {  	[smem:$0x7FF] =	sst s2;
	s13 =	sadd.s32 $0x5000, s1;
	s8 =	sor.u32 $0x18, s5  }
0x6: {  	p0 =	sne.s32 s10, $0x0;
	s3 =	sshll.u32 s5, $0x4;
	s9 =	smul.u32 $0x2800, s8  }
0x7: {  	s5 =	ssub.s32 $0x2, s5;
	s6 =	sor.u32 s10, s3;
	s8 =	smul.u32 $0x14000, s8  }
0x8: {  	_ =	strace $0x8000004A;
	s31 =	sshrl.u32 s5, $0x1;
	s3 =	smul.u32 $0x30D4, s6  }
0x9: {  	s10 =	sshrl.u32 @!p0 s1, $0x3;
	s6 =	sshll.u32 s6, $0x9;
	s12 =	ssub.s32 s5, s31  }
0xa: {  	s11 =	sadd.s32 s6, s4;
	s7 =	sadd.s32 s3, s4;
	s3 =	sadd.s32 $0x1C00, s4  }
0xb: {  	s4 =	sadd.s32 s3, s9;
	s6 =	sadd.s32 $0xA8800, s7;
	s7 =	sor.u32 $0x800, s8  }
0xc: {  	s8 =	sadd.s32 $0x10A400, s11;
	s9 =	smax.u32 s12, $0x1;
	s11 =	sshrl.u32 @!p0 s13, $0x3  }
0xd: {  	s12 =	simm.s32 $0x2;
	s13 =	simm.s32 $0x186A0;
	s5 =	sadd.s32 $0x80, s4  }
.LBB2_1:
0xe: {  	s16 =	simm.s32 @!p0 $0x8  }
0xf: {  	s17 =	simm.s32 @!p0 $0x80;
	s18 =	simm.s32 @!p0 $0x200;
	s19 =	simm.s32 @!p0 $0x1C01  }
0x10: {  	[spmem:s10@s17], [sflag:s19] =	dma.strided @!p0 [hbm:s4@s18], $0xA00, s16, $0x10   }
0x11: {  	[spmem:s11@s17], [sflag:s19] =	dma.strided @!p0 [hbm:s5@s18], $0xA00, s16, $0x10   }
0x12: {  	[tilespmem:s2], [sflag:$0x2] =	stream.linear.gather [hbm4b:s6+s2], $0x186A0, $0x38;
	[tilespmem:$0x1F0A0] =	vst v63  }
0x13: {  	_ =	swait.ge [sflag:s12], $0x186A0  }
0x14: {  	[sflag:s12] =	ssyncset.done $0x0  }
0x15: {  	s16 =	simm.s32 $0x1D6A0;
	s17 =	simm.s32 $0x0;
	[sflag:s12] =	ssyncadd.s32 $0xFFFE7960  }
.LBB2_2:
0x16: {  	s18 =	simm.s32 @!p0 $0x1;
	s19 =	sand.u32 $0x1, s17  }
0x17: {  	_ =	swait.ge @!p0 [sflag:s18], $0xA00;
	p1 =	seq.s32 s19, $0x1;
	s19 =	simm.s32 $0x5000  }
0x18: {  	[sflag:s18] =	ssyncset.done @!p0 $0x0;
	s19 =	simm.s32 @!p1 $0x0;
	p1 =	sgt.u32 @!p0 s17, $0x1  }
0x19: {  	[sflag:s18] =	ssyncadd.s32 @!p0 $0xFFFFF600;
	p1 =	por p1, p0  }
0x1a: {  	s18 =	sadd.s32 s19, s1;
	[bflag:$0x0] =	sbarrier.arrive $0xFFFF;
	s19 =	sshll.u32 @!p1 s17, $0xA  }
0x1b: {  	[tilespmem:s13], [sflag:$0x2] =	stream.linear.gather [spmem:s18], $0x5000, $0x38;
	[tilespmem:$0x1F0A0] =	vst v63  }
0x1c: {  	s20 =	simm.s32 @!p1 $0x8;
	s21 =	simm.s32 @!p1 $0x80;
	_ =	swait.ge [sflag:s12], $0x5000  }
0x1d: {  	s22 =	simm.s32 @!p1 $0x200;
	s19 =	sor.u32 @!p1 s7, s19;
	[sflag:s12] =	ssyncset.done $0x0  }
0x1e: {  	s23 =	simm.s32 @!p1 $0x1C01;
	s19 =	sshrl.u32 @!p1 s19, $0x3;
	[sflag:s12] =	ssyncadd.s32 $0xFFFFB000  }
0x1f: {  	s18 =	sshrl.u32 @!p1 s18, $0x3;
	s19 =	sadd.s32 @!p1 s3, s19;
	[bflag:$0x0] =	sbarrier.arrive $0xFFFF  }
0x20: {  	[spmem:s18@s21], [sflag:s23] =	dma.strided @!p1 [hbm:s19@s22], $0xA00, s20, $0x10   }
0x21: {  	s18 =	simm.s32 $0x0  }
0x22: {  	v0 =	vld [tilespmem:s18+$0x1CEB0]  }
0x23: {  	v1 =	vld [tilespmem:s18+$0x1D2B0]  }
0x24: {  	v2 =	vld [tilespmem:s18+$0x1C6B0]  }
0x25: {  	v3 =	vld [tilespmem:s18+$0x1CAB0]  }
0x26: {  	v4 =	vld [tilespmem:s18+$0x1BEB0]  }
0x27: {  	v5 =	vld [tilespmem:s18+$0x1C2B0]  }
0x28: {  	v6 =	vld [tilespmem:s18+$0x1B6B0]  }
0x29: {  	v7 =	vld [tilespmem:s18+$0x1BAB0]  }
0x2a: {  	v8 =	vld [tilespmem:s18+$0x1AEB0]  }
0x2b: {  	v9 =	vld [tilespmem:s18+$0x1B2B0]  }
0x2c: {  	v10 =	vld [tilespmem:s18+$0x1A6B0]  }
0x2d: {  	v11 =	vld [tilespmem:s18+$0x1AAB0]  }
0x2e: {  	v12 =	vld [tilespmem:s18+$0x186B0]  }
0x2f: {  	v13 =	vld [tilespmem:s18+$0x18AB0]  }
0x30: {  	v14 =	vld [tilespmem:s18+$0x18EB0]  }
0x31: {  	v15 =	vld [tilespmem:s18+$0x192B0]  }
0x32: {  	v16 =	vld [tilespmem:s18+$0x196B0]  }
0x33: {  	v17 =	vld [tilespmem:s18+$0x19AB0]  }
0x34: {  	v18 =	vld [tilespmem:s18+$0x19EB0]  }
0x35: {  	v19 =	vld [tilespmem:s18+$0x1A2B0]  }
0x36: {  	v25 =	vld [tilespmem:s18+$0x19AA0]  }
0x37: {  	v26 =	vld [tilespmem:s18+$0x19EA0]  }
0x38: {  	v27 =	vld [tilespmem:s18+$0x1A2A0]  }
0x39: {  	v33 =	vld [tilespmem:s18+$0x1BAA0]  }
0x3a: {  	v36 =	vld [tilespmem:s18+$0x1C2A0]  }
0x3b: {  	s19 =	simm.s32 $0x20;
	v39 =	vld [tilespmem:s18+$0x1CAA0]  }
0x3c: {  	v63 =	vld [tilespmem:s19+$0x1CEB0]  }
0x3d: {  	v60 =	vld [tilespmem:s19+$0x1D2B0]  }
0x3e: {  	v42 =	vld [tilespmem:s19+$0x1C6B0]  }
0x3f: {  	v43 =	vld [tilespmem:s19+$0x1CAB0]  }
0x40: {  	v44 =	vld [tilespmem:s19+$0x1BEB0]  }
0x41: {  	v45 =	vld [tilespmem:s19+$0x1C2B0]  }
0x42: {  	v46 =	vld [tilespmem:s19+$0x1B6B0]  }
0x43: {  	v47 =	vld [tilespmem:s19+$0x1BAB0]  }
0x44: {  	v48 =	vld [tilespmem:s19+$0x1AEB0]  }
0x45: {  	v49 =	vld [tilespmem:s19+$0x1B2B0]  }
0x46: {  	v50 =	vld [tilespmem:s19+$0x1A6B0]  }
0x47: {  	v51 =	vld [tilespmem:s19+$0x1AAB0]  }
0x48: {  	v52 =	vld [tilespmem:s19+$0x186B0]  }
0x49: {  	v53 =	vld [tilespmem:s19+$0x18AB0]  }
0x4a: {  	v54 =	vld [tilespmem:s19+$0x18EB0]  }
0x4b: {  	v55 =	vld [tilespmem:s19+$0x192B0]  }
0x4c: {  	v56 =	vld [tilespmem:s19+$0x196B0]  }
0x4d: {  	v57 =	vld [tilespmem:s19+$0x19AB0]  }
0x4e: {  	v58 =	vld [tilespmem:s19+$0x19EB0]  }
0x4f: {  	v59 =	vld [tilespmem:s19+$0x1A2B0]  }
0x50: {  	v62 =	vld [tilespmem:s19+$0x186A0]  }
0x51: {  	v12 =	vld.idx.msk [tilespmem:v12+s2+$0x0], $0xffff  }
0x52: {  	v13 =	vld.idx.msk [tilespmem:v13+s2+$0x0], $0xffff  }
0x53: {  	v14 =	vld.idx.msk [tilespmem:v14+s2+$0x0], $0xffff  }
0x54: {  	v15 =	vld.idx.msk [tilespmem:v15+s2+$0x0], $0xffff  }
0x55: {  	v16 =	vld.idx.msk [tilespmem:v16+s2+$0x0], $0xffff  }
0x56: {  	v17 =	vld.idx.msk [tilespmem:v17+s2+$0x0], $0xffff  }
0x57: {  	v18 =	vld.idx.msk [tilespmem:v18+s2+$0x0], $0xffff  }
0x58: {  	v19 =	vld.idx.msk [tilespmem:v19+s2+$0x0], $0xffff  }
0x59: {  	v10 =	vld.idx.msk [tilespmem:v10+s2+$0x0], $0xffff  }
0x5a: {  	v11 =	vld.idx.msk [tilespmem:v11+s2+$0x0], $0xffff  }
0x5b: {  	v8 =	vld.idx.msk [tilespmem:v8+s2+$0x0], $0xffff  }
0x5c: {  	v9 =	vld.idx.msk [tilespmem:v9+s2+$0x0], $0xffff  }
0x5d: {  	v20 =	vld.idx.msk [tilespmem:v6+s2+$0x0], $0xffff  }
0x5e: {  	v7 =	vld.idx.msk [tilespmem:v7+s2+$0x0], $0xffff  }
0x5f: {  	v21 =	vld.idx.msk [tilespmem:v4+s2+$0x0], $0xffff  }
0x60: {  	v22 =	vld.idx.msk [tilespmem:v5+s2+$0x0], $0xffff  }
0x61: {  	v2 =	vld.idx.msk [tilespmem:v2+s2+$0x0], $0xffff  }
0x62: {  	v23 =	vld.idx.msk [tilespmem:v3+s2+$0x0], $0xffff  }
0x63: {  	v24 =	vld.idx.msk [tilespmem:v0+s2+$0x0], $0xffff  }
0x64: {  	v1 =	vld.idx.msk [tilespmem:v1+s2+$0x0], $0xffff  }
0x65: {  	v0 =	vld [tilespmem:s18+$0x186A0]  }
0x66: {  	v3 =	vld [tilespmem:s18+$0x18AA0]  }
0x67: {  	v4 =	vld [tilespmem:s18+$0x18EA0]  }
0x68: {  	v5 =	vld [tilespmem:s18+$0x192A0]  }
0x69: {  	v6 =	vld [tilespmem:s18+$0x196A0]  }
0x6a: {  	v25 =	vld.idx.msk [tilespmem:v25+s2+$0x0], $0xffff  }
0x6b: {  	v26 =	vld.idx.msk [tilespmem:v26+s2+$0x0], $0xffff  }
0x6c: {  	v27 =	vld.idx.msk [tilespmem:v27+s2+$0x0], $0xffff  }
0x6d: {  	v33 =	vld.idx.msk [tilespmem:v33+s2+$0x0], $0xffff  }
0x6e: {  	v52 =	vld.idx.msk [tilespmem:v52+s2+$0x0], $0xffff  }
0x6f: {  	v53 =	vld.idx.msk [tilespmem:v53+s2+$0x0], $0xffff  }
0x70: {  	v54 =	vld.idx.msk [tilespmem:v54+s2+$0x0], $0xffff  }
0x71: {  	v55 =	vld.idx.msk [tilespmem:v55+s2+$0x0], $0xffff  }
0x72: {  	v56 =	vld.idx.msk [tilespmem:v56+s2+$0x0], $0xffff  }
0x73: {  	v57 =	vld.idx.msk [tilespmem:v57+s2+$0x0], $0xffff  }
0x74: {  	v58 =	vld.idx.msk [tilespmem:v58+s2+$0x0], $0xffff  }
0x75: {  	v59 =	vld.idx.msk [tilespmem:v59+s2+$0x0], $0xffff  }
0x76: {  	v50 =	vld.idx.msk [tilespmem:v50+s2+$0x0], $0xffff  }
0x77: {  	v51 =	vld.idx.msk [tilespmem:v51+s2+$0x0], $0xffff  }
0x78: {  	v48 =	vld.idx.msk [tilespmem:v48+s2+$0x0], $0xffff  }
0x79: {  	v49 =	vld.idx.msk [tilespmem:v49+s2+$0x0], $0xffff  }
0x7a: {  	v46 =	vld.idx.msk [tilespmem:v46+s2+$0x0], $0xffff  }
0x7b: {  	v47 =	vld.idx.msk [tilespmem:v47+s2+$0x0], $0xffff  }
0x7c: {  	v44 =	vld.idx.msk [tilespmem:v44+s2+$0x0], $0xffff  }
0x7d: {  	v61 =	vld.idx.msk [tilespmem:v43+s2+$0x0], $0xffff;
	v12 =	vadd.f32 $0.0e+00, v12  }
0x7e: {  	v13 =	vadd.f32 $0.0e+00, v13;
	v43 =	vadd.f32 $0.0e+00, v53;
	v53 =	vld [tilespmem:s19+$0x1B6A0]  }
0x7f: {  	v12 =	vadd.f32 v14, v12;
	v14 =	vld.idx.msk [tilespmem:v45+s2+$0x0], $0xffff  }
0x80: {  	v13 =	vadd.f32 v15, v13;
	v15 =	vld.idx.msk [tilespmem:v42+s2+$0x0], $0xffff  }
0x81: {  	v45 =	vld [tilespmem:s19+$0x1AEA0]  }
0x82: {  	v28 =	vld.idx.msk [tilespmem:v0+s2+$0x0], $0xffff  }
0x83: {  	v29 =	vld.idx.msk [tilespmem:v3+s2+$0x0], $0xffff  }
0x84: {  	v30 =	vld.idx.msk [tilespmem:v4+s2+$0x0], $0xffff  }
0x85: {  	v31 =	vld.idx.msk [tilespmem:v5+s2+$0x0], $0xffff  }
0x86: {  	v0 =	vld [tilespmem:s18+$0x1A6A0]  }
0x87: {  	v3 =	vld [tilespmem:s18+$0x1AAA0]  }
0x88: {  	v32 =	vld.idx.msk [tilespmem:v6+s2+$0x0], $0xffff  }
0x89: {  	v4 =	vld [tilespmem:s18+$0x1AEA0]  }
0x8a: {  	v5 =	vld [tilespmem:s18+$0x1B2A0]  }
0x8b: {  	v6 =	vld [tilespmem:s18+$0x1B6A0]  }
0x8c: {  	v12 =	vadd.f32 v16, v12;
	v13 =	vadd.f32 v17, v13;
	v17 =	vld.idx.msk [tilespmem:v63+s2+$0x0], $0xffff  }
0x8d: {  	v63 =	vld [tilespmem:s19+$0x19EA0]  }
0x8e: {  	v12 =	vadd.f32 v18, v12;
	v18 =	vld.idx.msk [tilespmem:v60+s2+$0x0], $0xffff  }
0x8f: {  	v13 =	vadd.f32 v19, v13;
	v19 =	vld.idx.msk [tilespmem:v62+s2+$0x0], $0xffff  }
0x90: {  	v60 =	vld [tilespmem:s19+$0x1C6A0]  }
0x91: {  	v10 =	vadd.f32 v10, v12;
	v12 =	vld [tilespmem:s19+$0x18AA0]  }
0x92: {  	v11 =	vadd.f32 v11, v13;
	v13 =	vld [tilespmem:s19+$0x18EA0]  }
0x93: {  	v8 =	vadd.f32 v8, v10;
	v10 =	vld [tilespmem:s19+$0x192A0]  }
0x94: {  	v9 =	vadd.f32 v9, v11;
	v11 =	vld [tilespmem:s19+$0x196A0]  }
0x95: {  	v34 =	vld.idx.msk [tilespmem:v0+s2+$0x0], $0xffff  }
0x96: {  	v35 =	vld.idx.msk [tilespmem:v3+s2+$0x0], $0xffff  }
0x97: {  	v3 =	vld [tilespmem:s18+$0x1BEA0]  }
0x98: {  	v37 =	vld.idx.msk [tilespmem:v4+s2+$0x0], $0xffff  }
0x99: {  	v38 =	vld.idx.msk [tilespmem:v5+s2+$0x0], $0xffff  }
0x9a: {  	v4 =	vld [tilespmem:s18+$0x1C6A0]  }
0x9b: {  	v40 =	vld.idx.msk [tilespmem:v6+s2+$0x0], $0xffff  }
0x9c: {  	v5 =	vld [tilespmem:s18+$0x1CEA0]  }
0x9d: {  	v0 =	vld [tilespmem:s18+$0x1D2A0];
	v8 =	vadd.f32 v20, v8  }
0x9e: {  	v6 =	vld.idx.msk [tilespmem:v36+s2+$0x0], $0xffff;
	v7 =	vadd.f32 v7, v9  }
0x9f: {  	v36 =	vld [tilespmem:s19+$0x1A2A0];
	v8 =	vadd.f32 v21, v8  }
0xa0: {  	v9 =	vld [tilespmem:s19+$0x19AA0];
	v7 =	vadd.f32 v22, v7  }
0xa1: {  	v20 =	vld.idx.msk [tilespmem:v63+s2+$0x0], $0xffff;
	v2 =	vadd.f32 v2, v8  }
0xa2: {  	v7 =	vadd.f32 v23, v7;
	v8 =	vld.idx.msk [tilespmem:v12+s2+$0x0], $0xffff  }
0xa3: {  	v12 =	vadd.f32 $0.0e+00, v28;
	v13 =	vld.idx.msk [tilespmem:v13+s2+$0x0], $0xffff;
	v2 =	vadd.f32 v24, v2  }
0xa4: {  	v1 =	vadd.f32 v1, v7;
	v7 =	vld.idx.msk [tilespmem:v10+s2+$0x0], $0xffff;
	v10 =	vadd.f32 $0.0e+00, v29  }
0xa5: {  	v12 =	vadd.f32 v30, v12;
	v11 =	vld.idx.msk [tilespmem:v11+s2+$0x0], $0xffff;
	v24 =	vadd.f32 v55, v43  }
0xa6: {  	v41 =	vld.idx.msk [tilespmem:v3+s2+$0x0], $0xffff;
	v42 =	vadd.f32 v1, v2;
	v2 =	vadd.f32 v31, v10  }
0xa7: {  	v3 =	vld.idx.msk [tilespmem:v4+s2+$0x0], $0xffff;
	v10 =	vadd.f32 v32, v12;
	v12 =	vadd.f32 $0.0e+00, v52  }
0xa8: {  	v19 =	vadd.f32 $0.0e+00, v19;
	v4 =	vld.idx.msk [tilespmem:v39+s2+$0x0], $0xffff  }
0xa9: {  	v1 =	vld [tilespmem:s19+$0x1AAA0];
	v24 =	vadd.f32 v57, v24;
	v12 =	vadd.f32 v54, v12  }
0xaa: {  	v39 =	vld [tilespmem:s19+$0x1A6A0];
	v8 =	vadd.f32 $0.0e+00, v8;
	v2 =	vadd.f32 v25, v2  }
0xab: {  	v21 =	vld.idx.msk [tilespmem:v36+s2+$0x0], $0xffff;
	v13 =	vadd.f32 v13, v19;
	v12 =	vadd.f32 v56, v12  }
0xac: {  	v5 =	vld.idx.msk [tilespmem:v5+s2+$0x0], $0xffff;
	v10 =	vadd.f32 v26, v10;
	v2 =	vadd.f32 v27, v2  }
0xad: {  	v9 =	vld.idx.msk [tilespmem:v9+s2+$0x0], $0xffff;
	v24 =	vadd.f32 v59, v24;
	v12 =	vadd.f32 v58, v12  }
0xae: {  	v52 =	vld [tilespmem:s19+$0x1B2A0];
	v7 =	vadd.f32 v7, v8;
	v2 =	vadd.f32 v35, v2  }
0xaf: {  	v57 =	vld [tilespmem:s19+$0x1BEA0];
	v8 =	vadd.f32 v11, v13;
	v12 =	vadd.f32 v50, v12  }
0xb0: {  	v54 =	vld [tilespmem:s19+$0x1BAA0];
	v24 =	vadd.f32 v51, v24;
	v2 =	vadd.f32 v38, v2  }
0xb1: {  	v10 =	vadd.f32 v34, v10;
	v55 =	vld.idx.msk [tilespmem:v1+s2+$0x0], $0xffff;
	v1 =	vadd.f32 v48, v12  }
0xb2: {  	v22 =	vld.idx.msk [tilespmem:v39+s2+$0x0], $0xffff;
	v56 =	vadd.f32 v33, v2;
	v2 =	vadd.f32 v49, v24  }
0xb3: {  	v7 =	vadd.f32 v9, v7;
	v12 =	vld [tilespmem:s19+$0x1C2A0];
	v1 =	vadd.f32 v46, v1  }
0xb4: {  	v11 =	vld.idx.msk [tilespmem:v53+s2+$0x0], $0xffff;
	v10 =	vadd.f32 v37, v10;
	v2 =	vadd.f32 v47, v2  }
0xb5: {  	v8 =	vadd.f32 v20, v8;
	v58 =	vld.idx.msk [tilespmem:v45+s2+$0x0], $0xffff;
	v1 =	vadd.f32 v44, v1  }
0xb6: {  	v10 =	vadd.f32 v40, v10;
	v2 =	vadd.f32 v14, v2;
	v14 =	vld [tilespmem:s19+$0x1CAA0]  }
0xb7: {  	v59 =	vld.idx.msk [tilespmem:v52+s2+$0x0], $0xffff;
	v62 =	vadd.f32 v22, v8;
	v9 =	vadd.f32 v15, v1  }
0xb8: {  	v8 =	vld.idx.msk [tilespmem:v57+s2+$0x0], $0xffff;
	v13 =	vadd.f32 v61, v2;
	v1 =	vmov s16;
	v61 =	vadd.f32 v21, v7  }
0xb9: {  	v10 =	vadd.f32 v41, v10;
	v15 =	vld.idx.msk [tilespmem:v54+s2+$0x0], $0xffff;
	v9 =	vadd.f32 v17, v9  }
0xba: {  	v7 =	vld [tilespmem:s19+$0x1D2A0];
	v13 =	vadd.f32 v18, v13;
	v16 =	vadd.f32 v55, v61  }
0xbb: {  	v63 =	vadd.f32 v6, v56;
	v6 =	vld.idx.msk [tilespmem:v12+s2+$0x0], $0xffff;
	v12 =	vadd.f32 v58, v62  }
0xbc: {  	v2 =	vld [tilespmem:s19+$0x1CEA0];
	v13 =	vadd.f32 v13, v9;
	v16 =	vadd.f32 v59, v16  }
0xbd: {  	v3 =	vadd.f32 v3, v10;
	v4 =	vadd.f32 v4, v63;
	v9 =	vld.idx.msk [tilespmem:v60+s2+$0x0], $0xffff;
	[tilespmem:v1+s18+$0x10 ss:$0x1] =	vst.idx.msk $0xffff, v42  }
0xbe: {  	s20 =	simm.s32 $0x2;
	s21 =	simm.s32 $0x100;
	v11 =	vadd.f32 v11, v12;
	v10 =	vld.idx.msk [tilespmem:v14+s2+$0x0], $0xffff;
	[tilespmem:v1+s19+$0x10 ss:$0x1] =	vst.idx.msk $0xffff, v13;
	v12 =	vadd.f32 v15, v16  }
.LBB2_3:
0xbf: {  	s22 =	sshra.s32 s21, $0x2;
	v13 =	vld.idx.msk [tilespmem:v0+s2+$0x0], $0xffff;
	v0 =	vmov v7  }
0xc0: {  	v8 =	vadd.f32 v8, v11;
	v7 =	vld [tilespmem:s22+$0x1CEB0]  }
0xc1: {  	v6 =	vadd.f32 v6, v12;
	v11 =	vld [tilespmem:s22+$0x1D2B0]  }
0xc2: {  	v8 =	vadd.f32 v9, v8;
	v12 =	vld [tilespmem:s22+$0x1C6B0]  }
0xc3: {  	v6 =	vadd.f32 v10, v6;
	v9 =	vld [tilespmem:s22+$0x1CAB0]  }
0xc4: {  	v5 =	vadd.f32 v5, v3;
	v3 =	vmov v8;
	v10 =	vld [tilespmem:s22+$0x1BEB0]  }
0xc5: {  	v13 =	vadd.f32 v13, v4;
	v4 =	vmov v6;
	v8 =	vld [tilespmem:s22+$0x1C2B0]  }
0xc6: {  	v6 =	vld [tilespmem:s22+$0x1B6B0]  }
0xc7: {  	v5 =	vadd.f32 v13, v5;
	v14 =	vld [tilespmem:s22+$0x1BAB0]  }
0xc8: {  	v13 =	vld [tilespmem:s22+$0x1AEB0]  }
0xc9: {  	v15 =	vld [tilespmem:s22+$0x1B2B0];
	[tilespmem:v1+s18+$0x0 ss:$0x1] =	vst.idx.msk $0xffff, v5;
	s18 =	smov.u32 s19;
	s19 =	smov.u32 s22  }
0xca: {  	v5 =	vld [tilespmem:s19+$0x1A6B0]  }
0xcb: {  	v16 =	vld [tilespmem:s19+$0x1AAB0]  }
0xcc: {  	s20 =	sadd.s32 $0x2, s20;
	v17 =	vld [tilespmem:s19+$0x186B0]  }
0xcd: {  	p1 =	slt.u32 s20, $0x3E;
	v18 =	vld [tilespmem:s19+$0x18AB0]  }
0xce: {  	v19 =	vld [tilespmem:s19+$0x18EB0]  }
0xcf: {  	v20 =	vld [tilespmem:s19+$0x192B0]  }
0xd0: {  	v21 =	vld [tilespmem:s19+$0x196B0]  }
0xd1: {  	v22 =	vld [tilespmem:s19+$0x19AB0]  }
0xd2: {  	v23 =	vld [tilespmem:s19+$0x19EB0]  }
0xd3: {  	v24 =	vld [tilespmem:s19+$0x1A2B0]  }
0xd4: {  	v17 =	vld.idx.msk [tilespmem:v17+s2+$0x0], $0xffff  }
0xd5: {  	v18 =	vld.idx.msk [tilespmem:v18+s2+$0x0], $0xffff  }
0xd6: {  	v19 =	vld.idx.msk [tilespmem:v19+s2+$0x0], $0xffff  }
0xd7: {  	v20 =	vld.idx.msk [tilespmem:v20+s2+$0x0], $0xffff  }
0xd8: {  	v21 =	vld.idx.msk [tilespmem:v21+s2+$0x0], $0xffff  }
0xd9: {  	v22 =	vld.idx.msk [tilespmem:v22+s2+$0x0], $0xffff  }
0xda: {  	v23 =	vld.idx.msk [tilespmem:v23+s2+$0x0], $0xffff  }
0xdb: {  	v17 =	vadd.f32 $0.0e+00, v17;
	v18 =	vadd.f32 $0.0e+00, v18;
	v24 =	vld.idx.msk [tilespmem:v24+s2+$0x0], $0xffff  }
0xdc: {  	v5 =	vld.idx.msk [tilespmem:v5+s2+$0x0], $0xffff  }
0xdd: {  	v17 =	vadd.f32 v19, v17;
	v18 =	vadd.f32 v20, v18;
	v16 =	vld.idx.msk [tilespmem:v16+s2+$0x0], $0xffff  }
0xde: {  	v13 =	vld.idx.msk [tilespmem:v13+s2+$0x0], $0xffff  }
0xdf: {  	v17 =	vadd.f32 v21, v17;
	v18 =	vadd.f32 v22, v18;
	v15 =	vld.idx.msk [tilespmem:v15+s2+$0x0], $0xffff  }
0xe0: {  	v6 =	vld.idx.msk [tilespmem:v6+s2+$0x0], $0xffff  }
0xe1: {  	v17 =	vadd.f32 v23, v17;
	v18 =	vadd.f32 v24, v18;
	v14 =	vld.idx.msk [tilespmem:v14+s2+$0x0], $0xffff  }
0xe2: {  	v10 =	vld.idx.msk [tilespmem:v10+s2+$0x0], $0xffff  }
0xe3: {  	v5 =	vadd.f32 v5, v17;
	v16 =	vadd.f32 v16, v18;
	v8 =	vld.idx.msk [tilespmem:v8+s2+$0x0], $0xffff  }
0xe4: {  	v12 =	vld.idx.msk [tilespmem:v12+s2+$0x0], $0xffff  }
0xe5: {  	v5 =	vadd.f32 v13, v5;
	v13 =	vadd.f32 v15, v16;
	v9 =	vld.idx.msk [tilespmem:v9+s2+$0x0], $0xffff  }
0xe6: {  	v7 =	vld.idx.msk [tilespmem:v7+s2+$0x0], $0xffff  }
0xe7: {  	v5 =	vadd.f32 v6, v5;
	v6 =	vadd.f32 v14, v13;
	v11 =	vld.idx.msk [tilespmem:v11+s2+$0x0], $0xffff  }
0xe8: {  	v13 =	vld [tilespmem:s19+$0x186A0]  }
0xe9: {  	v5 =	vadd.f32 v10, v5;
	v6 =	vadd.f32 v8, v6;
	v14 =	vld [tilespmem:s19+$0x18AA0]  }
0xea: {  	v8 =	vld [tilespmem:s19+$0x18EA0]  }
0xeb: {  	v5 =	vadd.f32 v12, v5;
	v6 =	vadd.f32 v9, v6;
	v10 =	vld [tilespmem:s19+$0x192A0]  }
0xec: {  	v9 =	vld [tilespmem:s19+$0x196A0]  }
0xed: {  	v5 =	vadd.f32 v7, v5;
	v6 =	vadd.f32 v11, v6;
	v12 =	vld [tilespmem:s19+$0x19AA0]  }
0xee: {  	v7 =	vld [tilespmem:s19+$0x19EA0]  }
0xef: {  	v5 =	vadd.f32 v6, v5;
	v11 =	vld [tilespmem:s19+$0x1A2A0]  }
0xf0: {  	v6 =	vld.idx.msk [tilespmem:v13+s2+$0x0], $0xffff  }
0xf1: {  	v13 =	vld.idx.msk [tilespmem:v14+s2+$0x0], $0xffff;
	[tilespmem:v1+s19+$0x10 ss:$0x1] =	vst.idx.msk $0xffff, v5  }
0xf2: {  	v5 =	vld.idx.msk [tilespmem:v8+s2+$0x0], $0xffff  }
0xf3: {  	v8 =	vld.idx.msk [tilespmem:v10+s2+$0x0], $0xffff  }
0xf4: {  	v10 =	vld [tilespmem:s19+$0x1A6A0]  }
0xf5: {  	v14 =	vld [tilespmem:s19+$0x1AAA0]  }
0xf6: {  	v6 =	vadd.f32 $0.0e+00, v6;
	v9 =	vld.idx.msk [tilespmem:v9+s2+$0x0], $0xffff  }
0xf7: {  	v13 =	vadd.f32 $0.0e+00, v13;
	v12 =	vld.idx.msk [tilespmem:v12+s2+$0x0], $0xffff  }
0xf8: {  	v5 =	vadd.f32 v5, v6;
	v6 =	vld [tilespmem:s19+$0x1AEA0]  }
0xf9: {  	v8 =	vadd.f32 v8, v13;
	v13 =	vld [tilespmem:s19+$0x1B2A0]  }
0xfa: {  	v7 =	vld.idx.msk [tilespmem:v7+s2+$0x0], $0xffff  }
0xfb: {  	v11 =	vld.idx.msk [tilespmem:v11+s2+$0x0], $0xffff  }
0xfc: {  	v5 =	vadd.f32 v9, v5;
	v9 =	vld [tilespmem:s19+$0x1B6A0]  }
0xfd: {  	v8 =	vadd.f32 v12, v8;
	v12 =	vld [tilespmem:s19+$0x1BAA0]  }
0xfe: {  	v10 =	vld.idx.msk [tilespmem:v10+s2+$0x0], $0xffff  }
0xff: {  	v14 =	vld.idx.msk [tilespmem:v14+s2+$0x0], $0xffff  }
0x100: {  	v5 =	vadd.f32 v7, v5;
	v15 =	vld [tilespmem:s19+$0x1BEA0]  }
0x101: {  	v7 =	vadd.f32 v11, v8;
	v11 =	vld [tilespmem:s19+$0x1C2A0]  }
0x102: {  	v6 =	vld.idx.msk [tilespmem:v6+s2+$0x0], $0xffff  }
0x103: {  	v8 =	vld.idx.msk [tilespmem:v13+s2+$0x0], $0xffff  }
0x104: {  	v5 =	vadd.f32 v10, v5;
	v10 =	vld [tilespmem:s19+$0x1C6A0]  }
0x105: {  	v7 =	vadd.f32 v14, v7;
	v13 =	vld [tilespmem:s19+$0x1CAA0]  }
0x106: {  	v9 =	vld.idx.msk [tilespmem:v9+s2+$0x0], $0xffff  }
0x107: {  	v12 =	vld.idx.msk [tilespmem:v12+s2+$0x0], $0xffff  }
0x108: {  	v5 =	vadd.f32 v6, v5;
	v14 =	vld [tilespmem:s19+$0x1CEA0]  }
0x109: {  	v16 =	vadd.f32 v8, v7;
	v7 =	vld [tilespmem:s19+$0x1D2A0]  }
.Ltmp0:
0x10a: {  	v8 =	vld.idx.msk [tilespmem:v15+s2+$0x0], $0xffff;
	(pc) =	sbr.rel @p1 .LBB2_3-.Ltmp0, $4  }
0x10b: {  	v6 =	vld.idx.msk [tilespmem:v11+s2+$0x0], $0xffff  }
0x10c: {  	v11 =	vadd.f32 v9, v5;
	v9 =	vld.idx.msk [tilespmem:v10+s2+$0x0], $0xffff  }
0x10d: {  	v12 =	vadd.f32 v12, v16;
	v10 =	vld.idx.msk [tilespmem:v13+s2+$0x0], $0xffff  }
0x10e: {  	s21 =	sadd.s32 $0x80, s21;
	v5 =	vld.idx.msk [tilespmem:v2+s2+$0x0], $0xffff;
	v2 =	vmov v14  }
0x10f: {  	_ =	sdelay $0x3  }
0x110: {  	v0 =	vld.idx.msk [tilespmem:v0+s2+$0x0], $0xffff  }
0x111: {  	v2 =	vld.idx.msk [tilespmem:v2+s2+$0x0], $0xffff  }
0x112: {  	v7 =	vld.idx.msk [tilespmem:v7+s2+$0x0], $0xffff  }
0x113: {  	v8 =	vadd.f32 v8, v11;
	v6 =	vadd.f32 v6, v12;
	_ =	sdelay $0x1  }
0x114: {  	s17 =	sadd.s32 $0x1, s17;
	v8 =	vadd.f32 v9, v8;
	v6 =	vadd.f32 v10, v6  }
0x115: {  	p1 =	sne.s32 s17, $0x4;
	v3 =	vadd.f32 v5, v3;
	v0 =	vadd.f32 v0, v4  }
.Ltmp1:
0x116: {  	v2 =	vadd.f32 v2, v8;
	v63 =	vadd.f32 v7, v6;
	(pc) =	sbr.rel @p1 .LBB2_2-.Ltmp1, $4  }
0x117: {  	v0 =	vadd.f32 v0, v3  }
0x118: {  	v2 =	vadd.f32 v63, v2  }
0x119: {  	[tilespmem:v1+s18+$0x0 ss:$0x1] =	vst.idx.msk $0xffff, v0  }
0x11a: {  	s16 =	sadd.s32 $0x400, s16;
	[tilespmem:v1+s19+$0x0 ss:$0x1] =	vst.idx.msk $0xffff, v2  }
0x11b: {  	s15 =	sadd.s32 $0x1, s15  }
0x11c: {  	p1 =	sne.s32 s15, s9  }
.Ltmp2:
0x11d: {  	_ = 	snop;
	(pc) =	sbr.rel @p1 .LBB2_1-.Ltmp2, $4  }
0x11e: {  	[hbm4b:s8+s2] =	stream.linear.scatter [tilespmem:s14], [sflag:$0x2], $0x1000, $0x38;
	[tilespmem:$0x1F0A0] =	vst v63  }
0x11f: {  	_ =	swait.ge [sflag:s12], $0x1000  }
0x120: {  	[sflag:s12] =	ssyncset.done $0x0  }
0x121: {  	[sflag:s12] =	ssyncadd.s32 $0xFFFFF000  }
0x122: {  	_ =	sfence.sel $0x180000  }
0x123: {  	[bflag:$0x0] =	sbarrier.arrive $0xFFFF  }
0x124: {  	_ =	strace $0x9000004A  }
0x125: {  	s0 =	sadd.s32 @!p0 $0x100000, s0;
	[bflag:$0x2] =	sbarrier.arrive $0xFFFF  }
0x126: {  	[sflag:s0] =	ssyncadd.tile.s32 @!p0 $0x1;
	_ =	shalt  }
.Lfunc_end2:
_tile_overlayer_lowered:
.L_overlay_start_2:
0x127: {  	(tag) =	ssettag $0x2  }
0x128: {  	s0 =	rddreg [dreg:$0x0];
	s2 =	stileid.u32  }
0x129: {  	s1 =	rddreg [dreg:$0x1];
	p0 =	sne.s32 s2, $0x0  }
0x12a: {  	s3 =	rddreg [dreg:$0x2];
	[bflag:$0x3] =	sbarrier.arrive $0xFFFF;
	s2 =	simm.s32 @!p0 $0x1C02  }
0x12b: {  	[timem:s3], [sflag:s2] =	dma.local @!p0 [hbm:s0], s1  }
0x12c: {  	s0 =	simm.s32 @!p0 $0x2  }
0x12d: {  	_ =	swait.ge @!p0 [sflag:s0], s1  }
0x12e: {  	s1 =	ssub.s32 @!p0 $0x0, s1;
	[sflag:s0] =	ssyncset.done @!p0 $0x0  }
0x12f: {  	[sflag:s0] =	ssyncadd.s32 @!p0 s1  }
0x130: {  	[bflag:$0x3] =	sbarrier.arrive $0xFFFF  }
0x131: {  	_ =	shalt  }

// kernel: kernel.7.cloned.1.call-start
scs
__scs_entry_jumppad:
0x0: {  	(pc) =	sbr.rel $0x88, $3  }
0x1: {  	(tag) =	ssettag $0x0;
	lr =	simm.s32 $0x1  }
0x2: {  	[smem:$0x3F9E] =	sst lr;
	_ =	strace $0xD0000000  }
0x3: {  	_ = 	snop  }
0x4: {  	_ = 	snop  }
0x5: {  	_ = 	snop  }
0x6: {  	_ = 	snop  }
0x7: {  	_ = 	snop  }
__scs_overlays_trampoline_lowered:
0x8: {  	[smem:$0x3FAD] =	sst s0  }
0x9: {  	[smem:$0x3FAE] =	sst s1  }
0xa: {  	[smem:$0x3FAF] =	sst s2  }
0xb: {  	[smem:$0x3FB0] =	sst s3  }
0xc: {  	[smem:$0x3FB1] =	sst s4  }
0xd: {  	[smem:$0x3FB2] =	sst s5  }
0xe: {  	[smem:$0x3FB3] =	sst s6  }
0xf: {  	[smem:$0x3FB4] =	sst s7  }
0x10: {  	[smem:$0x3FB5] =	sst s8  }
0x11: {  	[smem:$0x3FB6] =	sst s9;
	s0 =	simm.s32 @!p0 $0x0  }
0x12: {  	s1 =	sld [smem:$0x3F9C];
	s0 =	simm.s32 @p0 $0x1  }
0x13: {  	[smem:$0x3FB7] =	sst s0;
	s0 =	simm.s32 @!p1 $0x0  }
0x14: {  	s2 =	sld [smem:$0x3F9B];
	s0 =	simm.s32 @p1 $0x1  }
0x15: {  	[smem:$0x3FB8] =	sst s0;
	s0 =	simm.s32 @!p2 $0x0  }
0x16: {  	s3 =	sld [smem:$0x3FDB];
	s0 =	simm.s32 @p2 $0x1  }
0x17: {  	s4 =	simm.s32 $0x1BF5;
	[smem:$0x3FBA] =	sst s0  }
0x18: {  	s0 =	sld [smem:$0x3F9D];
	_ =	swait.ge [sflag:s4], $0x0  }
0x19: {  	s7 =	sld [smem:$0x3F9E]  }
0x1a: {  	s8 =	sadd.s32 $0xFFFFE003, lr  }
0x1b: {  	s9 =	sadd.s32 $0xFFFFFEF7, lr;
	s5 =	simm.s32 $0xFFFFFFFF;
	p2 =	slt.u32 s8, $0xFFFFF086  }
0x1c: {  	p1 =	slt.u32 s9, $0xF7A;
	s5 =	simm.s32 @!p2 $0x0  }
0x1d: {  	s5 =	simm.s32 @p1 $0x1;
	p0 =	seq.s32 s7, s2  }
0x1e: {  	s7 =	smul.u32 @!p0 $0xF7A, s2;
	p2 =	seq.s32 @!p0 s5, $0x0  }
0x1f: {  	s9 =	smul.u32 $0xF7A, s1;
	s8 =	simm.s32 @!p0 $0x1BF5;
	p2 =	por !p2, p0  }
0x20: {  	[sflag:s8] =	ssyncset.s32 @!p0 $0xFFFFF086;
	s6 =	sadd.s32 @!p0 s3, s7;
	s7 =	simm.s32 @!p0 $0x108  }
0x21: {  	s3 =	sadd.s32 s3, s9;
	s6 =	sadd.s32 @!p0 $0x88, s6;
	s7 =	simm.s32 @p2 $0x1082  }
0x22: {  	[simem:s7], [sflag:s8] =	dma.local @!p0 [hbm:s6], $0xF7A  }
0x23: {  	s9 =	sor.u32 $0xD0000000, s2;
	s6 =	simm.s32 $0x108;
	_ =	swait.ge @!p0 [sflag:s8], $0x0  }
0x24: {  	s3 =	sadd.s32 $0x88, s3;
	s6 =	simm.s32 @!p1 $0x1082;
	[sflag:s4] =	ssyncset.s32 $0xFFFFF086  }
0x25: {  	[simem:s6], [sflag:s4] =	dma.local [hbm:s3], $0xF7A  }
0x26: {  	[smem:$0x3F9E] =	sst s1;
	(tag) =	ssettag s2;
	_ =	strace s9  }
0x27: {  	s1 =	sld [smem:$0x3FAE]  }
0x28: {  	s2 =	sld [smem:$0x3FAF]  }
0x29: {  	s4 =	sld [smem:$0x3FB1]  }
0x2a: {  	p0 =	seq.s32 s5, $0x0;
	s5 =	sld [smem:$0x3FB2]  }
0x2b: {  	s6 =	sld [smem:$0x3FB3]  }
0x2c: {  	s7 =	sld [smem:$0x3FB4]  }
0x2d: {  	s3 =	simm.s32 $0x108;
	s8 =	sld [smem:$0x3FB5]  }
0x2e: {  	s3 =	simm.s32 @!p0 $0x1082;
	s9 =	sld [smem:$0x3FB6]  }
0x2f: {  	lr =	sadd.s32 s0, s3;
	s0 =	sld [smem:$0x3FAD]  }
0x30: {  	s3 =	sld [smem:$0x3FB0]  }
0x31: {  	[smem:$0x3FB9] =	sst s10  }
0x32: {  	s10 =	sld [smem:$0x3FB7];
	_ =	sdelay $0x3  }
0x33: {  	p0 =	seq.s32 s10, $0x1;
	s10 =	sld [smem:$0x3FB9];
	_ =	sdelay $0x3  }
0x34: {  	[smem:$0x3FB9] =	sst s10  }
0x35: {  	s10 =	sld [smem:$0x3FB8];
	_ =	sdelay $0x3  }
0x36: {  	p1 =	seq.s32 s10, $0x1;
	s10 =	sld [smem:$0x3FB9];
	_ =	sdelay $0x3  }
0x37: {  	[smem:$0x3FB9] =	sst s10  }
0x38: {  	s10 =	sld [smem:$0x3FBA]  }
0x39: {  	_ = 	snop;
	(pc) =	sbr.ind lr, $3  }
0x3a: {  	_ = 	snop  }
0x3b: {  	_ = 	snop  }
0x3c: {  	p2 =	seq.s32 s10, $0x1;
	s10 =	sld [smem:$0x3FB9]  }
0x3d: {  	_ =	shalt  }
0x3e: {  	_ =	shalt  }
0x3f: {  	_ =	shalt  }
0x40: {  	_ =	shalt  }
0x41: {  	_ =	shalt  }
0x42: {  	_ =	shalt  }
0x43: {  	_ =	shalt  }
0x44: {  	_ =	shalt  }
0x45: {  	_ =	shalt  }
0x46: {  	_ =	shalt  }
0x47: {  	_ =	shalt  }
0x48: {  	_ =	shalt  }
0x49: {  	_ =	shalt  }
0x4a: {  	_ =	shalt  }
0x4b: {  	_ =	shalt  }
0x4c: {  	_ =	shalt  }
0x4d: {  	_ =	shalt  }
0x4e: {  	_ =	shalt  }
0x4f: {  	_ =	shalt  }
0x50: {  	_ =	shalt  }
0x51: {  	_ =	shalt  }
0x52: {  	_ =	shalt  }
0x53: {  	_ =	shalt  }
0x54: {  	_ =	shalt  }
0x55: {  	_ =	shalt  }
0x56: {  	_ =	shalt  }
0x57: {  	_ =	shalt  }
0x58: {  	_ =	shalt  }
0x59: {  	_ =	shalt  }
0x5a: {  	_ =	shalt  }
0x5b: {  	_ =	shalt  }
0x5c: {  	_ =	shalt  }
0x5d: {  	_ =	shalt  }
0x5e: {  	_ =	shalt  }
0x5f: {  	_ =	shalt  }
0x60: {  	_ =	shalt  }
0x61: {  	_ =	shalt  }
0x62: {  	_ =	shalt  }
0x63: {  	_ =	shalt  }
0x64: {  	_ =	shalt  }
0x65: {  	_ =	shalt  }
0x66: {  	_ =	shalt  }
0x67: {  	_ =	shalt  }
0x68: {  	_ =	shalt  }
0x69: {  	_ =	shalt  }
0x6a: {  	_ =	shalt  }
0x6b: {  	_ =	shalt  }
0x6c: {  	_ =	shalt  }
0x6d: {  	_ =	shalt  }
0x6e: {  	_ =	shalt  }
0x6f: {  	_ =	shalt  }
0x70: {  	_ =	shalt  }
0x71: {  	_ =	shalt  }
0x72: {  	_ =	shalt  }
0x73: {  	_ =	shalt  }
0x74: {  	_ =	shalt  }
0x75: {  	_ =	shalt  }
0x76: {  	_ =	shalt  }
0x77: {  	_ =	shalt  }
0x78: {  	_ =	shalt  }
0x79: {  	_ =	shalt  }
0x7a: {  	_ =	shalt  }
0x7b: {  	_ =	shalt  }
0x7c: {  	_ =	shalt  }
0x7d: {  	_ =	shalt  }
0x7e: {  	_ =	shalt  }
0x7f: {  	_ =	shalt  }
0x80: {  	_ =	shalt  }
0x81: {  	_ =	shalt  }
0x82: {  	_ =	shalt  }
0x83: {  	_ =	shalt  }
0x84: {  	_ =	shalt  }
0x85: {  	_ =	shalt  }
0x86: {  	_ =	shalt  }
0x87: {  	_ =	shalt  }
.Lfunc_end0:
.L_simem_size_0:
called_computation_lowered:
.L_overlay_start_0:
0x88: {  	s2 =	sld [smem:$0x3FD9]  }
0x89: {  	s3 =	sld [smem:$0x3FFE];
	_ =	sdelay $0x1  }
0x8a: {  	s1 =	srdreg.scid  }
0x8b: {  	s0 =	sand.u32 $0x1, s1  }
0x8c: {  	s16 =	sshll.u32 s0, $0xA;
	s2 =	sadd.s32 s3, s2  }
0x8d: {  	s2 =	sadd.s32 s2, s16  }
0x8e: {  	[smem:$0x3FC5] =	sst s2  }
0x8f: {  	_ = 	snop  }
0x90: {  	(tm) =	ssettm $0x1  }
0x91: {  	s17 =	sld [smem:$0x3FFB];
	_ =	sdelay $0x3  }
0x92: {  	_ =	strace s17  }
0x93: {  	s2 =	sld [smem:$0x3FFC];
	_ =	sdelay $0x3  }
0x94: {  	_ =	strace s2  }
0x95: {  	s2 =	sld [smem:$0x3FFD];
	_ =	sdelay $0x3  }
0x96: {  	_ =	strace s2  }
0x97: {  	_ =	strace $0x8FFFFFFF  }
0x98: {  	s18 =	sld [smem:$0x3FDB];
	_ =	sdelay $0x1  }
0x99: {  	s19 =	simm.s32 $_scs_section_size  }
0x9a: {  	s4 =	simm.s32 $_size__tile_overlayer_lowered;
	s5 =	simm.s32 $_tile_overlayer_lowered  }
0x9b: {  	s22 =	simm.s32 $0x1BFF;
	s21 =	sshll.u32 s5, $0x1;
	s2 =	sadd.s32 s19, s18  }
0x9c: {  	s6 =	simm.s32 $0x0;
	s20 =	sshll.u32 s4, $0x1;
	s4 =	sadd.s32 s21, s2  }
0x9d: {  	[timem:s6], [sflag:s22] =	dma.local [hbm:s4], s20  }
0x9e: {  	_ =	swait.ge [sflag:s22], s20  }
0x9f: {  	s3 =	ssub.s32 $0x0, s20;
	[sflag:s22] =	ssyncset.done $0x0  }
0xa0: {  	[sflag:s22] =	ssyncadd.s32 s3;
	_ =	sdelay $0x1  }
0xa1: {  	s23 =	simm.s32 $0x1B8B  }
0xa2: {  	_ =	swait.ge [sflag:s23], $0x1  }
0xa3: {  	[sflag:s23] =	ssyncset.done $0x0  }
0xa4: {  	s25 =	simm.s32 $0x1B8E;
	s24 =	sld [smem:$0x3FFE];
	[sflag:s23] =	ssyncadd.s32 $0xFFFFFFFF  }
0xa5: {  	s26 =	simm.s32 $execute0_lowered;
	[smem:$0x3FD2] =	sst s25  }
0xa6: {  	s4 =	sshll.u32 s26, $0x1;
	_ =	strace $0x80000046;
	[dreg:$0x1] =	wrdreg $0xFFFFFFFF  }
0xa7: {  	s28 =	simm.s32 $_size_execute0_lowered;
	s2 =	sadd.s32 s2, s4;
	[dreg:$0x0] =	wrdreg $0x0  }
0xa8: {  	s4 =	sshll.u32 s28, $0x1;
	[dreg:$0x2] =	wrdreg s2  }
0xa9: {  	[dreg:$0x3] =	wrdreg s4  }
0xaa: {  	[dreg:$0x4] =	wrdreg $0xC0  }
0xab: {  	_ =	task [dreg:s6], $0x5FFFF  }
0xac: {  	[dreg:$0x1] =	wrdreg $0xFFFFFFFF  }
0xad: {  	[dreg:$0x0] =	wrdreg $0x60  }
0xae: {  	[dreg:$0x2] =	wrdreg s24  }
0xaf: {  	[dreg:$0x3] =	wrdreg $0x1E6A00  }
0xb0: {  	[dreg:$0x4] =	wrdreg $0x9  }
0xb1: {  	_ =	task.clear_ibuf [dreg:s6], $0x5FFFF;
	_ =	strace $0x90000046  }
0xb2: {  	s29 =	simm.s32 $0x9;
	_ =	strace $0x80000048  }
0xb3: {  	_ =	swait.ge [sflag:s29], $0x1  }
0xb4: {  	[sflag:s29] =	ssyncadd.s32 $0xFFFFFFFF  }
0xb5: {  	_ =	strace $0x90000048  }
0xb6: {  	_ =	sfence  }
0xb7: {  	s30 =	sld [smem:$0x0];
	_ =	sdelay $0x2  }
0xb8: {  	s31 =	sshll.u32 s1, $0xD;
	s1 =	sshrl.u32 s1, $0x2  }
0xb9: {  	s3 =	sand.u32 $0x4000, s31;
	s1 =	sadd.s32 s1, s30  }
0xba: {  	s0 =	sor.u32 s3, s0;
	s1 =	sshll.u32 s1, $0x11  }
0xbb: {  	s0 =	sor.u32 s1, s0  }
0xbc: {  	s0 =	sadd.s32 $0x8F2B, s0  }
0xbd: {  	[sflag:s0] =	ssyncadd.remote.s32 $0x1  }
0xbe: {  	_ =	sfence.sel $0xFFFF  }
0xbf: {  	[dreg:$0x0] =	wrdreg $0xFFFFFFFF;
	(pc) =	sbr.abs _section_cstart, $3  }
0xc0: {  	[dreg:$0x1] =	wrdreg $0xFFFFFFFF  }
0xc1: {  	_ =	task.clear_ibuf [dreg:s6], $0x2FFFF;
	_ =	strace $0x9FFFFFFF  }
0xc2: {  	(tm) =	ssettm $0x7FFFFFFF  }
0xc3: {  	_ =	shalt  }
tec
execute0_lowered:
.L_overlay_start_1:
0x0: {  	(tag) =	ssettag $0x1  }
0x1: {  	s0 =	srdreg.scid;
	s5 =	rddreg [dreg:$0x0]  }
0x2: {  	s10 =	stileid.u32;
	s1 =	rddreg [dreg:$0x1];
	s2 =	simm.s32 $0x0  }
0x3: {  	s15 =	simm.s32 $0x0;
	s4 =	sand.u32 $0x1, s0;
	[smem:$0x7FF] =	sst s2  }
0x4: {  	s14 =	sadd.s32 $0x5000, s1;
	p0 =	sne.s32 s10, $0x0;
	s9 =	smul.u32 $0x2800, s4  }
0x5: {  	s0 =	sshll.u32 s4, $0x4;
	s8 =	ssub.s32 $0x2, s4;
	s12 =	smul.u32 $0x14000, s4  }
0x6: {  	s6 =	sor.u32 s10, s0;
	s0 =	rddreg [dreg:$0x2];
	_ =	strace $0x80000047  }
0x7: {  	s31 =	sshrl.u32 s8, $0x1;
	s3 =	smul.u32 $0x30D4, s6;
	s6 =	sshll.u32 s6, $0x9  }
0x8: {  	s10 =	sshrl.u32 @!p0 s1, $0x3;
	s13 =	ssub.s32 s8, s31;
	s11 =	sadd.s32 s6, s5  }
0x9: {  	s7 =	sadd.s32 s3, s5;
	s3 =	sadd.s32 $0x1C00, s5;
	s8 =	sadd.s32 $0xA4800, s11  }
0xa: {  	s11 =	sshrl.u32 @!p0 s14, $0x3;
	s14 =	simm.s32 $0x1D6A0;
	s4 =	sadd.s32 s3, s9  }
0xb: {  	s6 =	sadd.s32 $0x42C00, s7;
	s7 =	sor.u32 $0x800, s12;
	s9 =	smax.u32 s13, $0x1  }
0xc: {  	s12 =	simm.s32 $0x2;
	s13 =	simm.s32 $0x186A0;
	s5 =	sadd.s32 $0x80, s4  }
.LBB2_1:
0xd: {  	s16 =	simm.s32 @!p0 $0x8  }
0xe: {  	s17 =	simm.s32 @!p0 $0x80;
	s18 =	simm.s32 @!p0 $0x200;
	s19 =	simm.s32 @!p0 $0x1C01  }
0xf: {  	[spmem:s10@s17], [sflag:s19] =	dma.strided @!p0 [hbm:s4@s18], $0xA00, s16, $0x10   }
0x10: {  	[spmem:s11@s17], [sflag:s19] =	dma.strided @!p0 [hbm:s5@s18], $0xA00, s16, $0x10   }
0x11: {  	[tilespmem:s2], [sflag:$0x2] =	stream.linear.gather [hbm4b:s6+s2], $0x186A0, $0x38;
	[tilespmem:$0x1F0A0] =	vst v63  }
0x12: {  	_ =	swait.ge [sflag:s12], $0x186A0  }
0x13: {  	[sflag:s12] =	ssyncset.done $0x0  }
0x14: {  	s16 =	simm.s32 $0x1D6A0;
	s17 =	simm.s32 $0x0;
	[sflag:s12] =	ssyncadd.s32 $0xFFFE7960  }
.LBB2_2:
0x15: {  	s18 =	simm.s32 @!p0 $0x1;
	s19 =	sand.u32 $0x1, s17  }
0x16: {  	_ =	swait.ge @!p0 [sflag:s18], $0xA00;
	p1 =	seq.s32 s19, $0x1;
	s19 =	simm.s32 $0x5000  }
0x17: {  	[sflag:s18] =	ssyncset.done @!p0 $0x0;
	s19 =	simm.s32 @!p1 $0x0;
	p1 =	sgt.u32 @!p0 s17, $0x1  }
0x18: {  	[sflag:s18] =	ssyncadd.s32 @!p0 $0xFFFFF600;
	p1 =	por p1, p0  }
0x19: {  	s18 =	sadd.s32 s19, s1;
	[bflag:$0x0] =	sbarrier.arrive $0xFFFF;
	s19 =	sshll.u32 @!p1 s17, $0xA  }
0x1a: {  	[tilespmem:s13], [sflag:$0x2] =	stream.linear.gather [spmem:s18], $0x5000, $0x38;
	[tilespmem:$0x1F0A0] =	vst v63  }
0x1b: {  	s20 =	simm.s32 @!p1 $0x8;
	s21 =	simm.s32 @!p1 $0x80;
	_ =	swait.ge [sflag:s12], $0x5000  }
0x1c: {  	s22 =	simm.s32 @!p1 $0x200;
	s19 =	sor.u32 @!p1 s7, s19;
	[sflag:s12] =	ssyncset.done $0x0  }
0x1d: {  	s23 =	simm.s32 @!p1 $0x1C01;
	s19 =	sshrl.u32 @!p1 s19, $0x3;
	[sflag:s12] =	ssyncadd.s32 $0xFFFFB000  }
0x1e: {  	s18 =	sshrl.u32 @!p1 s18, $0x3;
	s19 =	sadd.s32 @!p1 s3, s19;
	[bflag:$0x0] =	sbarrier.arrive $0xFFFF  }
0x1f: {  	[spmem:s18@s21], [sflag:s23] =	dma.strided @!p1 [hbm:s19@s22], $0xA00, s20, $0x10   }
0x20: {  	s18 =	simm.s32 $0x0  }
0x21: {  	v0 =	vld [tilespmem:s18+$0x1CEB0]  }
0x22: {  	v1 =	vld [tilespmem:s18+$0x1D2B0]  }
0x23: {  	v2 =	vld [tilespmem:s18+$0x1C6B0]  }
0x24: {  	v3 =	vld [tilespmem:s18+$0x1CAB0]  }
0x25: {  	v4 =	vld [tilespmem:s18+$0x1BEB0]  }
0x26: {  	v5 =	vld [tilespmem:s18+$0x1C2B0]  }
0x27: {  	v6 =	vld [tilespmem:s18+$0x1B6B0]  }
0x28: {  	v7 =	vld [tilespmem:s18+$0x1BAB0]  }
0x29: {  	v8 =	vld [tilespmem:s18+$0x1AEB0]  }
0x2a: {  	v9 =	vld [tilespmem:s18+$0x1B2B0]  }
0x2b: {  	v10 =	vld [tilespmem:s18+$0x1A6B0]  }
0x2c: {  	v11 =	vld [tilespmem:s18+$0x1AAB0]  }
0x2d: {  	v12 =	vld [tilespmem:s18+$0x186B0]  }
0x2e: {  	v13 =	vld [tilespmem:s18+$0x18AB0]  }
0x2f: {  	v14 =	vld [tilespmem:s18+$0x18EB0]  }
0x30: {  	v15 =	vld [tilespmem:s18+$0x192B0]  }
0x31: {  	v16 =	vld [tilespmem:s18+$0x196B0]  }
0x32: {  	v17 =	vld [tilespmem:s18+$0x19AB0]  }
0x33: {  	v18 =	vld [tilespmem:s18+$0x19EB0]  }
0x34: {  	v19 =	vld [tilespmem:s18+$0x1A2B0]  }
0x35: {  	v25 =	vld [tilespmem:s18+$0x19AA0]  }
0x36: {  	v26 =	vld [tilespmem:s18+$0x19EA0]  }
0x37: {  	v27 =	vld [tilespmem:s18+$0x1A2A0]  }
0x38: {  	v33 =	vld [tilespmem:s18+$0x1BAA0]  }
0x39: {  	v36 =	vld [tilespmem:s18+$0x1C2A0]  }
0x3a: {  	s19 =	simm.s32 $0x20;
	v39 =	vld [tilespmem:s18+$0x1CAA0]  }
0x3b: {  	v63 =	vld [tilespmem:s19+$0x1CEB0]  }
0x3c: {  	v60 =	vld [tilespmem:s19+$0x1D2B0]  }
0x3d: {  	v42 =	vld [tilespmem:s19+$0x1C6B0]  }
0x3e: {  	v43 =	vld [tilespmem:s19+$0x1CAB0]  }
0x3f: {  	v44 =	vld [tilespmem:s19+$0x1BEB0]  }
0x40: {  	v45 =	vld [tilespmem:s19+$0x1C2B0]  }
0x41: {  	v46 =	vld [tilespmem:s19+$0x1B6B0]  }
0x42: {  	v47 =	vld [tilespmem:s19+$0x1BAB0]  }
0x43: {  	v48 =	vld [tilespmem:s19+$0x1AEB0]  }
0x44: {  	v49 =	vld [tilespmem:s19+$0x1B2B0]  }
0x45: {  	v50 =	vld [tilespmem:s19+$0x1A6B0]  }
0x46: {  	v51 =	vld [tilespmem:s19+$0x1AAB0]  }
0x47: {  	v52 =	vld [tilespmem:s19+$0x186B0]  }
0x48: {  	v53 =	vld [tilespmem:s19+$0x18AB0]  }
0x49: {  	v54 =	vld [tilespmem:s19+$0x18EB0]  }
0x4a: {  	v55 =	vld [tilespmem:s19+$0x192B0]  }
0x4b: {  	v56 =	vld [tilespmem:s19+$0x196B0]  }
0x4c: {  	v57 =	vld [tilespmem:s19+$0x19AB0]  }
0x4d: {  	v58 =	vld [tilespmem:s19+$0x19EB0]  }
0x4e: {  	v59 =	vld [tilespmem:s19+$0x1A2B0]  }
0x4f: {  	v62 =	vld [tilespmem:s19+$0x186A0]  }
0x50: {  	v12 =	vld.idx.msk [tilespmem:v12+s2+$0x0], $0xffff  }
0x51: {  	v13 =	vld.idx.msk [tilespmem:v13+s2+$0x0], $0xffff  }
0x52: {  	v14 =	vld.idx.msk [tilespmem:v14+s2+$0x0], $0xffff  }
0x53: {  	v15 =	vld.idx.msk [tilespmem:v15+s2+$0x0], $0xffff  }
0x54: {  	v16 =	vld.idx.msk [tilespmem:v16+s2+$0x0], $0xffff  }
0x55: {  	v17 =	vld.idx.msk [tilespmem:v17+s2+$0x0], $0xffff  }
0x56: {  	v18 =	vld.idx.msk [tilespmem:v18+s2+$0x0], $0xffff  }
0x57: {  	v19 =	vld.idx.msk [tilespmem:v19+s2+$0x0], $0xffff  }
0x58: {  	v10 =	vld.idx.msk [tilespmem:v10+s2+$0x0], $0xffff  }
0x59: {  	v11 =	vld.idx.msk [tilespmem:v11+s2+$0x0], $0xffff  }
0x5a: {  	v8 =	vld.idx.msk [tilespmem:v8+s2+$0x0], $0xffff  }
0x5b: {  	v9 =	vld.idx.msk [tilespmem:v9+s2+$0x0], $0xffff  }
0x5c: {  	v20 =	vld.idx.msk [tilespmem:v6+s2+$0x0], $0xffff  }
0x5d: {  	v7 =	vld.idx.msk [tilespmem:v7+s2+$0x0], $0xffff  }
0x5e: {  	v21 =	vld.idx.msk [tilespmem:v4+s2+$0x0], $0xffff  }
0x5f: {  	v22 =	vld.idx.msk [tilespmem:v5+s2+$0x0], $0xffff  }
0x60: {  	v2 =	vld.idx.msk [tilespmem:v2+s2+$0x0], $0xffff  }
0x61: {  	v23 =	vld.idx.msk [tilespmem:v3+s2+$0x0], $0xffff  }
0x62: {  	v24 =	vld.idx.msk [tilespmem:v0+s2+$0x0], $0xffff  }
0x63: {  	v1 =	vld.idx.msk [tilespmem:v1+s2+$0x0], $0xffff  }
0x64: {  	v0 =	vld [tilespmem:s18+$0x186A0]  }
0x65: {  	v3 =	vld [tilespmem:s18+$0x18AA0]  }
0x66: {  	v4 =	vld [tilespmem:s18+$0x18EA0]  }
0x67: {  	v5 =	vld [tilespmem:s18+$0x192A0]  }
0x68: {  	v6 =	vld [tilespmem:s18+$0x196A0]  }
0x69: {  	v25 =	vld.idx.msk [tilespmem:v25+s2+$0x0], $0xffff  }
0x6a: {  	v26 =	vld.idx.msk [tilespmem:v26+s2+$0x0], $0xffff  }
0x6b: {  	v27 =	vld.idx.msk [tilespmem:v27+s2+$0x0], $0xffff  }
0x6c: {  	v33 =	vld.idx.msk [tilespmem:v33+s2+$0x0], $0xffff  }
0x6d: {  	v52 =	vld.idx.msk [tilespmem:v52+s2+$0x0], $0xffff  }
0x6e: {  	v53 =	vld.idx.msk [tilespmem:v53+s2+$0x0], $0xffff  }
0x6f: {  	v54 =	vld.idx.msk [tilespmem:v54+s2+$0x0], $0xffff  }
0x70: {  	v55 =	vld.idx.msk [tilespmem:v55+s2+$0x0], $0xffff  }
0x71: {  	v56 =	vld.idx.msk [tilespmem:v56+s2+$0x0], $0xffff  }
0x72: {  	v57 =	vld.idx.msk [tilespmem:v57+s2+$0x0], $0xffff  }
0x73: {  	v58 =	vld.idx.msk [tilespmem:v58+s2+$0x0], $0xffff  }
0x74: {  	v59 =	vld.idx.msk [tilespmem:v59+s2+$0x0], $0xffff  }
0x75: {  	v50 =	vld.idx.msk [tilespmem:v50+s2+$0x0], $0xffff  }
0x76: {  	v51 =	vld.idx.msk [tilespmem:v51+s2+$0x0], $0xffff  }
0x77: {  	v48 =	vld.idx.msk [tilespmem:v48+s2+$0x0], $0xffff  }
0x78: {  	v49 =	vld.idx.msk [tilespmem:v49+s2+$0x0], $0xffff  }
0x79: {  	v46 =	vld.idx.msk [tilespmem:v46+s2+$0x0], $0xffff  }
0x7a: {  	v47 =	vld.idx.msk [tilespmem:v47+s2+$0x0], $0xffff  }
0x7b: {  	v44 =	vld.idx.msk [tilespmem:v44+s2+$0x0], $0xffff  }
0x7c: {  	v61 =	vld.idx.msk [tilespmem:v43+s2+$0x0], $0xffff;
	v12 =	vadd.f32 $0.0e+00, v12  }
0x7d: {  	v13 =	vadd.f32 $0.0e+00, v13;
	v43 =	vadd.f32 $0.0e+00, v53;
	v53 =	vld [tilespmem:s19+$0x1B6A0]  }
0x7e: {  	v12 =	vadd.f32 v14, v12;
	v14 =	vld.idx.msk [tilespmem:v45+s2+$0x0], $0xffff  }
0x7f: {  	v13 =	vadd.f32 v15, v13;
	v15 =	vld.idx.msk [tilespmem:v42+s2+$0x0], $0xffff  }
0x80: {  	v45 =	vld [tilespmem:s19+$0x1AEA0]  }
0x81: {  	v28 =	vld.idx.msk [tilespmem:v0+s2+$0x0], $0xffff  }
0x82: {  	v29 =	vld.idx.msk [tilespmem:v3+s2+$0x0], $0xffff  }
0x83: {  	v30 =	vld.idx.msk [tilespmem:v4+s2+$0x0], $0xffff  }
0x84: {  	v31 =	vld.idx.msk [tilespmem:v5+s2+$0x0], $0xffff  }
0x85: {  	v0 =	vld [tilespmem:s18+$0x1A6A0]  }
0x86: {  	v3 =	vld [tilespmem:s18+$0x1AAA0]  }
0x87: {  	v32 =	vld.idx.msk [tilespmem:v6+s2+$0x0], $0xffff  }
0x88: {  	v4 =	vld [tilespmem:s18+$0x1AEA0]  }
0x89: {  	v5 =	vld [tilespmem:s18+$0x1B2A0]  }
0x8a: {  	v6 =	vld [tilespmem:s18+$0x1B6A0]  }
0x8b: {  	v12 =	vadd.f32 v16, v12;
	v13 =	vadd.f32 v17, v13;
	v17 =	vld.idx.msk [tilespmem:v63+s2+$0x0], $0xffff  }
0x8c: {  	v63 =	vld [tilespmem:s19+$0x19EA0]  }
0x8d: {  	v12 =	vadd.f32 v18, v12;
	v18 =	vld.idx.msk [tilespmem:v60+s2+$0x0], $0xffff  }
0x8e: {  	v13 =	vadd.f32 v19, v13;
	v19 =	vld.idx.msk [tilespmem:v62+s2+$0x0], $0xffff  }
0x8f: {  	v60 =	vld [tilespmem:s19+$0x1C6A0]  }
0x90: {  	v10 =	vadd.f32 v10, v12;
	v12 =	vld [tilespmem:s19+$0x18AA0]  }
0x91: {  	v11 =	vadd.f32 v11, v13;
	v13 =	vld [tilespmem:s19+$0x18EA0]  }
0x92: {  	v8 =	vadd.f32 v8, v10;
	v10 =	vld [tilespmem:s19+$0x192A0]  }
0x93: {  	v9 =	vadd.f32 v9, v11;
	v11 =	vld [tilespmem:s19+$0x196A0]  }
0x94: {  	v34 =	vld.idx.msk [tilespmem:v0+s2+$0x0], $0xffff  }
0x95: {  	v35 =	vld.idx.msk [tilespmem:v3+s2+$0x0], $0xffff  }
0x96: {  	v3 =	vld [tilespmem:s18+$0x1BEA0]  }
0x97: {  	v37 =	vld.idx.msk [tilespmem:v4+s2+$0x0], $0xffff  }
0x98: {  	v38 =	vld.idx.msk [tilespmem:v5+s2+$0x0], $0xffff  }
0x99: {  	v4 =	vld [tilespmem:s18+$0x1C6A0]  }
0x9a: {  	v40 =	vld.idx.msk [tilespmem:v6+s2+$0x0], $0xffff  }
0x9b: {  	v5 =	vld [tilespmem:s18+$0x1CEA0]  }
0x9c: {  	v0 =	vld [tilespmem:s18+$0x1D2A0];
	v8 =	vadd.f32 v20, v8  }
0x9d: {  	v6 =	vld.idx.msk [tilespmem:v36+s2+$0x0], $0xffff;
	v7 =	vadd.f32 v7, v9  }
0x9e: {  	v36 =	vld [tilespmem:s19+$0x1A2A0];
	v8 =	vadd.f32 v21, v8  }
0x9f: {  	v9 =	vld [tilespmem:s19+$0x19AA0];
	v7 =	vadd.f32 v22, v7  }
0xa0: {  	v20 =	vld.idx.msk [tilespmem:v63+s2+$0x0], $0xffff;
	v2 =	vadd.f32 v2, v8  }
0xa1: {  	v7 =	vadd.f32 v23, v7;
	v8 =	vld.idx.msk [tilespmem:v12+s2+$0x0], $0xffff  }
0xa2: {  	v12 =	vadd.f32 $0.0e+00, v28;
	v13 =	vld.idx.msk [tilespmem:v13+s2+$0x0], $0xffff;
	v2 =	vadd.f32 v24, v2  }
0xa3: {  	v1 =	vadd.f32 v1, v7;
	v7 =	vld.idx.msk [tilespmem:v10+s2+$0x0], $0xffff;
	v10 =	vadd.f32 $0.0e+00, v29  }
0xa4: {  	v12 =	vadd.f32 v30, v12;
	v11 =	vld.idx.msk [tilespmem:v11+s2+$0x0], $0xffff;
	v24 =	vadd.f32 v55, v43  }
0xa5: {  	v41 =	vld.idx.msk [tilespmem:v3+s2+$0x0], $0xffff;
	v42 =	vadd.f32 v1, v2;
	v2 =	vadd.f32 v31, v10  }
0xa6: {  	v3 =	vld.idx.msk [tilespmem:v4+s2+$0x0], $0xffff;
	v10 =	vadd.f32 v32, v12;
	v12 =	vadd.f32 $0.0e+00, v52  }
0xa7: {  	v19 =	vadd.f32 $0.0e+00, v19;
	v4 =	vld.idx.msk [tilespmem:v39+s2+$0x0], $0xffff  }
0xa8: {  	v1 =	vld [tilespmem:s19+$0x1AAA0];
	v24 =	vadd.f32 v57, v24;
	v12 =	vadd.f32 v54, v12  }
0xa9: {  	v39 =	vld [tilespmem:s19+$0x1A6A0];
	v8 =	vadd.f32 $0.0e+00, v8;
	v2 =	vadd.f32 v25, v2  }
0xaa: {  	v21 =	vld.idx.msk [tilespmem:v36+s2+$0x0], $0xffff;
	v13 =	vadd.f32 v13, v19;
	v12 =	vadd.f32 v56, v12  }
0xab: {  	v5 =	vld.idx.msk [tilespmem:v5+s2+$0x0], $0xffff;
	v10 =	vadd.f32 v26, v10;
	v2 =	vadd.f32 v27, v2  }
0xac: {  	v9 =	vld.idx.msk [tilespmem:v9+s2+$0x0], $0xffff;
	v24 =	vadd.f32 v59, v24;
	v12 =	vadd.f32 v58, v12  }
0xad: {  	v52 =	vld [tilespmem:s19+$0x1B2A0];
	v7 =	vadd.f32 v7, v8;
	v2 =	vadd.f32 v35, v2  }
0xae: {  	v57 =	vld [tilespmem:s19+$0x1BEA0];
	v8 =	vadd.f32 v11, v13;
	v12 =	vadd.f32 v50, v12  }
0xaf: {  	v54 =	vld [tilespmem:s19+$0x1BAA0];
	v24 =	vadd.f32 v51, v24;
	v2 =	vadd.f32 v38, v2  }
0xb0: {  	v10 =	vadd.f32 v34, v10;
	v55 =	vld.idx.msk [tilespmem:v1+s2+$0x0], $0xffff;
	v1 =	vadd.f32 v48, v12  }
0xb1: {  	v22 =	vld.idx.msk [tilespmem:v39+s2+$0x0], $0xffff;
	v56 =	vadd.f32 v33, v2;
	v2 =	vadd.f32 v49, v24  }
0xb2: {  	v7 =	vadd.f32 v9, v7;
	v12 =	vld [tilespmem:s19+$0x1C2A0];
	v1 =	vadd.f32 v46, v1  }
0xb3: {  	v11 =	vld.idx.msk [tilespmem:v53+s2+$0x0], $0xffff;
	v10 =	vadd.f32 v37, v10;
	v2 =	vadd.f32 v47, v2  }
0xb4: {  	v8 =	vadd.f32 v20, v8;
	v58 =	vld.idx.msk [tilespmem:v45+s2+$0x0], $0xffff;
	v1 =	vadd.f32 v44, v1  }
0xb5: {  	v10 =	vadd.f32 v40, v10;
	v2 =	vadd.f32 v14, v2;
	v14 =	vld [tilespmem:s19+$0x1CAA0]  }
0xb6: {  	v59 =	vld.idx.msk [tilespmem:v52+s2+$0x0], $0xffff;
	v62 =	vadd.f32 v22, v8;
	v9 =	vadd.f32 v15, v1  }
0xb7: {  	v8 =	vld.idx.msk [tilespmem:v57+s2+$0x0], $0xffff;
	v13 =	vadd.f32 v61, v2;
	v1 =	vmov s16;
	v61 =	vadd.f32 v21, v7  }
0xb8: {  	v10 =	vadd.f32 v41, v10;
	v15 =	vld.idx.msk [tilespmem:v54+s2+$0x0], $0xffff;
	v9 =	vadd.f32 v17, v9  }
0xb9: {  	v7 =	vld [tilespmem:s19+$0x1D2A0];
	v13 =	vadd.f32 v18, v13;
	v16 =	vadd.f32 v55, v61  }
0xba: {  	v63 =	vadd.f32 v6, v56;
	v6 =	vld.idx.msk [tilespmem:v12+s2+$0x0], $0xffff;
	v12 =	vadd.f32 v58, v62  }
0xbb: {  	v2 =	vld [tilespmem:s19+$0x1CEA0];
	v13 =	vadd.f32 v13, v9;
	v16 =	vadd.f32 v59, v16  }
0xbc: {  	v3 =	vadd.f32 v3, v10;
	v4 =	vadd.f32 v4, v63;
	v9 =	vld.idx.msk [tilespmem:v60+s2+$0x0], $0xffff;
	[tilespmem:v1+s18+$0x10 ss:$0x1] =	vst.idx.msk $0xffff, v42  }
0xbd: {  	s20 =	simm.s32 $0x2;
	s21 =	simm.s32 $0x100;
	v11 =	vadd.f32 v11, v12;
	v10 =	vld.idx.msk [tilespmem:v14+s2+$0x0], $0xffff;
	[tilespmem:v1+s19+$0x10 ss:$0x1] =	vst.idx.msk $0xffff, v13;
	v12 =	vadd.f32 v15, v16  }
.LBB2_3:
0xbe: {  	s22 =	sshra.s32 s21, $0x2;
	v13 =	vld.idx.msk [tilespmem:v0+s2+$0x0], $0xffff;
	v0 =	vmov v7  }
0xbf: {  	v8 =	vadd.f32 v8, v11;
	v7 =	vld [tilespmem:s22+$0x1CEB0]  }
0xc0: {  	v6 =	vadd.f32 v6, v12;
	v11 =	vld [tilespmem:s22+$0x1D2B0]  }
0xc1: {  	v8 =	vadd.f32 v9, v8;
	v12 =	vld [tilespmem:s22+$0x1C6B0]  }
0xc2: {  	v6 =	vadd.f32 v10, v6;
	v9 =	vld [tilespmem:s22+$0x1CAB0]  }
0xc3: {  	v5 =	vadd.f32 v5, v3;
	v3 =	vmov v8;
	v10 =	vld [tilespmem:s22+$0x1BEB0]  }
0xc4: {  	v13 =	vadd.f32 v13, v4;
	v4 =	vmov v6;
	v8 =	vld [tilespmem:s22+$0x1C2B0]  }
0xc5: {  	v6 =	vld [tilespmem:s22+$0x1B6B0]  }
0xc6: {  	v5 =	vadd.f32 v13, v5;
	v14 =	vld [tilespmem:s22+$0x1BAB0]  }
0xc7: {  	v13 =	vld [tilespmem:s22+$0x1AEB0]  }
0xc8: {  	v15 =	vld [tilespmem:s22+$0x1B2B0];
	[tilespmem:v1+s18+$0x0 ss:$0x1] =	vst.idx.msk $0xffff, v5;
	s18 =	smov.u32 s19;
	s19 =	smov.u32 s22  }
0xc9: {  	v5 =	vld [tilespmem:s19+$0x1A6B0]  }
0xca: {  	v16 =	vld [tilespmem:s19+$0x1AAB0]  }
0xcb: {  	s20 =	sadd.s32 $0x2, s20;
	v17 =	vld [tilespmem:s19+$0x186B0]  }
0xcc: {  	p1 =	slt.u32 s20, $0x3E;
	v18 =	vld [tilespmem:s19+$0x18AB0]  }
0xcd: {  	v19 =	vld [tilespmem:s19+$0x18EB0]  }
0xce: {  	v20 =	vld [tilespmem:s19+$0x192B0]  }
0xcf: {  	v21 =	vld [tilespmem:s19+$0x196B0]  }
0xd0: {  	v22 =	vld [tilespmem:s19+$0x19AB0]  }
0xd1: {  	v23 =	vld [tilespmem:s19+$0x19EB0]  }
0xd2: {  	v24 =	vld [tilespmem:s19+$0x1A2B0]  }
0xd3: {  	v17 =	vld.idx.msk [tilespmem:v17+s2+$0x0], $0xffff  }
0xd4: {  	v18 =	vld.idx.msk [tilespmem:v18+s2+$0x0], $0xffff  }
0xd5: {  	v19 =	vld.idx.msk [tilespmem:v19+s2+$0x0], $0xffff  }
0xd6: {  	v20 =	vld.idx.msk [tilespmem:v20+s2+$0x0], $0xffff  }
0xd7: {  	v21 =	vld.idx.msk [tilespmem:v21+s2+$0x0], $0xffff  }
0xd8: {  	v22 =	vld.idx.msk [tilespmem:v22+s2+$0x0], $0xffff  }
0xd9: {  	v23 =	vld.idx.msk [tilespmem:v23+s2+$0x0], $0xffff  }
0xda: {  	v17 =	vadd.f32 $0.0e+00, v17;
	v18 =	vadd.f32 $0.0e+00, v18;
	v24 =	vld.idx.msk [tilespmem:v24+s2+$0x0], $0xffff  }
0xdb: {  	v5 =	vld.idx.msk [tilespmem:v5+s2+$0x0], $0xffff  }
0xdc: {  	v17 =	vadd.f32 v19, v17;
	v18 =	vadd.f32 v20, v18;
	v16 =	vld.idx.msk [tilespmem:v16+s2+$0x0], $0xffff  }
0xdd: {  	v13 =	vld.idx.msk [tilespmem:v13+s2+$0x0], $0xffff  }
0xde: {  	v17 =	vadd.f32 v21, v17;
	v18 =	vadd.f32 v22, v18;
	v15 =	vld.idx.msk [tilespmem:v15+s2+$0x0], $0xffff  }
0xdf: {  	v6 =	vld.idx.msk [tilespmem:v6+s2+$0x0], $0xffff  }
0xe0: {  	v17 =	vadd.f32 v23, v17;
	v18 =	vadd.f32 v24, v18;
	v14 =	vld.idx.msk [tilespmem:v14+s2+$0x0], $0xffff  }
0xe1: {  	v10 =	vld.idx.msk [tilespmem:v10+s2+$0x0], $0xffff  }
0xe2: {  	v5 =	vadd.f32 v5, v17;
	v16 =	vadd.f32 v16, v18;
	v8 =	vld.idx.msk [tilespmem:v8+s2+$0x0], $0xffff  }
0xe3: {  	v12 =	vld.idx.msk [tilespmem:v12+s2+$0x0], $0xffff  }
0xe4: {  	v5 =	vadd.f32 v13, v5;
	v13 =	vadd.f32 v15, v16;
	v9 =	vld.idx.msk [tilespmem:v9+s2+$0x0], $0xffff  }
0xe5: {  	v7 =	vld.idx.msk [tilespmem:v7+s2+$0x0], $0xffff  }
0xe6: {  	v5 =	vadd.f32 v6, v5;
	v6 =	vadd.f32 v14, v13;
	v11 =	vld.idx.msk [tilespmem:v11+s2+$0x0], $0xffff  }
0xe7: {  	v13 =	vld [tilespmem:s19+$0x186A0]  }
0xe8: {  	v5 =	vadd.f32 v10, v5;
	v6 =	vadd.f32 v8, v6;
	v14 =	vld [tilespmem:s19+$0x18AA0]  }
0xe9: {  	v8 =	vld [tilespmem:s19+$0x18EA0]  }
0xea: {  	v5 =	vadd.f32 v12, v5;
	v6 =	vadd.f32 v9, v6;
	v10 =	vld [tilespmem:s19+$0x192A0]  }
0xeb: {  	v9 =	vld [tilespmem:s19+$0x196A0]  }
0xec: {  	v5 =	vadd.f32 v7, v5;
	v6 =	vadd.f32 v11, v6;
	v12 =	vld [tilespmem:s19+$0x19AA0]  }
0xed: {  	v7 =	vld [tilespmem:s19+$0x19EA0]  }
0xee: {  	v5 =	vadd.f32 v6, v5;
	v11 =	vld [tilespmem:s19+$0x1A2A0]  }
0xef: {  	v6 =	vld.idx.msk [tilespmem:v13+s2+$0x0], $0xffff  }
0xf0: {  	v13 =	vld.idx.msk [tilespmem:v14+s2+$0x0], $0xffff;
	[tilespmem:v1+s19+$0x10 ss:$0x1] =	vst.idx.msk $0xffff, v5  }
0xf1: {  	v5 =	vld.idx.msk [tilespmem:v8+s2+$0x0], $0xffff  }
0xf2: {  	v8 =	vld.idx.msk [tilespmem:v10+s2+$0x0], $0xffff  }
0xf3: {  	v10 =	vld [tilespmem:s19+$0x1A6A0]  }
0xf4: {  	v14 =	vld [tilespmem:s19+$0x1AAA0]  }
0xf5: {  	v6 =	vadd.f32 $0.0e+00, v6;
	v9 =	vld.idx.msk [tilespmem:v9+s2+$0x0], $0xffff  }
0xf6: {  	v13 =	vadd.f32 $0.0e+00, v13;
	v12 =	vld.idx.msk [tilespmem:v12+s2+$0x0], $0xffff  }
0xf7: {  	v5 =	vadd.f32 v5, v6;
	v6 =	vld [tilespmem:s19+$0x1AEA0]  }
0xf8: {  	v8 =	vadd.f32 v8, v13;
	v13 =	vld [tilespmem:s19+$0x1B2A0]  }
0xf9: {  	v7 =	vld.idx.msk [tilespmem:v7+s2+$0x0], $0xffff  }
0xfa: {  	v11 =	vld.idx.msk [tilespmem:v11+s2+$0x0], $0xffff  }
0xfb: {  	v5 =	vadd.f32 v9, v5;
	v9 =	vld [tilespmem:s19+$0x1B6A0]  }
0xfc: {  	v8 =	vadd.f32 v12, v8;
	v12 =	vld [tilespmem:s19+$0x1BAA0]  }
0xfd: {  	v10 =	vld.idx.msk [tilespmem:v10+s2+$0x0], $0xffff  }
0xfe: {  	v14 =	vld.idx.msk [tilespmem:v14+s2+$0x0], $0xffff  }
0xff: {  	v5 =	vadd.f32 v7, v5;
	v15 =	vld [tilespmem:s19+$0x1BEA0]  }
0x100: {  	v7 =	vadd.f32 v11, v8;
	v11 =	vld [tilespmem:s19+$0x1C2A0]  }
0x101: {  	v6 =	vld.idx.msk [tilespmem:v6+s2+$0x0], $0xffff  }
0x102: {  	v8 =	vld.idx.msk [tilespmem:v13+s2+$0x0], $0xffff  }
0x103: {  	v5 =	vadd.f32 v10, v5;
	v10 =	vld [tilespmem:s19+$0x1C6A0]  }
0x104: {  	v7 =	vadd.f32 v14, v7;
	v13 =	vld [tilespmem:s19+$0x1CAA0]  }
0x105: {  	v9 =	vld.idx.msk [tilespmem:v9+s2+$0x0], $0xffff  }
0x106: {  	v12 =	vld.idx.msk [tilespmem:v12+s2+$0x0], $0xffff  }
0x107: {  	v5 =	vadd.f32 v6, v5;
	v14 =	vld [tilespmem:s19+$0x1CEA0]  }
0x108: {  	v16 =	vadd.f32 v8, v7;
	v7 =	vld [tilespmem:s19+$0x1D2A0]  }
.Ltmp0:
0x109: {  	v8 =	vld.idx.msk [tilespmem:v15+s2+$0x0], $0xffff;
	(pc) =	sbr.rel @p1 .LBB2_3-.Ltmp0, $4  }
0x10a: {  	v6 =	vld.idx.msk [tilespmem:v11+s2+$0x0], $0xffff  }
0x10b: {  	v11 =	vadd.f32 v9, v5;
	v9 =	vld.idx.msk [tilespmem:v10+s2+$0x0], $0xffff  }
0x10c: {  	v12 =	vadd.f32 v12, v16;
	v10 =	vld.idx.msk [tilespmem:v13+s2+$0x0], $0xffff  }
0x10d: {  	s21 =	sadd.s32 $0x80, s21;
	v5 =	vld.idx.msk [tilespmem:v2+s2+$0x0], $0xffff;
	v2 =	vmov v14  }
0x10e: {  	_ =	sdelay $0x3  }
0x10f: {  	v0 =	vld.idx.msk [tilespmem:v0+s2+$0x0], $0xffff  }
0x110: {  	v2 =	vld.idx.msk [tilespmem:v2+s2+$0x0], $0xffff  }
0x111: {  	v7 =	vld.idx.msk [tilespmem:v7+s2+$0x0], $0xffff  }
0x112: {  	v8 =	vadd.f32 v8, v11;
	v6 =	vadd.f32 v6, v12;
	_ =	sdelay $0x1  }
0x113: {  	s17 =	sadd.s32 $0x1, s17;
	v8 =	vadd.f32 v9, v8;
	v6 =	vadd.f32 v10, v6  }
0x114: {  	p1 =	sne.s32 s17, $0x4;
	v3 =	vadd.f32 v5, v3;
	v0 =	vadd.f32 v0, v4  }
.Ltmp1:
0x115: {  	v2 =	vadd.f32 v2, v8;
	v63 =	vadd.f32 v7, v6;
	(pc) =	sbr.rel @p1 .LBB2_2-.Ltmp1, $4  }
0x116: {  	v0 =	vadd.f32 v0, v3  }
0x117: {  	v2 =	vadd.f32 v63, v2  }
0x118: {  	[tilespmem:v1+s18+$0x0 ss:$0x1] =	vst.idx.msk $0xffff, v0  }
0x119: {  	s16 =	sadd.s32 $0x400, s16;
	[tilespmem:v1+s19+$0x0 ss:$0x1] =	vst.idx.msk $0xffff, v2  }
0x11a: {  	s15 =	sadd.s32 $0x1, s15  }
0x11b: {  	p1 =	sne.s32 s15, s9  }
.Ltmp2:
0x11c: {  	_ = 	snop;
	(pc) =	sbr.rel @p1 .LBB2_1-.Ltmp2, $4  }
0x11d: {  	[hbm4b:s8+s2] =	stream.linear.scatter [tilespmem:s14], [sflag:$0x2], $0x1000, $0x38;
	[tilespmem:$0x1F0A0] =	vst v63  }
0x11e: {  	_ =	swait.ge [sflag:s12], $0x1000  }
0x11f: {  	[sflag:s12] =	ssyncset.done $0x0  }
0x120: {  	[sflag:s12] =	ssyncadd.s32 $0xFFFFF000  }
0x121: {  	_ =	sfence.sel $0x180000  }
0x122: {  	[bflag:$0x0] =	sbarrier.arrive $0xFFFF  }
0x123: {  	_ =	strace $0x90000047  }
0x124: {  	s0 =	sadd.s32 @!p0 $0x100000, s0;
	[bflag:$0x2] =	sbarrier.arrive $0xFFFF  }
0x125: {  	[sflag:s0] =	ssyncadd.tile.s32 @!p0 $0x1;
	_ =	shalt  }
.Lfunc_end2:
_tile_overlayer_lowered:
.L_overlay_start_2:
0x126: {  	(tag) =	ssettag $0x2  }
0x127: {  	s0 =	rddreg [dreg:$0x0];
	s2 =	stileid.u32  }
0x128: {  	s1 =	rddreg [dreg:$0x1];
	p0 =	sne.s32 s2, $0x0  }
0x129: {  	s3 =	rddreg [dreg:$0x2];
	[bflag:$0x3] =	sbarrier.arrive $0xFFFF;
	s2 =	simm.s32 @!p0 $0x1C02  }
0x12a: {  	[timem:s3], [sflag:s2] =	dma.local @!p0 [hbm:s0], s1  }
0x12b: {  	s0 =	simm.s32 @!p0 $0x2  }
0x12c: {  	_ =	swait.ge @!p0 [sflag:s0], s1  }
0x12d: {  	s1 =	ssub.s32 @!p0 $0x0, s1;
	[sflag:s0] =	ssyncset.done @!p0 $0x0  }
0x12e: {  	[sflag:s0] =	ssyncadd.s32 @!p0 s1  }
0x12f: {  	[bflag:$0x3] =	sbarrier.arrive $0xFFFF  }
0x130: {  	_ =	shalt  }

</sc_bundles>
